<compile_context>
chip_gen: v7x
topology: tpu7x:2x2x1
jax: 0.10.2.dev20260603
libtpu: 0.0.44.dev20260713+nightly
codegen_flags: <defaults>
</compile_context>

<pallas_src>
import functools

import jax
import jax.numpy as jnp
from jax import lax
from jax.experimental import pallas as pl
from jax.experimental.pallas import tpu as pltpu
from jax.experimental.pallas import tpu_sc as plsc

_LN2 = 0.6931471805599453
_SQRT2 = 1.4142135623730951


def _vlog(x):
    ix = lax.bitcast_convert_type(x, jnp.int32)
    e = (ix >> 23) - 127
    mi = (ix & 0x007FFFFF) | 0x3F800000
    m = lax.bitcast_convert_type(mi, jnp.float32)
    big = m > _SQRT2
    m = jnp.where(big, m * 0.5, m)
    e = jnp.where(big, e + 1, e)
    t = (m - 1.0) / (m + 1.0)
    t2 = t * t
    p = t * (2.0 + t2 * (0.6666667 + t2 * (0.4 + t2 * (0.2857143 + t2 * 0.22222222))))
    return e.astype(jnp.float32) * _LN2 + p


_GATHER_DNUMS = lax.GatherDimensionNumbers(
    offset_dims=(), collapsed_slice_dims=(0,), start_index_map=(0,))


def _vperm(v, idx):
    return lax.gather(v, idx.reshape(16, 1), _GATHER_DNUMS, (1,),
                      mode=lax.GatherScatterMode.PROMISE_IN_BOUNDS)


def _vsum_all(v):
    iot = lax.broadcasted_iota(jnp.int32, (16,), 0)
    for sh in (8, 4, 2, 1):
        v = v + _vperm(v, iot ^ sh)
    return v


def _make_sc_kernel(N, V1, V2):
    NW = 16
    NPW = N // NW
    NB = NPW // 128
    NC = NPW // 16
    mesh = plsc.VectorSubcoreMesh(core_axis_name="c", subcore_axis_name="s")

    @functools.partial(
        pl.kernel,
        mesh=mesh,
        out_type=jax.ShapeDtypeStruct((16,), jnp.float32),
        scratch_types=[
            pltpu.VMEM((NPW,), jnp.int32),
            pltpu.VMEM((NPW,), jnp.int32),
            pltpu.VMEM((NB, 128), jnp.int32),
            pltpu.VMEM((NB, 128), jnp.int32),
            pltpu.VMEM((NB, 128), jnp.int32),
            pltpu.VMEM((NB, 128), jnp.float32),
            pltpu.VMEM((NB, 128), jnp.float32),
            pltpu.VMEM((NB, 128), jnp.float32),
            pltpu.VMEM((64,), jnp.float32),
            pltpu.VMEM((NW * 64,), jnp.float32),
            pltpu.VMEM((16,), jnp.float32),
            pltpu.VMEM_SHARED((NW * 64,), jnp.float32),
            pltpu.SemaphoreType.DMA,
        ],
    )
    def sc_kernel(d1, d2, t1, t2, cons, out,
                  t1_v, t2_v, fi1_v, fi2_v, fic_v, a_v, b_v, c_v,
                  part_v, all_v, out_v, shared, sem):
        cid = lax.axis_index("c")
        sid = lax.axis_index("s")
        base = sid * NPW

        @pl.when(cid == 0)
        def _work():
            pltpu.sync_copy(t1.at[pl.ds(base, NPW)], t1_v)
            pltpu.sync_copy(t2.at[pl.ds(base, NPW)], t2_v)
            iot = lax.broadcasted_iota(jnp.int32, (16,), 0)
            for i in range(NC):
                t1c = t1_v[pl.ds(i * 16, 16)]
                t2c = t2_v[pl.ds(i * 16, 16)]
                s1 = jnp.where(t1c == -100, 0, t1c)
                s2 = jnp.where(t2c == -100, 0, t2c)
                pos = base + i * 16 + iot
                r, o = (i * 16) // 128, (i * 16) % 128
                fi1_v[r, pl.ds(o, 16)] = pos * V1 + s1
                fi2_v[r, pl.ds(o, 16)] = pos * V2 + s2
                fic_v[r, pl.ds(o, 16)] = s1 * V2 + s2
            cps = []
            for j in range(NB):
                cps.append(pltpu.async_copy(d1.at[fi1_v.at[j]], a_v.at[j], sem))
                cps.append(pltpu.async_copy(d2.at[fi2_v.at[j]], b_v.at[j], sem))
                cps.append(pltpu.async_copy(cons.at[fic_v.at[j]], c_v.at[j], sem))
            for cp in cps:
                cp.wait()
            zero = jnp.zeros((16,), jnp.float32)
            s1v, s2v, c1v, c2v = zero, zero, zero, zero
            for i in range(NC):
                r, o = (i * 16) // 128, (i * 16) % 128
                t1c = t1_v[pl.ds(i * 16, 16)]
                t2c = t2_v[pl.ds(i * 16, 16)]
                av = a_v[r, pl.ds(o, 16)]
                bv = b_v[r, pl.ds(o, 16)]
                cv = c_v[r, pl.ds(o, 16)]
                cc = jnp.clip(cv, 0.0, 1.0)
                l1 = _vlog(av * cc)
                l2 = _vlog(bv * cc)
                m1 = t1c != -100
                m2 = t2c != -100
                s1v = s1v + jnp.where(m1, l1, 0.0)
                s2v = s2v + jnp.where(m2, l2, 0.0)
                c1v = c1v + jnp.where(m1, 1.0, 0.0)
                c2v = c2v + jnp.where(m2, 1.0, 0.0)
            part_v[pl.ds(0, 16)] = s1v
            part_v[pl.ds(16, 16)] = s2v
            part_v[pl.ds(32, 16)] = c1v
            part_v[pl.ds(48, 16)] = c2v
            pltpu.sync_copy(part_v, shared.at[pl.ds(sid * 64, 64)])

        plsc.subcore_barrier()

        @pl.when(jnp.logical_and(cid == 0, sid == 0))
        def _reduce():
            pltpu.sync_copy(shared, all_v)
            zero = jnp.zeros((16,), jnp.float32)
            acc = [zero, zero, zero, zero]
            for w in range(NW):
                for k in range(4):
                    acc[k] = acc[k] + all_v[pl.ds(w * 64 + k * 16, 16)]
            S1 = _vsum_all(acc[0])
            S2 = _vsum_all(acc[1])
            C1 = _vsum_all(acc[2])
            C2 = _vsum_all(acc[3])
            out_v[...] = -(S1 / C1) - (S2 / C2)
            pltpu.sync_copy(out_v, out)

    return sc_kernel


def kernel(dec1_probs, dec2_probs, dec1_tgt, dec2_tgt, constrainer):
    B, L, V1 = dec1_probs.shape
    V2 = dec2_probs.shape[-1]
    N = B * L
    d1 = dec1_probs.reshape(N * V1)
    d2 = dec2_probs.reshape(N * V2)
    t1 = dec1_tgt.reshape(N).astype(jnp.int32)
    t2 = dec2_tgt.reshape(N).astype(jnp.int32)
    cons = constrainer.reshape(V1 * V2)
    out = _make_sc_kernel(N, V1, V2)(d1, d2, t1, t2, cons)
    return out[0]

# --- scband reference (transcript-rebuilt; emitter-appended) ---
"""Pipeline reference for scband-constrainer-36936718746048 (READ-ONLY COPY).

The authoritative reference and input builder live on the scoring server;
editing this copy changes nothing except your own understanding.
"""

import jax, jax.numpy as jnp
import numpy as np

V1 = 4096
V2 = 4096
B = 32
L = 128


def setup_inputs(seed: int = 0) -> dict:
    key = jax.random.key(seed)
    k1, k2, k3, k4, k5 = jax.random.split(key, 5)
    dec1_probs = jax.random.uniform(k1, (B, L, V1), dtype=jnp.float32)
    dec2_probs = jax.random.uniform(k2, (B, L, V2), dtype=jnp.float32)
    dec1_tgt = jax.random.randint(k3, (B, L), 0, V1, dtype=jnp.int32)
    dec2_tgt = jax.random.randint(k4, (B, L), 0, V2, dtype=jnp.int32)
    constrainer = jax.random.uniform(k5, (V1, V2), minval=0.1, maxval=1.0, dtype=jnp.float32)
    return {
        'dec1_probs': dec1_probs,
        'dec2_probs': dec2_probs,
        'dec1_tgt': dec1_tgt,
        'dec2_tgt': dec2_tgt,
        'constrainer': constrainer,
    }


def _nll(logp, tgt):
    # NLLLoss with default ignore_index=-100, mean reduction over valid targets
    safe = jnp.where(tgt == -100, 0, tgt)
    g = jnp.take_along_axis(logp, safe[..., None], axis=-1)[..., 0]
    mask = (tgt != -100).astype(logp.dtype)
    return -(g * mask).sum() / mask.sum()


def reference(dec1_probs, dec2_probs, dec1_tgt, dec2_tgt, constrainer):
    pad = 0
    dec1_seq = jnp.where(dec1_tgt == -100, pad, dec1_tgt)
    dec2_seq = jnp.where(dec2_tgt == -100, pad, dec2_tgt)
    # gather rows of constrainer^T by dec2 tokens -> [B, L, V1]
    c1 = jnp.clip(jnp.take(constrainer.T, dec2_seq, axis=0), 0.0, 1.0)
    # gather rows of constrainer by dec1 tokens -> [B, L, V2]
    c2 = jnp.clip(jnp.take(constrainer, dec1_seq, axis=0), 0.0, 1.0)
    p1 = dec1_probs * c1
    p2 = dec2_probs * c2
    dec1_loss = _nll(jnp.log(p1), dec1_tgt)
    dec2_loss = _nll(jnp.log(p2), dec2_tgt)
    return dec1_loss + dec2_loss

if __name__ == "__main__":
    import jax
    _d = setup_inputs()
    print(jax.jit(kernel)(*tuple(_d.values())))

</pallas_src>

<mosaic_0001>
#map = affine_map<(d0, d1) -> (0)>
module attributes {stable_mosaic.version = 14 : i64} {
  func.func @sc_kernel(%arg0: i32, %arg1: i32, %arg2: memref<16777216xf32, #tpu.memory_space<hbm>>, %arg3: memref<16777216xf32, #tpu.memory_space<hbm>>, %arg4: memref<4096xi32, #tpu.memory_space<hbm>>, %arg5: memref<4096xi32, #tpu.memory_space<hbm>>, %arg6: memref<16777216xf32, #tpu.memory_space<hbm>>, %arg7: memref<16xf32, #tpu.memory_space<hbm>>, %arg8: memref<256xi32, #tpu.memory_space<vmem>>, %arg9: memref<256xi32, #tpu.memory_space<vmem>>, %arg10: memref<2x128xi32, #tpu.memory_space<vmem>>, %arg11: memref<2x128xi32, #tpu.memory_space<vmem>>, %arg12: memref<2x128xi32, #tpu.memory_space<vmem>>, %arg13: memref<2x128xf32, #tpu.memory_space<vmem>>, %arg14: memref<2x128xf32, #tpu.memory_space<vmem>>, %arg15: memref<2x128xf32, #tpu.memory_space<vmem>>, %arg16: memref<64xf32, #tpu.memory_space<vmem>>, %arg17: memref<1024xf32, #tpu.memory_space<vmem>>, %arg18: memref<16xf32, #tpu.memory_space<vmem>>, %arg19: memref<1024xf32, #tpu.memory_space<vmem_shared>>, %arg20: memref<!tpu.dma_semaphore, #tpu.memory_space<semaphore_mem>>) attributes {dimension_semantics = [#tpu.dimension_semantics<core_parallel>, #tpu.dimension_semantics<subcore_parallel>], iteration_bounds = array<i64: 2, 16>, scalar_prefetch = 0 : i64, scratch_operands = 13 : i64, tpu.core_type = #tpu.core_type<sc_vector_subcore>, window_params = [{transform_indices = #map}, {transform_indices = #map}, {transform_indices = #map}, {transform_indices = #map}, {transform_indices = #map}, {transform_indices = #map}]} {
    %mul3A = arith.constant 256 : i32
    %mul3A_0 = arith.muli %arg1, %mul3A : i32
    %eq3A = arith.constant 0 : i32
    %eq3A_1 = arith.cmpi eq, %arg0, %eq3A : i32
    %convert_element_type3A = arith.extui %eq3A_1 : i1 to i32
    %cond3A = arith.constant 0 : i32
    %cond3A_2 = arith.cmpi ne, %convert_element_type3A, %cond3A : i32
    scf.if %cond3A_2 {
      "tpu.region"() ({
        %run_scoped3A = tpu.sem_alloc : memref<!tpu.dma_semaphore, #tpu.memory_space<semaphore_mem>>
        %dma_start3A_3669 = tpu.memref_slice %arg4[%mul3A_0] : memref<4096xi32, #tpu.memory_space<hbm>> -> memref<256xi32, #tpu.memory_space<hbm>>
        %dma_start3A_3670 = tpu.memref_slice %arg4[%mul3A_0] : memref<4096xi32, #tpu.memory_space<hbm>> -> memref<256xi32, #tpu.memory_space<hbm>>
        tpu.enqueue_dma source(%dma_start3A_3670 : memref<256xi32, #tpu.memory_space<hbm>>) target(%arg8 : memref<256xi32, #tpu.memory_space<vmem>>) target_semaphore(%run_scoped3A : memref<!tpu.dma_semaphore, #tpu.memory_space<semaphore_mem>>)
        %dma_wait3A_3671 = tpu.memref_slice %arg4[%mul3A_0] : memref<4096xi32, #tpu.memory_space<hbm>> -> memref<256xi32, #tpu.memory_space<hbm>>
        %dma_wait3A_3672 = tpu.memref_slice %arg4[%mul3A_0] : memref<4096xi32, #tpu.memory_space<hbm>> -> memref<256xi32, #tpu.memory_space<hbm>>
        tpu.wait_dma2 semaphore(%run_scoped3A : memref<!tpu.dma_semaphore, #tpu.memory_space<semaphore_mem>>) src(%dma_wait3A_3672 : memref<256xi32, #tpu.memory_space<hbm>>) dst(%arg8 : memref<256xi32, #tpu.memory_space<vmem>>)
        tpu.yield
      }) : () -> ()
      "tpu.region"() ({
        %run_scoped3A = tpu.sem_alloc : memref<!tpu.dma_semaphore, #tpu.memory_space<semaphore_mem>>
        %dma_start3A_3669 = tpu.memref_slice %arg5[%mul3A_0] : memref<4096xi32, #tpu.memory_space<hbm>> -> memref<256xi32, #tpu.memory_space<hbm>>
        %dma_start3A_3670 = tpu.memref_slice %arg5[%mul3A_0] : memref<4096xi32, #tpu.memory_space<hbm>> -> memref<256xi32, #tpu.memory_space<hbm>>
        tpu.enqueue_dma source(%dma_start3A_3670 : memref<256xi32, #tpu.memory_space<hbm>>) target(%arg9 : memref<256xi32, #tpu.memory_space<vmem>>) target_semaphore(%run_scoped3A : memref<!tpu.dma_semaphore, #tpu.memory_space<semaphore_mem>>)
        %dma_wait3A_3671 = tpu.memref_slice %arg5[%mul3A_0] : memref<4096xi32, #tpu.memory_space<hbm>> -> memref<256xi32, #tpu.memory_space<hbm>>
        %dma_wait3A_3672 = tpu.memref_slice %arg5[%mul3A_0] : memref<4096xi32, #tpu.memory_space<hbm>> -> memref<256xi32, #tpu.memory_space<hbm>>
        tpu.wait_dma2 semaphore(%run_scoped3A : memref<!tpu.dma_semaphore, #tpu.memory_space<semaphore_mem>>) src(%dma_wait3A_3672 : memref<256xi32, #tpu.memory_space<hbm>>) dst(%arg9 : memref<256xi32, #tpu.memory_space<vmem>>)
        tpu.yield
      }) : () -> ()
      %iota3A = tpu.iota {dimensions = array<i32: 0>} : vector<16xi32>
      %get3A = arith.constant 0 : index
      %get3A_10 = tpu.vector_load %arg8[%get3A] {strides = array<i32>} : memref<256xi32, #tpu.memory_space<vmem>>, vector<16xi32>,
      %get3A_11 = vector.shape_cast %get3A_10 : vector<16xi32> to vector<16xi32>
      %get3A_12 = arith.constant 0 : index
      %get3A_13 = tpu.vector_load %arg9[%get3A_12] {strides = array<i32>} : memref<256xi32, #tpu.memory_space<vmem>>, vector<16xi32>,
      %get3A_14 = vector.shape_cast %get3A_13 : vector<16xi32> to vector<16xi32>
      %eq3A_15 = arith.constant -100 : i32
      %eq3A_16 = vector.broadcast %eq3A_15 : i32 to vector<16xi32>
      %eq3A_17 = arith.cmpi eq, %get3A_11, %eq3A_16 : vector<16xi32>
      %jit3A = arith.constant 0 : i32
      %broadcast_in_dim3A = vector.broadcast %jit3A : i32 to vector<16xi32>
      %select_n3A = arith.select %eq3A_17, %broadcast_in_dim3A, %get3A_11 : vector<16xi1>, vector<16xi32>
      %eq3A_18 = arith.constant -100 : i32
      %eq3A_19 = vector.broadcast %eq3A_18 : i32 to vector<16xi32>
      %eq3A_20 = arith.cmpi eq, %get3A_14, %eq3A_19 : vector<16xi32>
      %jit3A_21 = arith.constant 0 : i32
      %broadcast_in_dim3A_22 = vector.broadcast %jit3A_21 : i32 to vector<16xi32>
      %select_n3A_23 = arith.select %eq3A_20, %broadcast_in_dim3A_22, %get3A_14 : vector<16xi1>, vector<16xi32>
      %add3A = arith.constant 0 : i32
      %add3A_24 = arith.addi %mul3A_0, %add3A : i32
      %add3A_25 = vector.broadcast %add3A_24 : i32 to vector<16xi32>
      %add3A_26 = arith.addi %add3A_25, %iota3A : vector<16xi32>
      %mul3A_27 = arith.constant 4096 : i32
      %mul3A_28 = vector.broadcast %mul3A_27 : i32 to vector<16xi32>
      %mul3A_29 = arith.muli %add3A_26, %mul3A_28 : vector<16xi32>
      %add3A_30 = arith.addi %mul3A_29, %select_n3A : vector<16xi32>
      %swap3A = arith.constant 0 : i32
      %swap3A_31 = arith.index_cast %swap3A : i32 to index
      %swap3A_32 = arith.constant 0 : index
      %swap3A_33 = tpu.vector_load %arg10[%swap3A_31, %swap3A_32] {strides = array<i32>} : memref<2x128xi32, #tpu.memory_space<vmem>>, vector<1x16xi32>,
      %swap3A_34 = vector.shape_cast %swap3A_33 : vector<1x16xi32> to vector<16xi32>
      %swap3A_35 = vector.shape_cast %add3A_30 : vector<16xi32> to vector<1x16xi32>
      tpu.vector_store %arg10[%swap3A_31, %swap3A_32], %swap3A_35 {strides = array<i32>} : memref<2x128xi32, #tpu.memory_space<vmem>>, vector<1x16xi32>,
      %mul3A_36 = arith.constant 4096 : i32
      %mul3A_37 = vector.broadcast %mul3A_36 : i32 to vector<16xi32>
      %mul3A_38 = arith.muli %add3A_26, %mul3A_37 : vector<16xi32>
      %add3A_39 = arith.addi %mul3A_38, %select_n3A_23 : vector<16xi32>
      %swap3A_40 = arith.constant 0 : i32
      %swap3A_41 = arith.index_cast %swap3A_40 : i32 to index
      %swap3A_42 = arith.constant 0 : index
      %swap3A_43 = tpu.vector_load %arg11[%swap3A_41, %swap3A_42] {strides = array<i32>} : memref<2x128xi32, #tpu.memory_space<vmem>>, vector<1x16xi32>,
      %swap3A_44 = vector.shape_cast %swap3A_43 : vector<1x16xi32> to vector<16xi32>
      %swap3A_45 = vector.shape_cast %add3A_39 : vector<16xi32> to vector<1x16xi32>
      tpu.vector_store %arg11[%swap3A_41, %swap3A_42], %swap3A_45 {strides = array<i32>} : memref<2x128xi32, #tpu.memory_space<vmem>>, vector<1x16xi32>,
      %mul3A_46 = arith.constant 4096 : i32
      %mul3A_47 = vector.broadcast %mul3A_46 : i32 to vector<16xi32>
      %mul3A_48 = arith.muli %select_n3A, %mul3A_47 : vector<16xi32>
      %add3A_49 = arith.addi %mul3A_48, %select_n3A_23 : vector<16xi32>
      %swap3A_50 = arith.constant 0 : i32
      %swap3A_51 = arith.index_cast %swap3A_50 : i32 to index
      %swap3A_52 = arith.constant 0 : index
      %swap3A_53 = tpu.vector_load %arg12[%swap3A_51, %swap3A_52] {strides = array<i32>} : memref<2x128xi32, #tpu.memory_space<vmem>>, vector<1x16xi32>,
      %swap3A_54 = vector.shape_cast %swap3A_53 : vector<1x16xi32> to vector<16xi32>
      %swap3A_55 = vector.shape_cast %add3A_49 : vector<16xi32> to vector<1x16xi32>
      tpu.vector_store %arg12[%swap3A_51, %swap3A_52], %swap3A_55 {strides = array<i32>} : memref<2x128xi32, #tpu.memory_space<vmem>>, vector<1x16xi32>,
      %get3A_56 = arith.constant 16 : index
      %get3A_57 = tpu.vector_load %arg8[%get3A_56] {strides = array<i32>} : memref<256xi32, #tpu.memory_space<vmem>>, vector<16xi32>,
      %get3A_58 = vector.shape_cast %get3A_57 : vector<16xi32> to vector<16xi32>
      %get3A_59 = arith.constant 16 : index
      %get3A_60 = tpu.vector_load %arg9[%get3A_59] {strides = array<i32>} : memref<256xi32, #tpu.memory_space<vmem>>, vector<16xi32>,
      %get3A_61 = vector.shape_cast %get3A_60 : vector<16xi32> to vector<16xi32>
      %eq3A_62 = arith.constant -100 : i32
      %eq3A_63 = vector.broadcast %eq3A_62 : i32 to vector<16xi32>
      %eq3A_64 = arith.cmpi eq, %get3A_58, %eq3A_63 : vector<16xi32>
      %jit3A_65 = arith.constant 0 : i32
      %broadcast_in_dim3A_66 = vector.broadcast %jit3A_65 : i32 to vector<16xi32>
      %select_n3A_67 = arith.select %eq3A_64, %broadcast_in_dim3A_66, %get3A_58 : vector<16xi1>, vector<16xi32>
      %eq3A_68 = arith.constant -100 : i32
      %eq3A_69 = vector.broadcast %eq3A_68 : i32 to vector<16xi32>
      %eq3A_70 = arith.cmpi eq, %get3A_61, %eq3A_69 : vector<16xi32>
      %jit3A_71 = arith.constant 0 : i32
      %broadcast_in_dim3A_72 = vector.broadcast %jit3A_71 : i32 to vector<16xi32>
      %select_n3A_73 = arith.select %eq3A_70, %broadcast_in_dim3A_72, %get3A_61 : vector<16xi1>, vector<16xi32>
      %add3A_74 = arith.constant 16 : i32
      %add3A_75 = arith.addi %mul3A_0, %add3A_74 : i32
      %add3A_76 = vector.broadcast %add3A_75 : i32 to vector<16xi32>
      %add3A_77 = arith.addi %add3A_76, %iota3A : vector<16xi32>
      %mul3A_78 = arith.constant 4096 : i32
      %mul3A_79 = vector.broadcast %mul3A_78 : i32 to vector<16xi32>
      %mul3A_80 = arith.muli %add3A_77, %mul3A_79 : vector<16xi32>
      %add3A_81 = arith.addi %mul3A_80, %select_n3A_67 : vector<16xi32>
      %swap3A_82 = arith.constant 0 : i32
      %swap3A_83 = arith.index_cast %swap3A_82 : i32 to index
      %swap3A_84 = arith.constant 16 : index
      %swap3A_85 = tpu.vector_load %arg10[%swap3A_83, %swap3A_84] {strides = array<i32>} : memref<2x128xi32, #tpu.memory_space<vmem>>, vector<1x16xi32>,
      %swap3A_86 = vector.shape_cast %swap3A_85 : vector<1x16xi32> to vector<16xi32>
      %swap3A_87 = vector.shape_cast %add3A_81 : vector<16xi32> to vector<1x16xi32>
      tpu.vector_store %arg10[%swap3A_83, %swap3A_84], %swap3A_87 {strides = array<i32>} : memref<2x128xi32, #tpu.memory_space<vmem>>, vector<1x16xi32>,
      %mul3A_88 = arith.constant 4096 : i32
      %mul3A_89 = vector.broadcast %mul3A_88 : i32 to vector<16xi32>
      %mul3A_90 = arith.muli %add3A_77, %mul3A_89 : vector<16xi32>
      %add3A_91 = arith.addi %mul3A_90, %select_n3A_73 : vector<16xi32>
      %swap3A_92 = arith.constant 0 : i32
      %swap3A_93 = arith.index_cast %swap3A_92 : i32 to index
      %swap3A_94 = arith.constant 16 : index
      %swap3A_95 = tpu.vector_load %arg11[%swap3A_93, %swap3A_94] {strides = array<i32>} : memref<2x128xi32, #tpu.memory_space<vmem>>, vector<1x16xi32>,
      %swap3A_96 = vector.shape_cast %swap3A_95 : vector<1x16xi32> to vector<16xi32>
      %swap3A_97 = vector.shape_cast %add3A_91 : vector<16xi32> to vector<1x16xi32>
      tpu.vector_store %arg11[%swap3A_93, %swap3A_94], %swap3A_97 {strides = array<i32>} : memref<2x128xi32, #tpu.memory_space<vmem>>, vector<1x16xi32>,
      %mul3A_98 = arith.constant 4096 : i32
      %mul3A_99 = vector.broadcast %mul3A_98 : i32 to vector<16xi32>
      %mul3A_100 = arith.muli %select_n3A_67, %mul3A_99 : vector<16xi32>
      %add3A_101 = arith.addi %mul3A_100, %select_n3A_73 : vector<16xi32>
      %swap3A_102 = arith.constant 0 : i32
      %swap3A_103 = arith.index_cast %swap3A_102 : i32 to index
      %swap3A_104 = arith.constant 16 : index
      %swap3A_105 = tpu.vector_load %arg12[%swap3A_103, %swap3A_104] {strides = array<i32>} : memref<2x128xi32, #tpu.memory_space<vmem>>, vector<1x16xi32>,
      %swap3A_106 = vector.shape_cast %swap3A_105 : vector<1x16xi32> to vector<16xi32>
      %swap3A_107 = vector.shape_cast %add3A_101 : vector<16xi32> to vector<1x16xi32>
      tpu.vector_store %arg12[%swap3A_103, %swap3A_104], %swap3A_107 {strides = array<i32>} : memref<2x128xi32, #tpu.memory_space<vmem>>, vector<1x16xi32>,
      %get3A_108 = arith.constant 32 : index
      %get3A_109 = tpu.vector_load %arg8[%get3A_108] {strides = array<i32>} : memref<256xi32, #tpu.memory_space<vmem>>, vector<16xi32>,
      %get3A_110 = vector.shape_cast %get3A_109 : vector<16xi32> to vector<16xi32>
      %get3A_111 = arith.constant 32 : index
      %get3A_112 = tpu.vector_load %arg9[%get3A_111] {strides = array<i32>} : memref<256xi32, #tpu.memory_space<vmem>>, vector<16xi32>,
      %get3A_113 = vector.shape_cast %get3A_112 : vector<16xi32> to vector<16xi32>
      %eq3A_114 = arith.constant -100 : i32
      %eq3A_115 = vector.broadcast %eq3A_114 : i32 to vector<16xi32>
      %eq3A_116 = arith.cmpi eq, %get3A_110, %eq3A_115 : vector<16xi32>
      %jit3A_117 = arith.constant 0 : i32
      %broadcast_in_dim3A_118 = vector.broadcast %jit3A_117 : i32 to vector<16xi32>
      %select_n3A_119 = arith.select %eq3A_116, %broadcast_in_dim3A_118, %get3A_110 : vector<16xi1>, vector<16xi32>
      %eq3A_120 = arith.constant -100 : i32
      %eq3A_121 = vector.broadcast %eq3A_120 : i32 to vector<16xi32>
      %eq3A_122 = arith.cmpi eq, %get3A_113, %eq3A_121 : vector<16xi32>
      %jit3A_123 = arith.constant 0 : i32
      %broadcast_in_dim3A_124 = vector.broadcast %jit3A_123 : i32 to vector<16xi32>
      %select_n3A_125 = arith.select %eq3A_122, %broadcast_in_dim3A_124, %get3A_113 : vector<16xi1>, vector<16xi32>
      %add3A_126 = arith.constant 32 : i32
      %add3A_127 = arith.addi %mul3A_0, %add3A_126 : i32
      %add3A_128 = vector.broadcast %add3A_127 : i32 to vector<16xi32>
      %add3A_129 = arith.addi %add3A_128, %iota3A : vector<16xi32>
      %mul3A_130 = arith.constant 4096 : i32
      %mul3A_131 = vector.broadcast %mul3A_130 : i32 to vector<16xi32>
      %mul3A_132 = arith.muli %add3A_129, %mul3A_131 : vector<16xi32>
      %add3A_133 = arith.addi %mul3A_132, %select_n3A_119 : vector<16xi32>
      %swap3A_134 = arith.constant 0 : i32
      %swap3A_135 = arith.index_cast %swap3A_134 : i32 to index
      %swap3A_136 = arith.constant 32 : index
      %swap3A_137 = tpu.vector_load %arg10[%swap3A_135, %swap3A_136] {strides = array<i32>} : memref<2x128xi32, #tpu.memory_space<vmem>>, vector<1x16xi32>,
      %swap3A_138 = vector.shape_cast %swap3A_137 : vector<1x16xi32> to vector<16xi32>
      %swap3A_139 = vector.shape_cast %add3A_133 : vector<16xi32> to vector<1x16xi32>
      tpu.vector_store %arg10[%swap3A_135, %swap3A_136], %swap3A_139 {strides = array<i32>} : memref<2x128xi32, #tpu.memory_space<vmem>>, vector<1x16xi32>,
      %mul3A_140 = arith.constant 4096 : i32
      %mul3A_141 = vector.broadcast %mul3A_140 : i32 to vector<16xi32>
      %mul3A_142 = arith.muli %add3A_129, %mul3A_141 : vector<16xi32>
      %add3A_143 = arith.addi %mul3A_142, %select_n3A_125 : vector<16xi32>
      %swap3A_144 = arith.constant 0 : i32
      %swap3A_145 = arith.index_cast %swap3A_144 : i32 to index
      %swap3A_146 = arith.constant 32 : index
      %swap3A_147 = tpu.vector_load %arg11[%swap3A_145, %swap3A_146] {strides = array<i32>} : memref<2x128xi32, #tpu.memory_space<vmem>>, vector<1x16xi32>,
      %swap3A_148 = vector.shape_cast %swap3A_147 : vector<1x16xi32> to vector<16xi32>
      %swap3A_149 = vector.shape_cast %add3A_143 : vector<16xi32> to vector<1x16xi32>
      tpu.vector_store %arg11[%swap3A_145, %swap3A_146], %swap3A_149 {strides = array<i32>} : memref<2x128xi32, #tpu.memory_space<vmem>>, vector<1x16xi32>,
      %mul3A_150 = arith.constant 4096 : i32
      %mul3A_151 = vector.broadcast %mul3A_150 : i32 to vector<16xi32>
      %mul3A_152 = arith.muli %select_n3A_119, %mul3A_151 : vector<16xi32>
      %add3A_153 = arith.addi %mul3A_152, %select_n3A_125 : vector<16xi32>
      %swap3A_154 = arith.constant 0 : i32
      %swap3A_155 = arith.index_cast %swap3A_154 : i32 to index
      %swap3A_156 = arith.constant 32 : index
      %swap3A_157 = tpu.vector_load %arg12[%swap3A_155, %swap3A_156] {strides = array<i32>} : memref<2x128xi32, #tpu.memory_space<vmem>>, vector<1x16xi32>,
      %swap3A_158 = vector.shape_cast %swap3A_157 : vector<1x16xi32> to vector<16xi32>
      %swap3A_159 = vector.shape_cast %add3A_153 : vector<16xi32> to vector<1x16xi32>
      tpu.vector_store %arg12[%swap3A_155, %swap3A_156], %swap3A_159 {strides = array<i32>} : memref<2x128xi32, #tpu.memory_space<vmem>>, vector<1x16xi32>,
      %get3A_160 = arith.constant 48 : index
      %get3A_161 = tpu.vector_load %arg8[%get3A_160] {strides = array<i32>} : memref<256xi32, #tpu.memory_space<vmem>>, vector<16xi32>,
      %get3A_162 = vector.shape_cast %get3A_161 : vector<16xi32> to vector<16xi32>
      %get3A_163 = arith.constant 48 : index
      %get3A_164 = tpu.vector_load %arg9[%get3A_163] {strides = array<i32>} : memref<256xi32, #tpu.memory_space<vmem>>, vector<16xi32>,
      %get3A_165 = vector.shape_cast %get3A_164 : vector<16xi32> to vector<16xi32>
      %eq3A_166 = arith.constant -100 : i32
      %eq3A_167 = vector.broadcast %eq3A_166 : i32 to vector<16xi32>
      %eq3A_168 = arith.cmpi eq, %get3A_162, %eq3A_167 : vector<16xi32>
      %jit3A_169 = arith.constant 0 : i32
      %broadcast_in_dim3A_170 = vector.broadcast %jit3A_169 : i32 to vector<16xi32>
      %select_n3A_171 = arith.select %eq3A_168, %broadcast_in_dim3A_170, %get3A_162 : vector<16xi1>, vector<16xi32>
      %eq3A_172 = arith.constant -100 : i32
      %eq3A_173 = vector.broadcast %eq3A_172 : i32 to vector<16xi32>
      %eq3A_174 = arith.cmpi eq, %get3A_165, %eq3A_173 : vector<16xi32>
      %jit3A_175 = arith.constant 0 : i32
      %broadcast_in_dim3A_176 = vector.broadcast %jit3A_175 : i32 to vector<16xi32>
      %select_n3A_177 = arith.select %eq3A_174, %broadcast_in_dim3A_176, %get3A_165 : vector<16xi1>, vector<16xi32>
      %add3A_178 = arith.constant 48 : i32
      %add3A_179 = arith.addi %mul3A_0, %add3A_178 : i32
      %add3A_180 = vector.broadcast %add3A_179 : i32 to vector<16xi32>
      %add3A_181 = arith.addi %add3A_180, %iota3A : vector<16xi32>
      %mul3A_182 = arith.constant 4096 : i32
      %mul3A_183 = vector.broadcast %mul3A_182 : i32 to vector<16xi32>
      %mul3A_184 = arith.muli %add3A_181, %mul3A_183 : vector<16xi32>
      %add3A_185 = arith.addi %mul3A_184, %select_n3A_171 : vector<16xi32>
      %swap3A_186 = arith.constant 0 : i32
      %swap3A_187 = arith.index_cast %swap3A_186 : i32 to index
      %swap3A_188 = arith.constant 48 : index
      %swap3A_189 = tpu.vector_load %arg10[%swap3A_187, %swap3A_188] {strides = array<i32>} : memref<2x128xi32, #tpu.memory_space<vmem>>, vector<1x16xi32>,
      %swap3A_190 = vector.shape_cast %swap3A_189 : vector<1x16xi32> to vector<16xi32>
      %swap3A_191 = vector.shape_cast %add3A_185 : vector<16xi32> to vector<1x16xi32>
      tpu.vector_store %arg10[%swap3A_187, %swap3A_188], %swap3A_191 {strides = array<i32>} : memref<2x128xi32, #tpu.memory_space<vmem>>, vector<1x16xi32>,
      %mul3A_192 = arith.constant 4096 : i32
      %mul3A_193 = vector.broadcast %mul3A_192 : i32 to vector<16xi32>
      %mul3A_194 = arith.muli %add3A_181, %mul3A_193 : vector<16xi32>
      %add3A_195 = arith.addi %mul3A_194, %select_n3A_177 : vector<16xi32>
      %swap3A_196 = arith.constant 0 : i32
      %swap3A_197 = arith.index_cast %swap3A_196 : i32 to index
      %swap3A_198 = arith.constant 48 : index
      %swap3A_199 = tpu.vector_load %arg11[%swap3A_197, %swap3A_198] {strides = array<i32>} : memref<2x128xi32, #tpu.memory_space<vmem>>, vector<1x16xi32>,
      %swap3A_200 = vector.shape_cast %swap3A_199 : vector<1x16xi32> to vector<16xi32>
      %swap3A_201 = vector.shape_cast %add3A_195 : vector<16xi32> to vector<1x16xi32>
      tpu.vector_store %arg11[%swap3A_197, %swap3A_198], %swap3A_201 {strides = array<i32>} : memref<2x128xi32, #tpu.memory_space<vmem>>, vector<1x16xi32>,
      %mul3A_202 = arith.constant 4096 : i32
      %mul3A_203 = vector.broadcast %mul3A_202 : i32 to vector<16xi32>
      %mul3A_204 = arith.muli %select_n3A_171, %mul3A_203 : vector<16xi32>
      %add3A_205 = arith.addi %mul3A_204, %select_n3A_177 : vector<16xi32>
      %swap3A_206 = arith.constant 0 : i32
      %swap3A_207 = arith.index_cast %swap3A_206 : i32 to index
      %swap3A_208 = arith.constant 48 : index
      %swap3A_209 = tpu.vector_load %arg12[%swap3A_207, %swap3A_208] {strides = array<i32>} : memref<2x128xi32, #tpu.memory_space<vmem>>, vector<1x16xi32>,
      %swap3A_210 = vector.shape_cast %swap3A_209 : vector<1x16xi32> to vector<16xi32>
      %swap3A_211 = vector.shape_cast %add3A_205 : vector<16xi32> to vector<1x16xi32>
      tpu.vector_store %arg12[%swap3A_207, %swap3A_208], %swap3A_211 {strides = array<i32>} : memref<2x128xi32, #tpu.memory_space<vmem>>, vector<1x16xi32>,
      %get3A_212 = arith.constant 64 : index
      %get3A_213 = tpu.vector_load %arg8[%get3A_212] {strides = array<i32>} : memref<256xi32, #tpu.memory_space<vmem>>, vector<16xi32>,
      %get3A_214 = vector.shape_cast %get3A_213 : vector<16xi32> to vector<16xi32>
      %get3A_215 = arith.constant 64 : index
      %get3A_216 = tpu.vector_load %arg9[%get3A_215] {strides = array<i32>} : memref<256xi32, #tpu.memory_space<vmem>>, vector<16xi32>,
      %get3A_217 = vector.shape_cast %get3A_216 : vector<16xi32> to vector<16xi32>
      %eq3A_218 = arith.constant -100 : i32
      %eq3A_219 = vector.broadcast %eq3A_218 : i32 to vector<16xi32>
      %eq3A_220 = arith.cmpi eq, %get3A_214, %eq3A_219 : vector<16xi32>
      %jit3A_221 = arith.constant 0 : i32
      %broadcast_in_dim3A_222 = vector.broadcast %jit3A_221 : i32 to vector<16xi32>
      %select_n3A_223 = arith.select %eq3A_220, %broadcast_in_dim3A_222, %get3A_214 : vector<16xi1>, vector<16xi32>
      %eq3A_224 = arith.constant -100 : i32
      %eq3A_225 = vector.broadcast %eq3A_224 : i32 to vector<16xi32>
      %eq3A_226 = arith.cmpi eq, %get3A_217, %eq3A_225 : vector<16xi32>
      %jit3A_227 = arith.constant 0 : i32
      %broadcast_in_dim3A_228 = vector.broadcast %jit3A_227 : i32 to vector<16xi32>
      %select_n3A_229 = arith.select %eq3A_226, %broadcast_in_dim3A_228, %get3A_217 : vector<16xi1>, vector<16xi32>
      %add3A_230 = arith.constant 64 : i32
      %add3A_231 = arith.addi %mul3A_0, %add3A_230 : i32
      %add3A_232 = vector.broadcast %add3A_231 : i32 to vector<16xi32>
      %add3A_233 = arith.addi %add3A_232, %iota3A : vector<16xi32>
      %mul3A_234 = arith.constant 4096 : i32
      %mul3A_235 = vector.broadcast %mul3A_234 : i32 to vector<16xi32>
      %mul3A_236 = arith.muli %add3A_233, %mul3A_235 : vector<16xi32>
      %add3A_237 = arith.addi %mul3A_236, %select_n3A_223 : vector<16xi32>
      %swap3A_238 = arith.constant 0 : i32
      %swap3A_239 = arith.index_cast %swap3A_238 : i32 to index
      %swap3A_240 = arith.constant 64 : index
      %swap3A_241 = tpu.vector_load %arg10[%swap3A_239, %swap3A_240] {strides = array<i32>} : memref<2x128xi32, #tpu.memory_space<vmem>>, vector<1x16xi32>,
      %swap3A_242 = vector.shape_cast %swap3A_241 : vector<1x16xi32> to vector<16xi32>
      %swap3A_243 = vector.shape_cast %add3A_237 : vector<16xi32> to vector<1x16xi32>
      tpu.vector_store %arg10[%swap3A_239, %swap3A_240], %swap3A_243 {strides = array<i32>} : memref<2x128xi32, #tpu.memory_space<vmem>>, vector<1x16xi32>,
      %mul3A_244 = arith.constant 4096 : i32
      %mul3A_245 = vector.broadcast %mul3A_244 : i32 to vector<16xi32>
      %mul3A_246 = arith.muli %add3A_233, %mul3A_245 : vector<16xi32>
      %add3A_247 = arith.addi %mul3A_246, %select_n3A_229 : vector<16xi32>
      %swap3A_248 = arith.constant 0 : i32
      %swap3A_249 = arith.index_cast %swap3A_248 : i32 to index
      %swap3A_250 = arith.constant 64 : index
      %swap3A_251 = tpu.vector_load %arg11[%swap3A_249, %swap3A_250] {strides = array<i32>} : memref<2x128xi32, #tpu.memory_space<vmem>>, vector<1x16xi32>,
      %swap3A_252 = vector.shape_cast %swap3A_251 : vector<1x16xi32> to vector<16xi32>
      %swap3A_253 = vector.shape_cast %add3A_247 : vector<16xi32> to vector<1x16xi32>
      tpu.vector_store %arg11[%swap3A_249, %swap3A_250], %swap3A_253 {strides = array<i32>} : memref<2x128xi32, #tpu.memory_space<vmem>>, vector<1x16xi32>,
      %mul3A_254 = arith.constant 4096 : i32
      %mul3A_255 = vector.broadcast %mul3A_254 : i32 to vector<16xi32>
      %mul3A_256 = arith.muli %select_n3A_223, %mul3A_255 : vector<16xi32>
      %add3A_257 = arith.addi %mul3A_256, %select_n3A_229 : vector<16xi32>
      %swap3A_258 = arith.constant 0 : i32
      %swap3A_259 = arith.index_cast %swap3A_258 : i32 to index
      %swap3A_260 = arith.constant 64 : index
      %swap3A_261 = tpu.vector_load %arg12[%swap3A_259, %swap3A_260] {strides = array<i32>} : memref<2x128xi32, #tpu.memory_space<vmem>>, vector<1x16xi32>,
      %swap3A_262 = vector.shape_cast %swap3A_261 : vector<1x16xi32> to vector<16xi32>
      %swap3A_263 = vector.shape_cast %add3A_257 : vector<16xi32> to vector<1x16xi32>
      tpu.vector_store %arg12[%swap3A_259, %swap3A_260], %swap3A_263 {strides = array<i32>} : memref<2x128xi32, #tpu.memory_space<vmem>>, vector<1x16xi32>,
      %get3A_264 = arith.constant 80 : index
      %get3A_265 = tpu.vector_load %arg8[%get3A_264] {strides = array<i32>} : memref<256xi32, #tpu.memory_space<vmem>>, vector<16xi32>,
      %get3A_266 = vector.shape_cast %get3A_265 : vector<16xi32> to vector<16xi32>
      %get3A_267 = arith.constant 80 : index
      %get3A_268 = tpu.vector_load %arg9[%get3A_267] {strides = array<i32>} : memref<256xi32, #tpu.memory_space<vmem>>, vector<16xi32>,
      %get3A_269 = vector.shape_cast %get3A_268 : vector<16xi32> to vector<16xi32>
      %eq3A_270 = arith.constant -100 : i32
      %eq3A_271 = vector.broadcast %eq3A_270 : i32 to vector<16xi32>
      %eq3A_272 = arith.cmpi eq, %get3A_266, %eq3A_271 : vector<16xi32>
      %jit3A_273 = arith.constant 0 : i32
      %broadcast_in_dim3A_274 = vector.broadcast %jit3A_273 : i32 to vector<16xi32>
      %select_n3A_275 = arith.select %eq3A_272, %broadcast_in_dim3A_274, %get3A_266 : vector<16xi1>, vector<16xi32>
      %eq3A_276 = arith.constant -100 : i32
      %eq3A_277 = vector.broadcast %eq3A_276 : i32 to vector<16xi32>
      %eq3A_278 = arith.cmpi eq, %get3A_269, %eq3A_277 : vector<16xi32>
      %jit3A_279 = arith.constant 0 : i32
      %broadcast_in_dim3A_280 = vector.broadcast %jit3A_279 : i32 to vector<16xi32>
      %select_n3A_281 = arith.select %eq3A_278, %broadcast_in_dim3A_280, %get3A_269 : vector<16xi1>, vector<16xi32>
      %add3A_282 = arith.constant 80 : i32
      %add3A_283 = arith.addi %mul3A_0, %add3A_282 : i32
      %add3A_284 = vector.broadcast %add3A_283 : i32 to vector<16xi32>
      %add3A_285 = arith.addi %add3A_284, %iota3A : vector<16xi32>
      %mul3A_286 = arith.constant 4096 : i32
      %mul3A_287 = vector.broadcast %mul3A_286 : i32 to vector<16xi32>
      %mul3A_288 = arith.muli %add3A_285, %mul3A_287 : vector<16xi32>
      %add3A_289 = arith.addi %mul3A_288, %select_n3A_275 : vector<16xi32>
      %swap3A_290 = arith.constant 0 : i32
      %swap3A_291 = arith.index_cast %swap3A_290 : i32 to index
      %swap3A_292 = arith.constant 80 : index
      %swap3A_293 = tpu.vector_load %arg10[%swap3A_291, %swap3A_292] {strides = array<i32>} : memref<2x128xi32, #tpu.memory_space<vmem>>, vector<1x16xi32>,
      %swap3A_294 = vector.shape_cast %swap3A_293 : vector<1x16xi32> to vector<16xi32>
      %swap3A_295 = vector.shape_cast %add3A_289 : vector<16xi32> to vector<1x16xi32>
      tpu.vector_store %arg10[%swap3A_291, %swap3A_292], %swap3A_295 {strides = array<i32>} : memref<2x128xi32, #tpu.memory_space<vmem>>, vector<1x16xi32>,
      %mul3A_296 = arith.constant 4096 : i32
      %mul3A_297 = vector.broadcast %mul3A_296 : i32 to vector<16xi32>
      %mul3A_298 = arith.muli %add3A_285, %mul3A_297 : vector<16xi32>
      %add3A_299 = arith.addi %mul3A_298, %select_n3A_281 : vector<16xi32>
      %swap3A_300 = arith.constant 0 : i32
      %swap3A_301 = arith.index_cast %swap3A_300 : i32 to index
      %swap3A_302 = arith.constant 80 : index
      %swap3A_303 = tpu.vector_load %arg11[%swap3A_301, %swap3A_302] {strides = array<i32>} : memref<2x128xi32, #tpu.memory_space<vmem>>, vector<1x16xi32>,
      %swap3A_304 = vector.shape_cast %swap3A_303 : vector<1x16xi32> to vector<16xi32>
      %swap3A_305 = vector.shape_cast %add3A_299 : vector<16xi32> to vector<1x16xi32>
      tpu.vector_store %arg11[%swap3A_301, %swap3A_302], %swap3A_305 {strides = array<i32>} : memref<2x128xi32, #tpu.memory_space<vmem>>, vector<1x16xi32>,
      %mul3A_306 = arith.constant 4096 : i32
      %mul3A_307 = vector.broadcast %mul3A_306 : i32 to vector<16xi32>
      %mul3A_308 = arith.muli %select_n3A_275, %mul3A_307 : vector<16xi32>
      %add3A_309 = arith.addi %mul3A_308, %select_n3A_281 : vector<16xi32>
      %swap3A_310 = arith.constant 0 : i32
      %swap3A_311 = arith.index_cast %swap3A_310 : i32 to index
      %swap3A_312 = arith.constant 80 : index
      %swap3A_313 = tpu.vector_load %arg12[%swap3A_311, %swap3A_312] {strides = array<i32>} : memref<2x128xi32, #tpu.memory_space<vmem>>, vector<1x16xi32>,
      %swap3A_314 = vector.shape_cast %swap3A_313 : vector<1x16xi32> to vector<16xi32>
      %swap3A_315 = vector.shape_cast %add3A_309 : vector<16xi32> to vector<1x16xi32>
      tpu.vector_store %arg12[%swap3A_311, %swap3A_312], %swap3A_315 {strides = array<i32>} : memref<2x128xi32, #tpu.memory_space<vmem>>, vector<1x16xi32>,
      %get3A_316 = arith.constant 96 : index
      %get3A_317 = tpu.vector_load %arg8[%get3A_316] {strides = array<i32>} : memref<256xi32, #tpu.memory_space<vmem>>, vector<16xi32>,
      %get3A_318 = vector.shape_cast %get3A_317 : vector<16xi32> to vector<16xi32>
      %get3A_319 = arith.constant 96 : index
      %get3A_320 = tpu.vector_load %arg9[%get3A_319] {strides = array<i32>} : memref<256xi32, #tpu.memory_space<vmem>>, vector<16xi32>,
      %get3A_321 = vector.shape_cast %get3A_320 : vector<16xi32> to vector<16xi32>
      %eq3A_322 = arith.constant -100 : i32
      %eq3A_323 = vector.broadcast %eq3A_322 : i32 to vector<16xi32>
      %eq3A_324 = arith.cmpi eq, %get3A_318, %eq3A_323 : vector<16xi32>
      %jit3A_325 = arith.constant 0 : i32
      %broadcast_in_dim3A_326 = vector.broadcast %jit3A_325 : i32 to vector<16xi32>
      %select_n3A_327 = arith.select %eq3A_324, %broadcast_in_dim3A_326, %get3A_318 : vector<16xi1>, vector<16xi32>
      %eq3A_328 = arith.constant -100 : i32
      %eq3A_329 = vector.broadcast %eq3A_328 : i32 to vector<16xi32>
      %eq3A_330 = arith.cmpi eq, %get3A_321, %eq3A_329 : vector<16xi32>
      %jit3A_331 = arith.constant 0 : i32
      %broadcast_in_dim3A_332 = vector.broadcast %jit3A_331 : i32 to vector<16xi32>
      %select_n3A_333 = arith.select %eq3A_330, %broadcast_in_dim3A_332, %get3A_321 : vector<16xi1>, vector<16xi32>
      %add3A_334 = arith.constant 96 : i32
      %add3A_335 = arith.addi %mul3A_0, %add3A_334 : i32
      %add3A_336 = vector.broadcast %add3A_335 : i32 to vector<16xi32>
      %add3A_337 = arith.addi %add3A_336, %iota3A : vector<16xi32>
      %mul3A_338 = arith.constant 4096 : i32
      %mul3A_339 = vector.broadcast %mul3A_338 : i32 to vector<16xi32>
      %mul3A_340 = arith.muli %add3A_337, %mul3A_339 : vector<16xi32>
      %add3A_341 = arith.addi %mul3A_340, %select_n3A_327 : vector<16xi32>
      %swap3A_342 = arith.constant 0 : i32
      %swap3A_343 = arith.index_cast %swap3A_342 : i32 to index
      %swap3A_344 = arith.constant 96 : index
      %swap3A_345 = tpu.vector_load %arg10[%swap3A_343, %swap3A_344] {strides = array<i32>} : memref<2x128xi32, #tpu.memory_space<vmem>>, vector<1x16xi32>,
      %swap3A_346 = vector.shape_cast %swap3A_345 : vector<1x16xi32> to vector<16xi32>
      %swap3A_347 = vector.shape_cast %add3A_341 : vector<16xi32> to vector<1x16xi32>
      tpu.vector_store %arg10[%swap3A_343, %swap3A_344], %swap3A_347 {strides = array<i32>} : memref<2x128xi32, #tpu.memory_space<vmem>>, vector<1x16xi32>,
      %mul3A_348 = arith.constant 4096 : i32
      %mul3A_349 = vector.broadcast %mul3A_348 : i32 to vector<16xi32>
      %mul3A_350 = arith.muli %add3A_337, %mul3A_349 : vector<16xi32>
      %add3A_351 = arith.addi %mul3A_350, %select_n3A_333 : vector<16xi32>
      %swap3A_352 = arith.constant 0 : i32
      %swap3A_353 = arith.index_cast %swap3A_352 : i32 to index
      %swap3A_354 = arith.constant 96 : index
      %swap3A_355 = tpu.vector_load %arg11[%swap3A_353, %swap3A_354] {strides = array<i32>} : memref<2x128xi32, #tpu.memory_space<vmem>>, vector<1x16xi32>,
      %swap3A_356 = vector.shape_cast %swap3A_355 : vector<1x16xi32> to vector<16xi32>
      %swap3A_357 = vector.shape_cast %add3A_351 : vector<16xi32> to vector<1x16xi32>
      tpu.vector_store %arg11[%swap3A_353, %swap3A_354], %swap3A_357 {strides = array<i32>} : memref<2x128xi32, #tpu.memory_space<vmem>>, vector<1x16xi32>,
      %mul3A_358 = arith.constant 4096 : i32
      %mul3A_359 = vector.broadcast %mul3A_358 : i32 to vector<16xi32>
      %mul3A_360 = arith.muli %select_n3A_327, %mul3A_359 : vector<16xi32>
      %add3A_361 = arith.addi %mul3A_360, %select_n3A_333 : vector<16xi32>
      %swap3A_362 = arith.constant 0 : i32
      %swap3A_363 = arith.index_cast %swap3A_362 : i32 to index
      %swap3A_364 = arith.constant 96 : index
      %swap3A_365 = tpu.vector_load %arg12[%swap3A_363, %swap3A_364] {strides = array<i32>} : memref<2x128xi32, #tpu.memory_space<vmem>>, vector<1x16xi32>,
      %swap3A_366 = vector.shape_cast %swap3A_365 : vector<1x16xi32> to vector<16xi32>
      %swap3A_367 = vector.shape_cast %add3A_361 : vector<16xi32> to vector<1x16xi32>
      tpu.vector_store %arg12[%swap3A_363, %swap3A_364], %swap3A_367 {strides = array<i32>} : memref<2x128xi32, #tpu.memory_space<vmem>>, vector<1x16xi32>,
      %get3A_368 = arith.constant 112 : index
      %get3A_369 = tpu.vector_load %arg8[%get3A_368] {strides = array<i32>} : memref<256xi32, #tpu.memory_space<vmem>>, vector<16xi32>,
      %get3A_370 = vector.shape_cast %get3A_369 : vector<16xi32> to vector<16xi32>
      %get3A_371 = arith.constant 112 : index
      %get3A_372 = tpu.vector_load %arg9[%get3A_371] {strides = array<i32>} : memref<256xi32, #tpu.memory_space<vmem>>, vector<16xi32>,
      %get3A_373 = vector.shape_cast %get3A_372 : vector<16xi32> to vector<16xi32>
      %eq3A_374 = arith.constant -100 : i32
      %eq3A_375 = vector.broadcast %eq3A_374 : i32 to vector<16xi32>
      %eq3A_376 = arith.cmpi eq, %get3A_370, %eq3A_375 : vector<16xi32>
      %jit3A_377 = arith.constant 0 : i32
      %broadcast_in_dim3A_378 = vector.broadcast %jit3A_377 : i32 to vector<16xi32>
      %select_n3A_379 = arith.select %eq3A_376, %broadcast_in_dim3A_378, %get3A_370 : vector<16xi1>, vector<16xi32>
      %eq3A_380 = arith.constant -100 : i32
      %eq3A_381 = vector.broadcast %eq3A_380 : i32 to vector<16xi32>
      %eq3A_382 = arith.cmpi eq, %get3A_373, %eq3A_381 : vector<16xi32>
      %jit3A_383 = arith.constant 0 : i32
      %broadcast_in_dim3A_384 = vector.broadcast %jit3A_383 : i32 to vector<16xi32>
      %select_n3A_385 = arith.select %eq3A_382, %broadcast_in_dim3A_384, %get3A_373 : vector<16xi1>, vector<16xi32>
      %add3A_386 = arith.constant 112 : i32
      %add3A_387 = arith.addi %mul3A_0, %add3A_386 : i32
      %add3A_388 = vector.broadcast %add3A_387 : i32 to vector<16xi32>
      %add3A_389 = arith.addi %add3A_388, %iota3A : vector<16xi32>
      %mul3A_390 = arith.constant 4096 : i32
      %mul3A_391 = vector.broadcast %mul3A_390 : i32 to vector<16xi32>
      %mul3A_392 = arith.muli %add3A_389, %mul3A_391 : vector<16xi32>
      %add3A_393 = arith.addi %mul3A_392, %select_n3A_379 : vector<16xi32>
      %swap3A_394 = arith.constant 0 : i32
      %swap3A_395 = arith.index_cast %swap3A_394 : i32 to index
      %swap3A_396 = arith.constant 112 : index
      %swap3A_397 = tpu.vector_load %arg10[%swap3A_395, %swap3A_396] {strides = array<i32>} : memref<2x128xi32, #tpu.memory_space<vmem>>, vector<1x16xi32>,
      %swap3A_398 = vector.shape_cast %swap3A_397 : vector<1x16xi32> to vector<16xi32>
      %swap3A_399 = vector.shape_cast %add3A_393 : vector<16xi32> to vector<1x16xi32>
      tpu.vector_store %arg10[%swap3A_395, %swap3A_396], %swap3A_399 {strides = array<i32>} : memref<2x128xi32, #tpu.memory_space<vmem>>, vector<1x16xi32>,
      %mul3A_400 = arith.constant 4096 : i32
      %mul3A_401 = vector.broadcast %mul3A_400 : i32 to vector<16xi32>
      %mul3A_402 = arith.muli %add3A_389, %mul3A_401 : vector<16xi32>
      %add3A_403 = arith.addi %mul3A_402, %select_n3A_385 : vector<16xi32>
      %swap3A_404 = arith.constant 0 : i32
      %swap3A_405 = arith.index_cast %swap3A_404 : i32 to index
      %swap3A_406 = arith.constant 112 : index
      %swap3A_407 = tpu.vector_load %arg11[%swap3A_405, %swap3A_406] {strides = array<i32>} : memref<2x128xi32, #tpu.memory_space<vmem>>, vector<1x16xi32>,
      %swap3A_408 = vector.shape_cast %swap3A_407 : vector<1x16xi32> to vector<16xi32>
      %swap3A_409 = vector.shape_cast %add3A_403 : vector<16xi32> to vector<1x16xi32>
      tpu.vector_store %arg11[%swap3A_405, %swap3A_406], %swap3A_409 {strides = array<i32>} : memref<2x128xi32, #tpu.memory_space<vmem>>, vector<1x16xi32>,
      %mul3A_410 = arith.constant 4096 : i32
      %mul3A_411 = vector.broadcast %mul3A_410 : i32 to vector<16xi32>
      %mul3A_412 = arith.muli %select_n3A_379, %mul3A_411 : vector<16xi32>
      %add3A_413 = arith.addi %mul3A_412, %select_n3A_385 : vector<16xi32>
      %swap3A_414 = arith.constant 0 : i32
      %swap3A_415 = arith.index_cast %swap3A_414 : i32 to index
      %swap3A_416 = arith.constant 112 : index
      %swap3A_417 = tpu.vector_load %arg12[%swap3A_415, %swap3A_416] {strides = array<i32>} : memref<2x128xi32, #tpu.memory_space<vmem>>, vector<1x16xi32>,
      %swap3A_418 = vector.shape_cast %swap3A_417 : vector<1x16xi32> to vector<16xi32>
      %swap3A_419 = vector.shape_cast %add3A_413 : vector<16xi32> to vector<1x16xi32>
      tpu.vector_store %arg12[%swap3A_415, %swap3A_416], %swap3A_419 {strides = array<i32>} : memref<2x128xi32, #tpu.memory_space<vmem>>, vector<1x16xi32>,
      %get3A_420 = arith.constant 128 : index
      %get3A_421 = tpu.vector_load %arg8[%get3A_420] {strides = array<i32>} : memref<256xi32, #tpu.memory_space<vmem>>, vector<16xi32>,
      %get3A_422 = vector.shape_cast %get3A_421 : vector<16xi32> to vector<16xi32>
      %get3A_423 = arith.constant 128 : index
      %get3A_424 = tpu.vector_load %arg9[%get3A_423] {strides = array<i32>} : memref<256xi32, #tpu.memory_space<vmem>>, vector<16xi32>,
      %get3A_425 = vector.shape_cast %get3A_424 : vector<16xi32> to vector<16xi32>
      %eq3A_426 = arith.constant -100 : i32
      %eq3A_427 = vector.broadcast %eq3A_426 : i32 to vector<16xi32>
      %eq3A_428 = arith.cmpi eq, %get3A_422, %eq3A_427 : vector<16xi32>
      %jit3A_429 = arith.constant 0 : i32
      %broadcast_in_dim3A_430 = vector.broadcast %jit3A_429 : i32 to vector<16xi32>
      %select_n3A_431 = arith.select %eq3A_428, %broadcast_in_dim3A_430, %get3A_422 : vector<16xi1>, vector<16xi32>
      %eq3A_432 = arith.constant -100 : i32
      %eq3A_433 = vector.broadcast %eq3A_432 : i32 to vector<16xi32>
      %eq3A_434 = arith.cmpi eq, %get3A_425, %eq3A_433 : vector<16xi32>
      %jit3A_435 = arith.constant 0 : i32
      %broadcast_in_dim3A_436 = vector.broadcast %jit3A_435 : i32 to vector<16xi32>
      %select_n3A_437 = arith.select %eq3A_434, %broadcast_in_dim3A_436, %get3A_425 : vector<16xi1>, vector<16xi32>
      %add3A_438 = arith.constant 128 : i32
      %add3A_439 = arith.addi %mul3A_0, %add3A_438 : i32
      %add3A_440 = vector.broadcast %add3A_439 : i32 to vector<16xi32>
      %add3A_441 = arith.addi %add3A_440, %iota3A : vector<16xi32>
      %mul3A_442 = arith.constant 4096 : i32
      %mul3A_443 = vector.broadcast %mul3A_442 : i32 to vector<16xi32>
      %mul3A_444 = arith.muli %add3A_441, %mul3A_443 : vector<16xi32>
      %add3A_445 = arith.addi %mul3A_444, %select_n3A_431 : vector<16xi32>
      %swap3A_446 = arith.constant 1 : i32
      %swap3A_447 = arith.index_cast %swap3A_446 : i32 to index
      %swap3A_448 = arith.constant 0 : index
      %swap3A_449 = tpu.vector_load %arg10[%swap3A_447, %swap3A_448] {strides = array<i32>} : memref<2x128xi32, #tpu.memory_space<vmem>>, vector<1x16xi32>,
      %swap3A_450 = vector.shape_cast %swap3A_449 : vector<1x16xi32> to vector<16xi32>
      %swap3A_451 = vector.shape_cast %add3A_445 : vector<16xi32> to vector<1x16xi32>
      tpu.vector_store %arg10[%swap3A_447, %swap3A_448], %swap3A_451 {strides = array<i32>} : memref<2x128xi32, #tpu.memory_space<vmem>>, vector<1x16xi32>,
      %mul3A_452 = arith.constant 4096 : i32
      %mul3A_453 = vector.broadcast %mul3A_452 : i32 to vector<16xi32>
      %mul3A_454 = arith.muli %add3A_441, %mul3A_453 : vector<16xi32>
      %add3A_455 = arith.addi %mul3A_454, %select_n3A_437 : vector<16xi32>
      %swap3A_456 = arith.constant 1 : i32
      %swap3A_457 = arith.index_cast %swap3A_456 : i32 to index
      %swap3A_458 = arith.constant 0 : index
      %swap3A_459 = tpu.vector_load %arg11[%swap3A_457, %swap3A_458] {strides = array<i32>} : memref<2x128xi32, #tpu.memory_space<vmem>>, vector<1x16xi32>,
      %swap3A_460 = vector.shape_cast %swap3A_459 : vector<1x16xi32> to vector<16xi32>
      %swap3A_461 = vector.shape_cast %add3A_455 : vector<16xi32> to vector<1x16xi32>
      tpu.vector_store %arg11[%swap3A_457, %swap3A_458], %swap3A_461 {strides = array<i32>} : memref<2x128xi32, #tpu.memory_space<vmem>>, vector<1x16xi32>,
      %mul3A_462 = arith.constant 4096 : i32
      %mul3A_463 = vector.broadcast %mul3A_462 : i32 to vector<16xi32>
      %mul3A_464 = arith.muli %select_n3A_431, %mul3A_463 : vector<16xi32>
      %add3A_465 = arith.addi %mul3A_464, %select_n3A_437 : vector<16xi32>
      %swap3A_466 = arith.constant 1 : i32
      %swap3A_467 = arith.index_cast %swap3A_466 : i32 to index
      %swap3A_468 = arith.constant 0 : index
      %swap3A_469 = tpu.vector_load %arg12[%swap3A_467, %swap3A_468] {strides = array<i32>} : memref<2x128xi32, #tpu.memory_space<vmem>>, vector<1x16xi32>,
      %swap3A_470 = vector.shape_cast %swap3A_469 : vector<1x16xi32> to vector<16xi32>
      %swap3A_471 = vector.shape_cast %add3A_465 : vector<16xi32> to vector<1x16xi32>
      tpu.vector_store %arg12[%swap3A_467, %swap3A_468], %swap3A_471 {strides = array<i32>} : memref<2x128xi32, #tpu.memory_space<vmem>>, vector<1x16xi32>,
      %get3A_472 = arith.constant 144 : index
      %get3A_473 = tpu.vector_load %arg8[%get3A_472] {strides = array<i32>} : memref<256xi32, #tpu.memory_space<vmem>>, vector<16xi32>,
      %get3A_474 = vector.shape_cast %get3A_473 : vector<16xi32> to vector<16xi32>
      %get3A_475 = arith.constant 144 : index
      %get3A_476 = tpu.vector_load %arg9[%get3A_475] {strides = array<i32>} : memref<256xi32, #tpu.memory_space<vmem>>, vector<16xi32>,
      %get3A_477 = vector.shape_cast %get3A_476 : vector<16xi32> to vector<16xi32>
      %eq3A_478 = arith.constant -100 : i32
      %eq3A_479 = vector.broadcast %eq3A_478 : i32 to vector<16xi32>
      %eq3A_480 = arith.cmpi eq, %get3A_474, %eq3A_479 : vector<16xi32>
      %jit3A_481 = arith.constant 0 : i32
      %broadcast_in_dim3A_482 = vector.broadcast %jit3A_481 : i32 to vector<16xi32>
      %select_n3A_483 = arith.select %eq3A_480, %broadcast_in_dim3A_482, %get3A_474 : vector<16xi1>, vector<16xi32>
      %eq3A_484 = arith.constant -100 : i32
      %eq3A_485 = vector.broadcast %eq3A_484 : i32 to vector<16xi32>
      %eq3A_486 = arith.cmpi eq, %get3A_477, %eq3A_485 : vector<16xi32>
      %jit3A_487 = arith.constant 0 : i32
      %broadcast_in_dim3A_488 = vector.broadcast %jit3A_487 : i32 to vector<16xi32>
      %select_n3A_489 = arith.select %eq3A_486, %broadcast_in_dim3A_488, %get3A_477 : vector<16xi1>, vector<16xi32>
      %add3A_490 = arith.constant 144 : i32
      %add3A_491 = arith.addi %mul3A_0, %add3A_490 : i32
      %add3A_492 = vector.broadcast %add3A_491 : i32 to vector<16xi32>
      %add3A_493 = arith.addi %add3A_492, %iota3A : vector<16xi32>
      %mul3A_494 = arith.constant 4096 : i32
      %mul3A_495 = vector.broadcast %mul3A_494 : i32 to vector<16xi32>
      %mul3A_496 = arith.muli %add3A_493, %mul3A_495 : vector<16xi32>
      %add3A_497 = arith.addi %mul3A_496, %select_n3A_483 : vector<16xi32>
      %swap3A_498 = arith.constant 1 : i32
      %swap3A_499 = arith.index_cast %swap3A_498 : i32 to index
      %swap3A_500 = arith.constant 16 : index
      %swap3A_501 = tpu.vector_load %arg10[%swap3A_499, %swap3A_500] {strides = array<i32>} : memref<2x128xi32, #tpu.memory_space<vmem>>, vector<1x16xi32>,
      %swap3A_502 = vector.shape_cast %swap3A_501 : vector<1x16xi32> to vector<16xi32>
      %swap3A_503 = vector.shape_cast %add3A_497 : vector<16xi32> to vector<1x16xi32>
      tpu.vector_store %arg10[%swap3A_499, %swap3A_500], %swap3A_503 {strides = array<i32>} : memref<2x128xi32, #tpu.memory_space<vmem>>, vector<1x16xi32>,
      %mul3A_504 = arith.constant 4096 : i32
      %mul3A_505 = vector.broadcast %mul3A_504 : i32 to vector<16xi32>
      %mul3A_506 = arith.muli %add3A_493, %mul3A_505 : vector<16xi32>
      %add3A_507 = arith.addi %mul3A_506, %select_n3A_489 : vector<16xi32>
      %swap3A_508 = arith.constant 1 : i32
      %swap3A_509 = arith.index_cast %swap3A_508 : i32 to index
      %swap3A_510 = arith.constant 16 : index
      %swap3A_511 = tpu.vector_load %arg11[%swap3A_509, %swap3A_510] {strides = array<i32>} : memref<2x128xi32, #tpu.memory_space<vmem>>, vector<1x16xi32>,
      %swap3A_512 = vector.shape_cast %swap3A_511 : vector<1x16xi32> to vector<16xi32>
      %swap3A_513 = vector.shape_cast %add3A_507 : vector<16xi32> to vector<1x16xi32>
      tpu.vector_store %arg11[%swap3A_509, %swap3A_510], %swap3A_513 {strides = array<i32>} : memref<2x128xi32, #tpu.memory_space<vmem>>, vector<1x16xi32>,
      %mul3A_514 = arith.constant 4096 : i32
      %mul3A_515 = vector.broadcast %mul3A_514 : i32 to vector<16xi32>
      %mul3A_516 = arith.muli %select_n3A_483, %mul3A_515 : vector<16xi32>
      %add3A_517 = arith.addi %mul3A_516, %select_n3A_489 : vector<16xi32>
      %swap3A_518 = arith.constant 1 : i32
      %swap3A_519 = arith.index_cast %swap3A_518 : i32 to index
      %swap3A_520 = arith.constant 16 : index
      %swap3A_521 = tpu.vector_load %arg12[%swap3A_519, %swap3A_520] {strides = array<i32>} : memref<2x128xi32, #tpu.memory_space<vmem>>, vector<1x16xi32>,
      %swap3A_522 = vector.shape_cast %swap3A_521 : vector<1x16xi32> to vector<16xi32>
      %swap3A_523 = vector.shape_cast %add3A_517 : vector<16xi32> to vector<1x16xi32>
      tpu.vector_store %arg12[%swap3A_519, %swap3A_520], %swap3A_523 {strides = array<i32>} : memref<2x128xi32, #tpu.memory_space<vmem>>, vector<1x16xi32>,
      %get3A_524 = arith.constant 160 : index
      %get3A_525 = tpu.vector_load %arg8[%get3A_524] {strides = array<i32>} : memref<256xi32, #tpu.memory_space<vmem>>, vector<16xi32>,
      %get3A_526 = vector.shape_cast %get3A_525 : vector<16xi32> to vector<16xi32>
      %get3A_527 = arith.constant 160 : index
      %get3A_528 = tpu.vector_load %arg9[%get3A_527] {strides = array<i32>} : memref<256xi32, #tpu.memory_space<vmem>>, vector<16xi32>,
      %get3A_529 = vector.shape_cast %get3A_528 : vector<16xi32> to vector<16xi32>
      %eq3A_530 = arith.constant -100 : i32
      %eq3A_531 = vector.broadcast %eq3A_530 : i32 to vector<16xi32>
      %eq3A_532 = arith.cmpi eq, %get3A_526, %eq3A_531 : vector<16xi32>
      %jit3A_533 = arith.constant 0 : i32
      %broadcast_in_dim3A_534 = vector.broadcast %jit3A_533 : i32 to vector<16xi32>
      %select_n3A_535 = arith.select %eq3A_532, %broadcast_in_dim3A_534, %get3A_526 : vector<16xi1>, vector<16xi32>
      %eq3A_536 = arith.constant -100 : i32
      %eq3A_537 = vector.broadcast %eq3A_536 : i32 to vector<16xi32>
      %eq3A_538 = arith.cmpi eq, %get3A_529, %eq3A_537 : vector<16xi32>
      %jit3A_539 = arith.constant 0 : i32
      %broadcast_in_dim3A_540 = vector.broadcast %jit3A_539 : i32 to vector<16xi32>
      %select_n3A_541 = arith.select %eq3A_538, %broadcast_in_dim3A_540, %get3A_529 : vector<16xi1>, vector<16xi32>
      %add3A_542 = arith.constant 160 : i32
      %add3A_543 = arith.addi %mul3A_0, %add3A_542 : i32
      %add3A_544 = vector.broadcast %add3A_543 : i32 to vector<16xi32>
      %add3A_545 = arith.addi %add3A_544, %iota3A : vector<16xi32>
      %mul3A_546 = arith.constant 4096 : i32
      %mul3A_547 = vector.broadcast %mul3A_546 : i32 to vector<16xi32>
      %mul3A_548 = arith.muli %add3A_545, %mul3A_547 : vector<16xi32>
      %add3A_549 = arith.addi %mul3A_548, %select_n3A_535 : vector<16xi32>
      %swap3A_550 = arith.constant 1 : i32
      %swap3A_551 = arith.index_cast %swap3A_550 : i32 to index
      %swap3A_552 = arith.constant 32 : index
      %swap3A_553 = tpu.vector_load %arg10[%swap3A_551, %swap3A_552] {strides = array<i32>} : memref<2x128xi32, #tpu.memory_space<vmem>>, vector<1x16xi32>,
      %swap3A_554 = vector.shape_cast %swap3A_553 : vector<1x16xi32> to vector<16xi32>
      %swap3A_555 = vector.shape_cast %add3A_549 : vector<16xi32> to vector<1x16xi32>
      tpu.vector_store %arg10[%swap3A_551, %swap3A_552], %swap3A_555 {strides = array<i32>} : memref<2x128xi32, #tpu.memory_space<vmem>>, vector<1x16xi32>,
      %mul3A_556 = arith.constant 4096 : i32
      %mul3A_557 = vector.broadcast %mul3A_556 : i32 to vector<16xi32>
      %mul3A_558 = arith.muli %add3A_545, %mul3A_557 : vector<16xi32>
      %add3A_559 = arith.addi %mul3A_558, %select_n3A_541 : vector<16xi32>
      %swap3A_560 = arith.constant 1 : i32
      %swap3A_561 = arith.index_cast %swap3A_560 : i32 to index
      %swap3A_562 = arith.constant 32 : index
      %swap3A_563 = tpu.vector_load %arg11[%swap3A_561, %swap3A_562] {strides = array<i32>} : memref<2x128xi32, #tpu.memory_space<vmem>>, vector<1x16xi32>,
      %swap3A_564 = vector.shape_cast %swap3A_563 : vector<1x16xi32> to vector<16xi32>
      %swap3A_565 = vector.shape_cast %add3A_559 : vector<16xi32> to vector<1x16xi32>
      tpu.vector_store %arg11[%swap3A_561, %swap3A_562], %swap3A_565 {strides = array<i32>} : memref<2x128xi32, #tpu.memory_space<vmem>>, vector<1x16xi32>,
      %mul3A_566 = arith.constant 4096 : i32
      %mul3A_567 = vector.broadcast %mul3A_566 : i32 to vector<16xi32>
      %mul3A_568 = arith.muli %select_n3A_535, %mul3A_567 : vector<16xi32>
      %add3A_569 = arith.addi %mul3A_568, %select_n3A_541 : vector<16xi32>
      %swap3A_570 = arith.constant 1 : i32
      %swap3A_571 = arith.index_cast %swap3A_570 : i32 to index
      %swap3A_572 = arith.constant 32 : index
      %swap3A_573 = tpu.vector_load %arg12[%swap3A_571, %swap3A_572] {strides = array<i32>} : memref<2x128xi32, #tpu.memory_space<vmem>>, vector<1x16xi32>,
      %swap3A_574 = vector.shape_cast %swap3A_573 : vector<1x16xi32> to vector<16xi32>
      %swap3A_575 = vector.shape_cast %add3A_569 : vector<16xi32> to vector<1x16xi32>
      tpu.vector_store %arg12[%swap3A_571, %swap3A_572], %swap3A_575 {strides = array<i32>} : memref<2x128xi32, #tpu.memory_space<vmem>>, vector<1x16xi32>,
      %get3A_576 = arith.constant 176 : index
      %get3A_577 = tpu.vector_load %arg8[%get3A_576] {strides = array<i32>} : memref<256xi32, #tpu.memory_space<vmem>>, vector<16xi32>,
      %get3A_578 = vector.shape_cast %get3A_577 : vector<16xi32> to vector<16xi32>
      %get3A_579 = arith.constant 176 : index
      %get3A_580 = tpu.vector_load %arg9[%get3A_579] {strides = array<i32>} : memref<256xi32, #tpu.memory_space<vmem>>, vector<16xi32>,
      %get3A_581 = vector.shape_cast %get3A_580 : vector<16xi32> to vector<16xi32>
      %eq3A_582 = arith.constant -100 : i32
      %eq3A_583 = vector.broadcast %eq3A_582 : i32 to vector<16xi32>
      %eq3A_584 = arith.cmpi eq, %get3A_578, %eq3A_583 : vector<16xi32>
      %jit3A_585 = arith.constant 0 : i32
      %broadcast_in_dim3A_586 = vector.broadcast %jit3A_585 : i32 to vector<16xi32>
      %select_n3A_587 = arith.select %eq3A_584, %broadcast_in_dim3A_586, %get3A_578 : vector<16xi1>, vector<16xi32>
      %eq3A_588 = arith.constant -100 : i32
      %eq3A_589 = vector.broadcast %eq3A_588 : i32 to vector<16xi32>
      %eq3A_590 = arith.cmpi eq, %get3A_581, %eq3A_589 : vector<16xi32>
      %jit3A_591 = arith.constant 0 : i32
      %broadcast_in_dim3A_592 = vector.broadcast %jit3A_591 : i32 to vector<16xi32>
      %select_n3A_593 = arith.select %eq3A_590, %broadcast_in_dim3A_592, %get3A_581 : vector<16xi1>, vector<16xi32>
      %add3A_594 = arith.constant 176 : i32
      %add3A_595 = arith.addi %mul3A_0, %add3A_594 : i32
      %add3A_596 = vector.broadcast %add3A_595 : i32 to vector<16xi32>
      %add3A_597 = arith.addi %add3A_596, %iota3A : vector<16xi32>
      %mul3A_598 = arith.constant 4096 : i32
      %mul3A_599 = vector.broadcast %mul3A_598 : i32 to vector<16xi32>
      %mul3A_600 = arith.muli %add3A_597, %mul3A_599 : vector<16xi32>
      %add3A_601 = arith.addi %mul3A_600, %select_n3A_587 : vector<16xi32>
      %swap3A_602 = arith.constant 1 : i32
      %swap3A_603 = arith.index_cast %swap3A_602 : i32 to index
      %swap3A_604 = arith.constant 48 : index
      %swap3A_605 = tpu.vector_load %arg10[%swap3A_603, %swap3A_604] {strides = array<i32>} : memref<2x128xi32, #tpu.memory_space<vmem>>, vector<1x16xi32>,
      %swap3A_606 = vector.shape_cast %swap3A_605 : vector<1x16xi32> to vector<16xi32>
      %swap3A_607 = vector.shape_cast %add3A_601 : vector<16xi32> to vector<1x16xi32>
      tpu.vector_store %arg10[%swap3A_603, %swap3A_604], %swap3A_607 {strides = array<i32>} : memref<2x128xi32, #tpu.memory_space<vmem>>, vector<1x16xi32>,
      %mul3A_608 = arith.constant 4096 : i32
      %mul3A_609 = vector.broadcast %mul3A_608 : i32 to vector<16xi32>
      %mul3A_610 = arith.muli %add3A_597, %mul3A_609 : vector<16xi32>
      %add3A_611 = arith.addi %mul3A_610, %select_n3A_593 : vector<16xi32>
      %swap3A_612 = arith.constant 1 : i32
      %swap3A_613 = arith.index_cast %swap3A_612 : i32 to index
      %swap3A_614 = arith.constant 48 : index
      %swap3A_615 = tpu.vector_load %arg11[%swap3A_613, %swap3A_614] {strides = array<i32>} : memref<2x128xi32, #tpu.memory_space<vmem>>, vector<1x16xi32>,
      %swap3A_616 = vector.shape_cast %swap3A_615 : vector<1x16xi32> to vector<16xi32>
      %swap3A_617 = vector.shape_cast %add3A_611 : vector<16xi32> to vector<1x16xi32>
      tpu.vector_store %arg11[%swap3A_613, %swap3A_614], %swap3A_617 {strides = array<i32>} : memref<2x128xi32, #tpu.memory_space<vmem>>, vector<1x16xi32>,
      %mul3A_618 = arith.constant 4096 : i32
      %mul3A_619 = vector.broadcast %mul3A_618 : i32 to vector<16xi32>
      %mul3A_620 = arith.muli %select_n3A_587, %mul3A_619 : vector<16xi32>
      %add3A_621 = arith.addi %mul3A_620, %select_n3A_593 : vector<16xi32>
      %swap3A_622 = arith.constant 1 : i32
      %swap3A_623 = arith.index_cast %swap3A_622 : i32 to index
      %swap3A_624 = arith.constant 48 : index
      %swap3A_625 = tpu.vector_load %arg12[%swap3A_623, %swap3A_624] {strides = array<i32>} : memref<2x128xi32, #tpu.memory_space<vmem>>, vector<1x16xi32>,
      %swap3A_626 = vector.shape_cast %swap3A_625 : vector<1x16xi32> to vector<16xi32>
      %swap3A_627 = vector.shape_cast %add3A_621 : vector<16xi32> to vector<1x16xi32>
      tpu.vector_store %arg12[%swap3A_623, %swap3A_624], %swap3A_627 {strides = array<i32>} : memref<2x128xi32, #tpu.memory_space<vmem>>, vector<1x16xi32>,
      %get3A_628 = arith.constant 192 : index
      %get3A_629 = tpu.vector_load %arg8[%get3A_628] {strides = array<i32>} : memref<256xi32, #tpu.memory_space<vmem>>, vector<16xi32>,
      %get3A_630 = vector.shape_cast %get3A_629 : vector<16xi32> to vector<16xi32>
      %get3A_631 = arith.constant 192 : index
      %get3A_632 = tpu.vector_load %arg9[%get3A_631] {strides = array<i32>} : memref<256xi32, #tpu.memory_space<vmem>>, vector<16xi32>,
      %get3A_633 = vector.shape_cast %get3A_632 : vector<16xi32> to vector<16xi32>
      %eq3A_634 = arith.constant -100 : i32
      %eq3A_635 = vector.broadcast %eq3A_634 : i32 to vector<16xi32>
      %eq3A_636 = arith.cmpi eq, %get3A_630, %eq3A_635 : vector<16xi32>
      %jit3A_637 = arith.constant 0 : i32
      %broadcast_in_dim3A_638 = vector.broadcast %jit3A_637 : i32 to vector<16xi32>
      %select_n3A_639 = arith.select %eq3A_636, %broadcast_in_dim3A_638, %get3A_630 : vector<16xi1>, vector<16xi32>
      %eq3A_640 = arith.constant -100 : i32
      %eq3A_641 = vector.broadcast %eq3A_640 : i32 to vector<16xi32>
      %eq3A_642 = arith.cmpi eq, %get3A_633, %eq3A_641 : vector<16xi32>
      %jit3A_643 = arith.constant 0 : i32
      %broadcast_in_dim3A_644 = vector.broadcast %jit3A_643 : i32 to vector<16xi32>
      %select_n3A_645 = arith.select %eq3A_642, %broadcast_in_dim3A_644, %get3A_633 : vector<16xi1>, vector<16xi32>
      %add3A_646 = arith.constant 192 : i32
      %add3A_647 = arith.addi %mul3A_0, %add3A_646 : i32
      %add3A_648 = vector.broadcast %add3A_647 : i32 to vector<16xi32>
      %add3A_649 = arith.addi %add3A_648, %iota3A : vector<16xi32>
      %mul3A_650 = arith.constant 4096 : i32
      %mul3A_651 = vector.broadcast %mul3A_650 : i32 to vector<16xi32>
      %mul3A_652 = arith.muli %add3A_649, %mul3A_651 : vector<16xi32>
      %add3A_653 = arith.addi %mul3A_652, %select_n3A_639 : vector<16xi32>
      %swap3A_654 = arith.constant 1 : i32
      %swap3A_655 = arith.index_cast %swap3A_654 : i32 to index
      %swap3A_656 = arith.constant 64 : index
      %swap3A_657 = tpu.vector_load %arg10[%swap3A_655, %swap3A_656] {strides = array<i32>} : memref<2x128xi32, #tpu.memory_space<vmem>>, vector<1x16xi32>,
      %swap3A_658 = vector.shape_cast %swap3A_657 : vector<1x16xi32> to vector<16xi32>
      %swap3A_659 = vector.shape_cast %add3A_653 : vector<16xi32> to vector<1x16xi32>
      tpu.vector_store %arg10[%swap3A_655, %swap3A_656], %swap3A_659 {strides = array<i32>} : memref<2x128xi32, #tpu.memory_space<vmem>>, vector<1x16xi32>,
      %mul3A_660 = arith.constant 4096 : i32
      %mul3A_661 = vector.broadcast %mul3A_660 : i32 to vector<16xi32>
      %mul3A_662 = arith.muli %add3A_649, %mul3A_661 : vector<16xi32>
      %add3A_663 = arith.addi %mul3A_662, %select_n3A_645 : vector<16xi32>
      %swap3A_664 = arith.constant 1 : i32
      %swap3A_665 = arith.index_cast %swap3A_664 : i32 to index
      %swap3A_666 = arith.constant 64 : index
      %swap3A_667 = tpu.vector_load %arg11[%swap3A_665, %swap3A_666] {strides = array<i32>} : memref<2x128xi32, #tpu.memory_space<vmem>>, vector<1x16xi32>,
      %swap3A_668 = vector.shape_cast %swap3A_667 : vector<1x16xi32> to vector<16xi32>
      %swap3A_669 = vector.shape_cast %add3A_663 : vector<16xi32> to vector<1x16xi32>
      tpu.vector_store %arg11[%swap3A_665, %swap3A_666], %swap3A_669 {strides = array<i32>} : memref<2x128xi32, #tpu.memory_space<vmem>>, vector<1x16xi32>,
      %mul3A_670 = arith.constant 4096 : i32
      %mul3A_671 = vector.broadcast %mul3A_670 : i32 to vector<16xi32>
      %mul3A_672 = arith.muli %select_n3A_639, %mul3A_671 : vector<16xi32>
      %add3A_673 = arith.addi %mul3A_672, %select_n3A_645 : vector<16xi32>
      %swap3A_674 = arith.constant 1 : i32
      %swap3A_675 = arith.index_cast %swap3A_674 : i32 to index
      %swap3A_676 = arith.constant 64 : index
      %swap3A_677 = tpu.vector_load %arg12[%swap3A_675, %swap3A_676] {strides = array<i32>} : memref<2x128xi32, #tpu.memory_space<vmem>>, vector<1x16xi32>,
      %swap3A_678 = vector.shape_cast %swap3A_677 : vector<1x16xi32> to vector<16xi32>
      %swap3A_679 = vector.shape_cast %add3A_673 : vector<16xi32> to vector<1x16xi32>
      tpu.vector_store %arg12[%swap3A_675, %swap3A_676], %swap3A_679 {strides = array<i32>} : memref<2x128xi32, #tpu.memory_space<vmem>>, vector<1x16xi32>,
      %get3A_680 = arith.constant 208 : index
      %get3A_681 = tpu.vector_load %arg8[%get3A_680] {strides = array<i32>} : memref<256xi32, #tpu.memory_space<vmem>>, vector<16xi32>,
      %get3A_682 = vector.shape_cast %get3A_681 : vector<16xi32> to vector<16xi32>
      %get3A_683 = arith.constant 208 : index
      %get3A_684 = tpu.vector_load %arg9[%get3A_683] {strides = array<i32>} : memref<256xi32, #tpu.memory_space<vmem>>, vector<16xi32>,
      %get3A_685 = vector.shape_cast %get3A_684 : vector<16xi32> to vector<16xi32>
      %eq3A_686 = arith.constant -100 : i32
      %eq3A_687 = vector.broadcast %eq3A_686 : i32 to vector<16xi32>
      %eq3A_688 = arith.cmpi eq, %get3A_682, %eq3A_687 : vector<16xi32>
      %jit3A_689 = arith.constant 0 : i32
      %broadcast_in_dim3A_690 = vector.broadcast %jit3A_689 : i32 to vector<16xi32>
      %select_n3A_691 = arith.select %eq3A_688, %broadcast_in_dim3A_690, %get3A_682 : vector<16xi1>, vector<16xi32>
      %eq3A_692 = arith.constant -100 : i32
      %eq3A_693 = vector.broadcast %eq3A_692 : i32 to vector<16xi32>
      %eq3A_694 = arith.cmpi eq, %get3A_685, %eq3A_693 : vector<16xi32>
      %jit3A_695 = arith.constant 0 : i32
      %broadcast_in_dim3A_696 = vector.broadcast %jit3A_695 : i32 to vector<16xi32>
      %select_n3A_697 = arith.select %eq3A_694, %broadcast_in_dim3A_696, %get3A_685 : vector<16xi1>, vector<16xi32>
      %add3A_698 = arith.constant 208 : i32
      %add3A_699 = arith.addi %mul3A_0, %add3A_698 : i32
      %add3A_700 = vector.broadcast %add3A_699 : i32 to vector<16xi32>
      %add3A_701 = arith.addi %add3A_700, %iota3A : vector<16xi32>
      %mul3A_702 = arith.constant 4096 : i32
      %mul3A_703 = vector.broadcast %mul3A_702 : i32 to vector<16xi32>
      %mul3A_704 = arith.muli %add3A_701, %mul3A_703 : vector<16xi32>
      %add3A_705 = arith.addi %mul3A_704, %select_n3A_691 : vector<16xi32>
      %swap3A_706 = arith.constant 1 : i32
      %swap3A_707 = arith.index_cast %swap3A_706 : i32 to index
      %swap3A_708 = arith.constant 80 : index
      %swap3A_709 = tpu.vector_load %arg10[%swap3A_707, %swap3A_708] {strides = array<i32>} : memref<2x128xi32, #tpu.memory_space<vmem>>, vector<1x16xi32>,
      %swap3A_710 = vector.shape_cast %swap3A_709 : vector<1x16xi32> to vector<16xi32>
      %swap3A_711 = vector.shape_cast %add3A_705 : vector<16xi32> to vector<1x16xi32>
      tpu.vector_store %arg10[%swap3A_707, %swap3A_708], %swap3A_711 {strides = array<i32>} : memref<2x128xi32, #tpu.memory_space<vmem>>, vector<1x16xi32>,
      %mul3A_712 = arith.constant 4096 : i32
      %mul3A_713 = vector.broadcast %mul3A_712 : i32 to vector<16xi32>
      %mul3A_714 = arith.muli %add3A_701, %mul3A_713 : vector<16xi32>
      %add3A_715 = arith.addi %mul3A_714, %select_n3A_697 : vector<16xi32>
      %swap3A_716 = arith.constant 1 : i32
      %swap3A_717 = arith.index_cast %swap3A_716 : i32 to index
      %swap3A_718 = arith.constant 80 : index
      %swap3A_719 = tpu.vector_load %arg11[%swap3A_717, %swap3A_718] {strides = array<i32>} : memref<2x128xi32, #tpu.memory_space<vmem>>, vector<1x16xi32>,
      %swap3A_720 = vector.shape_cast %swap3A_719 : vector<1x16xi32> to vector<16xi32>
      %swap3A_721 = vector.shape_cast %add3A_715 : vector<16xi32> to vector<1x16xi32>
      tpu.vector_store %arg11[%swap3A_717, %swap3A_718], %swap3A_721 {strides = array<i32>} : memref<2x128xi32, #tpu.memory_space<vmem>>, vector<1x16xi32>,
      %mul3A_722 = arith.constant 4096 : i32
      %mul3A_723 = vector.broadcast %mul3A_722 : i32 to vector<16xi32>
      %mul3A_724 = arith.muli %select_n3A_691, %mul3A_723 : vector<16xi32>
      %add3A_725 = arith.addi %mul3A_724, %select_n3A_697 : vector<16xi32>
      %swap3A_726 = arith.constant 1 : i32
      %swap3A_727 = arith.index_cast %swap3A_726 : i32 to index
      %swap3A_728 = arith.constant 80 : index
      %swap3A_729 = tpu.vector_load %arg12[%swap3A_727, %swap3A_728] {strides = array<i32>} : memref<2x128xi32, #tpu.memory_space<vmem>>, vector<1x16xi32>,
      %swap3A_730 = vector.shape_cast %swap3A_729 : vector<1x16xi32> to vector<16xi32>
      %swap3A_731 = vector.shape_cast %add3A_725 : vector<16xi32> to vector<1x16xi32>
      tpu.vector_store %arg12[%swap3A_727, %swap3A_728], %swap3A_731 {strides = array<i32>} : memref<2x128xi32, #tpu.memory_space<vmem>>, vector<1x16xi32>,
      %get3A_732 = arith.constant 224 : index
      %get3A_733 = tpu.vector_load %arg8[%get3A_732] {strides = array<i32>} : memref<256xi32, #tpu.memory_space<vmem>>, vector<16xi32>,
      %get3A_734 = vector.shape_cast %get3A_733 : vector<16xi32> to vector<16xi32>
      %get3A_735 = arith.constant 224 : index
      %get3A_736 = tpu.vector_load %arg9[%get3A_735] {strides = array<i32>} : memref<256xi32, #tpu.memory_space<vmem>>, vector<16xi32>,
      %get3A_737 = vector.shape_cast %get3A_736 : vector<16xi32> to vector<16xi32>
      %eq3A_738 = arith.constant -100 : i32
      %eq3A_739 = vector.broadcast %eq3A_738 : i32 to vector<16xi32>
      %eq3A_740 = arith.cmpi eq, %get3A_734, %eq3A_739 : vector<16xi32>
      %jit3A_741 = arith.constant 0 : i32
      %broadcast_in_dim3A_742 = vector.broadcast %jit3A_741 : i32 to vector<16xi32>
      %select_n3A_743 = arith.select %eq3A_740, %broadcast_in_dim3A_742, %get3A_734 : vector<16xi1>, vector<16xi32>
      %eq3A_744 = arith.constant -100 : i32
      %eq3A_745 = vector.broadcast %eq3A_744 : i32 to vector<16xi32>
      %eq3A_746 = arith.cmpi eq, %get3A_737, %eq3A_745 : vector<16xi32>
      %jit3A_747 = arith.constant 0 : i32
      %broadcast_in_dim3A_748 = vector.broadcast %jit3A_747 : i32 to vector<16xi32>
      %select_n3A_749 = arith.select %eq3A_746, %broadcast_in_dim3A_748, %get3A_737 : vector<16xi1>, vector<16xi32>
      %add3A_750 = arith.constant 224 : i32
      %add3A_751 = arith.addi %mul3A_0, %add3A_750 : i32
      %add3A_752 = vector.broadcast %add3A_751 : i32 to vector<16xi32>
      %add3A_753 = arith.addi %add3A_752, %iota3A : vector<16xi32>
      %mul3A_754 = arith.constant 4096 : i32
      %mul3A_755 = vector.broadcast %mul3A_754 : i32 to vector<16xi32>
      %mul3A_756 = arith.muli %add3A_753, %mul3A_755 : vector<16xi32>
      %add3A_757 = arith.addi %mul3A_756, %select_n3A_743 : vector<16xi32>
      %swap3A_758 = arith.constant 1 : i32
      %swap3A_759 = arith.index_cast %swap3A_758 : i32 to index
      %swap3A_760 = arith.constant 96 : index
      %swap3A_761 = tpu.vector_load %arg10[%swap3A_759, %swap3A_760] {strides = array<i32>} : memref<2x128xi32, #tpu.memory_space<vmem>>, vector<1x16xi32>,
      %swap3A_762 = vector.shape_cast %swap3A_761 : vector<1x16xi32> to vector<16xi32>
      %swap3A_763 = vector.shape_cast %add3A_757 : vector<16xi32> to vector<1x16xi32>
      tpu.vector_store %arg10[%swap3A_759, %swap3A_760], %swap3A_763 {strides = array<i32>} : memref<2x128xi32, #tpu.memory_space<vmem>>, vector<1x16xi32>,
      %mul3A_764 = arith.constant 4096 : i32
      %mul3A_765 = vector.broadcast %mul3A_764 : i32 to vector<16xi32>
      %mul3A_766 = arith.muli %add3A_753, %mul3A_765 : vector<16xi32>
      %add3A_767 = arith.addi %mul3A_766, %select_n3A_749 : vector<16xi32>
      %swap3A_768 = arith.constant 1 : i32
      %swap3A_769 = arith.index_cast %swap3A_768 : i32 to index
      %swap3A_770 = arith.constant 96 : index
      %swap3A_771 = tpu.vector_load %arg11[%swap3A_769, %swap3A_770] {strides = array<i32>} : memref<2x128xi32, #tpu.memory_space<vmem>>, vector<1x16xi32>,
      %swap3A_772 = vector.shape_cast %swap3A_771 : vector<1x16xi32> to vector<16xi32>
      %swap3A_773 = vector.shape_cast %add3A_767 : vector<16xi32> to vector<1x16xi32>
      tpu.vector_store %arg11[%swap3A_769, %swap3A_770], %swap3A_773 {strides = array<i32>} : memref<2x128xi32, #tpu.memory_space<vmem>>, vector<1x16xi32>,
      %mul3A_774 = arith.constant 4096 : i32
      %mul3A_775 = vector.broadcast %mul3A_774 : i32 to vector<16xi32>
      %mul3A_776 = arith.muli %select_n3A_743, %mul3A_775 : vector<16xi32>
      %add3A_777 = arith.addi %mul3A_776, %select_n3A_749 : vector<16xi32>
      %swap3A_778 = arith.constant 1 : i32
      %swap3A_779 = arith.index_cast %swap3A_778 : i32 to index
      %swap3A_780 = arith.constant 96 : index
      %swap3A_781 = tpu.vector_load %arg12[%swap3A_779, %swap3A_780] {strides = array<i32>} : memref<2x128xi32, #tpu.memory_space<vmem>>, vector<1x16xi32>,
      %swap3A_782 = vector.shape_cast %swap3A_781 : vector<1x16xi32> to vector<16xi32>
      %swap3A_783 = vector.shape_cast %add3A_777 : vector<16xi32> to vector<1x16xi32>
      tpu.vector_store %arg12[%swap3A_779, %swap3A_780], %swap3A_783 {strides = array<i32>} : memref<2x128xi32, #tpu.memory_space<vmem>>, vector<1x16xi32>,
      %get3A_784 = arith.constant 240 : index
      %get3A_785 = tpu.vector_load %arg8[%get3A_784] {strides = array<i32>} : memref<256xi32, #tpu.memory_space<vmem>>, vector<16xi32>,
      %get3A_786 = vector.shape_cast %get3A_785 : vector<16xi32> to vector<16xi32>
      %get3A_787 = arith.constant 240 : index
      %get3A_788 = tpu.vector_load %arg9[%get3A_787] {strides = array<i32>} : memref<256xi32, #tpu.memory_space<vmem>>, vector<16xi32>,
      %get3A_789 = vector.shape_cast %get3A_788 : vector<16xi32> to vector<16xi32>
      %eq3A_790 = arith.constant -100 : i32
      %eq3A_791 = vector.broadcast %eq3A_790 : i32 to vector<16xi32>
      %eq3A_792 = arith.cmpi eq, %get3A_786, %eq3A_791 : vector<16xi32>
      %jit3A_793 = arith.constant 0 : i32
      %broadcast_in_dim3A_794 = vector.broadcast %jit3A_793 : i32 to vector<16xi32>
      %select_n3A_795 = arith.select %eq3A_792, %broadcast_in_dim3A_794, %get3A_786 : vector<16xi1>, vector<16xi32>
      %eq3A_796 = arith.constant -100 : i32
      %eq3A_797 = vector.broadcast %eq3A_796 : i32 to vector<16xi32>
      %eq3A_798 = arith.cmpi eq, %get3A_789, %eq3A_797 : vector<16xi32>
      %jit3A_799 = arith.constant 0 : i32
      %broadcast_in_dim3A_800 = vector.broadcast %jit3A_799 : i32 to vector<16xi32>
      %select_n3A_801 = arith.select %eq3A_798, %broadcast_in_dim3A_800, %get3A_789 : vector<16xi1>, vector<16xi32>
      %add3A_802 = arith.constant 240 : i32
      %add3A_803 = arith.addi %mul3A_0, %add3A_802 : i32
      %add3A_804 = vector.broadcast %add3A_803 : i32 to vector<16xi32>
      %add3A_805 = arith.addi %add3A_804, %iota3A : vector<16xi32>
      %mul3A_806 = arith.constant 4096 : i32
      %mul3A_807 = vector.broadcast %mul3A_806 : i32 to vector<16xi32>
      %mul3A_808 = arith.muli %add3A_805, %mul3A_807 : vector<16xi32>
      %add3A_809 = arith.addi %mul3A_808, %select_n3A_795 : vector<16xi32>
      %swap3A_810 = arith.constant 1 : i32
      %swap3A_811 = arith.index_cast %swap3A_810 : i32 to index
      %swap3A_812 = arith.constant 112 : index
      %swap3A_813 = tpu.vector_load %arg10[%swap3A_811, %swap3A_812] {strides = array<i32>} : memref<2x128xi32, #tpu.memory_space<vmem>>, vector<1x16xi32>,
      %swap3A_814 = vector.shape_cast %swap3A_813 : vector<1x16xi32> to vector<16xi32>
      %swap3A_815 = vector.shape_cast %add3A_809 : vector<16xi32> to vector<1x16xi32>
      tpu.vector_store %arg10[%swap3A_811, %swap3A_812], %swap3A_815 {strides = array<i32>} : memref<2x128xi32, #tpu.memory_space<vmem>>, vector<1x16xi32>,
      %mul3A_816 = arith.constant 4096 : i32
      %mul3A_817 = vector.broadcast %mul3A_816 : i32 to vector<16xi32>
      %mul3A_818 = arith.muli %add3A_805, %mul3A_817 : vector<16xi32>
      %add3A_819 = arith.addi %mul3A_818, %select_n3A_801 : vector<16xi32>
      %swap3A_820 = arith.constant 1 : i32
      %swap3A_821 = arith.index_cast %swap3A_820 : i32 to index
      %swap3A_822 = arith.constant 112 : index
      %swap3A_823 = tpu.vector_load %arg11[%swap3A_821, %swap3A_822] {strides = array<i32>} : memref<2x128xi32, #tpu.memory_space<vmem>>, vector<1x16xi32>,
      %swap3A_824 = vector.shape_cast %swap3A_823 : vector<1x16xi32> to vector<16xi32>
      %swap3A_825 = vector.shape_cast %add3A_819 : vector<16xi32> to vector<1x16xi32>
      tpu.vector_store %arg11[%swap3A_821, %swap3A_822], %swap3A_825 {strides = array<i32>} : memref<2x128xi32, #tpu.memory_space<vmem>>, vector<1x16xi32>,
      %mul3A_826 = arith.constant 4096 : i32
      %mul3A_827 = vector.broadcast %mul3A_826 : i32 to vector<16xi32>
      %mul3A_828 = arith.muli %select_n3A_795, %mul3A_827 : vector<16xi32>
      %add3A_829 = arith.addi %mul3A_828, %select_n3A_801 : vector<16xi32>
      %swap3A_830 = arith.constant 1 : i32
      %swap3A_831 = arith.index_cast %swap3A_830 : i32 to index
      %swap3A_832 = arith.constant 112 : index
      %swap3A_833 = tpu.vector_load %arg12[%swap3A_831, %swap3A_832] {strides = array<i32>} : memref<2x128xi32, #tpu.memory_space<vmem>>, vector<1x16xi32>,
      %swap3A_834 = vector.shape_cast %swap3A_833 : vector<1x16xi32> to vector<16xi32>
      %swap3A_835 = vector.shape_cast %add3A_829 : vector<16xi32> to vector<1x16xi32>
      tpu.vector_store %arg12[%swap3A_831, %swap3A_832], %swap3A_835 {strides = array<i32>} : memref<2x128xi32, #tpu.memory_space<vmem>>, vector<1x16xi32>,
      %dma_start3A = arith.constant 0 : i32
      %dma_start3A_836 = arith.constant 0 : i32
      %dma_start3A_837 = arith.constant 0 : i32
      %dma_start3A_838 = tpu.memref_slice %arg13[%dma_start3A_836, %dma_start3A_837] : memref<2x128xf32, #tpu.memory_space<vmem>> -> memref<1x128xf32, #tpu.memory_space<vmem>>
      %dma_start3A_839 = tpu.memref_squeeze %dma_start3A_838 : memref<1x128xf32, #tpu.memory_space<vmem>> -> memref<128xf32, #tpu.memory_space<vmem>>
      %dma_start3A_840 = arith.constant 0 : i32
      %dma_start3A_841 = tpu.memref_slice %arg10[%dma_start3A, %dma_start3A_840] : memref<2x128xi32, #tpu.memory_space<vmem>> -> memref<1x128xi32, #tpu.memory_space<vmem>>
      %dma_start3A_842 = tpu.memref_squeeze %dma_start3A_841 : memref<1x128xi32, #tpu.memory_space<vmem>> -> memref<128xi32, #tpu.memory_space<vmem>>
      %dma_start3A_843 = arith.constant 0 : i32
      %dma_start3A_844 = tpu.memref_slice %arg2[%dma_start3A_843] : memref<16777216xf32, #tpu.memory_space<hbm>> -> memref<16777216xf32, #tpu.memory_space<hbm>>
      tpu.enqueue_indirect_dma source(%dma_start3A_844 : memref<16777216xf32, #tpu.memory_space<hbm>>) target(%dma_start3A_839 : memref<128xf32, #tpu.memory_space<vmem>>) offsets(%dma_start3A_842 : memref<128xi32, #tpu.memory_space<vmem>>) semaphore(%arg20 : memref<!tpu.dma_semaphore, #tpu.memory_space<semaphore_mem>>)
      %dma_start3A_845 = arith.constant 0 : i32
      %dma_start3A_846 = arith.constant 0 : i32
      %dma_start3A_847 = arith.constant 0 : i32
      %dma_start3A_848 = tpu.memref_slice %arg14[%dma_start3A_846, %dma_start3A_847] : memref<2x128xf32, #tpu.memory_space<vmem>> -> memref<1x128xf32, #tpu.memory_space<vmem>>
      %dma_start3A_849 = tpu.memref_squeeze %dma_start3A_848 : memref<1x128xf32, #tpu.memory_space<vmem>> -> memref<128xf32, #tpu.memory_space<vmem>>
      %dma_start3A_850 = arith.constant 0 : i32
      %dma_start3A_851 = tpu.memref_slice %arg11[%dma_start3A_845, %dma_start3A_850] : memref<2x128xi32, #tpu.memory_space<vmem>> -> memref<1x128xi32, #tpu.memory_space<vmem>>
      %dma_start3A_852 = tpu.memref_squeeze %dma_start3A_851 : memref<1x128xi32, #tpu.memory_space<vmem>> -> memref<128xi32, #tpu.memory_space<vmem>>
      %dma_start3A_853 = arith.constant 0 : i32
      %dma_start3A_854 = tpu.memref_slice %arg3[%dma_start3A_853] : memref<16777216xf32, #tpu.memory_space<hbm>> -> memref<16777216xf32, #tpu.memory_space<hbm>>
      tpu.enqueue_indirect_dma source(%dma_start3A_854 : memref<16777216xf32, #tpu.memory_space<hbm>>) target(%dma_start3A_849 : memref<128xf32, #tpu.memory_space<vmem>>) offsets(%dma_start3A_852 : memref<128xi32, #tpu.memory_space<vmem>>) semaphore(%arg20 : memref<!tpu.dma_semaphore, #tpu.memory_space<semaphore_mem>>)
      %dma_start3A_855 = arith.constant 0 : i32
      %dma_start3A_856 = arith.constant 0 : i32
      %dma_start3A_857 = arith.constant 0 : i32
      %dma_start3A_858 = tpu.memref_slice %arg15[%dma_start3A_856, %dma_start3A_857] : memref<2x128xf32, #tpu.memory_space<vmem>> -> memref<1x128xf32, #tpu.memory_space<vmem>>
      %dma_start3A_859 = tpu.memref_squeeze %dma_start3A_858 : memref<1x128xf32, #tpu.memory_space<vmem>> -> memref<128xf32, #tpu.memory_space<vmem>>
      %dma_start3A_860 = arith.constant 0 : i32
      %dma_start3A_861 = tpu.memref_slice %arg12[%dma_start3A_855, %dma_start3A_860] : memref<2x128xi32, #tpu.memory_space<vmem>> -> memref<1x128xi32, #tpu.memory_space<vmem>>
      %dma_start3A_862 = tpu.memref_squeeze %dma_start3A_861 : memref<1x128xi32, #tpu.memory_space<vmem>> -> memref<128xi32, #tpu.memory_space<vmem>>
      %dma_start3A_863 = arith.constant 0 : i32
      %dma_start3A_864 = tpu.memref_slice %arg6[%dma_start3A_863] : memref<16777216xf32, #tpu.memory_space<hbm>> -> memref<16777216xf32, #tpu.memory_space<hbm>>
      tpu.enqueue_indirect_dma source(%dma_start3A_864 : memref<16777216xf32, #tpu.memory_space<hbm>>) target(%dma_start3A_859 : memref<128xf32, #tpu.memory_space<vmem>>) offsets(%dma_start3A_862 : memref<128xi32, #tpu.memory_space<vmem>>) semaphore(%arg20 : memref<!tpu.dma_semaphore, #tpu.memory_space<semaphore_mem>>)
      %dma_start3A_865 = arith.constant 1 : i32
      %dma_start3A_866 = arith.constant 1 : i32
      %dma_start3A_867 = arith.constant 0 : i32
      %dma_start3A_868 = tpu.memref_slice %arg13[%dma_start3A_866, %dma_start3A_867] : memref<2x128xf32, #tpu.memory_space<vmem>> -> memref<1x128xf32, #tpu.memory_space<vmem>>
      %dma_start3A_869 = tpu.memref_squeeze %dma_start3A_868 : memref<1x128xf32, #tpu.memory_space<vmem>> -> memref<128xf32, #tpu.memory_space<vmem>>
      %dma_start3A_870 = arith.constant 0 : i32
      %dma_start3A_871 = tpu.memref_slice %arg10[%dma_start3A_865, %dma_start3A_870] : memref<2x128xi32, #tpu.memory_space<vmem>> -> memref<1x128xi32, #tpu.memory_space<vmem>>
      %dma_start3A_872 = tpu.memref_squeeze %dma_start3A_871 : memref<1x128xi32, #tpu.memory_space<vmem>> -> memref<128xi32, #tpu.memory_space<vmem>>
      %dma_start3A_873 = arith.constant 0 : i32
      %dma_start3A_874 = tpu.memref_slice %arg2[%dma_start3A_873] : memref<16777216xf32, #tpu.memory_space<hbm>> -> memref<16777216xf32, #tpu.memory_space<hbm>>
      tpu.enqueue_indirect_dma source(%dma_start3A_874 : memref<16777216xf32, #tpu.memory_space<hbm>>) target(%dma_start3A_869 : memref<128xf32, #tpu.memory_space<vmem>>) offsets(%dma_start3A_872 : memref<128xi32, #tpu.memory_space<vmem>>) semaphore(%arg20 : memref<!tpu.dma_semaphore, #tpu.memory_space<semaphore_mem>>)
      %dma_start3A_875 = arith.constant 1 : i32
      %dma_start3A_876 = arith.constant 1 : i32
      %dma_start3A_877 = arith.constant 0 : i32
      %dma_start3A_878 = tpu.memref_slice %arg14[%dma_start3A_876, %dma_start3A_877] : memref<2x128xf32, #tpu.memory_space<vmem>> -> memref<1x128xf32, #tpu.memory_space<vmem>>
      %dma_start3A_879 = tpu.memref_squeeze %dma_start3A_878 : memref<1x128xf32, #tpu.memory_space<vmem>> -> memref<128xf32, #tpu.memory_space<vmem>>
      %dma_start3A_880 = arith.constant 0 : i32
      %dma_start3A_881 = tpu.memref_slice %arg11[%dma_start3A_875, %dma_start3A_880] : memref<2x128xi32, #tpu.memory_space<vmem>> -> memref<1x128xi32, #tpu.memory_space<vmem>>
      %dma_start3A_882 = tpu.memref_squeeze %dma_start3A_881 : memref<1x128xi32, #tpu.memory_space<vmem>> -> memref<128xi32, #tpu.memory_space<vmem>>
      %dma_start3A_883 = arith.constant 0 : i32
      %dma_start3A_884 = tpu.memref_slice %arg3[%dma_start3A_883] : memref<16777216xf32, #tpu.memory_space<hbm>> -> memref<16777216xf32, #tpu.memory_space<hbm>>
      tpu.enqueue_indirect_dma source(%dma_start3A_884 : memref<16777216xf32, #tpu.memory_space<hbm>>) target(%dma_start3A_879 : memref<128xf32, #tpu.memory_space<vmem>>) offsets(%dma_start3A_882 : memref<128xi32, #tpu.memory_space<vmem>>) semaphore(%arg20 : memref<!tpu.dma_semaphore, #tpu.memory_space<semaphore_mem>>)
      %dma_start3A_885 = arith.constant 1 : i32
      %dma_start3A_886 = arith.constant 1 : i32
      %dma_start3A_887 = arith.constant 0 : i32
      %dma_start3A_888 = tpu.memref_slice %arg15[%dma_start3A_886, %dma_start3A_887] : memref<2x128xf32, #tpu.memory_space<vmem>> -> memref<1x128xf32, #tpu.memory_space<vmem>>
      %dma_start3A_889 = tpu.memref_squeeze %dma_start3A_888 : memref<1x128xf32, #tpu.memory_space<vmem>> -> memref<128xf32, #tpu.memory_space<vmem>>
      %dma_start3A_890 = arith.constant 0 : i32
      %dma_start3A_891 = tpu.memref_slice %arg12[%dma_start3A_885, %dma_start3A_890] : memref<2x128xi32, #tpu.memory_space<vmem>> -> memref<1x128xi32, #tpu.memory_space<vmem>>
      %dma_start3A_892 = tpu.memref_squeeze %dma_start3A_891 : memref<1x128xi32, #tpu.memory_space<vmem>> -> memref<128xi32, #tpu.memory_space<vmem>>
      %dma_start3A_893 = arith.constant 0 : i32
      %dma_start3A_894 = tpu.memref_slice %arg6[%dma_start3A_893] : memref<16777216xf32, #tpu.memory_space<hbm>> -> memref<16777216xf32, #tpu.memory_space<hbm>>
      tpu.enqueue_indirect_dma source(%dma_start3A_894 : memref<16777216xf32, #tpu.memory_space<hbm>>) target(%dma_start3A_889 : memref<128xf32, #tpu.memory_space<vmem>>) offsets(%dma_start3A_892 : memref<128xi32, #tpu.memory_space<vmem>>) semaphore(%arg20 : memref<!tpu.dma_semaphore, #tpu.memory_space<semaphore_mem>>)
      %dma_wait3A = arith.constant 0 : i32
      %dma_wait3A_895 = arith.constant 0 : i32
      %dma_wait3A_896 = arith.constant 0 : i32
      %dma_wait3A_897 = tpu.memref_slice %arg13[%dma_wait3A_895, %dma_wait3A_896] : memref<2x128xf32, #tpu.memory_space<vmem>> -> memref<1x128xf32, #tpu.memory_space<vmem>>
      %dma_wait3A_898 = tpu.memref_squeeze %dma_wait3A_897 : memref<1x128xf32, #tpu.memory_space<vmem>> -> memref<128xf32, #tpu.memory_space<vmem>>
      %dma_wait3A_899 = arith.constant 0 : i32
      %dma_wait3A_900 = tpu.memref_slice %arg10[%dma_wait3A, %dma_wait3A_899] : memref<2x128xi32, #tpu.memory_space<vmem>> -> memref<1x128xi32, #tpu.memory_space<vmem>>
      %dma_wait3A_901 = tpu.memref_squeeze %dma_wait3A_900 : memref<1x128xi32, #tpu.memory_space<vmem>> -> memref<128xi32, #tpu.memory_space<vmem>>
      %dma_wait3A_902 = arith.constant 0 : i32
      %dma_wait3A_903 = tpu.memref_slice %arg2[%dma_wait3A_902] : memref<16777216xf32, #tpu.memory_space<hbm>> -> memref<16777216xf32, #tpu.memory_space<hbm>>
      tpu.wait_indirect_dma semaphore(%arg20 : memref<!tpu.dma_semaphore, #tpu.memory_space<semaphore_mem>>) src(%dma_wait3A_903 : memref<16777216xf32, #tpu.memory_space<hbm>>) dst(%dma_wait3A_898 : memref<128xf32, #tpu.memory_space<vmem>>)
      %dma_wait3A_904 = arith.constant 0 : i32
      %dma_wait3A_905 = arith.constant 0 : i32
      %dma_wait3A_906 = arith.constant 0 : i32
      %dma_wait3A_907 = tpu.memref_slice %arg14[%dma_wait3A_905, %dma_wait3A_906] : memref<2x128xf32, #tpu.memory_space<vmem>> -> memref<1x128xf32, #tpu.memory_space<vmem>>
      %dma_wait3A_908 = tpu.memref_squeeze %dma_wait3A_907 : memref<1x128xf32, #tpu.memory_space<vmem>> -> memref<128xf32, #tpu.memory_space<vmem>>
      %dma_wait3A_909 = arith.constant 0 : i32
      %dma_wait3A_910 = tpu.memref_slice %arg11[%dma_wait3A_904, %dma_wait3A_909] : memref<2x128xi32, #tpu.memory_space<vmem>> -> memref<1x128xi32, #tpu.memory_space<vmem>>
      %dma_wait3A_911 = tpu.memref_squeeze %dma_wait3A_910 : memref<1x128xi32, #tpu.memory_space<vmem>> -> memref<128xi32, #tpu.memory_space<vmem>>
      %dma_wait3A_912 = arith.constant 0 : i32
      %dma_wait3A_913 = tpu.memref_slice %arg3[%dma_wait3A_912] : memref<16777216xf32, #tpu.memory_space<hbm>> -> memref<16777216xf32, #tpu.memory_space<hbm>>
      tpu.wait_indirect_dma semaphore(%arg20 : memref<!tpu.dma_semaphore, #tpu.memory_space<semaphore_mem>>) src(%dma_wait3A_913 : memref<16777216xf32, #tpu.memory_space<hbm>>) dst(%dma_wait3A_908 : memref<128xf32, #tpu.memory_space<vmem>>)
      %dma_wait3A_914 = arith.constant 0 : i32
      %dma_wait3A_915 = arith.constant 0 : i32
      %dma_wait3A_916 = arith.constant 0 : i32
      %dma_wait3A_917 = tpu.memref_slice %arg15[%dma_wait3A_915, %dma_wait3A_916] : memref<2x128xf32, #tpu.memory_space<vmem>> -> memref<1x128xf32, #tpu.memory_space<vmem>>
      %dma_wait3A_918 = tpu.memref_squeeze %dma_wait3A_917 : memref<1x128xf32, #tpu.memory_space<vmem>> -> memref<128xf32, #tpu.memory_space<vmem>>
      %dma_wait3A_919 = arith.constant 0 : i32
      %dma_wait3A_920 = tpu.memref_slice %arg12[%dma_wait3A_914, %dma_wait3A_919] : memref<2x128xi32, #tpu.memory_space<vmem>> -> memref<1x128xi32, #tpu.memory_space<vmem>>
      %dma_wait3A_921 = tpu.memref_squeeze %dma_wait3A_920 : memref<1x128xi32, #tpu.memory_space<vmem>> -> memref<128xi32, #tpu.memory_space<vmem>>
      %dma_wait3A_922 = arith.constant 0 : i32
      %dma_wait3A_923 = tpu.memref_slice %arg6[%dma_wait3A_922] : memref<16777216xf32, #tpu.memory_space<hbm>> -> memref<16777216xf32, #tpu.memory_space<hbm>>
      tpu.wait_indirect_dma semaphore(%arg20 : memref<!tpu.dma_semaphore, #tpu.memory_space<semaphore_mem>>) src(%dma_wait3A_923 : memref<16777216xf32, #tpu.memory_space<hbm>>) dst(%dma_wait3A_918 : memref<128xf32, #tpu.memory_space<vmem>>)
      %dma_wait3A_924 = arith.constant 1 : i32
      %dma_wait3A_925 = arith.constant 1 : i32
      %dma_wait3A_926 = arith.constant 0 : i32
      %dma_wait3A_927 = tpu.memref_slice %arg13[%dma_wait3A_925, %dma_wait3A_926] : memref<2x128xf32, #tpu.memory_space<vmem>> -> memref<1x128xf32, #tpu.memory_space<vmem>>
      %dma_wait3A_928 = tpu.memref_squeeze %dma_wait3A_927 : memref<1x128xf32, #tpu.memory_space<vmem>> -> memref<128xf32, #tpu.memory_space<vmem>>
      %dma_wait3A_929 = arith.constant 0 : i32
      %dma_wait3A_930 = tpu.memref_slice %arg10[%dma_wait3A_924, %dma_wait3A_929] : memref<2x128xi32, #tpu.memory_space<vmem>> -> memref<1x128xi32, #tpu.memory_space<vmem>>
      %dma_wait3A_931 = tpu.memref_squeeze %dma_wait3A_930 : memref<1x128xi32, #tpu.memory_space<vmem>> -> memref<128xi32, #tpu.memory_space<vmem>>
      %dma_wait3A_932 = arith.constant 0 : i32
      %dma_wait3A_933 = tpu.memref_slice %arg2[%dma_wait3A_932] : memref<16777216xf32, #tpu.memory_space<hbm>> -> memref<16777216xf32, #tpu.memory_space<hbm>>
      tpu.wait_indirect_dma semaphore(%arg20 : memref<!tpu.dma_semaphore, #tpu.memory_space<semaphore_mem>>) src(%dma_wait3A_933 : memref<16777216xf32, #tpu.memory_space<hbm>>) dst(%dma_wait3A_928 : memref<128xf32, #tpu.memory_space<vmem>>)
      %dma_wait3A_934 = arith.constant 1 : i32
      %dma_wait3A_935 = arith.constant 1 : i32
      %dma_wait3A_936 = arith.constant 0 : i32
      %dma_wait3A_937 = tpu.memref_slice %arg14[%dma_wait3A_935, %dma_wait3A_936] : memref<2x128xf32, #tpu.memory_space<vmem>> -> memref<1x128xf32, #tpu.memory_space<vmem>>
      %dma_wait3A_938 = tpu.memref_squeeze %dma_wait3A_937 : memref<1x128xf32, #tpu.memory_space<vmem>> -> memref<128xf32, #tpu.memory_space<vmem>>
      %dma_wait3A_939 = arith.constant 0 : i32
      %dma_wait3A_940 = tpu.memref_slice %arg11[%dma_wait3A_934, %dma_wait3A_939] : memref<2x128xi32, #tpu.memory_space<vmem>> -> memref<1x128xi32, #tpu.memory_space<vmem>>
      %dma_wait3A_941 = tpu.memref_squeeze %dma_wait3A_940 : memref<1x128xi32, #tpu.memory_space<vmem>> -> memref<128xi32, #tpu.memory_space<vmem>>
      %dma_wait3A_942 = arith.constant 0 : i32
      %dma_wait3A_943 = tpu.memref_slice %arg3[%dma_wait3A_942] : memref<16777216xf32, #tpu.memory_space<hbm>> -> memref<16777216xf32, #tpu.memory_space<hbm>>
      tpu.wait_indirect_dma semaphore(%arg20 : memref<!tpu.dma_semaphore, #tpu.memory_space<semaphore_mem>>) src(%dma_wait3A_943 : memref<16777216xf32, #tpu.memory_space<hbm>>) dst(%dma_wait3A_938 : memref<128xf32, #tpu.memory_space<vmem>>)
      %dma_wait3A_944 = arith.constant 1 : i32
      %dma_wait3A_945 = arith.constant 1 : i32
      %dma_wait3A_946 = arith.constant 0 : i32
      %dma_wait3A_947 = tpu.memref_slice %arg15[%dma_wait3A_945, %dma_wait3A_946] : memref<2x128xf32, #tpu.memory_space<vmem>> -> memref<1x128xf32, #tpu.memory_space<vmem>>
      %dma_wait3A_948 = tpu.memref_squeeze %dma_wait3A_947 : memref<1x128xf32, #tpu.memory_space<vmem>> -> memref<128xf32, #tpu.memory_space<vmem>>
      %dma_wait3A_949 = arith.constant 0 : i32
      %dma_wait3A_950 = tpu.memref_slice %arg12[%dma_wait3A_944, %dma_wait3A_949] : memref<2x128xi32, #tpu.memory_space<vmem>> -> memref<1x128xi32, #tpu.memory_space<vmem>>
      %dma_wait3A_951 = tpu.memref_squeeze %dma_wait3A_950 : memref<1x128xi32, #tpu.memory_space<vmem>> -> memref<128xi32, #tpu.memory_space<vmem>>
      %dma_wait3A_952 = arith.constant 0 : i32
      %dma_wait3A_953 = tpu.memref_slice %arg6[%dma_wait3A_952] : memref<16777216xf32, #tpu.memory_space<hbm>> -> memref<16777216xf32, #tpu.memory_space<hbm>>
      tpu.wait_indirect_dma semaphore(%arg20 : memref<!tpu.dma_semaphore, #tpu.memory_space<semaphore_mem>>) src(%dma_wait3A_953 : memref<16777216xf32, #tpu.memory_space<hbm>>) dst(%dma_wait3A_948 : memref<128xf32, #tpu.memory_space<vmem>>)
      %broadcast_in_dim3A_954 = arith.constant 0.000000e+00 : f32
      %broadcast_in_dim3A_955 = vector.broadcast %broadcast_in_dim3A_954 : f32 to vector<16xf32>
      %get3A_956 = arith.constant 0 : index
      %get3A_957 = tpu.vector_load %arg8[%get3A_956] {strides = array<i32>} : memref<256xi32, #tpu.memory_space<vmem>>, vector<16xi32>,
      %get3A_958 = vector.shape_cast %get3A_957 : vector<16xi32> to vector<16xi32>
      %get3A_959 = arith.constant 0 : index
      %get3A_960 = tpu.vector_load %arg9[%get3A_959] {strides = array<i32>} : memref<256xi32, #tpu.memory_space<vmem>>, vector<16xi32>,
      %get3A_961 = vector.shape_cast %get3A_960 : vector<16xi32> to vector<16xi32>
      %get3A_962 = arith.constant 0 : i32
      %get3A_963 = arith.index_cast %get3A_962 : i32 to index
      %get3A_964 = arith.constant 0 : index
      %get3A_965 = tpu.vector_load %arg13[%get3A_963, %get3A_964] {strides = array<i32>} : memref<2x128xf32, #tpu.memory_space<vmem>>, vector<1x16xf32>,
      %get3A_966 = vector.shape_cast %get3A_965 : vector<1x16xf32> to vector<16xf32>
      %get3A_967 = arith.constant 0 : i32
      %get3A_968 = arith.index_cast %get3A_967 : i32 to index
      %get3A_969 = arith.constant 0 : index
      %get3A_970 = tpu.vector_load %arg14[%get3A_968, %get3A_969] {strides = array<i32>} : memref<2x128xf32, #tpu.memory_space<vmem>>, vector<1x16xf32>,
      %get3A_971 = vector.shape_cast %get3A_970 : vector<1x16xf32> to vector<16xf32>
      %get3A_972 = arith.constant 0 : i32
      %get3A_973 = arith.index_cast %get3A_972 : i32 to index
      %get3A_974 = arith.constant 0 : index
      %get3A_975 = tpu.vector_load %arg15[%get3A_973, %get3A_974] {strides = array<i32>} : memref<2x128xf32, #tpu.memory_space<vmem>>, vector<1x16xf32>,
      %get3A_976 = vector.shape_cast %get3A_975 : vector<1x16xf32> to vector<16xf32>
      %jit3A_977 = arith.constant 0.000000e+00 : f32
      %jit3A_978 = arith.constant 1.000000e+00 : f32
      %max3A = vector.broadcast %jit3A_977 : f32 to vector<16xf32>
      %max3A_979 = arith.maximumf %max3A, %get3A_976 : vector<16xf32>
      %min3A = vector.broadcast %jit3A_978 : f32 to vector<16xf32>
      %min3A_980 = arith.minimumf %min3A, %max3A_979 : vector<16xf32>
      %mul3A_981 = arith.mulf %get3A_966, %min3A_980 : vector<16xf32>
      %bitcast_convert_type3A = tpu.bitcast %mul3A_981 : vector<16xf32> -> vector<16xi32>
      %shift_right_arithmetic3A = arith.constant 23 : i32
      %shift_right_arithmetic3A_982 = vector.broadcast %shift_right_arithmetic3A : i32 to vector<16xi32>
      %shift_right_arithmetic3A_983 = arith.shrsi %bitcast_convert_type3A, %shift_right_arithmetic3A_982 : vector<16xi32>
      %sub3A = arith.constant 127 : i32
      %sub3A_984 = vector.broadcast %sub3A : i32 to vector<16xi32>
      %sub3A_985 = arith.subi %shift_right_arithmetic3A_983, %sub3A_984 : vector<16xi32>
      %and3A_986 = arith.constant 8388607 : i32
      %and3A_987 = vector.broadcast %and3A_986 : i32 to vector<16xi32>
      %and3A_988 = arith.andi %bitcast_convert_type3A, %and3A_987 : vector<16xi32>
      %or3A = arith.constant 1065353216 : i32
      %or3A_989 = vector.broadcast %or3A : i32 to vector<16xi32>
      %or3A_990 = arith.ori %and3A_988, %or3A_989 : vector<16xi32>
      %bitcast_convert_type3A_991 = tpu.bitcast %or3A_990 : vector<16xi32> -> vector<16xf32>
      %gt3A = arith.constant 1.41421354 : f32
      %gt3A_992 = vector.broadcast %gt3A : f32 to vector<16xf32>
      %gt3A_993 = arith.cmpf ogt, %bitcast_convert_type3A_991, %gt3A_992 : vector<16xf32>
      %mul3A_994 = arith.constant 5.000000e-01 : f32
      %mul3A_995 = vector.broadcast %mul3A_994 : f32 to vector<16xf32>
      %mul3A_996 = arith.mulf %bitcast_convert_type3A_991, %mul3A_995 : vector<16xf32>
      %select_n3A_997 = arith.select %gt3A_993, %mul3A_996, %bitcast_convert_type3A_991 : vector<16xi1>, vector<16xf32>
      %add3A_998 = arith.constant 1 : i32
      %add3A_999 = vector.broadcast %add3A_998 : i32 to vector<16xi32>
      %add3A_1000 = arith.addi %sub3A_985, %add3A_999 : vector<16xi32>
      %select_n3A_1001 = arith.select %gt3A_993, %add3A_1000, %sub3A_985 : vector<16xi1>, vector<16xi32>
      %sub3A_1002 = arith.constant 1.000000e+00 : f32
      %sub3A_1003 = vector.broadcast %sub3A_1002 : f32 to vector<16xf32>
      %sub3A_1004 = arith.subf %select_n3A_997, %sub3A_1003 : vector<16xf32>
      %add3A_1005 = arith.constant 1.000000e+00 : f32
      %add3A_1006 = vector.broadcast %add3A_1005 : f32 to vector<16xf32>
      %add3A_1007 = arith.addf %select_n3A_997, %add3A_1006 : vector<16xf32>
      %div3A = arith.divf %sub3A_1004, %add3A_1007 : vector<16xf32>
      %mul3A_1008 = arith.mulf %div3A, %div3A : vector<16xf32>
      %mul3A_1009 = arith.constant 0.222222224 : f32
      %mul3A_1010 = vector.broadcast %mul3A_1009 : f32 to vector<16xf32>
      %mul3A_1011 = arith.mulf %mul3A_1008, %mul3A_1010 : vector<16xf32>
      %add3A_1012 = arith.constant 0.285714298 : f32
      %add3A_1013 = vector.broadcast %add3A_1012 : f32 to vector<16xf32>
      %add3A_1014 = arith.addf %add3A_1013, %mul3A_1011 : vector<16xf32>
      %mul3A_1015 = arith.mulf %mul3A_1008, %add3A_1014 : vector<16xf32>
      %add3A_1016 = arith.constant 4.000000e-01 : f32
      %add3A_1017 = vector.broadcast %add3A_1016 : f32 to vector<16xf32>
      %add3A_1018 = arith.addf %add3A_1017, %mul3A_1015 : vector<16xf32>
      %mul3A_1019 = arith.mulf %mul3A_1008, %add3A_1018 : vector<16xf32>
      %add3A_1020 = arith.constant 0.666666686 : f32
      %add3A_1021 = vector.broadcast %add3A_1020 : f32 to vector<16xf32>
      %add3A_1022 = arith.addf %add3A_1021, %mul3A_1019 : vector<16xf32>
      %mul3A_1023 = arith.mulf %mul3A_1008, %add3A_1022 : vector<16xf32>
      %add3A_1024 = arith.constant 2.000000e+00 : f32
      %add3A_1025 = vector.broadcast %add3A_1024 : f32 to vector<16xf32>
      %add3A_1026 = arith.addf %add3A_1025, %mul3A_1023 : vector<16xf32>
      %mul3A_1027 = arith.mulf %div3A, %add3A_1026 : vector<16xf32>
      %convert_element_type3A_1028 = arith.sitofp %select_n3A_1001 : vector<16xi32> to vector<16xf32>
      %mul3A_1029 = arith.constant 0.693147182 : f32
      %mul3A_1030 = vector.broadcast %mul3A_1029 : f32 to vector<16xf32>
      %mul3A_1031 = arith.mulf %convert_element_type3A_1028, %mul3A_1030 : vector<16xf32>
      %add3A_1032 = arith.addf %mul3A_1031, %mul3A_1027 : vector<16xf32>
      %mul3A_1033 = arith.mulf %get3A_971, %min3A_980 : vector<16xf32>
      %bitcast_convert_type3A_1034 = tpu.bitcast %mul3A_1033 : vector<16xf32> -> vector<16xi32>
      %shift_right_arithmetic3A_1035 = arith.constant 23 : i32
      %shift_right_arithmetic3A_1036 = vector.broadcast %shift_right_arithmetic3A_1035 : i32 to vector<16xi32>
      %shift_right_arithmetic3A_1037 = arith.shrsi %bitcast_convert_type3A_1034, %shift_right_arithmetic3A_1036 : vector<16xi32>
      %sub3A_1038 = arith.constant 127 : i32
      %sub3A_1039 = vector.broadcast %sub3A_1038 : i32 to vector<16xi32>
      %sub3A_1040 = arith.subi %shift_right_arithmetic3A_1037, %sub3A_1039 : vector<16xi32>
      %and3A_1041 = arith.constant 8388607 : i32
      %and3A_1042 = vector.broadcast %and3A_1041 : i32 to vector<16xi32>
      %and3A_1043 = arith.andi %bitcast_convert_type3A_1034, %and3A_1042 : vector<16xi32>
      %or3A_1044 = arith.constant 1065353216 : i32
      %or3A_1045 = vector.broadcast %or3A_1044 : i32 to vector<16xi32>
      %or3A_1046 = arith.ori %and3A_1043, %or3A_1045 : vector<16xi32>
      %bitcast_convert_type3A_1047 = tpu.bitcast %or3A_1046 : vector<16xi32> -> vector<16xf32>
      %gt3A_1048 = arith.constant 1.41421354 : f32
      %gt3A_1049 = vector.broadcast %gt3A_1048 : f32 to vector<16xf32>
      %gt3A_1050 = arith.cmpf ogt, %bitcast_convert_type3A_1047, %gt3A_1049 : vector<16xf32>
      %mul3A_1051 = arith.constant 5.000000e-01 : f32
      %mul3A_1052 = vector.broadcast %mul3A_1051 : f32 to vector<16xf32>
      %mul3A_1053 = arith.mulf %bitcast_convert_type3A_1047, %mul3A_1052 : vector<16xf32>
      %select_n3A_1054 = arith.select %gt3A_1050, %mul3A_1053, %bitcast_convert_type3A_1047 : vector<16xi1>, vector<16xf32>
      %add3A_1055 = arith.constant 1 : i32
      %add3A_1056 = vector.broadcast %add3A_1055 : i32 to vector<16xi32>
      %add3A_1057 = arith.addi %sub3A_1040, %add3A_1056 : vector<16xi32>
      %select_n3A_1058 = arith.select %gt3A_1050, %add3A_1057, %sub3A_1040 : vector<16xi1>, vector<16xi32>
      %sub3A_1059 = arith.constant 1.000000e+00 : f32
      %sub3A_1060 = vector.broadcast %sub3A_1059 : f32 to vector<16xf32>
      %sub3A_1061 = arith.subf %select_n3A_1054, %sub3A_1060 : vector<16xf32>
      %add3A_1062 = arith.constant 1.000000e+00 : f32
      %add3A_1063 = vector.broadcast %add3A_1062 : f32 to vector<16xf32>
      %add3A_1064 = arith.addf %select_n3A_1054, %add3A_1063 : vector<16xf32>
      %div3A_1065 = arith.divf %sub3A_1061, %add3A_1064 : vector<16xf32>
      %mul3A_1066 = arith.mulf %div3A_1065, %div3A_1065 : vector<16xf32>
      %mul3A_1067 = arith.constant 0.222222224 : f32
      %mul3A_1068 = vector.broadcast %mul3A_1067 : f32 to vector<16xf32>
      %mul3A_1069 = arith.mulf %mul3A_1066, %mul3A_1068 : vector<16xf32>
      %add3A_1070 = arith.constant 0.285714298 : f32
      %add3A_1071 = vector.broadcast %add3A_1070 : f32 to vector<16xf32>
      %add3A_1072 = arith.addf %add3A_1071, %mul3A_1069 : vector<16xf32>
      %mul3A_1073 = arith.mulf %mul3A_1066, %add3A_1072 : vector<16xf32>
      %add3A_1074 = arith.constant 4.000000e-01 : f32
      %add3A_1075 = vector.broadcast %add3A_1074 : f32 to vector<16xf32>
      %add3A_1076 = arith.addf %add3A_1075, %mul3A_1073 : vector<16xf32>
      %mul3A_1077 = arith.mulf %mul3A_1066, %add3A_1076 : vector<16xf32>
      %add3A_1078 = arith.constant 0.666666686 : f32
      %add3A_1079 = vector.broadcast %add3A_1078 : f32 to vector<16xf32>
      %add3A_1080 = arith.addf %add3A_1079, %mul3A_1077 : vector<16xf32>
      %mul3A_1081 = arith.mulf %mul3A_1066, %add3A_1080 : vector<16xf32>
      %add3A_1082 = arith.constant 2.000000e+00 : f32
      %add3A_1083 = vector.broadcast %add3A_1082 : f32 to vector<16xf32>
      %add3A_1084 = arith.addf %add3A_1083, %mul3A_1081 : vector<16xf32>
      %mul3A_1085 = arith.mulf %div3A_1065, %add3A_1084 : vector<16xf32>
      %convert_element_type3A_1086 = arith.sitofp %select_n3A_1058 : vector<16xi32> to vector<16xf32>
      %mul3A_1087 = arith.constant 0.693147182 : f32
      %mul3A_1088 = vector.broadcast %mul3A_1087 : f32 to vector<16xf32>
      %mul3A_1089 = arith.mulf %convert_element_type3A_1086, %mul3A_1088 : vector<16xf32>
      %add3A_1090 = arith.addf %mul3A_1089, %mul3A_1085 : vector<16xf32>
      %ne3A = arith.constant -100 : i32
      %ne3A_1091 = vector.broadcast %ne3A : i32 to vector<16xi32>
      %ne3A_1092 = arith.cmpi ne, %get3A_958, %ne3A_1091 : vector<16xi32>
      %ne3A_1093 = arith.constant -100 : i32
      %ne3A_1094 = vector.broadcast %ne3A_1093 : i32 to vector<16xi32>
      %ne3A_1095 = arith.cmpi ne, %get3A_961, %ne3A_1094 : vector<16xi32>
      %jit3A_1096 = arith.constant 0.000000e+00 : f32
      %broadcast_in_dim3A_1097 = vector.broadcast %jit3A_1096 : f32 to vector<16xf32>
      %select_n3A_1098 = arith.select %ne3A_1092, %add3A_1032, %broadcast_in_dim3A_1097 : vector<16xi1>, vector<16xf32>
      %add3A_1099 = arith.addf %broadcast_in_dim3A_955, %select_n3A_1098 : vector<16xf32>
      %jit3A_1100 = arith.constant 0.000000e+00 : f32
      %broadcast_in_dim3A_1101 = vector.broadcast %jit3A_1100 : f32 to vector<16xf32>
      %select_n3A_1102 = arith.select %ne3A_1095, %add3A_1090, %broadcast_in_dim3A_1101 : vector<16xi1>, vector<16xf32>
      %add3A_1103 = arith.addf %broadcast_in_dim3A_955, %select_n3A_1102 : vector<16xf32>
      %jit3A_1104 = arith.constant 1.000000e+00 : f32
      %jit3A_1105 = arith.constant 0.000000e+00 : f32
      %broadcast_in_dim3A_1106 = vector.broadcast %jit3A_1104 : f32 to vector<16xf32>
      %broadcast_in_dim3A_1107 = vector.broadcast %jit3A_1105 : f32 to vector<16xf32>
      %select_n3A_1108 = arith.select %ne3A_1092, %broadcast_in_dim3A_1106, %broadcast_in_dim3A_1107 : vector<16xi1>, vector<16xf32>
      %add3A_1109 = arith.addf %broadcast_in_dim3A_955, %select_n3A_1108 : vector<16xf32>
      %jit3A_1110 = arith.constant 1.000000e+00 : f32
      %jit3A_1111 = arith.constant 0.000000e+00 : f32
      %broadcast_in_dim3A_1112 = vector.broadcast %jit3A_1110 : f32 to vector<16xf32>
      %broadcast_in_dim3A_1113 = vector.broadcast %jit3A_1111 : f32 to vector<16xf32>
      %select_n3A_1114 = arith.select %ne3A_1095, %broadcast_in_dim3A_1112, %broadcast_in_dim3A_1113 : vector<16xi1>, vector<16xf32>
      %add3A_1115 = arith.addf %broadcast_in_dim3A_955, %select_n3A_1114 : vector<16xf32>
      %get3A_1116 = arith.constant 16 : index
      %get3A_1117 = tpu.vector_load %arg8[%get3A_1116] {strides = array<i32>} : memref<256xi32, #tpu.memory_space<vmem>>, vector<16xi32>,
      %get3A_1118 = vector.shape_cast %get3A_1117 : vector<16xi32> to vector<16xi32>
      %get3A_1119 = arith.constant 16 : index
      %get3A_1120 = tpu.vector_load %arg9[%get3A_1119] {strides = array<i32>} : memref<256xi32, #tpu.memory_space<vmem>>, vector<16xi32>,
      %get3A_1121 = vector.shape_cast %get3A_1120 : vector<16xi32> to vector<16xi32>
      %get3A_1122 = arith.constant 0 : i32
      %get3A_1123 = arith.index_cast %get3A_1122 : i32 to index
      %get3A_1124 = arith.constant 16 : index
      %get3A_1125 = tpu.vector_load %arg13[%get3A_1123, %get3A_1124] {strides = array<i32>} : memref<2x128xf32, #tpu.memory_space<vmem>>, vector<1x16xf32>,
      %get3A_1126 = vector.shape_cast %get3A_1125 : vector<1x16xf32> to vector<16xf32>
      %get3A_1127 = arith.constant 0 : i32
      %get3A_1128 = arith.index_cast %get3A_1127 : i32 to index
      %get3A_1129 = arith.constant 16 : index
      %get3A_1130 = tpu.vector_load %arg14[%get3A_1128, %get3A_1129] {strides = array<i32>} : memref<2x128xf32, #tpu.memory_space<vmem>>, vector<1x16xf32>,
      %get3A_1131 = vector.shape_cast %get3A_1130 : vector<1x16xf32> to vector<16xf32>
      %get3A_1132 = arith.constant 0 : i32
      %get3A_1133 = arith.index_cast %get3A_1132 : i32 to index
      %get3A_1134 = arith.constant 16 : index
      %get3A_1135 = tpu.vector_load %arg15[%get3A_1133, %get3A_1134] {strides = array<i32>} : memref<2x128xf32, #tpu.memory_space<vmem>>, vector<1x16xf32>,
      %get3A_1136 = vector.shape_cast %get3A_1135 : vector<1x16xf32> to vector<16xf32>
      %jit3A_1137 = arith.constant 0.000000e+00 : f32
      %jit3A_1138 = arith.constant 1.000000e+00 : f32
      %max3A_1139 = vector.broadcast %jit3A_1137 : f32 to vector<16xf32>
      %max3A_1140 = arith.maximumf %max3A_1139, %get3A_1136 : vector<16xf32>
      %min3A_1141 = vector.broadcast %jit3A_1138 : f32 to vector<16xf32>
      %min3A_1142 = arith.minimumf %min3A_1141, %max3A_1140 : vector<16xf32>
      %mul3A_1143 = arith.mulf %get3A_1126, %min3A_1142 : vector<16xf32>
      %bitcast_convert_type3A_1144 = tpu.bitcast %mul3A_1143 : vector<16xf32> -> vector<16xi32>
      %shift_right_arithmetic3A_1145 = arith.constant 23 : i32
      %shift_right_arithmetic3A_1146 = vector.broadcast %shift_right_arithmetic3A_1145 : i32 to vector<16xi32>
      %shift_right_arithmetic3A_1147 = arith.shrsi %bitcast_convert_type3A_1144, %shift_right_arithmetic3A_1146 : vector<16xi32>
      %sub3A_1148 = arith.constant 127 : i32
      %sub3A_1149 = vector.broadcast %sub3A_1148 : i32 to vector<16xi32>
      %sub3A_1150 = arith.subi %shift_right_arithmetic3A_1147, %sub3A_1149 : vector<16xi32>
      %and3A_1151 = arith.constant 8388607 : i32
      %and3A_1152 = vector.broadcast %and3A_1151 : i32 to vector<16xi32>
      %and3A_1153 = arith.andi %bitcast_convert_type3A_1144, %and3A_1152 : vector<16xi32>
      %or3A_1154 = arith.constant 1065353216 : i32
      %or3A_1155 = vector.broadcast %or3A_1154 : i32 to vector<16xi32>
      %or3A_1156 = arith.ori %and3A_1153, %or3A_1155 : vector<16xi32>
      %bitcast_convert_type3A_1157 = tpu.bitcast %or3A_1156 : vector<16xi32> -> vector<16xf32>
      %gt3A_1158 = arith.constant 1.41421354 : f32
      %gt3A_1159 = vector.broadcast %gt3A_1158 : f32 to vector<16xf32>
      %gt3A_1160 = arith.cmpf ogt, %bitcast_convert_type3A_1157, %gt3A_1159 : vector<16xf32>
      %mul3A_1161 = arith.constant 5.000000e-01 : f32
      %mul3A_1162 = vector.broadcast %mul3A_1161 : f32 to vector<16xf32>
      %mul3A_1163 = arith.mulf %bitcast_convert_type3A_1157, %mul3A_1162 : vector<16xf32>
      %select_n3A_1164 = arith.select %gt3A_1160, %mul3A_1163, %bitcast_convert_type3A_1157 : vector<16xi1>, vector<16xf32>
      %add3A_1165 = arith.constant 1 : i32
      %add3A_1166 = vector.broadcast %add3A_1165 : i32 to vector<16xi32>
      %add3A_1167 = arith.addi %sub3A_1150, %add3A_1166 : vector<16xi32>
      %select_n3A_1168 = arith.select %gt3A_1160, %add3A_1167, %sub3A_1150 : vector<16xi1>, vector<16xi32>
      %sub3A_1169 = arith.constant 1.000000e+00 : f32
      %sub3A_1170 = vector.broadcast %sub3A_1169 : f32 to vector<16xf32>
      %sub3A_1171 = arith.subf %select_n3A_1164, %sub3A_1170 : vector<16xf32>
      %add3A_1172 = arith.constant 1.000000e+00 : f32
      %add3A_1173 = vector.broadcast %add3A_1172 : f32 to vector<16xf32>
      %add3A_1174 = arith.addf %select_n3A_1164, %add3A_1173 : vector<16xf32>
      %div3A_1175 = arith.divf %sub3A_1171, %add3A_1174 : vector<16xf32>
      %mul3A_1176 = arith.mulf %div3A_1175, %div3A_1175 : vector<16xf32>
      %mul3A_1177 = arith.constant 0.222222224 : f32
      %mul3A_1178 = vector.broadcast %mul3A_1177 : f32 to vector<16xf32>
      %mul3A_1179 = arith.mulf %mul3A_1176, %mul3A_1178 : vector<16xf32>
      %add3A_1180 = arith.constant 0.285714298 : f32
      %add3A_1181 = vector.broadcast %add3A_1180 : f32 to vector<16xf32>
      %add3A_1182 = arith.addf %add3A_1181, %mul3A_1179 : vector<16xf32>
      %mul3A_1183 = arith.mulf %mul3A_1176, %add3A_1182 : vector<16xf32>
      %add3A_1184 = arith.constant 4.000000e-01 : f32
      %add3A_1185 = vector.broadcast %add3A_1184 : f32 to vector<16xf32>
      %add3A_1186 = arith.addf %add3A_1185, %mul3A_1183 : vector<16xf32>
      %mul3A_1187 = arith.mulf %mul3A_1176, %add3A_1186 : vector<16xf32>
      %add3A_1188 = arith.constant 0.666666686 : f32
      %add3A_1189 = vector.broadcast %add3A_1188 : f32 to vector<16xf32>
      %add3A_1190 = arith.addf %add3A_1189, %mul3A_1187 : vector<16xf32>
      %mul3A_1191 = arith.mulf %mul3A_1176, %add3A_1190 : vector<16xf32>
      %add3A_1192 = arith.constant 2.000000e+00 : f32
      %add3A_1193 = vector.broadcast %add3A_1192 : f32 to vector<16xf32>
      %add3A_1194 = arith.addf %add3A_1193, %mul3A_1191 : vector<16xf32>
      %mul3A_1195 = arith.mulf %div3A_1175, %add3A_1194 : vector<16xf32>
      %convert_element_type3A_1196 = arith.sitofp %select_n3A_1168 : vector<16xi32> to vector<16xf32>
      %mul3A_1197 = arith.constant 0.693147182 : f32
      %mul3A_1198 = vector.broadcast %mul3A_1197 : f32 to vector<16xf32>
      %mul3A_1199 = arith.mulf %convert_element_type3A_1196, %mul3A_1198 : vector<16xf32>
      %add3A_1200 = arith.addf %mul3A_1199, %mul3A_1195 : vector<16xf32>
      %mul3A_1201 = arith.mulf %get3A_1131, %min3A_1142 : vector<16xf32>
      %bitcast_convert_type3A_1202 = tpu.bitcast %mul3A_1201 : vector<16xf32> -> vector<16xi32>
      %shift_right_arithmetic3A_1203 = arith.constant 23 : i32
      %shift_right_arithmetic3A_1204 = vector.broadcast %shift_right_arithmetic3A_1203 : i32 to vector<16xi32>
      %shift_right_arithmetic3A_1205 = arith.shrsi %bitcast_convert_type3A_1202, %shift_right_arithmetic3A_1204 : vector<16xi32>
      %sub3A_1206 = arith.constant 127 : i32
      %sub3A_1207 = vector.broadcast %sub3A_1206 : i32 to vector<16xi32>
      %sub3A_1208 = arith.subi %shift_right_arithmetic3A_1205, %sub3A_1207 : vector<16xi32>
      %and3A_1209 = arith.constant 8388607 : i32
      %and3A_1210 = vector.broadcast %and3A_1209 : i32 to vector<16xi32>
      %and3A_1211 = arith.andi %bitcast_convert_type3A_1202, %and3A_1210 : vector<16xi32>
      %or3A_1212 = arith.constant 1065353216 : i32
      %or3A_1213 = vector.broadcast %or3A_1212 : i32 to vector<16xi32>
      %or3A_1214 = arith.ori %and3A_1211, %or3A_1213 : vector<16xi32>
      %bitcast_convert_type3A_1215 = tpu.bitcast %or3A_1214 : vector<16xi32> -> vector<16xf32>
      %gt3A_1216 = arith.constant 1.41421354 : f32
      %gt3A_1217 = vector.broadcast %gt3A_1216 : f32 to vector<16xf32>
      %gt3A_1218 = arith.cmpf ogt, %bitcast_convert_type3A_1215, %gt3A_1217 : vector<16xf32>
      %mul3A_1219 = arith.constant 5.000000e-01 : f32
      %mul3A_1220 = vector.broadcast %mul3A_1219 : f32 to vector<16xf32>
      %mul3A_1221 = arith.mulf %bitcast_convert_type3A_1215, %mul3A_1220 : vector<16xf32>
      %select_n3A_1222 = arith.select %gt3A_1218, %mul3A_1221, %bitcast_convert_type3A_1215 : vector<16xi1>, vector<16xf32>
      %add3A_1223 = arith.constant 1 : i32
      %add3A_1224 = vector.broadcast %add3A_1223 : i32 to vector<16xi32>
      %add3A_1225 = arith.addi %sub3A_1208, %add3A_1224 : vector<16xi32>
      %select_n3A_1226 = arith.select %gt3A_1218, %add3A_1225, %sub3A_1208 : vector<16xi1>, vector<16xi32>
      %sub3A_1227 = arith.constant 1.000000e+00 : f32
      %sub3A_1228 = vector.broadcast %sub3A_1227 : f32 to vector<16xf32>
      %sub3A_1229 = arith.subf %select_n3A_1222, %sub3A_1228 : vector<16xf32>
      %add3A_1230 = arith.constant 1.000000e+00 : f32
      %add3A_1231 = vector.broadcast %add3A_1230 : f32 to vector<16xf32>
      %add3A_1232 = arith.addf %select_n3A_1222, %add3A_1231 : vector<16xf32>
      %div3A_1233 = arith.divf %sub3A_1229, %add3A_1232 : vector<16xf32>
      %mul3A_1234 = arith.mulf %div3A_1233, %div3A_1233 : vector<16xf32>
      %mul3A_1235 = arith.constant 0.222222224 : f32
      %mul3A_1236 = vector.broadcast %mul3A_1235 : f32 to vector<16xf32>
      %mul3A_1237 = arith.mulf %mul3A_1234, %mul3A_1236 : vector<16xf32>
      %add3A_1238 = arith.constant 0.285714298 : f32
      %add3A_1239 = vector.broadcast %add3A_1238 : f32 to vector<16xf32>
      %add3A_1240 = arith.addf %add3A_1239, %mul3A_1237 : vector<16xf32>
      %mul3A_1241 = arith.mulf %mul3A_1234, %add3A_1240 : vector<16xf32>
      %add3A_1242 = arith.constant 4.000000e-01 : f32
      %add3A_1243 = vector.broadcast %add3A_1242 : f32 to vector<16xf32>
      %add3A_1244 = arith.addf %add3A_1243, %mul3A_1241 : vector<16xf32>
      %mul3A_1245 = arith.mulf %mul3A_1234, %add3A_1244 : vector<16xf32>
      %add3A_1246 = arith.constant 0.666666686 : f32
      %add3A_1247 = vector.broadcast %add3A_1246 : f32 to vector<16xf32>
      %add3A_1248 = arith.addf %add3A_1247, %mul3A_1245 : vector<16xf32>
      %mul3A_1249 = arith.mulf %mul3A_1234, %add3A_1248 : vector<16xf32>
      %add3A_1250 = arith.constant 2.000000e+00 : f32
      %add3A_1251 = vector.broadcast %add3A_1250 : f32 to vector<16xf32>
      %add3A_1252 = arith.addf %add3A_1251, %mul3A_1249 : vector<16xf32>
      %mul3A_1253 = arith.mulf %div3A_1233, %add3A_1252 : vector<16xf32>
      %convert_element_type3A_1254 = arith.sitofp %select_n3A_1226 : vector<16xi32> to vector<16xf32>
      %mul3A_1255 = arith.constant 0.693147182 : f32
      %mul3A_1256 = vector.broadcast %mul3A_1255 : f32 to vector<16xf32>
      %mul3A_1257 = arith.mulf %convert_element_type3A_1254, %mul3A_1256 : vector<16xf32>
      %add3A_1258 = arith.addf %mul3A_1257, %mul3A_1253 : vector<16xf32>
      %ne3A_1259 = arith.constant -100 : i32
      %ne3A_1260 = vector.broadcast %ne3A_1259 : i32 to vector<16xi32>
      %ne3A_1261 = arith.cmpi ne, %get3A_1118, %ne3A_1260 : vector<16xi32>
      %ne3A_1262 = arith.constant -100 : i32
      %ne3A_1263 = vector.broadcast %ne3A_1262 : i32 to vector<16xi32>
      %ne3A_1264 = arith.cmpi ne, %get3A_1121, %ne3A_1263 : vector<16xi32>
      %jit3A_1265 = arith.constant 0.000000e+00 : f32
      %broadcast_in_dim3A_1266 = vector.broadcast %jit3A_1265 : f32 to vector<16xf32>
      %select_n3A_1267 = arith.select %ne3A_1261, %add3A_1200, %broadcast_in_dim3A_1266 : vector<16xi1>, vector<16xf32>
      %add3A_1268 = arith.addf %add3A_1099, %select_n3A_1267 : vector<16xf32>
      %jit3A_1269 = arith.constant 0.000000e+00 : f32
      %broadcast_in_dim3A_1270 = vector.broadcast %jit3A_1269 : f32 to vector<16xf32>
      %select_n3A_1271 = arith.select %ne3A_1264, %add3A_1258, %broadcast_in_dim3A_1270 : vector<16xi1>, vector<16xf32>
      %add3A_1272 = arith.addf %add3A_1103, %select_n3A_1271 : vector<16xf32>
      %jit3A_1273 = arith.constant 1.000000e+00 : f32
      %jit3A_1274 = arith.constant 0.000000e+00 : f32
      %broadcast_in_dim3A_1275 = vector.broadcast %jit3A_1273 : f32 to vector<16xf32>
      %broadcast_in_dim3A_1276 = vector.broadcast %jit3A_1274 : f32 to vector<16xf32>
      %select_n3A_1277 = arith.select %ne3A_1261, %broadcast_in_dim3A_1275, %broadcast_in_dim3A_1276 : vector<16xi1>, vector<16xf32>
      %add3A_1278 = arith.addf %add3A_1109, %select_n3A_1277 : vector<16xf32>
      %jit3A_1279 = arith.constant 1.000000e+00 : f32
      %jit3A_1280 = arith.constant 0.000000e+00 : f32
      %broadcast_in_dim3A_1281 = vector.broadcast %jit3A_1279 : f32 to vector<16xf32>
      %broadcast_in_dim3A_1282 = vector.broadcast %jit3A_1280 : f32 to vector<16xf32>
      %select_n3A_1283 = arith.select %ne3A_1264, %broadcast_in_dim3A_1281, %broadcast_in_dim3A_1282 : vector<16xi1>, vector<16xf32>
      %add3A_1284 = arith.addf %add3A_1115, %select_n3A_1283 : vector<16xf32>
      %get3A_1285 = arith.constant 32 : index
      %get3A_1286 = tpu.vector_load %arg8[%get3A_1285] {strides = array<i32>} : memref<256xi32, #tpu.memory_space<vmem>>, vector<16xi32>,
      %get3A_1287 = vector.shape_cast %get3A_1286 : vector<16xi32> to vector<16xi32>
      %get3A_1288 = arith.constant 32 : index
      %get3A_1289 = tpu.vector_load %arg9[%get3A_1288] {strides = array<i32>} : memref<256xi32, #tpu.memory_space<vmem>>, vector<16xi32>,
      %get3A_1290 = vector.shape_cast %get3A_1289 : vector<16xi32> to vector<16xi32>
      %get3A_1291 = arith.constant 0 : i32
      %get3A_1292 = arith.index_cast %get3A_1291 : i32 to index
      %get3A_1293 = arith.constant 32 : index
      %get3A_1294 = tpu.vector_load %arg13[%get3A_1292, %get3A_1293] {strides = array<i32>} : memref<2x128xf32, #tpu.memory_space<vmem>>, vector<1x16xf32>,
      %get3A_1295 = vector.shape_cast %get3A_1294 : vector<1x16xf32> to vector<16xf32>
      %get3A_1296 = arith.constant 0 : i32
      %get3A_1297 = arith.index_cast %get3A_1296 : i32 to index
      %get3A_1298 = arith.constant 32 : index
      %get3A_1299 = tpu.vector_load %arg14[%get3A_1297, %get3A_1298] {strides = array<i32>} : memref<2x128xf32, #tpu.memory_space<vmem>>, vector<1x16xf32>,
      %get3A_1300 = vector.shape_cast %get3A_1299 : vector<1x16xf32> to vector<16xf32>
      %get3A_1301 = arith.constant 0 : i32
      %get3A_1302 = arith.index_cast %get3A_1301 : i32 to index
      %get3A_1303 = arith.constant 32 : index
      %get3A_1304 = tpu.vector_load %arg15[%get3A_1302, %get3A_1303] {strides = array<i32>} : memref<2x128xf32, #tpu.memory_space<vmem>>, vector<1x16xf32>,
      %get3A_1305 = vector.shape_cast %get3A_1304 : vector<1x16xf32> to vector<16xf32>
      %jit3A_1306 = arith.constant 0.000000e+00 : f32
      %jit3A_1307 = arith.constant 1.000000e+00 : f32
      %max3A_1308 = vector.broadcast %jit3A_1306 : f32 to vector<16xf32>
      %max3A_1309 = arith.maximumf %max3A_1308, %get3A_1305 : vector<16xf32>
      %min3A_1310 = vector.broadcast %jit3A_1307 : f32 to vector<16xf32>
      %min3A_1311 = arith.minimumf %min3A_1310, %max3A_1309 : vector<16xf32>
      %mul3A_1312 = arith.mulf %get3A_1295, %min3A_1311 : vector<16xf32>
      %bitcast_convert_type3A_1313 = tpu.bitcast %mul3A_1312 : vector<16xf32> -> vector<16xi32>
      %shift_right_arithmetic3A_1314 = arith.constant 23 : i32
      %shift_right_arithmetic3A_1315 = vector.broadcast %shift_right_arithmetic3A_1314 : i32 to vector<16xi32>
      %shift_right_arithmetic3A_1316 = arith.shrsi %bitcast_convert_type3A_1313, %shift_right_arithmetic3A_1315 : vector<16xi32>
      %sub3A_1317 = arith.constant 127 : i32
      %sub3A_1318 = vector.broadcast %sub3A_1317 : i32 to vector<16xi32>
      %sub3A_1319 = arith.subi %shift_right_arithmetic3A_1316, %sub3A_1318 : vector<16xi32>
      %and3A_1320 = arith.constant 8388607 : i32
      %and3A_1321 = vector.broadcast %and3A_1320 : i32 to vector<16xi32>
      %and3A_1322 = arith.andi %bitcast_convert_type3A_1313, %and3A_1321 : vector<16xi32>
      %or3A_1323 = arith.constant 1065353216 : i32
      %or3A_1324 = vector.broadcast %or3A_1323 : i32 to vector<16xi32>
      %or3A_1325 = arith.ori %and3A_1322, %or3A_1324 : vector<16xi32>
      %bitcast_convert_type3A_1326 = tpu.bitcast %or3A_1325 : vector<16xi32> -> vector<16xf32>
      %gt3A_1327 = arith.constant 1.41421354 : f32
      %gt3A_1328 = vector.broadcast %gt3A_1327 : f32 to vector<16xf32>
      %gt3A_1329 = arith.cmpf ogt, %bitcast_convert_type3A_1326, %gt3A_1328 : vector<16xf32>
      %mul3A_1330 = arith.constant 5.000000e-01 : f32
      %mul3A_1331 = vector.broadcast %mul3A_1330 : f32 to vector<16xf32>
      %mul3A_1332 = arith.mulf %bitcast_convert_type3A_1326, %mul3A_1331 : vector<16xf32>
      %select_n3A_1333 = arith.select %gt3A_1329, %mul3A_1332, %bitcast_convert_type3A_1326 : vector<16xi1>, vector<16xf32>
      %add3A_1334 = arith.constant 1 : i32
      %add3A_1335 = vector.broadcast %add3A_1334 : i32 to vector<16xi32>
      %add3A_1336 = arith.addi %sub3A_1319, %add3A_1335 : vector<16xi32>
      %select_n3A_1337 = arith.select %gt3A_1329, %add3A_1336, %sub3A_1319 : vector<16xi1>, vector<16xi32>
      %sub3A_1338 = arith.constant 1.000000e+00 : f32
      %sub3A_1339 = vector.broadcast %sub3A_1338 : f32 to vector<16xf32>
      %sub3A_1340 = arith.subf %select_n3A_1333, %sub3A_1339 : vector<16xf32>
      %add3A_1341 = arith.constant 1.000000e+00 : f32
      %add3A_1342 = vector.broadcast %add3A_1341 : f32 to vector<16xf32>
      %add3A_1343 = arith.addf %select_n3A_1333, %add3A_1342 : vector<16xf32>
      %div3A_1344 = arith.divf %sub3A_1340, %add3A_1343 : vector<16xf32>
      %mul3A_1345 = arith.mulf %div3A_1344, %div3A_1344 : vector<16xf32>
      %mul3A_1346 = arith.constant 0.222222224 : f32
      %mul3A_1347 = vector.broadcast %mul3A_1346 : f32 to vector<16xf32>
      %mul3A_1348 = arith.mulf %mul3A_1345, %mul3A_1347 : vector<16xf32>
      %add3A_1349 = arith.constant 0.285714298 : f32
      %add3A_1350 = vector.broadcast %add3A_1349 : f32 to vector<16xf32>
      %add3A_1351 = arith.addf %add3A_1350, %mul3A_1348 : vector<16xf32>
      %mul3A_1352 = arith.mulf %mul3A_1345, %add3A_1351 : vector<16xf32>
      %add3A_1353 = arith.constant 4.000000e-01 : f32
      %add3A_1354 = vector.broadcast %add3A_1353 : f32 to vector<16xf32>
      %add3A_1355 = arith.addf %add3A_1354, %mul3A_1352 : vector<16xf32>
      %mul3A_1356 = arith.mulf %mul3A_1345, %add3A_1355 : vector<16xf32>
      %add3A_1357 = arith.constant 0.666666686 : f32
      %add3A_1358 = vector.broadcast %add3A_1357 : f32 to vector<16xf32>
      %add3A_1359 = arith.addf %add3A_1358, %mul3A_1356 : vector<16xf32>
      %mul3A_1360 = arith.mulf %mul3A_1345, %add3A_1359 : vector<16xf32>
      %add3A_1361 = arith.constant 2.000000e+00 : f32
      %add3A_1362 = vector.broadcast %add3A_1361 : f32 to vector<16xf32>
      %add3A_1363 = arith.addf %add3A_1362, %mul3A_1360 : vector<16xf32>
      %mul3A_1364 = arith.mulf %div3A_1344, %add3A_1363 : vector<16xf32>
      %convert_element_type3A_1365 = arith.sitofp %select_n3A_1337 : vector<16xi32> to vector<16xf32>
      %mul3A_1366 = arith.constant 0.693147182 : f32
      %mul3A_1367 = vector.broadcast %mul3A_1366 : f32 to vector<16xf32>
      %mul3A_1368 = arith.mulf %convert_element_type3A_1365, %mul3A_1367 : vector<16xf32>
      %add3A_1369 = arith.addf %mul3A_1368, %mul3A_1364 : vector<16xf32>
      %mul3A_1370 = arith.mulf %get3A_1300, %min3A_1311 : vector<16xf32>
      %bitcast_convert_type3A_1371 = tpu.bitcast %mul3A_1370 : vector<16xf32> -> vector<16xi32>
      %shift_right_arithmetic3A_1372 = arith.constant 23 : i32
      %shift_right_arithmetic3A_1373 = vector.broadcast %shift_right_arithmetic3A_1372 : i32 to vector<16xi32>
      %shift_right_arithmetic3A_1374 = arith.shrsi %bitcast_convert_type3A_1371, %shift_right_arithmetic3A_1373 : vector<16xi32>
      %sub3A_1375 = arith.constant 127 : i32
      %sub3A_1376 = vector.broadcast %sub3A_1375 : i32 to vector<16xi32>
      %sub3A_1377 = arith.subi %shift_right_arithmetic3A_1374, %sub3A_1376 : vector<16xi32>
      %and3A_1378 = arith.constant 8388607 : i32
      %and3A_1379 = vector.broadcast %and3A_1378 : i32 to vector<16xi32>
      %and3A_1380 = arith.andi %bitcast_convert_type3A_1371, %and3A_1379 : vector<16xi32>
      %or3A_1381 = arith.constant 1065353216 : i32
      %or3A_1382 = vector.broadcast %or3A_1381 : i32 to vector<16xi32>
      %or3A_1383 = arith.ori %and3A_1380, %or3A_1382 : vector<16xi32>
      %bitcast_convert_type3A_1384 = tpu.bitcast %or3A_1383 : vector<16xi32> -> vector<16xf32>
      %gt3A_1385 = arith.constant 1.41421354 : f32
      %gt3A_1386 = vector.broadcast %gt3A_1385 : f32 to vector<16xf32>
      %gt3A_1387 = arith.cmpf ogt, %bitcast_convert_type3A_1384, %gt3A_1386 : vector<16xf32>
      %mul3A_1388 = arith.constant 5.000000e-01 : f32
      %mul3A_1389 = vector.broadcast %mul3A_1388 : f32 to vector<16xf32>
      %mul3A_1390 = arith.mulf %bitcast_convert_type3A_1384, %mul3A_1389 : vector<16xf32>
      %select_n3A_1391 = arith.select %gt3A_1387, %mul3A_1390, %bitcast_convert_type3A_1384 : vector<16xi1>, vector<16xf32>
      %add3A_1392 = arith.constant 1 : i32
      %add3A_1393 = vector.broadcast %add3A_1392 : i32 to vector<16xi32>
      %add3A_1394 = arith.addi %sub3A_1377, %add3A_1393 : vector<16xi32>
      %select_n3A_1395 = arith.select %gt3A_1387, %add3A_1394, %sub3A_1377 : vector<16xi1>, vector<16xi32>
      %sub3A_1396 = arith.constant 1.000000e+00 : f32
      %sub3A_1397 = vector.broadcast %sub3A_1396 : f32 to vector<16xf32>
      %sub3A_1398 = arith.subf %select_n3A_1391, %sub3A_1397 : vector<16xf32>
      %add3A_1399 = arith.constant 1.000000e+00 : f32
      %add3A_1400 = vector.broadcast %add3A_1399 : f32 to vector<16xf32>
      %add3A_1401 = arith.addf %select_n3A_1391, %add3A_1400 : vector<16xf32>
      %div3A_1402 = arith.divf %sub3A_1398, %add3A_1401 : vector<16xf32>
      %mul3A_1403 = arith.mulf %div3A_1402, %div3A_1402 : vector<16xf32>
      %mul3A_1404 = arith.constant 0.222222224 : f32
      %mul3A_1405 = vector.broadcast %mul3A_1404 : f32 to vector<16xf32>
      %mul3A_1406 = arith.mulf %mul3A_1403, %mul3A_1405 : vector<16xf32>
      %add3A_1407 = arith.constant 0.285714298 : f32
      %add3A_1408 = vector.broadcast %add3A_1407 : f32 to vector<16xf32>
      %add3A_1409 = arith.addf %add3A_1408, %mul3A_1406 : vector<16xf32>
      %mul3A_1410 = arith.mulf %mul3A_1403, %add3A_1409 : vector<16xf32>
      %add3A_1411 = arith.constant 4.000000e-01 : f32
      %add3A_1412 = vector.broadcast %add3A_1411 : f32 to vector<16xf32>
      %add3A_1413 = arith.addf %add3A_1412, %mul3A_1410 : vector<16xf32>
      %mul3A_1414 = arith.mulf %mul3A_1403, %add3A_1413 : vector<16xf32>
      %add3A_1415 = arith.constant 0.666666686 : f32
      %add3A_1416 = vector.broadcast %add3A_1415 : f32 to vector<16xf32>
      %add3A_1417 = arith.addf %add3A_1416, %mul3A_1414 : vector<16xf32>
      %mul3A_1418 = arith.mulf %mul3A_1403, %add3A_1417 : vector<16xf32>
      %add3A_1419 = arith.constant 2.000000e+00 : f32
      %add3A_1420 = vector.broadcast %add3A_1419 : f32 to vector<16xf32>
      %add3A_1421 = arith.addf %add3A_1420, %mul3A_1418 : vector<16xf32>
      %mul3A_1422 = arith.mulf %div3A_1402, %add3A_1421 : vector<16xf32>
      %convert_element_type3A_1423 = arith.sitofp %select_n3A_1395 : vector<16xi32> to vector<16xf32>
      %mul3A_1424 = arith.constant 0.693147182 : f32
      %mul3A_1425 = vector.broadcast %mul3A_1424 : f32 to vector<16xf32>
      %mul3A_1426 = arith.mulf %convert_element_type3A_1423, %mul3A_1425 : vector<16xf32>
      %add3A_1427 = arith.addf %mul3A_1426, %mul3A_1422 : vector<16xf32>
      %ne3A_1428 = arith.constant -100 : i32
      %ne3A_1429 = vector.broadcast %ne3A_1428 : i32 to vector<16xi32>
      %ne3A_1430 = arith.cmpi ne, %get3A_1287, %ne3A_1429 : vector<16xi32>
      %ne3A_1431 = arith.constant -100 : i32
      %ne3A_1432 = vector.broadcast %ne3A_1431 : i32 to vector<16xi32>
      %ne3A_1433 = arith.cmpi ne, %get3A_1290, %ne3A_1432 : vector<16xi32>
      %jit3A_1434 = arith.constant 0.000000e+00 : f32
      %broadcast_in_dim3A_1435 = vector.broadcast %jit3A_1434 : f32 to vector<16xf32>
      %select_n3A_1436 = arith.select %ne3A_1430, %add3A_1369, %broadcast_in_dim3A_1435 : vector<16xi1>, vector<16xf32>
      %add3A_1437 = arith.addf %add3A_1268, %select_n3A_1436 : vector<16xf32>
      %jit3A_1438 = arith.constant 0.000000e+00 : f32
      %broadcast_in_dim3A_1439 = vector.broadcast %jit3A_1438 : f32 to vector<16xf32>
      %select_n3A_1440 = arith.select %ne3A_1433, %add3A_1427, %broadcast_in_dim3A_1439 : vector<16xi1>, vector<16xf32>
      %add3A_1441 = arith.addf %add3A_1272, %select_n3A_1440 : vector<16xf32>
      %jit3A_1442 = arith.constant 1.000000e+00 : f32
      %jit3A_1443 = arith.constant 0.000000e+00 : f32
      %broadcast_in_dim3A_1444 = vector.broadcast %jit3A_1442 : f32 to vector<16xf32>
      %broadcast_in_dim3A_1445 = vector.broadcast %jit3A_1443 : f32 to vector<16xf32>
      %select_n3A_1446 = arith.select %ne3A_1430, %broadcast_in_dim3A_1444, %broadcast_in_dim3A_1445 : vector<16xi1>, vector<16xf32>
      %add3A_1447 = arith.addf %add3A_1278, %select_n3A_1446 : vector<16xf32>
      %jit3A_1448 = arith.constant 1.000000e+00 : f32
      %jit3A_1449 = arith.constant 0.000000e+00 : f32
      %broadcast_in_dim3A_1450 = vector.broadcast %jit3A_1448 : f32 to vector<16xf32>
      %broadcast_in_dim3A_1451 = vector.broadcast %jit3A_1449 : f32 to vector<16xf32>
      %select_n3A_1452 = arith.select %ne3A_1433, %broadcast_in_dim3A_1450, %broadcast_in_dim3A_1451 : vector<16xi1>, vector<16xf32>
      %add3A_1453 = arith.addf %add3A_1284, %select_n3A_1452 : vector<16xf32>
      %get3A_1454 = arith.constant 48 : index
      %get3A_1455 = tpu.vector_load %arg8[%get3A_1454] {strides = array<i32>} : memref<256xi32, #tpu.memory_space<vmem>>, vector<16xi32>,
      %get3A_1456 = vector.shape_cast %get3A_1455 : vector<16xi32> to vector<16xi32>
      %get3A_1457 = arith.constant 48 : index
      %get3A_1458 = tpu.vector_load %arg9[%get3A_1457] {strides = array<i32>} : memref<256xi32, #tpu.memory_space<vmem>>, vector<16xi32>,
      %get3A_1459 = vector.shape_cast %get3A_1458 : vector<16xi32> to vector<16xi32>
      %get3A_1460 = arith.constant 0 : i32
      %get3A_1461 = arith.index_cast %get3A_1460 : i32 to index
      %get3A_1462 = arith.constant 48 : index
      %get3A_1463 = tpu.vector_load %arg13[%get3A_1461, %get3A_1462] {strides = array<i32>} : memref<2x128xf32, #tpu.memory_space<vmem>>, vector<1x16xf32>,
      %get3A_1464 = vector.shape_cast %get3A_1463 : vector<1x16xf32> to vector<16xf32>
      %get3A_1465 = arith.constant 0 : i32
      %get3A_1466 = arith.index_cast %get3A_1465 : i32 to index
      %get3A_1467 = arith.constant 48 : index
      %get3A_1468 = tpu.vector_load %arg14[%get3A_1466, %get3A_1467] {strides = array<i32>} : memref<2x128xf32, #tpu.memory_space<vmem>>, vector<1x16xf32>,
      %get3A_1469 = vector.shape_cast %get3A_1468 : vector<1x16xf32> to vector<16xf32>
      %get3A_1470 = arith.constant 0 : i32
      %get3A_1471 = arith.index_cast %get3A_1470 : i32 to index
      %get3A_1472 = arith.constant 48 : index
      %get3A_1473 = tpu.vector_load %arg15[%get3A_1471, %get3A_1472] {strides = array<i32>} : memref<2x128xf32, #tpu.memory_space<vmem>>, vector<1x16xf32>,
      %get3A_1474 = vector.shape_cast %get3A_1473 : vector<1x16xf32> to vector<16xf32>
      %jit3A_1475 = arith.constant 0.000000e+00 : f32
      %jit3A_1476 = arith.constant 1.000000e+00 : f32
      %max3A_1477 = vector.broadcast %jit3A_1475 : f32 to vector<16xf32>
      %max3A_1478 = arith.maximumf %max3A_1477, %get3A_1474 : vector<16xf32>
      %min3A_1479 = vector.broadcast %jit3A_1476 : f32 to vector<16xf32>
      %min3A_1480 = arith.minimumf %min3A_1479, %max3A_1478 : vector<16xf32>
      %mul3A_1481 = arith.mulf %get3A_1464, %min3A_1480 : vector<16xf32>
      %bitcast_convert_type3A_1482 = tpu.bitcast %mul3A_1481 : vector<16xf32> -> vector<16xi32>
      %shift_right_arithmetic3A_1483 = arith.constant 23 : i32
      %shift_right_arithmetic3A_1484 = vector.broadcast %shift_right_arithmetic3A_1483 : i32 to vector<16xi32>
      %shift_right_arithmetic3A_1485 = arith.shrsi %bitcast_convert_type3A_1482, %shift_right_arithmetic3A_1484 : vector<16xi32>
      %sub3A_1486 = arith.constant 127 : i32
      %sub3A_1487 = vector.broadcast %sub3A_1486 : i32 to vector<16xi32>
      %sub3A_1488 = arith.subi %shift_right_arithmetic3A_1485, %sub3A_1487 : vector<16xi32>
      %and3A_1489 = arith.constant 8388607 : i32
      %and3A_1490 = vector.broadcast %and3A_1489 : i32 to vector<16xi32>
      %and3A_1491 = arith.andi %bitcast_convert_type3A_1482, %and3A_1490 : vector<16xi32>
      %or3A_1492 = arith.constant 1065353216 : i32
      %or3A_1493 = vector.broadcast %or3A_1492 : i32 to vector<16xi32>
      %or3A_1494 = arith.ori %and3A_1491, %or3A_1493 : vector<16xi32>
      %bitcast_convert_type3A_1495 = tpu.bitcast %or3A_1494 : vector<16xi32> -> vector<16xf32>
      %gt3A_1496 = arith.constant 1.41421354 : f32
      %gt3A_1497 = vector.broadcast %gt3A_1496 : f32 to vector<16xf32>
      %gt3A_1498 = arith.cmpf ogt, %bitcast_convert_type3A_1495, %gt3A_1497 : vector<16xf32>
      %mul3A_1499 = arith.constant 5.000000e-01 : f32
      %mul3A_1500 = vector.broadcast %mul3A_1499 : f32 to vector<16xf32>
      %mul3A_1501 = arith.mulf %bitcast_convert_type3A_1495, %mul3A_1500 : vector<16xf32>
      %select_n3A_1502 = arith.select %gt3A_1498, %mul3A_1501, %bitcast_convert_type3A_1495 : vector<16xi1>, vector<16xf32>
      %add3A_1503 = arith.constant 1 : i32
      %add3A_1504 = vector.broadcast %add3A_1503 : i32 to vector<16xi32>
      %add3A_1505 = arith.addi %sub3A_1488, %add3A_1504 : vector<16xi32>
      %select_n3A_1506 = arith.select %gt3A_1498, %add3A_1505, %sub3A_1488 : vector<16xi1>, vector<16xi32>
      %sub3A_1507 = arith.constant 1.000000e+00 : f32
      %sub3A_1508 = vector.broadcast %sub3A_1507 : f32 to vector<16xf32>
      %sub3A_1509 = arith.subf %select_n3A_1502, %sub3A_1508 : vector<16xf32>
      %add3A_1510 = arith.constant 1.000000e+00 : f32
      %add3A_1511 = vector.broadcast %add3A_1510 : f32 to vector<16xf32>
      %add3A_1512 = arith.addf %select_n3A_1502, %add3A_1511 : vector<16xf32>
      %div3A_1513 = arith.divf %sub3A_1509, %add3A_1512 : vector<16xf32>
      %mul3A_1514 = arith.mulf %div3A_1513, %div3A_1513 : vector<16xf32>
      %mul3A_1515 = arith.constant 0.222222224 : f32
      %mul3A_1516 = vector.broadcast %mul3A_1515 : f32 to vector<16xf32>
      %mul3A_1517 = arith.mulf %mul3A_1514, %mul3A_1516 : vector<16xf32>
      %add3A_1518 = arith.constant 0.285714298 : f32
      %add3A_1519 = vector.broadcast %add3A_1518 : f32 to vector<16xf32>
      %add3A_1520 = arith.addf %add3A_1519, %mul3A_1517 : vector<16xf32>
      %mul3A_1521 = arith.mulf %mul3A_1514, %add3A_1520 : vector<16xf32>
      %add3A_1522 = arith.constant 4.000000e-01 : f32
      %add3A_1523 = vector.broadcast %add3A_1522 : f32 to vector<16xf32>
      %add3A_1524 = arith.addf %add3A_1523, %mul3A_1521 : vector<16xf32>
      %mul3A_1525 = arith.mulf %mul3A_1514, %add3A_1524 : vector<16xf32>
      %add3A_1526 = arith.constant 0.666666686 : f32
      %add3A_1527 = vector.broadcast %add3A_1526 : f32 to vector<16xf32>
      %add3A_1528 = arith.addf %add3A_1527, %mul3A_1525 : vector<16xf32>
      %mul3A_1529 = arith.mulf %mul3A_1514, %add3A_1528 : vector<16xf32>
      %add3A_1530 = arith.constant 2.000000e+00 : f32
      %add3A_1531 = vector.broadcast %add3A_1530 : f32 to vector<16xf32>
      %add3A_1532 = arith.addf %add3A_1531, %mul3A_1529 : vector<16xf32>
      %mul3A_1533 = arith.mulf %div3A_1513, %add3A_1532 : vector<16xf32>
      %convert_element_type3A_1534 = arith.sitofp %select_n3A_1506 : vector<16xi32> to vector<16xf32>
      %mul3A_1535 = arith.constant 0.693147182 : f32
      %mul3A_1536 = vector.broadcast %mul3A_1535 : f32 to vector<16xf32>
      %mul3A_1537 = arith.mulf %convert_element_type3A_1534, %mul3A_1536 : vector<16xf32>
      %add3A_1538 = arith.addf %mul3A_1537, %mul3A_1533 : vector<16xf32>
      %mul3A_1539 = arith.mulf %get3A_1469, %min3A_1480 : vector<16xf32>
      %bitcast_convert_type3A_1540 = tpu.bitcast %mul3A_1539 : vector<16xf32> -> vector<16xi32>
      %shift_right_arithmetic3A_1541 = arith.constant 23 : i32
      %shift_right_arithmetic3A_1542 = vector.broadcast %shift_right_arithmetic3A_1541 : i32 to vector<16xi32>
      %shift_right_arithmetic3A_1543 = arith.shrsi %bitcast_convert_type3A_1540, %shift_right_arithmetic3A_1542 : vector<16xi32>
      %sub3A_1544 = arith.constant 127 : i32
      %sub3A_1545 = vector.broadcast %sub3A_1544 : i32 to vector<16xi32>
      %sub3A_1546 = arith.subi %shift_right_arithmetic3A_1543, %sub3A_1545 : vector<16xi32>
      %and3A_1547 = arith.constant 8388607 : i32
      %and3A_1548 = vector.broadcast %and3A_1547 : i32 to vector<16xi32>
      %and3A_1549 = arith.andi %bitcast_convert_type3A_1540, %and3A_1548 : vector<16xi32>
      %or3A_1550 = arith.constant 1065353216 : i32
      %or3A_1551 = vector.broadcast %or3A_1550 : i32 to vector<16xi32>
      %or3A_1552 = arith.ori %and3A_1549, %or3A_1551 : vector<16xi32>
      %bitcast_convert_type3A_1553 = tpu.bitcast %or3A_1552 : vector<16xi32> -> vector<16xf32>
      %gt3A_1554 = arith.constant 1.41421354 : f32
      %gt3A_1555 = vector.broadcast %gt3A_1554 : f32 to vector<16xf32>
      %gt3A_1556 = arith.cmpf ogt, %bitcast_convert_type3A_1553, %gt3A_1555 : vector<16xf32>
      %mul3A_1557 = arith.constant 5.000000e-01 : f32
      %mul3A_1558 = vector.broadcast %mul3A_1557 : f32 to vector<16xf32>
      %mul3A_1559 = arith.mulf %bitcast_convert_type3A_1553, %mul3A_1558 : vector<16xf32>
      %select_n3A_1560 = arith.select %gt3A_1556, %mul3A_1559, %bitcast_convert_type3A_1553 : vector<16xi1>, vector<16xf32>
      %add3A_1561 = arith.constant 1 : i32
      %add3A_1562 = vector.broadcast %add3A_1561 : i32 to vector<16xi32>
      %add3A_1563 = arith.addi %sub3A_1546, %add3A_1562 : vector<16xi32>
      %select_n3A_1564 = arith.select %gt3A_1556, %add3A_1563, %sub3A_1546 : vector<16xi1>, vector<16xi32>
      %sub3A_1565 = arith.constant 1.000000e+00 : f32
      %sub3A_1566 = vector.broadcast %sub3A_1565 : f32 to vector<16xf32>
      %sub3A_1567 = arith.subf %select_n3A_1560, %sub3A_1566 : vector<16xf32>
      %add3A_1568 = arith.constant 1.000000e+00 : f32
      %add3A_1569 = vector.broadcast %add3A_1568 : f32 to vector<16xf32>
      %add3A_1570 = arith.addf %select_n3A_1560, %add3A_1569 : vector<16xf32>
      %div3A_1571 = arith.divf %sub3A_1567, %add3A_1570 : vector<16xf32>
      %mul3A_1572 = arith.mulf %div3A_1571, %div3A_1571 : vector<16xf32>
      %mul3A_1573 = arith.constant 0.222222224 : f32
      %mul3A_1574 = vector.broadcast %mul3A_1573 : f32 to vector<16xf32>
      %mul3A_1575 = arith.mulf %mul3A_1572, %mul3A_1574 : vector<16xf32>
      %add3A_1576 = arith.constant 0.285714298 : f32
      %add3A_1577 = vector.broadcast %add3A_1576 : f32 to vector<16xf32>
      %add3A_1578 = arith.addf %add3A_1577, %mul3A_1575 : vector<16xf32>
      %mul3A_1579 = arith.mulf %mul3A_1572, %add3A_1578 : vector<16xf32>
      %add3A_1580 = arith.constant 4.000000e-01 : f32
      %add3A_1581 = vector.broadcast %add3A_1580 : f32 to vector<16xf32>
      %add3A_1582 = arith.addf %add3A_1581, %mul3A_1579 : vector<16xf32>
      %mul3A_1583 = arith.mulf %mul3A_1572, %add3A_1582 : vector<16xf32>
      %add3A_1584 = arith.constant 0.666666686 : f32
      %add3A_1585 = vector.broadcast %add3A_1584 : f32 to vector<16xf32>
      %add3A_1586 = arith.addf %add3A_1585, %mul3A_1583 : vector<16xf32>
      %mul3A_1587 = arith.mulf %mul3A_1572, %add3A_1586 : vector<16xf32>
      %add3A_1588 = arith.constant 2.000000e+00 : f32
      %add3A_1589 = vector.broadcast %add3A_1588 : f32 to vector<16xf32>
      %add3A_1590 = arith.addf %add3A_1589, %mul3A_1587 : vector<16xf32>
      %mul3A_1591 = arith.mulf %div3A_1571, %add3A_1590 : vector<16xf32>
      %convert_element_type3A_1592 = arith.sitofp %select_n3A_1564 : vector<16xi32> to vector<16xf32>
      %mul3A_1593 = arith.constant 0.693147182 : f32
      %mul3A_1594 = vector.broadcast %mul3A_1593 : f32 to vector<16xf32>
      %mul3A_1595 = arith.mulf %convert_element_type3A_1592, %mul3A_1594 : vector<16xf32>
      %add3A_1596 = arith.addf %mul3A_1595, %mul3A_1591 : vector<16xf32>
      %ne3A_1597 = arith.constant -100 : i32
      %ne3A_1598 = vector.broadcast %ne3A_1597 : i32 to vector<16xi32>
      %ne3A_1599 = arith.cmpi ne, %get3A_1456, %ne3A_1598 : vector<16xi32>
      %ne3A_1600 = arith.constant -100 : i32
      %ne3A_1601 = vector.broadcast %ne3A_1600 : i32 to vector<16xi32>
      %ne3A_1602 = arith.cmpi ne, %get3A_1459, %ne3A_1601 : vector<16xi32>
      %jit3A_1603 = arith.constant 0.000000e+00 : f32
      %broadcast_in_dim3A_1604 = vector.broadcast %jit3A_1603 : f32 to vector<16xf32>
      %select_n3A_1605 = arith.select %ne3A_1599, %add3A_1538, %broadcast_in_dim3A_1604 : vector<16xi1>, vector<16xf32>
      %add3A_1606 = arith.addf %add3A_1437, %select_n3A_1605 : vector<16xf32>
      %jit3A_1607 = arith.constant 0.000000e+00 : f32
      %broadcast_in_dim3A_1608 = vector.broadcast %jit3A_1607 : f32 to vector<16xf32>
      %select_n3A_1609 = arith.select %ne3A_1602, %add3A_1596, %broadcast_in_dim3A_1608 : vector<16xi1>, vector<16xf32>
      %add3A_1610 = arith.addf %add3A_1441, %select_n3A_1609 : vector<16xf32>
      %jit3A_1611 = arith.constant 1.000000e+00 : f32
      %jit3A_1612 = arith.constant 0.000000e+00 : f32
      %broadcast_in_dim3A_1613 = vector.broadcast %jit3A_1611 : f32 to vector<16xf32>
      %broadcast_in_dim3A_1614 = vector.broadcast %jit3A_1612 : f32 to vector<16xf32>
      %select_n3A_1615 = arith.select %ne3A_1599, %broadcast_in_dim3A_1613, %broadcast_in_dim3A_1614 : vector<16xi1>, vector<16xf32>
      %add3A_1616 = arith.addf %add3A_1447, %select_n3A_1615 : vector<16xf32>
      %jit3A_1617 = arith.constant 1.000000e+00 : f32
      %jit3A_1618 = arith.constant 0.000000e+00 : f32
      %broadcast_in_dim3A_1619 = vector.broadcast %jit3A_1617 : f32 to vector<16xf32>
      %broadcast_in_dim3A_1620 = vector.broadcast %jit3A_1618 : f32 to vector<16xf32>
      %select_n3A_1621 = arith.select %ne3A_1602, %broadcast_in_dim3A_1619, %broadcast_in_dim3A_1620 : vector<16xi1>, vector<16xf32>
      %add3A_1622 = arith.addf %add3A_1453, %select_n3A_1621 : vector<16xf32>
      %get3A_1623 = arith.constant 64 : index
      %get3A_1624 = tpu.vector_load %arg8[%get3A_1623] {strides = array<i32>} : memref<256xi32, #tpu.memory_space<vmem>>, vector<16xi32>,
      %get3A_1625 = vector.shape_cast %get3A_1624 : vector<16xi32> to vector<16xi32>
      %get3A_1626 = arith.constant 64 : index
      %get3A_1627 = tpu.vector_load %arg9[%get3A_1626] {strides = array<i32>} : memref<256xi32, #tpu.memory_space<vmem>>, vector<16xi32>,
      %get3A_1628 = vector.shape_cast %get3A_1627 : vector<16xi32> to vector<16xi32>
      %get3A_1629 = arith.constant 0 : i32
      %get3A_1630 = arith.index_cast %get3A_1629 : i32 to index
      %get3A_1631 = arith.constant 64 : index
      %get3A_1632 = tpu.vector_load %arg13[%get3A_1630, %get3A_1631] {strides = array<i32>} : memref<2x128xf32, #tpu.memory_space<vmem>>, vector<1x16xf32>,
      %get3A_1633 = vector.shape_cast %get3A_1632 : vector<1x16xf32> to vector<16xf32>
      %get3A_1634 = arith.constant 0 : i32
      %get3A_1635 = arith.index_cast %get3A_1634 : i32 to index
      %get3A_1636 = arith.constant 64 : index
      %get3A_1637 = tpu.vector_load %arg14[%get3A_1635, %get3A_1636] {strides = array<i32>} : memref<2x128xf32, #tpu.memory_space<vmem>>, vector<1x16xf32>,
      %get3A_1638 = vector.shape_cast %get3A_1637 : vector<1x16xf32> to vector<16xf32>
      %get3A_1639 = arith.constant 0 : i32
      %get3A_1640 = arith.index_cast %get3A_1639 : i32 to index
      %get3A_1641 = arith.constant 64 : index
      %get3A_1642 = tpu.vector_load %arg15[%get3A_1640, %get3A_1641] {strides = array<i32>} : memref<2x128xf32, #tpu.memory_space<vmem>>, vector<1x16xf32>,
      %get3A_1643 = vector.shape_cast %get3A_1642 : vector<1x16xf32> to vector<16xf32>
      %jit3A_1644 = arith.constant 0.000000e+00 : f32
      %jit3A_1645 = arith.constant 1.000000e+00 : f32
      %max3A_1646 = vector.broadcast %jit3A_1644 : f32 to vector<16xf32>
      %max3A_1647 = arith.maximumf %max3A_1646, %get3A_1643 : vector<16xf32>
      %min3A_1648 = vector.broadcast %jit3A_1645 : f32 to vector<16xf32>
      %min3A_1649 = arith.minimumf %min3A_1648, %max3A_1647 : vector<16xf32>
      %mul3A_1650 = arith.mulf %get3A_1633, %min3A_1649 : vector<16xf32>
      %bitcast_convert_type3A_1651 = tpu.bitcast %mul3A_1650 : vector<16xf32> -> vector<16xi32>
      %shift_right_arithmetic3A_1652 = arith.constant 23 : i32
      %shift_right_arithmetic3A_1653 = vector.broadcast %shift_right_arithmetic3A_1652 : i32 to vector<16xi32>
      %shift_right_arithmetic3A_1654 = arith.shrsi %bitcast_convert_type3A_1651, %shift_right_arithmetic3A_1653 : vector<16xi32>
      %sub3A_1655 = arith.constant 127 : i32
      %sub3A_1656 = vector.broadcast %sub3A_1655 : i32 to vector<16xi32>
      %sub3A_1657 = arith.subi %shift_right_arithmetic3A_1654, %sub3A_1656 : vector<16xi32>
      %and3A_1658 = arith.constant 8388607 : i32
      %and3A_1659 = vector.broadcast %and3A_1658 : i32 to vector<16xi32>
      %and3A_1660 = arith.andi %bitcast_convert_type3A_1651, %and3A_1659 : vector<16xi32>
      %or3A_1661 = arith.constant 1065353216 : i32
      %or3A_1662 = vector.broadcast %or3A_1661 : i32 to vector<16xi32>
      %or3A_1663 = arith.ori %and3A_1660, %or3A_1662 : vector<16xi32>
      %bitcast_convert_type3A_1664 = tpu.bitcast %or3A_1663 : vector<16xi32> -> vector<16xf32>
      %gt3A_1665 = arith.constant 1.41421354 : f32
      %gt3A_1666 = vector.broadcast %gt3A_1665 : f32 to vector<16xf32>
      %gt3A_1667 = arith.cmpf ogt, %bitcast_convert_type3A_1664, %gt3A_1666 : vector<16xf32>
      %mul3A_1668 = arith.constant 5.000000e-01 : f32
      %mul3A_1669 = vector.broadcast %mul3A_1668 : f32 to vector<16xf32>
      %mul3A_1670 = arith.mulf %bitcast_convert_type3A_1664, %mul3A_1669 : vector<16xf32>
      %select_n3A_1671 = arith.select %gt3A_1667, %mul3A_1670, %bitcast_convert_type3A_1664 : vector<16xi1>, vector<16xf32>
      %add3A_1672 = arith.constant 1 : i32
      %add3A_1673 = vector.broadcast %add3A_1672 : i32 to vector<16xi32>
      %add3A_1674 = arith.addi %sub3A_1657, %add3A_1673 : vector<16xi32>
      %select_n3A_1675 = arith.select %gt3A_1667, %add3A_1674, %sub3A_1657 : vector<16xi1>, vector<16xi32>
      %sub3A_1676 = arith.constant 1.000000e+00 : f32
      %sub3A_1677 = vector.broadcast %sub3A_1676 : f32 to vector<16xf32>
      %sub3A_1678 = arith.subf %select_n3A_1671, %sub3A_1677 : vector<16xf32>
      %add3A_1679 = arith.constant 1.000000e+00 : f32
      %add3A_1680 = vector.broadcast %add3A_1679 : f32 to vector<16xf32>
      %add3A_1681 = arith.addf %select_n3A_1671, %add3A_1680 : vector<16xf32>
      %div3A_1682 = arith.divf %sub3A_1678, %add3A_1681 : vector<16xf32>
      %mul3A_1683 = arith.mulf %div3A_1682, %div3A_1682 : vector<16xf32>
      %mul3A_1684 = arith.constant 0.222222224 : f32
      %mul3A_1685 = vector.broadcast %mul3A_1684 : f32 to vector<16xf32>
      %mul3A_1686 = arith.mulf %mul3A_1683, %mul3A_1685 : vector<16xf32>
      %add3A_1687 = arith.constant 0.285714298 : f32
      %add3A_1688 = vector.broadcast %add3A_1687 : f32 to vector<16xf32>
      %add3A_1689 = arith.addf %add3A_1688, %mul3A_1686 : vector<16xf32>
      %mul3A_1690 = arith.mulf %mul3A_1683, %add3A_1689 : vector<16xf32>
      %add3A_1691 = arith.constant 4.000000e-01 : f32
      %add3A_1692 = vector.broadcast %add3A_1691 : f32 to vector<16xf32>
      %add3A_1693 = arith.addf %add3A_1692, %mul3A_1690 : vector<16xf32>
      %mul3A_1694 = arith.mulf %mul3A_1683, %add3A_1693 : vector<16xf32>
      %add3A_1695 = arith.constant 0.666666686 : f32
      %add3A_1696 = vector.broadcast %add3A_1695 : f32 to vector<16xf32>
      %add3A_1697 = arith.addf %add3A_1696, %mul3A_1694 : vector<16xf32>
      %mul3A_1698 = arith.mulf %mul3A_1683, %add3A_1697 : vector<16xf32>
      %add3A_1699 = arith.constant 2.000000e+00 : f32
      %add3A_1700 = vector.broadcast %add3A_1699 : f32 to vector<16xf32>
      %add3A_1701 = arith.addf %add3A_1700, %mul3A_1698 : vector<16xf32>
      %mul3A_1702 = arith.mulf %div3A_1682, %add3A_1701 : vector<16xf32>
      %convert_element_type3A_1703 = arith.sitofp %select_n3A_1675 : vector<16xi32> to vector<16xf32>
      %mul3A_1704 = arith.constant 0.693147182 : f32
      %mul3A_1705 = vector.broadcast %mul3A_1704 : f32 to vector<16xf32>
      %mul3A_1706 = arith.mulf %convert_element_type3A_1703, %mul3A_1705 : vector<16xf32>
      %add3A_1707 = arith.addf %mul3A_1706, %mul3A_1702 : vector<16xf32>
      %mul3A_1708 = arith.mulf %get3A_1638, %min3A_1649 : vector<16xf32>
      %bitcast_convert_type3A_1709 = tpu.bitcast %mul3A_1708 : vector<16xf32> -> vector<16xi32>
      %shift_right_arithmetic3A_1710 = arith.constant 23 : i32
      %shift_right_arithmetic3A_1711 = vector.broadcast %shift_right_arithmetic3A_1710 : i32 to vector<16xi32>
      %shift_right_arithmetic3A_1712 = arith.shrsi %bitcast_convert_type3A_1709, %shift_right_arithmetic3A_1711 : vector<16xi32>
      %sub3A_1713 = arith.constant 127 : i32
      %sub3A_1714 = vector.broadcast %sub3A_1713 : i32 to vector<16xi32>
      %sub3A_1715 = arith.subi %shift_right_arithmetic3A_1712, %sub3A_1714 : vector<16xi32>
      %and3A_1716 = arith.constant 8388607 : i32
      %and3A_1717 = vector.broadcast %and3A_1716 : i32 to vector<16xi32>
      %and3A_1718 = arith.andi %bitcast_convert_type3A_1709, %and3A_1717 : vector<16xi32>
      %or3A_1719 = arith.constant 1065353216 : i32
      %or3A_1720 = vector.broadcast %or3A_1719 : i32 to vector<16xi32>
      %or3A_1721 = arith.ori %and3A_1718, %or3A_1720 : vector<16xi32>
      %bitcast_convert_type3A_1722 = tpu.bitcast %or3A_1721 : vector<16xi32> -> vector<16xf32>
      %gt3A_1723 = arith.constant 1.41421354 : f32
      %gt3A_1724 = vector.broadcast %gt3A_1723 : f32 to vector<16xf32>
      %gt3A_1725 = arith.cmpf ogt, %bitcast_convert_type3A_1722, %gt3A_1724 : vector<16xf32>
      %mul3A_1726 = arith.constant 5.000000e-01 : f32
      %mul3A_1727 = vector.broadcast %mul3A_1726 : f32 to vector<16xf32>
      %mul3A_1728 = arith.mulf %bitcast_convert_type3A_1722, %mul3A_1727 : vector<16xf32>
      %select_n3A_1729 = arith.select %gt3A_1725, %mul3A_1728, %bitcast_convert_type3A_1722 : vector<16xi1>, vector<16xf32>
      %add3A_1730 = arith.constant 1 : i32
      %add3A_1731 = vector.broadcast %add3A_1730 : i32 to vector<16xi32>
      %add3A_1732 = arith.addi %sub3A_1715, %add3A_1731 : vector<16xi32>
      %select_n3A_1733 = arith.select %gt3A_1725, %add3A_1732, %sub3A_1715 : vector<16xi1>, vector<16xi32>
      %sub3A_1734 = arith.constant 1.000000e+00 : f32
      %sub3A_1735 = vector.broadcast %sub3A_1734 : f32 to vector<16xf32>
      %sub3A_1736 = arith.subf %select_n3A_1729, %sub3A_1735 : vector<16xf32>
      %add3A_1737 = arith.constant 1.000000e+00 : f32
      %add3A_1738 = vector.broadcast %add3A_1737 : f32 to vector<16xf32>
      %add3A_1739 = arith.addf %select_n3A_1729, %add3A_1738 : vector<16xf32>
      %div3A_1740 = arith.divf %sub3A_1736, %add3A_1739 : vector<16xf32>
      %mul3A_1741 = arith.mulf %div3A_1740, %div3A_1740 : vector<16xf32>
      %mul3A_1742 = arith.constant 0.222222224 : f32
      %mul3A_1743 = vector.broadcast %mul3A_1742 : f32 to vector<16xf32>
      %mul3A_1744 = arith.mulf %mul3A_1741, %mul3A_1743 : vector<16xf32>
      %add3A_1745 = arith.constant 0.285714298 : f32
      %add3A_1746 = vector.broadcast %add3A_1745 : f32 to vector<16xf32>
      %add3A_1747 = arith.addf %add3A_1746, %mul3A_1744 : vector<16xf32>
      %mul3A_1748 = arith.mulf %mul3A_1741, %add3A_1747 : vector<16xf32>
      %add3A_1749 = arith.constant 4.000000e-01 : f32
      %add3A_1750 = vector.broadcast %add3A_1749 : f32 to vector<16xf32>
      %add3A_1751 = arith.addf %add3A_1750, %mul3A_1748 : vector<16xf32>
      %mul3A_1752 = arith.mulf %mul3A_1741, %add3A_1751 : vector<16xf32>
      %add3A_1753 = arith.constant 0.666666686 : f32
      %add3A_1754 = vector.broadcast %add3A_1753 : f32 to vector<16xf32>
      %add3A_1755 = arith.addf %add3A_1754, %mul3A_1752 : vector<16xf32>
      %mul3A_1756 = arith.mulf %mul3A_1741, %add3A_1755 : vector<16xf32>
      %add3A_1757 = arith.constant 2.000000e+00 : f32
      %add3A_1758 = vector.broadcast %add3A_1757 : f32 to vector<16xf32>
      %add3A_1759 = arith.addf %add3A_1758, %mul3A_1756 : vector<16xf32>
      %mul3A_1760 = arith.mulf %div3A_1740, %add3A_1759 : vector<16xf32>
      %convert_element_type3A_1761 = arith.sitofp %select_n3A_1733 : vector<16xi32> to vector<16xf32>
      %mul3A_1762 = arith.constant 0.693147182 : f32
      %mul3A_1763 = vector.broadcast %mul3A_1762 : f32 to vector<16xf32>
      %mul3A_1764 = arith.mulf %convert_element_type3A_1761, %mul3A_1763 : vector<16xf32>
      %add3A_1765 = arith.addf %mul3A_1764, %mul3A_1760 : vector<16xf32>
      %ne3A_1766 = arith.constant -100 : i32
      %ne3A_1767 = vector.broadcast %ne3A_1766 : i32 to vector<16xi32>
      %ne3A_1768 = arith.cmpi ne, %get3A_1625, %ne3A_1767 : vector<16xi32>
      %ne3A_1769 = arith.constant -100 : i32
      %ne3A_1770 = vector.broadcast %ne3A_1769 : i32 to vector<16xi32>
      %ne3A_1771 = arith.cmpi ne, %get3A_1628, %ne3A_1770 : vector<16xi32>
      %jit3A_1772 = arith.constant 0.000000e+00 : f32
      %broadcast_in_dim3A_1773 = vector.broadcast %jit3A_1772 : f32 to vector<16xf32>
      %select_n3A_1774 = arith.select %ne3A_1768, %add3A_1707, %broadcast_in_dim3A_1773 : vector<16xi1>, vector<16xf32>
      %add3A_1775 = arith.addf %add3A_1606, %select_n3A_1774 : vector<16xf32>
      %jit3A_1776 = arith.constant 0.000000e+00 : f32
      %broadcast_in_dim3A_1777 = vector.broadcast %jit3A_1776 : f32 to vector<16xf32>
      %select_n3A_1778 = arith.select %ne3A_1771, %add3A_1765, %broadcast_in_dim3A_1777 : vector<16xi1>, vector<16xf32>
      %add3A_1779 = arith.addf %add3A_1610, %select_n3A_1778 : vector<16xf32>
      %jit3A_1780 = arith.constant 1.000000e+00 : f32
      %jit3A_1781 = arith.constant 0.000000e+00 : f32
      %broadcast_in_dim3A_1782 = vector.broadcast %jit3A_1780 : f32 to vector<16xf32>
      %broadcast_in_dim3A_1783 = vector.broadcast %jit3A_1781 : f32 to vector<16xf32>
      %select_n3A_1784 = arith.select %ne3A_1768, %broadcast_in_dim3A_1782, %broadcast_in_dim3A_1783 : vector<16xi1>, vector<16xf32>
      %add3A_1785 = arith.addf %add3A_1616, %select_n3A_1784 : vector<16xf32>
      %jit3A_1786 = arith.constant 1.000000e+00 : f32
      %jit3A_1787 = arith.constant 0.000000e+00 : f32
      %broadcast_in_dim3A_1788 = vector.broadcast %jit3A_1786 : f32 to vector<16xf32>
      %broadcast_in_dim3A_1789 = vector.broadcast %jit3A_1787 : f32 to vector<16xf32>
      %select_n3A_1790 = arith.select %ne3A_1771, %broadcast_in_dim3A_1788, %broadcast_in_dim3A_1789 : vector<16xi1>, vector<16xf32>
      %add3A_1791 = arith.addf %add3A_1622, %select_n3A_1790 : vector<16xf32>
      %get3A_1792 = arith.constant 80 : index
      %get3A_1793 = tpu.vector_load %arg8[%get3A_1792] {strides = array<i32>} : memref<256xi32, #tpu.memory_space<vmem>>, vector<16xi32>,
      %get3A_1794 = vector.shape_cast %get3A_1793 : vector<16xi32> to vector<16xi32>
      %get3A_1795 = arith.constant 80 : index
      %get3A_1796 = tpu.vector_load %arg9[%get3A_1795] {strides = array<i32>} : memref<256xi32, #tpu.memory_space<vmem>>, vector<16xi32>,
      %get3A_1797 = vector.shape_cast %get3A_1796 : vector<16xi32> to vector<16xi32>
      %get3A_1798 = arith.constant 0 : i32
      %get3A_1799 = arith.index_cast %get3A_1798 : i32 to index
      %get3A_1800 = arith.constant 80 : index
      %get3A_1801 = tpu.vector_load %arg13[%get3A_1799, %get3A_1800] {strides = array<i32>} : memref<2x128xf32, #tpu.memory_space<vmem>>, vector<1x16xf32>,
      %get3A_1802 = vector.shape_cast %get3A_1801 : vector<1x16xf32> to vector<16xf32>
      %get3A_1803 = arith.constant 0 : i32
      %get3A_1804 = arith.index_cast %get3A_1803 : i32 to index
      %get3A_1805 = arith.constant 80 : index
      %get3A_1806 = tpu.vector_load %arg14[%get3A_1804, %get3A_1805] {strides = array<i32>} : memref<2x128xf32, #tpu.memory_space<vmem>>, vector<1x16xf32>,
      %get3A_1807 = vector.shape_cast %get3A_1806 : vector<1x16xf32> to vector<16xf32>
      %get3A_1808 = arith.constant 0 : i32
      %get3A_1809 = arith.index_cast %get3A_1808 : i32 to index
      %get3A_1810 = arith.constant 80 : index
      %get3A_1811 = tpu.vector_load %arg15[%get3A_1809, %get3A_1810] {strides = array<i32>} : memref<2x128xf32, #tpu.memory_space<vmem>>, vector<1x16xf32>,
      %get3A_1812 = vector.shape_cast %get3A_1811 : vector<1x16xf32> to vector<16xf32>
      %jit3A_1813 = arith.constant 0.000000e+00 : f32
      %jit3A_1814 = arith.constant 1.000000e+00 : f32
      %max3A_1815 = vector.broadcast %jit3A_1813 : f32 to vector<16xf32>
      %max3A_1816 = arith.maximumf %max3A_1815, %get3A_1812 : vector<16xf32>
      %min3A_1817 = vector.broadcast %jit3A_1814 : f32 to vector<16xf32>
      %min3A_1818 = arith.minimumf %min3A_1817, %max3A_1816 : vector<16xf32>
      %mul3A_1819 = arith.mulf %get3A_1802, %min3A_1818 : vector<16xf32>
      %bitcast_convert_type3A_1820 = tpu.bitcast %mul3A_1819 : vector<16xf32> -> vector<16xi32>
      %shift_right_arithmetic3A_1821 = arith.constant 23 : i32
      %shift_right_arithmetic3A_1822 = vector.broadcast %shift_right_arithmetic3A_1821 : i32 to vector<16xi32>
      %shift_right_arithmetic3A_1823 = arith.shrsi %bitcast_convert_type3A_1820, %shift_right_arithmetic3A_1822 : vector<16xi32>
      %sub3A_1824 = arith.constant 127 : i32
      %sub3A_1825 = vector.broadcast %sub3A_1824 : i32 to vector<16xi32>
      %sub3A_1826 = arith.subi %shift_right_arithmetic3A_1823, %sub3A_1825 : vector<16xi32>
      %and3A_1827 = arith.constant 8388607 : i32
      %and3A_1828 = vector.broadcast %and3A_1827 : i32 to vector<16xi32>
      %and3A_1829 = arith.andi %bitcast_convert_type3A_1820, %and3A_1828 : vector<16xi32>
      %or3A_1830 = arith.constant 1065353216 : i32
      %or3A_1831 = vector.broadcast %or3A_1830 : i32 to vector<16xi32>
      %or3A_1832 = arith.ori %and3A_1829, %or3A_1831 : vector<16xi32>
      %bitcast_convert_type3A_1833 = tpu.bitcast %or3A_1832 : vector<16xi32> -> vector<16xf32>
      %gt3A_1834 = arith.constant 1.41421354 : f32
      %gt3A_1835 = vector.broadcast %gt3A_1834 : f32 to vector<16xf32>
      %gt3A_1836 = arith.cmpf ogt, %bitcast_convert_type3A_1833, %gt3A_1835 : vector<16xf32>
      %mul3A_1837 = arith.constant 5.000000e-01 : f32
      %mul3A_1838 = vector.broadcast %mul3A_1837 : f32 to vector<16xf32>
      %mul3A_1839 = arith.mulf %bitcast_convert_type3A_1833, %mul3A_1838 : vector<16xf32>
      %select_n3A_1840 = arith.select %gt3A_1836, %mul3A_1839, %bitcast_convert_type3A_1833 : vector<16xi1>, vector<16xf32>
      %add3A_1841 = arith.constant 1 : i32
      %add3A_1842 = vector.broadcast %add3A_1841 : i32 to vector<16xi32>
      %add3A_1843 = arith.addi %sub3A_1826, %add3A_1842 : vector<16xi32>
      %select_n3A_1844 = arith.select %gt3A_1836, %add3A_1843, %sub3A_1826 : vector<16xi1>, vector<16xi32>
      %sub3A_1845 = arith.constant 1.000000e+00 : f32
      %sub3A_1846 = vector.broadcast %sub3A_1845 : f32 to vector<16xf32>
      %sub3A_1847 = arith.subf %select_n3A_1840, %sub3A_1846 : vector<16xf32>
      %add3A_1848 = arith.constant 1.000000e+00 : f32
      %add3A_1849 = vector.broadcast %add3A_1848 : f32 to vector<16xf32>
      %add3A_1850 = arith.addf %select_n3A_1840, %add3A_1849 : vector<16xf32>
      %div3A_1851 = arith.divf %sub3A_1847, %add3A_1850 : vector<16xf32>
      %mul3A_1852 = arith.mulf %div3A_1851, %div3A_1851 : vector<16xf32>
      %mul3A_1853 = arith.constant 0.222222224 : f32
      %mul3A_1854 = vector.broadcast %mul3A_1853 : f32 to vector<16xf32>
      %mul3A_1855 = arith.mulf %mul3A_1852, %mul3A_1854 : vector<16xf32>
      %add3A_1856 = arith.constant 0.285714298 : f32
      %add3A_1857 = vector.broadcast %add3A_1856 : f32 to vector<16xf32>
      %add3A_1858 = arith.addf %add3A_1857, %mul3A_1855 : vector<16xf32>
      %mul3A_1859 = arith.mulf %mul3A_1852, %add3A_1858 : vector<16xf32>
      %add3A_1860 = arith.constant 4.000000e-01 : f32
      %add3A_1861 = vector.broadcast %add3A_1860 : f32 to vector<16xf32>
      %add3A_1862 = arith.addf %add3A_1861, %mul3A_1859 : vector<16xf32>
      %mul3A_1863 = arith.mulf %mul3A_1852, %add3A_1862 : vector<16xf32>
      %add3A_1864 = arith.constant 0.666666686 : f32
      %add3A_1865 = vector.broadcast %add3A_1864 : f32 to vector<16xf32>
      %add3A_1866 = arith.addf %add3A_1865, %mul3A_1863 : vector<16xf32>
      %mul3A_1867 = arith.mulf %mul3A_1852, %add3A_1866 : vector<16xf32>
      %add3A_1868 = arith.constant 2.000000e+00 : f32
      %add3A_1869 = vector.broadcast %add3A_1868 : f32 to vector<16xf32>
      %add3A_1870 = arith.addf %add3A_1869, %mul3A_1867 : vector<16xf32>
      %mul3A_1871 = arith.mulf %div3A_1851, %add3A_1870 : vector<16xf32>
      %convert_element_type3A_1872 = arith.sitofp %select_n3A_1844 : vector<16xi32> to vector<16xf32>
      %mul3A_1873 = arith.constant 0.693147182 : f32
      %mul3A_1874 = vector.broadcast %mul3A_1873 : f32 to vector<16xf32>
      %mul3A_1875 = arith.mulf %convert_element_type3A_1872, %mul3A_1874 : vector<16xf32>
      %add3A_1876 = arith.addf %mul3A_1875, %mul3A_1871 : vector<16xf32>
      %mul3A_1877 = arith.mulf %get3A_1807, %min3A_1818 : vector<16xf32>
      %bitcast_convert_type3A_1878 = tpu.bitcast %mul3A_1877 : vector<16xf32> -> vector<16xi32>
      %shift_right_arithmetic3A_1879 = arith.constant 23 : i32
      %shift_right_arithmetic3A_1880 = vector.broadcast %shift_right_arithmetic3A_1879 : i32 to vector<16xi32>
      %shift_right_arithmetic3A_1881 = arith.shrsi %bitcast_convert_type3A_1878, %shift_right_arithmetic3A_1880 : vector<16xi32>
      %sub3A_1882 = arith.constant 127 : i32
      %sub3A_1883 = vector.broadcast %sub3A_1882 : i32 to vector<16xi32>
      %sub3A_1884 = arith.subi %shift_right_arithmetic3A_1881, %sub3A_1883 : vector<16xi32>
      %and3A_1885 = arith.constant 8388607 : i32
      %and3A_1886 = vector.broadcast %and3A_1885 : i32 to vector<16xi32>
      %and3A_1887 = arith.andi %bitcast_convert_type3A_1878, %and3A_1886 : vector<16xi32>
      %or3A_1888 = arith.constant 1065353216 : i32
      %or3A_1889 = vector.broadcast %or3A_1888 : i32 to vector<16xi32>
      %or3A_1890 = arith.ori %and3A_1887, %or3A_1889 : vector<16xi32>
      %bitcast_convert_type3A_1891 = tpu.bitcast %or3A_1890 : vector<16xi32> -> vector<16xf32>
      %gt3A_1892 = arith.constant 1.41421354 : f32
      %gt3A_1893 = vector.broadcast %gt3A_1892 : f32 to vector<16xf32>
      %gt3A_1894 = arith.cmpf ogt, %bitcast_convert_type3A_1891, %gt3A_1893 : vector<16xf32>
      %mul3A_1895 = arith.constant 5.000000e-01 : f32
      %mul3A_1896 = vector.broadcast %mul3A_1895 : f32 to vector<16xf32>
      %mul3A_1897 = arith.mulf %bitcast_convert_type3A_1891, %mul3A_1896 : vector<16xf32>
      %select_n3A_1898 = arith.select %gt3A_1894, %mul3A_1897, %bitcast_convert_type3A_1891 : vector<16xi1>, vector<16xf32>
      %add3A_1899 = arith.constant 1 : i32
      %add3A_1900 = vector.broadcast %add3A_1899 : i32 to vector<16xi32>
      %add3A_1901 = arith.addi %sub3A_1884, %add3A_1900 : vector<16xi32>
      %select_n3A_1902 = arith.select %gt3A_1894, %add3A_1901, %sub3A_1884 : vector<16xi1>, vector<16xi32>
      %sub3A_1903 = arith.constant 1.000000e+00 : f32
      %sub3A_1904 = vector.broadcast %sub3A_1903 : f32 to vector<16xf32>
      %sub3A_1905 = arith.subf %select_n3A_1898, %sub3A_1904 : vector<16xf32>
      %add3A_1906 = arith.constant 1.000000e+00 : f32
      %add3A_1907 = vector.broadcast %add3A_1906 : f32 to vector<16xf32>
      %add3A_1908 = arith.addf %select_n3A_1898, %add3A_1907 : vector<16xf32>
      %div3A_1909 = arith.divf %sub3A_1905, %add3A_1908 : vector<16xf32>
      %mul3A_1910 = arith.mulf %div3A_1909, %div3A_1909 : vector<16xf32>
      %mul3A_1911 = arith.constant 0.222222224 : f32
      %mul3A_1912 = vector.broadcast %mul3A_1911 : f32 to vector<16xf32>
      %mul3A_1913 = arith.mulf %mul3A_1910, %mul3A_1912 : vector<16xf32>
      %add3A_1914 = arith.constant 0.285714298 : f32
      %add3A_1915 = vector.broadcast %add3A_1914 : f32 to vector<16xf32>
      %add3A_1916 = arith.addf %add3A_1915, %mul3A_1913 : vector<16xf32>
      %mul3A_1917 = arith.mulf %mul3A_1910, %add3A_1916 : vector<16xf32>
      %add3A_1918 = arith.constant 4.000000e-01 : f32
      %add3A_1919 = vector.broadcast %add3A_1918 : f32 to vector<16xf32>
      %add3A_1920 = arith.addf %add3A_1919, %mul3A_1917 : vector<16xf32>
      %mul3A_1921 = arith.mulf %mul3A_1910, %add3A_1920 : vector<16xf32>
      %add3A_1922 = arith.constant 0.666666686 : f32
      %add3A_1923 = vector.broadcast %add3A_1922 : f32 to vector<16xf32>
      %add3A_1924 = arith.addf %add3A_1923, %mul3A_1921 : vector<16xf32>
      %mul3A_1925 = arith.mulf %mul3A_1910, %add3A_1924 : vector<16xf32>
      %add3A_1926 = arith.constant 2.000000e+00 : f32
      %add3A_1927 = vector.broadcast %add3A_1926 : f32 to vector<16xf32>
      %add3A_1928 = arith.addf %add3A_1927, %mul3A_1925 : vector<16xf32>
      %mul3A_1929 = arith.mulf %div3A_1909, %add3A_1928 : vector<16xf32>
      %convert_element_type3A_1930 = arith.sitofp %select_n3A_1902 : vector<16xi32> to vector<16xf32>
      %mul3A_1931 = arith.constant 0.693147182 : f32
      %mul3A_1932 = vector.broadcast %mul3A_1931 : f32 to vector<16xf32>
      %mul3A_1933 = arith.mulf %convert_element_type3A_1930, %mul3A_1932 : vector<16xf32>
      %add3A_1934 = arith.addf %mul3A_1933, %mul3A_1929 : vector<16xf32>
      %ne3A_1935 = arith.constant -100 : i32
      %ne3A_1936 = vector.broadcast %ne3A_1935 : i32 to vector<16xi32>
      %ne3A_1937 = arith.cmpi ne, %get3A_1794, %ne3A_1936 : vector<16xi32>
      %ne3A_1938 = arith.constant -100 : i32
      %ne3A_1939 = vector.broadcast %ne3A_1938 : i32 to vector<16xi32>
      %ne3A_1940 = arith.cmpi ne, %get3A_1797, %ne3A_1939 : vector<16xi32>
      %jit3A_1941 = arith.constant 0.000000e+00 : f32
      %broadcast_in_dim3A_1942 = vector.broadcast %jit3A_1941 : f32 to vector<16xf32>
      %select_n3A_1943 = arith.select %ne3A_1937, %add3A_1876, %broadcast_in_dim3A_1942 : vector<16xi1>, vector<16xf32>
      %add3A_1944 = arith.addf %add3A_1775, %select_n3A_1943 : vector<16xf32>
      %jit3A_1945 = arith.constant 0.000000e+00 : f32
      %broadcast_in_dim3A_1946 = vector.broadcast %jit3A_1945 : f32 to vector<16xf32>
      %select_n3A_1947 = arith.select %ne3A_1940, %add3A_1934, %broadcast_in_dim3A_1946 : vector<16xi1>, vector<16xf32>
      %add3A_1948 = arith.addf %add3A_1779, %select_n3A_1947 : vector<16xf32>
      %jit3A_1949 = arith.constant 1.000000e+00 : f32
      %jit3A_1950 = arith.constant 0.000000e+00 : f32
      %broadcast_in_dim3A_1951 = vector.broadcast %jit3A_1949 : f32 to vector<16xf32>
      %broadcast_in_dim3A_1952 = vector.broadcast %jit3A_1950 : f32 to vector<16xf32>
      %select_n3A_1953 = arith.select %ne3A_1937, %broadcast_in_dim3A_1951, %broadcast_in_dim3A_1952 : vector<16xi1>, vector<16xf32>
      %add3A_1954 = arith.addf %add3A_1785, %select_n3A_1953 : vector<16xf32>
      %jit3A_1955 = arith.constant 1.000000e+00 : f32
      %jit3A_1956 = arith.constant 0.000000e+00 : f32
      %broadcast_in_dim3A_1957 = vector.broadcast %jit3A_1955 : f32 to vector<16xf32>
      %broadcast_in_dim3A_1958 = vector.broadcast %jit3A_1956 : f32 to vector<16xf32>
      %select_n3A_1959 = arith.select %ne3A_1940, %broadcast_in_dim3A_1957, %broadcast_in_dim3A_1958 : vector<16xi1>, vector<16xf32>
      %add3A_1960 = arith.addf %add3A_1791, %select_n3A_1959 : vector<16xf32>
      %get3A_1961 = arith.constant 96 : index
      %get3A_1962 = tpu.vector_load %arg8[%get3A_1961] {strides = array<i32>} : memref<256xi32, #tpu.memory_space<vmem>>, vector<16xi32>,
      %get3A_1963 = vector.shape_cast %get3A_1962 : vector<16xi32> to vector<16xi32>
      %get3A_1964 = arith.constant 96 : index
      %get3A_1965 = tpu.vector_load %arg9[%get3A_1964] {strides = array<i32>} : memref<256xi32, #tpu.memory_space<vmem>>, vector<16xi32>,
      %get3A_1966 = vector.shape_cast %get3A_1965 : vector<16xi32> to vector<16xi32>
      %get3A_1967 = arith.constant 0 : i32
      %get3A_1968 = arith.index_cast %get3A_1967 : i32 to index
      %get3A_1969 = arith.constant 96 : index
      %get3A_1970 = tpu.vector_load %arg13[%get3A_1968, %get3A_1969] {strides = array<i32>} : memref<2x128xf32, #tpu.memory_space<vmem>>, vector<1x16xf32>,
      %get3A_1971 = vector.shape_cast %get3A_1970 : vector<1x16xf32> to vector<16xf32>
      %get3A_1972 = arith.constant 0 : i32
      %get3A_1973 = arith.index_cast %get3A_1972 : i32 to index
      %get3A_1974 = arith.constant 96 : index
      %get3A_1975 = tpu.vector_load %arg14[%get3A_1973, %get3A_1974] {strides = array<i32>} : memref<2x128xf32, #tpu.memory_space<vmem>>, vector<1x16xf32>,
      %get3A_1976 = vector.shape_cast %get3A_1975 : vector<1x16xf32> to vector<16xf32>
      %get3A_1977 = arith.constant 0 : i32
      %get3A_1978 = arith.index_cast %get3A_1977 : i32 to index
      %get3A_1979 = arith.constant 96 : index
      %get3A_1980 = tpu.vector_load %arg15[%get3A_1978, %get3A_1979] {strides = array<i32>} : memref<2x128xf32, #tpu.memory_space<vmem>>, vector<1x16xf32>,
      %get3A_1981 = vector.shape_cast %get3A_1980 : vector<1x16xf32> to vector<16xf32>
      %jit3A_1982 = arith.constant 0.000000e+00 : f32
      %jit3A_1983 = arith.constant 1.000000e+00 : f32
      %max3A_1984 = vector.broadcast %jit3A_1982 : f32 to vector<16xf32>
      %max3A_1985 = arith.maximumf %max3A_1984, %get3A_1981 : vector<16xf32>
      %min3A_1986 = vector.broadcast %jit3A_1983 : f32 to vector<16xf32>
      %min3A_1987 = arith.minimumf %min3A_1986, %max3A_1985 : vector<16xf32>
      %mul3A_1988 = arith.mulf %get3A_1971, %min3A_1987 : vector<16xf32>
      %bitcast_convert_type3A_1989 = tpu.bitcast %mul3A_1988 : vector<16xf32> -> vector<16xi32>
      %shift_right_arithmetic3A_1990 = arith.constant 23 : i32
      %shift_right_arithmetic3A_1991 = vector.broadcast %shift_right_arithmetic3A_1990 : i32 to vector<16xi32>
      %shift_right_arithmetic3A_1992 = arith.shrsi %bitcast_convert_type3A_1989, %shift_right_arithmetic3A_1991 : vector<16xi32>
      %sub3A_1993 = arith.constant 127 : i32
      %sub3A_1994 = vector.broadcast %sub3A_1993 : i32 to vector<16xi32>
      %sub3A_1995 = arith.subi %shift_right_arithmetic3A_1992, %sub3A_1994 : vector<16xi32>
      %and3A_1996 = arith.constant 8388607 : i32
      %and3A_1997 = vector.broadcast %and3A_1996 : i32 to vector<16xi32>
      %and3A_1998 = arith.andi %bitcast_convert_type3A_1989, %and3A_1997 : vector<16xi32>
      %or3A_1999 = arith.constant 1065353216 : i32
      %or3A_2000 = vector.broadcast %or3A_1999 : i32 to vector<16xi32>
      %or3A_2001 = arith.ori %and3A_1998, %or3A_2000 : vector<16xi32>
      %bitcast_convert_type3A_2002 = tpu.bitcast %or3A_2001 : vector<16xi32> -> vector<16xf32>
      %gt3A_2003 = arith.constant 1.41421354 : f32
      %gt3A_2004 = vector.broadcast %gt3A_2003 : f32 to vector<16xf32>
      %gt3A_2005 = arith.cmpf ogt, %bitcast_convert_type3A_2002, %gt3A_2004 : vector<16xf32>
      %mul3A_2006 = arith.constant 5.000000e-01 : f32
      %mul3A_2007 = vector.broadcast %mul3A_2006 : f32 to vector<16xf32>
      %mul3A_2008 = arith.mulf %bitcast_convert_type3A_2002, %mul3A_2007 : vector<16xf32>
      %select_n3A_2009 = arith.select %gt3A_2005, %mul3A_2008, %bitcast_convert_type3A_2002 : vector<16xi1>, vector<16xf32>
      %add3A_2010 = arith.constant 1 : i32
      %add3A_2011 = vector.broadcast %add3A_2010 : i32 to vector<16xi32>
      %add3A_2012 = arith.addi %sub3A_1995, %add3A_2011 : vector<16xi32>
      %select_n3A_2013 = arith.select %gt3A_2005, %add3A_2012, %sub3A_1995 : vector<16xi1>, vector<16xi32>
      %sub3A_2014 = arith.constant 1.000000e+00 : f32
      %sub3A_2015 = vector.broadcast %sub3A_2014 : f32 to vector<16xf32>
      %sub3A_2016 = arith.subf %select_n3A_2009, %sub3A_2015 : vector<16xf32>
      %add3A_2017 = arith.constant 1.000000e+00 : f32
      %add3A_2018 = vector.broadcast %add3A_2017 : f32 to vector<16xf32>
      %add3A_2019 = arith.addf %select_n3A_2009, %add3A_2018 : vector<16xf32>
      %div3A_2020 = arith.divf %sub3A_2016, %add3A_2019 : vector<16xf32>
      %mul3A_2021 = arith.mulf %div3A_2020, %div3A_2020 : vector<16xf32>
      %mul3A_2022 = arith.constant 0.222222224 : f32
      %mul3A_2023 = vector.broadcast %mul3A_2022 : f32 to vector<16xf32>
      %mul3A_2024 = arith.mulf %mul3A_2021, %mul3A_2023 : vector<16xf32>
      %add3A_2025 = arith.constant 0.285714298 : f32
      %add3A_2026 = vector.broadcast %add3A_2025 : f32 to vector<16xf32>
      %add3A_2027 = arith.addf %add3A_2026, %mul3A_2024 : vector<16xf32>
      %mul3A_2028 = arith.mulf %mul3A_2021, %add3A_2027 : vector<16xf32>
      %add3A_2029 = arith.constant 4.000000e-01 : f32
      %add3A_2030 = vector.broadcast %add3A_2029 : f32 to vector<16xf32>
      %add3A_2031 = arith.addf %add3A_2030, %mul3A_2028 : vector<16xf32>
      %mul3A_2032 = arith.mulf %mul3A_2021, %add3A_2031 : vector<16xf32>
      %add3A_2033 = arith.constant 0.666666686 : f32
      %add3A_2034 = vector.broadcast %add3A_2033 : f32 to vector<16xf32>
      %add3A_2035 = arith.addf %add3A_2034, %mul3A_2032 : vector<16xf32>
      %mul3A_2036 = arith.mulf %mul3A_2021, %add3A_2035 : vector<16xf32>
      %add3A_2037 = arith.constant 2.000000e+00 : f32
      %add3A_2038 = vector.broadcast %add3A_2037 : f32 to vector<16xf32>
      %add3A_2039 = arith.addf %add3A_2038, %mul3A_2036 : vector<16xf32>
      %mul3A_2040 = arith.mulf %div3A_2020, %add3A_2039 : vector<16xf32>
      %convert_element_type3A_2041 = arith.sitofp %select_n3A_2013 : vector<16xi32> to vector<16xf32>
      %mul3A_2042 = arith.constant 0.693147182 : f32
      %mul3A_2043 = vector.broadcast %mul3A_2042 : f32 to vector<16xf32>
      %mul3A_2044 = arith.mulf %convert_element_type3A_2041, %mul3A_2043 : vector<16xf32>
      %add3A_2045 = arith.addf %mul3A_2044, %mul3A_2040 : vector<16xf32>
      %mul3A_2046 = arith.mulf %get3A_1976, %min3A_1987 : vector<16xf32>
      %bitcast_convert_type3A_2047 = tpu.bitcast %mul3A_2046 : vector<16xf32> -> vector<16xi32>
      %shift_right_arithmetic3A_2048 = arith.constant 23 : i32
      %shift_right_arithmetic3A_2049 = vector.broadcast %shift_right_arithmetic3A_2048 : i32 to vector<16xi32>
      %shift_right_arithmetic3A_2050 = arith.shrsi %bitcast_convert_type3A_2047, %shift_right_arithmetic3A_2049 : vector<16xi32>
      %sub3A_2051 = arith.constant 127 : i32
      %sub3A_2052 = vector.broadcast %sub3A_2051 : i32 to vector<16xi32>
      %sub3A_2053 = arith.subi %shift_right_arithmetic3A_2050, %sub3A_2052 : vector<16xi32>
      %and3A_2054 = arith.constant 8388607 : i32
      %and3A_2055 = vector.broadcast %and3A_2054 : i32 to vector<16xi32>
      %and3A_2056 = arith.andi %bitcast_convert_type3A_2047, %and3A_2055 : vector<16xi32>
      %or3A_2057 = arith.constant 1065353216 : i32
      %or3A_2058 = vector.broadcast %or3A_2057 : i32 to vector<16xi32>
      %or3A_2059 = arith.ori %and3A_2056, %or3A_2058 : vector<16xi32>
      %bitcast_convert_type3A_2060 = tpu.bitcast %or3A_2059 : vector<16xi32> -> vector<16xf32>
      %gt3A_2061 = arith.constant 1.41421354 : f32
      %gt3A_2062 = vector.broadcast %gt3A_2061 : f32 to vector<16xf32>
      %gt3A_2063 = arith.cmpf ogt, %bitcast_convert_type3A_2060, %gt3A_2062 : vector<16xf32>
      %mul3A_2064 = arith.constant 5.000000e-01 : f32
      %mul3A_2065 = vector.broadcast %mul3A_2064 : f32 to vector<16xf32>
      %mul3A_2066 = arith.mulf %bitcast_convert_type3A_2060, %mul3A_2065 : vector<16xf32>
      %select_n3A_2067 = arith.select %gt3A_2063, %mul3A_2066, %bitcast_convert_type3A_2060 : vector<16xi1>, vector<16xf32>
      %add3A_2068 = arith.constant 1 : i32
      %add3A_2069 = vector.broadcast %add3A_2068 : i32 to vector<16xi32>
      %add3A_2070 = arith.addi %sub3A_2053, %add3A_2069 : vector<16xi32>
      %select_n3A_2071 = arith.select %gt3A_2063, %add3A_2070, %sub3A_2053 : vector<16xi1>, vector<16xi32>
      %sub3A_2072 = arith.constant 1.000000e+00 : f32
      %sub3A_2073 = vector.broadcast %sub3A_2072 : f32 to vector<16xf32>
      %sub3A_2074 = arith.subf %select_n3A_2067, %sub3A_2073 : vector<16xf32>
      %add3A_2075 = arith.constant 1.000000e+00 : f32
      %add3A_2076 = vector.broadcast %add3A_2075 : f32 to vector<16xf32>
      %add3A_2077 = arith.addf %select_n3A_2067, %add3A_2076 : vector<16xf32>
      %div3A_2078 = arith.divf %sub3A_2074, %add3A_2077 : vector<16xf32>
      %mul3A_2079 = arith.mulf %div3A_2078, %div3A_2078 : vector<16xf32>
      %mul3A_2080 = arith.constant 0.222222224 : f32
      %mul3A_2081 = vector.broadcast %mul3A_2080 : f32 to vector<16xf32>
      %mul3A_2082 = arith.mulf %mul3A_2079, %mul3A_2081 : vector<16xf32>
      %add3A_2083 = arith.constant 0.285714298 : f32
      %add3A_2084 = vector.broadcast %add3A_2083 : f32 to vector<16xf32>
      %add3A_2085 = arith.addf %add3A_2084, %mul3A_2082 : vector<16xf32>
      %mul3A_2086 = arith.mulf %mul3A_2079, %add3A_2085 : vector<16xf32>
      %add3A_2087 = arith.constant 4.000000e-01 : f32
      %add3A_2088 = vector.broadcast %add3A_2087 : f32 to vector<16xf32>
      %add3A_2089 = arith.addf %add3A_2088, %mul3A_2086 : vector<16xf32>
      %mul3A_2090 = arith.mulf %mul3A_2079, %add3A_2089 : vector<16xf32>
      %add3A_2091 = arith.constant 0.666666686 : f32
      %add3A_2092 = vector.broadcast %add3A_2091 : f32 to vector<16xf32>
      %add3A_2093 = arith.addf %add3A_2092, %mul3A_2090 : vector<16xf32>
      %mul3A_2094 = arith.mulf %mul3A_2079, %add3A_2093 : vector<16xf32>
      %add3A_2095 = arith.constant 2.000000e+00 : f32
      %add3A_2096 = vector.broadcast %add3A_2095 : f32 to vector<16xf32>
      %add3A_2097 = arith.addf %add3A_2096, %mul3A_2094 : vector<16xf32>
      %mul3A_2098 = arith.mulf %div3A_2078, %add3A_2097 : vector<16xf32>
      %convert_element_type3A_2099 = arith.sitofp %select_n3A_2071 : vector<16xi32> to vector<16xf32>
      %mul3A_2100 = arith.constant 0.693147182 : f32
      %mul3A_2101 = vector.broadcast %mul3A_2100 : f32 to vector<16xf32>
      %mul3A_2102 = arith.mulf %convert_element_type3A_2099, %mul3A_2101 : vector<16xf32>
      %add3A_2103 = arith.addf %mul3A_2102, %mul3A_2098 : vector<16xf32>
      %ne3A_2104 = arith.constant -100 : i32
      %ne3A_2105 = vector.broadcast %ne3A_2104 : i32 to vector<16xi32>
      %ne3A_2106 = arith.cmpi ne, %get3A_1963, %ne3A_2105 : vector<16xi32>
      %ne3A_2107 = arith.constant -100 : i32
      %ne3A_2108 = vector.broadcast %ne3A_2107 : i32 to vector<16xi32>
      %ne3A_2109 = arith.cmpi ne, %get3A_1966, %ne3A_2108 : vector<16xi32>
      %jit3A_2110 = arith.constant 0.000000e+00 : f32
      %broadcast_in_dim3A_2111 = vector.broadcast %jit3A_2110 : f32 to vector<16xf32>
      %select_n3A_2112 = arith.select %ne3A_2106, %add3A_2045, %broadcast_in_dim3A_2111 : vector<16xi1>, vector<16xf32>
      %add3A_2113 = arith.addf %add3A_1944, %select_n3A_2112 : vector<16xf32>
      %jit3A_2114 = arith.constant 0.000000e+00 : f32
      %broadcast_in_dim3A_2115 = vector.broadcast %jit3A_2114 : f32 to vector<16xf32>
      %select_n3A_2116 = arith.select %ne3A_2109, %add3A_2103, %broadcast_in_dim3A_2115 : vector<16xi1>, vector<16xf32>
      %add3A_2117 = arith.addf %add3A_1948, %select_n3A_2116 : vector<16xf32>
      %jit3A_2118 = arith.constant 1.000000e+00 : f32
      %jit3A_2119 = arith.constant 0.000000e+00 : f32
      %broadcast_in_dim3A_2120 = vector.broadcast %jit3A_2118 : f32 to vector<16xf32>
      %broadcast_in_dim3A_2121 = vector.broadcast %jit3A_2119 : f32 to vector<16xf32>
      %select_n3A_2122 = arith.select %ne3A_2106, %broadcast_in_dim3A_2120, %broadcast_in_dim3A_2121 : vector<16xi1>, vector<16xf32>
      %add3A_2123 = arith.addf %add3A_1954, %select_n3A_2122 : vector<16xf32>
      %jit3A_2124 = arith.constant 1.000000e+00 : f32
      %jit3A_2125 = arith.constant 0.000000e+00 : f32
      %broadcast_in_dim3A_2126 = vector.broadcast %jit3A_2124 : f32 to vector<16xf32>
      %broadcast_in_dim3A_2127 = vector.broadcast %jit3A_2125 : f32 to vector<16xf32>
      %select_n3A_2128 = arith.select %ne3A_2109, %broadcast_in_dim3A_2126, %broadcast_in_dim3A_2127 : vector<16xi1>, vector<16xf32>
      %add3A_2129 = arith.addf %add3A_1960, %select_n3A_2128 : vector<16xf32>
      %get3A_2130 = arith.constant 112 : index
      %get3A_2131 = tpu.vector_load %arg8[%get3A_2130] {strides = array<i32>} : memref<256xi32, #tpu.memory_space<vmem>>, vector<16xi32>,
      %get3A_2132 = vector.shape_cast %get3A_2131 : vector<16xi32> to vector<16xi32>
      %get3A_2133 = arith.constant 112 : index
      %get3A_2134 = tpu.vector_load %arg9[%get3A_2133] {strides = array<i32>} : memref<256xi32, #tpu.memory_space<vmem>>, vector<16xi32>,
      %get3A_2135 = vector.shape_cast %get3A_2134 : vector<16xi32> to vector<16xi32>
      %get3A_2136 = arith.constant 0 : i32
      %get3A_2137 = arith.index_cast %get3A_2136 : i32 to index
      %get3A_2138 = arith.constant 112 : index
      %get3A_2139 = tpu.vector_load %arg13[%get3A_2137, %get3A_2138] {strides = array<i32>} : memref<2x128xf32, #tpu.memory_space<vmem>>, vector<1x16xf32>,
      %get3A_2140 = vector.shape_cast %get3A_2139 : vector<1x16xf32> to vector<16xf32>
      %get3A_2141 = arith.constant 0 : i32
      %get3A_2142 = arith.index_cast %get3A_2141 : i32 to index
      %get3A_2143 = arith.constant 112 : index
      %get3A_2144 = tpu.vector_load %arg14[%get3A_2142, %get3A_2143] {strides = array<i32>} : memref<2x128xf32, #tpu.memory_space<vmem>>, vector<1x16xf32>,
      %get3A_2145 = vector.shape_cast %get3A_2144 : vector<1x16xf32> to vector<16xf32>
      %get3A_2146 = arith.constant 0 : i32
      %get3A_2147 = arith.index_cast %get3A_2146 : i32 to index
      %get3A_2148 = arith.constant 112 : index
      %get3A_2149 = tpu.vector_load %arg15[%get3A_2147, %get3A_2148] {strides = array<i32>} : memref<2x128xf32, #tpu.memory_space<vmem>>, vector<1x16xf32>,
      %get3A_2150 = vector.shape_cast %get3A_2149 : vector<1x16xf32> to vector<16xf32>
      %jit3A_2151 = arith.constant 0.000000e+00 : f32
      %jit3A_2152 = arith.constant 1.000000e+00 : f32
      %max3A_2153 = vector.broadcast %jit3A_2151 : f32 to vector<16xf32>
      %max3A_2154 = arith.maximumf %max3A_2153, %get3A_2150 : vector<16xf32>
      %min3A_2155 = vector.broadcast %jit3A_2152 : f32 to vector<16xf32>
      %min3A_2156 = arith.minimumf %min3A_2155, %max3A_2154 : vector<16xf32>
      %mul3A_2157 = arith.mulf %get3A_2140, %min3A_2156 : vector<16xf32>
      %bitcast_convert_type3A_2158 = tpu.bitcast %mul3A_2157 : vector<16xf32> -> vector<16xi32>
      %shift_right_arithmetic3A_2159 = arith.constant 23 : i32
      %shift_right_arithmetic3A_2160 = vector.broadcast %shift_right_arithmetic3A_2159 : i32 to vector<16xi32>
      %shift_right_arithmetic3A_2161 = arith.shrsi %bitcast_convert_type3A_2158, %shift_right_arithmetic3A_2160 : vector<16xi32>
      %sub3A_2162 = arith.constant 127 : i32
      %sub3A_2163 = vector.broadcast %sub3A_2162 : i32 to vector<16xi32>
      %sub3A_2164 = arith.subi %shift_right_arithmetic3A_2161, %sub3A_2163 : vector<16xi32>
      %and3A_2165 = arith.constant 8388607 : i32
      %and3A_2166 = vector.broadcast %and3A_2165 : i32 to vector<16xi32>
      %and3A_2167 = arith.andi %bitcast_convert_type3A_2158, %and3A_2166 : vector<16xi32>
      %or3A_2168 = arith.constant 1065353216 : i32
      %or3A_2169 = vector.broadcast %or3A_2168 : i32 to vector<16xi32>
      %or3A_2170 = arith.ori %and3A_2167, %or3A_2169 : vector<16xi32>
      %bitcast_convert_type3A_2171 = tpu.bitcast %or3A_2170 : vector<16xi32> -> vector<16xf32>
      %gt3A_2172 = arith.constant 1.41421354 : f32
      %gt3A_2173 = vector.broadcast %gt3A_2172 : f32 to vector<16xf32>
      %gt3A_2174 = arith.cmpf ogt, %bitcast_convert_type3A_2171, %gt3A_2173 : vector<16xf32>
      %mul3A_2175 = arith.constant 5.000000e-01 : f32
      %mul3A_2176 = vector.broadcast %mul3A_2175 : f32 to vector<16xf32>
      %mul3A_2177 = arith.mulf %bitcast_convert_type3A_2171, %mul3A_2176 : vector<16xf32>
      %select_n3A_2178 = arith.select %gt3A_2174, %mul3A_2177, %bitcast_convert_type3A_2171 : vector<16xi1>, vector<16xf32>
      %add3A_2179 = arith.constant 1 : i32
      %add3A_2180 = vector.broadcast %add3A_2179 : i32 to vector<16xi32>
      %add3A_2181 = arith.addi %sub3A_2164, %add3A_2180 : vector<16xi32>
      %select_n3A_2182 = arith.select %gt3A_2174, %add3A_2181, %sub3A_2164 : vector<16xi1>, vector<16xi32>
      %sub3A_2183 = arith.constant 1.000000e+00 : f32
      %sub3A_2184 = vector.broadcast %sub3A_2183 : f32 to vector<16xf32>
      %sub3A_2185 = arith.subf %select_n3A_2178, %sub3A_2184 : vector<16xf32>
      %add3A_2186 = arith.constant 1.000000e+00 : f32
      %add3A_2187 = vector.broadcast %add3A_2186 : f32 to vector<16xf32>
      %add3A_2188 = arith.addf %select_n3A_2178, %add3A_2187 : vector<16xf32>
      %div3A_2189 = arith.divf %sub3A_2185, %add3A_2188 : vector<16xf32>
      %mul3A_2190 = arith.mulf %div3A_2189, %div3A_2189 : vector<16xf32>
      %mul3A_2191 = arith.constant 0.222222224 : f32
      %mul3A_2192 = vector.broadcast %mul3A_2191 : f32 to vector<16xf32>
      %mul3A_2193 = arith.mulf %mul3A_2190, %mul3A_2192 : vector<16xf32>
      %add3A_2194 = arith.constant 0.285714298 : f32
      %add3A_2195 = vector.broadcast %add3A_2194 : f32 to vector<16xf32>
      %add3A_2196 = arith.addf %add3A_2195, %mul3A_2193 : vector<16xf32>
      %mul3A_2197 = arith.mulf %mul3A_2190, %add3A_2196 : vector<16xf32>
      %add3A_2198 = arith.constant 4.000000e-01 : f32
      %add3A_2199 = vector.broadcast %add3A_2198 : f32 to vector<16xf32>
      %add3A_2200 = arith.addf %add3A_2199, %mul3A_2197 : vector<16xf32>
      %mul3A_2201 = arith.mulf %mul3A_2190, %add3A_2200 : vector<16xf32>
      %add3A_2202 = arith.constant 0.666666686 : f32
      %add3A_2203 = vector.broadcast %add3A_2202 : f32 to vector<16xf32>
      %add3A_2204 = arith.addf %add3A_2203, %mul3A_2201 : vector<16xf32>
      %mul3A_2205 = arith.mulf %mul3A_2190, %add3A_2204 : vector<16xf32>
      %add3A_2206 = arith.constant 2.000000e+00 : f32
      %add3A_2207 = vector.broadcast %add3A_2206 : f32 to vector<16xf32>
      %add3A_2208 = arith.addf %add3A_2207, %mul3A_2205 : vector<16xf32>
      %mul3A_2209 = arith.mulf %div3A_2189, %add3A_2208 : vector<16xf32>
      %convert_element_type3A_2210 = arith.sitofp %select_n3A_2182 : vector<16xi32> to vector<16xf32>
      %mul3A_2211 = arith.constant 0.693147182 : f32
      %mul3A_2212 = vector.broadcast %mul3A_2211 : f32 to vector<16xf32>
      %mul3A_2213 = arith.mulf %convert_element_type3A_2210, %mul3A_2212 : vector<16xf32>
      %add3A_2214 = arith.addf %mul3A_2213, %mul3A_2209 : vector<16xf32>
      %mul3A_2215 = arith.mulf %get3A_2145, %min3A_2156 : vector<16xf32>
      %bitcast_convert_type3A_2216 = tpu.bitcast %mul3A_2215 : vector<16xf32> -> vector<16xi32>
      %shift_right_arithmetic3A_2217 = arith.constant 23 : i32
      %shift_right_arithmetic3A_2218 = vector.broadcast %shift_right_arithmetic3A_2217 : i32 to vector<16xi32>
      %shift_right_arithmetic3A_2219 = arith.shrsi %bitcast_convert_type3A_2216, %shift_right_arithmetic3A_2218 : vector<16xi32>
      %sub3A_2220 = arith.constant 127 : i32
      %sub3A_2221 = vector.broadcast %sub3A_2220 : i32 to vector<16xi32>
      %sub3A_2222 = arith.subi %shift_right_arithmetic3A_2219, %sub3A_2221 : vector<16xi32>
      %and3A_2223 = arith.constant 8388607 : i32
      %and3A_2224 = vector.broadcast %and3A_2223 : i32 to vector<16xi32>
      %and3A_2225 = arith.andi %bitcast_convert_type3A_2216, %and3A_2224 : vector<16xi32>
      %or3A_2226 = arith.constant 1065353216 : i32
      %or3A_2227 = vector.broadcast %or3A_2226 : i32 to vector<16xi32>
      %or3A_2228 = arith.ori %and3A_2225, %or3A_2227 : vector<16xi32>
      %bitcast_convert_type3A_2229 = tpu.bitcast %or3A_2228 : vector<16xi32> -> vector<16xf32>
      %gt3A_2230 = arith.constant 1.41421354 : f32
      %gt3A_2231 = vector.broadcast %gt3A_2230 : f32 to vector<16xf32>
      %gt3A_2232 = arith.cmpf ogt, %bitcast_convert_type3A_2229, %gt3A_2231 : vector<16xf32>
      %mul3A_2233 = arith.constant 5.000000e-01 : f32
      %mul3A_2234 = vector.broadcast %mul3A_2233 : f32 to vector<16xf32>
      %mul3A_2235 = arith.mulf %bitcast_convert_type3A_2229, %mul3A_2234 : vector<16xf32>
      %select_n3A_2236 = arith.select %gt3A_2232, %mul3A_2235, %bitcast_convert_type3A_2229 : vector<16xi1>, vector<16xf32>
      %add3A_2237 = arith.constant 1 : i32
      %add3A_2238 = vector.broadcast %add3A_2237 : i32 to vector<16xi32>
      %add3A_2239 = arith.addi %sub3A_2222, %add3A_2238 : vector<16xi32>
      %select_n3A_2240 = arith.select %gt3A_2232, %add3A_2239, %sub3A_2222 : vector<16xi1>, vector<16xi32>
      %sub3A_2241 = arith.constant 1.000000e+00 : f32
      %sub3A_2242 = vector.broadcast %sub3A_2241 : f32 to vector<16xf32>
      %sub3A_2243 = arith.subf %select_n3A_2236, %sub3A_2242 : vector<16xf32>
      %add3A_2244 = arith.constant 1.000000e+00 : f32
      %add3A_2245 = vector.broadcast %add3A_2244 : f32 to vector<16xf32>
      %add3A_2246 = arith.addf %select_n3A_2236, %add3A_2245 : vector<16xf32>
      %div3A_2247 = arith.divf %sub3A_2243, %add3A_2246 : vector<16xf32>
      %mul3A_2248 = arith.mulf %div3A_2247, %div3A_2247 : vector<16xf32>
      %mul3A_2249 = arith.constant 0.222222224 : f32
      %mul3A_2250 = vector.broadcast %mul3A_2249 : f32 to vector<16xf32>
      %mul3A_2251 = arith.mulf %mul3A_2248, %mul3A_2250 : vector<16xf32>
      %add3A_2252 = arith.constant 0.285714298 : f32
      %add3A_2253 = vector.broadcast %add3A_2252 : f32 to vector<16xf32>
      %add3A_2254 = arith.addf %add3A_2253, %mul3A_2251 : vector<16xf32>
      %mul3A_2255 = arith.mulf %mul3A_2248, %add3A_2254 : vector<16xf32>
      %add3A_2256 = arith.constant 4.000000e-01 : f32
      %add3A_2257 = vector.broadcast %add3A_2256 : f32 to vector<16xf32>
      %add3A_2258 = arith.addf %add3A_2257, %mul3A_2255 : vector<16xf32>
      %mul3A_2259 = arith.mulf %mul3A_2248, %add3A_2258 : vector<16xf32>
      %add3A_2260 = arith.constant 0.666666686 : f32
      %add3A_2261 = vector.broadcast %add3A_2260 : f32 to vector<16xf32>
      %add3A_2262 = arith.addf %add3A_2261, %mul3A_2259 : vector<16xf32>
      %mul3A_2263 = arith.mulf %mul3A_2248, %add3A_2262 : vector<16xf32>
      %add3A_2264 = arith.constant 2.000000e+00 : f32
      %add3A_2265 = vector.broadcast %add3A_2264 : f32 to vector<16xf32>
      %add3A_2266 = arith.addf %add3A_2265, %mul3A_2263 : vector<16xf32>
      %mul3A_2267 = arith.mulf %div3A_2247, %add3A_2266 : vector<16xf32>
      %convert_element_type3A_2268 = arith.sitofp %select_n3A_2240 : vector<16xi32> to vector<16xf32>
      %mul3A_2269 = arith.constant 0.693147182 : f32
      %mul3A_2270 = vector.broadcast %mul3A_2269 : f32 to vector<16xf32>
      %mul3A_2271 = arith.mulf %convert_element_type3A_2268, %mul3A_2270 : vector<16xf32>
      %add3A_2272 = arith.addf %mul3A_2271, %mul3A_2267 : vector<16xf32>
      %ne3A_2273 = arith.constant -100 : i32
      %ne3A_2274 = vector.broadcast %ne3A_2273 : i32 to vector<16xi32>
      %ne3A_2275 = arith.cmpi ne, %get3A_2132, %ne3A_2274 : vector<16xi32>
      %ne3A_2276 = arith.constant -100 : i32
      %ne3A_2277 = vector.broadcast %ne3A_2276 : i32 to vector<16xi32>
      %ne3A_2278 = arith.cmpi ne, %get3A_2135, %ne3A_2277 : vector<16xi32>
      %jit3A_2279 = arith.constant 0.000000e+00 : f32
      %broadcast_in_dim3A_2280 = vector.broadcast %jit3A_2279 : f32 to vector<16xf32>
      %select_n3A_2281 = arith.select %ne3A_2275, %add3A_2214, %broadcast_in_dim3A_2280 : vector<16xi1>, vector<16xf32>
      %add3A_2282 = arith.addf %add3A_2113, %select_n3A_2281 : vector<16xf32>
      %jit3A_2283 = arith.constant 0.000000e+00 : f32
      %broadcast_in_dim3A_2284 = vector.broadcast %jit3A_2283 : f32 to vector<16xf32>
      %select_n3A_2285 = arith.select %ne3A_2278, %add3A_2272, %broadcast_in_dim3A_2284 : vector<16xi1>, vector<16xf32>
      %add3A_2286 = arith.addf %add3A_2117, %select_n3A_2285 : vector<16xf32>
      %jit3A_2287 = arith.constant 1.000000e+00 : f32
      %jit3A_2288 = arith.constant 0.000000e+00 : f32
      %broadcast_in_dim3A_2289 = vector.broadcast %jit3A_2287 : f32 to vector<16xf32>
      %broadcast_in_dim3A_2290 = vector.broadcast %jit3A_2288 : f32 to vector<16xf32>
      %select_n3A_2291 = arith.select %ne3A_2275, %broadcast_in_dim3A_2289, %broadcast_in_dim3A_2290 : vector<16xi1>, vector<16xf32>
      %add3A_2292 = arith.addf %add3A_2123, %select_n3A_2291 : vector<16xf32>
      %jit3A_2293 = arith.constant 1.000000e+00 : f32
      %jit3A_2294 = arith.constant 0.000000e+00 : f32
      %broadcast_in_dim3A_2295 = vector.broadcast %jit3A_2293 : f32 to vector<16xf32>
      %broadcast_in_dim3A_2296 = vector.broadcast %jit3A_2294 : f32 to vector<16xf32>
      %select_n3A_2297 = arith.select %ne3A_2278, %broadcast_in_dim3A_2295, %broadcast_in_dim3A_2296 : vector<16xi1>, vector<16xf32>
      %add3A_2298 = arith.addf %add3A_2129, %select_n3A_2297 : vector<16xf32>
      %get3A_2299 = arith.constant 128 : index
      %get3A_2300 = tpu.vector_load %arg8[%get3A_2299] {strides = array<i32>} : memref<256xi32, #tpu.memory_space<vmem>>, vector<16xi32>,
      %get3A_2301 = vector.shape_cast %get3A_2300 : vector<16xi32> to vector<16xi32>
      %get3A_2302 = arith.constant 128 : index
      %get3A_2303 = tpu.vector_load %arg9[%get3A_2302] {strides = array<i32>} : memref<256xi32, #tpu.memory_space<vmem>>, vector<16xi32>,
      %get3A_2304 = vector.shape_cast %get3A_2303 : vector<16xi32> to vector<16xi32>
      %get3A_2305 = arith.constant 1 : i32
      %get3A_2306 = arith.index_cast %get3A_2305 : i32 to index
      %get3A_2307 = arith.constant 0 : index
      %get3A_2308 = tpu.vector_load %arg13[%get3A_2306, %get3A_2307] {strides = array<i32>} : memref<2x128xf32, #tpu.memory_space<vmem>>, vector<1x16xf32>,
      %get3A_2309 = vector.shape_cast %get3A_2308 : vector<1x16xf32> to vector<16xf32>
      %get3A_2310 = arith.constant 1 : i32
      %get3A_2311 = arith.index_cast %get3A_2310 : i32 to index
      %get3A_2312 = arith.constant 0 : index
      %get3A_2313 = tpu.vector_load %arg14[%get3A_2311, %get3A_2312] {strides = array<i32>} : memref<2x128xf32, #tpu.memory_space<vmem>>, vector<1x16xf32>,
      %get3A_2314 = vector.shape_cast %get3A_2313 : vector<1x16xf32> to vector<16xf32>
      %get3A_2315 = arith.constant 1 : i32
      %get3A_2316 = arith.index_cast %get3A_2315 : i32 to index
      %get3A_2317 = arith.constant 0 : index
      %get3A_2318 = tpu.vector_load %arg15[%get3A_2316, %get3A_2317] {strides = array<i32>} : memref<2x128xf32, #tpu.memory_space<vmem>>, vector<1x16xf32>,
      %get3A_2319 = vector.shape_cast %get3A_2318 : vector<1x16xf32> to vector<16xf32>
      %jit3A_2320 = arith.constant 0.000000e+00 : f32
      %jit3A_2321 = arith.constant 1.000000e+00 : f32
      %max3A_2322 = vector.broadcast %jit3A_2320 : f32 to vector<16xf32>
      %max3A_2323 = arith.maximumf %max3A_2322, %get3A_2319 : vector<16xf32>
      %min3A_2324 = vector.broadcast %jit3A_2321 : f32 to vector<16xf32>
      %min3A_2325 = arith.minimumf %min3A_2324, %max3A_2323 : vector<16xf32>
      %mul3A_2326 = arith.mulf %get3A_2309, %min3A_2325 : vector<16xf32>
      %bitcast_convert_type3A_2327 = tpu.bitcast %mul3A_2326 : vector<16xf32> -> vector<16xi32>
      %shift_right_arithmetic3A_2328 = arith.constant 23 : i32
      %shift_right_arithmetic3A_2329 = vector.broadcast %shift_right_arithmetic3A_2328 : i32 to vector<16xi32>
      %shift_right_arithmetic3A_2330 = arith.shrsi %bitcast_convert_type3A_2327, %shift_right_arithmetic3A_2329 : vector<16xi32>
      %sub3A_2331 = arith.constant 127 : i32
      %sub3A_2332 = vector.broadcast %sub3A_2331 : i32 to vector<16xi32>
      %sub3A_2333 = arith.subi %shift_right_arithmetic3A_2330, %sub3A_2332 : vector<16xi32>
      %and3A_2334 = arith.constant 8388607 : i32
      %and3A_2335 = vector.broadcast %and3A_2334 : i32 to vector<16xi32>
      %and3A_2336 = arith.andi %bitcast_convert_type3A_2327, %and3A_2335 : vector<16xi32>
      %or3A_2337 = arith.constant 1065353216 : i32
      %or3A_2338 = vector.broadcast %or3A_2337 : i32 to vector<16xi32>
      %or3A_2339 = arith.ori %and3A_2336, %or3A_2338 : vector<16xi32>
      %bitcast_convert_type3A_2340 = tpu.bitcast %or3A_2339 : vector<16xi32> -> vector<16xf32>
      %gt3A_2341 = arith.constant 1.41421354 : f32
      %gt3A_2342 = vector.broadcast %gt3A_2341 : f32 to vector<16xf32>
      %gt3A_2343 = arith.cmpf ogt, %bitcast_convert_type3A_2340, %gt3A_2342 : vector<16xf32>
      %mul3A_2344 = arith.constant 5.000000e-01 : f32
      %mul3A_2345 = vector.broadcast %mul3A_2344 : f32 to vector<16xf32>
      %mul3A_2346 = arith.mulf %bitcast_convert_type3A_2340, %mul3A_2345 : vector<16xf32>
      %select_n3A_2347 = arith.select %gt3A_2343, %mul3A_2346, %bitcast_convert_type3A_2340 : vector<16xi1>, vector<16xf32>
      %add3A_2348 = arith.constant 1 : i32
      %add3A_2349 = vector.broadcast %add3A_2348 : i32 to vector<16xi32>
      %add3A_2350 = arith.addi %sub3A_2333, %add3A_2349 : vector<16xi32>
      %select_n3A_2351 = arith.select %gt3A_2343, %add3A_2350, %sub3A_2333 : vector<16xi1>, vector<16xi32>
      %sub3A_2352 = arith.constant 1.000000e+00 : f32
      %sub3A_2353 = vector.broadcast %sub3A_2352 : f32 to vector<16xf32>
      %sub3A_2354 = arith.subf %select_n3A_2347, %sub3A_2353 : vector<16xf32>
      %add3A_2355 = arith.constant 1.000000e+00 : f32
      %add3A_2356 = vector.broadcast %add3A_2355 : f32 to vector<16xf32>
      %add3A_2357 = arith.addf %select_n3A_2347, %add3A_2356 : vector<16xf32>
      %div3A_2358 = arith.divf %sub3A_2354, %add3A_2357 : vector<16xf32>
      %mul3A_2359 = arith.mulf %div3A_2358, %div3A_2358 : vector<16xf32>
      %mul3A_2360 = arith.constant 0.222222224 : f32
      %mul3A_2361 = vector.broadcast %mul3A_2360 : f32 to vector<16xf32>
      %mul3A_2362 = arith.mulf %mul3A_2359, %mul3A_2361 : vector<16xf32>
      %add3A_2363 = arith.constant 0.285714298 : f32
      %add3A_2364 = vector.broadcast %add3A_2363 : f32 to vector<16xf32>
      %add3A_2365 = arith.addf %add3A_2364, %mul3A_2362 : vector<16xf32>
      %mul3A_2366 = arith.mulf %mul3A_2359, %add3A_2365 : vector<16xf32>
      %add3A_2367 = arith.constant 4.000000e-01 : f32
      %add3A_2368 = vector.broadcast %add3A_2367 : f32 to vector<16xf32>
      %add3A_2369 = arith.addf %add3A_2368, %mul3A_2366 : vector<16xf32>
      %mul3A_2370 = arith.mulf %mul3A_2359, %add3A_2369 : vector<16xf32>
      %add3A_2371 = arith.constant 0.666666686 : f32
      %add3A_2372 = vector.broadcast %add3A_2371 : f32 to vector<16xf32>
      %add3A_2373 = arith.addf %add3A_2372, %mul3A_2370 : vector<16xf32>
      %mul3A_2374 = arith.mulf %mul3A_2359, %add3A_2373 : vector<16xf32>
      %add3A_2375 = arith.constant 2.000000e+00 : f32
      %add3A_2376 = vector.broadcast %add3A_2375 : f32 to vector<16xf32>
      %add3A_2377 = arith.addf %add3A_2376, %mul3A_2374 : vector<16xf32>
      %mul3A_2378 = arith.mulf %div3A_2358, %add3A_2377 : vector<16xf32>
      %convert_element_type3A_2379 = arith.sitofp %select_n3A_2351 : vector<16xi32> to vector<16xf32>
      %mul3A_2380 = arith.constant 0.693147182 : f32
      %mul3A_2381 = vector.broadcast %mul3A_2380 : f32 to vector<16xf32>
      %mul3A_2382 = arith.mulf %convert_element_type3A_2379, %mul3A_2381 : vector<16xf32>
      %add3A_2383 = arith.addf %mul3A_2382, %mul3A_2378 : vector<16xf32>
      %mul3A_2384 = arith.mulf %get3A_2314, %min3A_2325 : vector<16xf32>
      %bitcast_convert_type3A_2385 = tpu.bitcast %mul3A_2384 : vector<16xf32> -> vector<16xi32>
      %shift_right_arithmetic3A_2386 = arith.constant 23 : i32
      %shift_right_arithmetic3A_2387 = vector.broadcast %shift_right_arithmetic3A_2386 : i32 to vector<16xi32>
      %shift_right_arithmetic3A_2388 = arith.shrsi %bitcast_convert_type3A_2385, %shift_right_arithmetic3A_2387 : vector<16xi32>
      %sub3A_2389 = arith.constant 127 : i32
      %sub3A_2390 = vector.broadcast %sub3A_2389 : i32 to vector<16xi32>
      %sub3A_2391 = arith.subi %shift_right_arithmetic3A_2388, %sub3A_2390 : vector<16xi32>
      %and3A_2392 = arith.constant 8388607 : i32
      %and3A_2393 = vector.broadcast %and3A_2392 : i32 to vector<16xi32>
      %and3A_2394 = arith.andi %bitcast_convert_type3A_2385, %and3A_2393 : vector<16xi32>
      %or3A_2395 = arith.constant 1065353216 : i32
      %or3A_2396 = vector.broadcast %or3A_2395 : i32 to vector<16xi32>
      %or3A_2397 = arith.ori %and3A_2394, %or3A_2396 : vector<16xi32>
      %bitcast_convert_type3A_2398 = tpu.bitcast %or3A_2397 : vector<16xi32> -> vector<16xf32>
      %gt3A_2399 = arith.constant 1.41421354 : f32
      %gt3A_2400 = vector.broadcast %gt3A_2399 : f32 to vector<16xf32>
      %gt3A_2401 = arith.cmpf ogt, %bitcast_convert_type3A_2398, %gt3A_2400 : vector<16xf32>
      %mul3A_2402 = arith.constant 5.000000e-01 : f32
      %mul3A_2403 = vector.broadcast %mul3A_2402 : f32 to vector<16xf32>
      %mul3A_2404 = arith.mulf %bitcast_convert_type3A_2398, %mul3A_2403 : vector<16xf32>
      %select_n3A_2405 = arith.select %gt3A_2401, %mul3A_2404, %bitcast_convert_type3A_2398 : vector<16xi1>, vector<16xf32>
      %add3A_2406 = arith.constant 1 : i32
      %add3A_2407 = vector.broadcast %add3A_2406 : i32 to vector<16xi32>
      %add3A_2408 = arith.addi %sub3A_2391, %add3A_2407 : vector<16xi32>
      %select_n3A_2409 = arith.select %gt3A_2401, %add3A_2408, %sub3A_2391 : vector<16xi1>, vector<16xi32>
      %sub3A_2410 = arith.constant 1.000000e+00 : f32
      %sub3A_2411 = vector.broadcast %sub3A_2410 : f32 to vector<16xf32>
      %sub3A_2412 = arith.subf %select_n3A_2405, %sub3A_2411 : vector<16xf32>
      %add3A_2413 = arith.constant 1.000000e+00 : f32
      %add3A_2414 = vector.broadcast %add3A_2413 : f32 to vector<16xf32>
      %add3A_2415 = arith.addf %select_n3A_2405, %add3A_2414 : vector<16xf32>
      %div3A_2416 = arith.divf %sub3A_2412, %add3A_2415 : vector<16xf32>
      %mul3A_2417 = arith.mulf %div3A_2416, %div3A_2416 : vector<16xf32>
      %mul3A_2418 = arith.constant 0.222222224 : f32
      %mul3A_2419 = vector.broadcast %mul3A_2418 : f32 to vector<16xf32>
      %mul3A_2420 = arith.mulf %mul3A_2417, %mul3A_2419 : vector<16xf32>
      %add3A_2421 = arith.constant 0.285714298 : f32
      %add3A_2422 = vector.broadcast %add3A_2421 : f32 to vector<16xf32>
      %add3A_2423 = arith.addf %add3A_2422, %mul3A_2420 : vector<16xf32>
      %mul3A_2424 = arith.mulf %mul3A_2417, %add3A_2423 : vector<16xf32>
      %add3A_2425 = arith.constant 4.000000e-01 : f32
      %add3A_2426 = vector.broadcast %add3A_2425 : f32 to vector<16xf32>
      %add3A_2427 = arith.addf %add3A_2426, %mul3A_2424 : vector<16xf32>
      %mul3A_2428 = arith.mulf %mul3A_2417, %add3A_2427 : vector<16xf32>
      %add3A_2429 = arith.constant 0.666666686 : f32
      %add3A_2430 = vector.broadcast %add3A_2429 : f32 to vector<16xf32>
      %add3A_2431 = arith.addf %add3A_2430, %mul3A_2428 : vector<16xf32>
      %mul3A_2432 = arith.mulf %mul3A_2417, %add3A_2431 : vector<16xf32>
      %add3A_2433 = arith.constant 2.000000e+00 : f32
      %add3A_2434 = vector.broadcast %add3A_2433 : f32 to vector<16xf32>
      %add3A_2435 = arith.addf %add3A_2434, %mul3A_2432 : vector<16xf32>
      %mul3A_2436 = arith.mulf %div3A_2416, %add3A_2435 : vector<16xf32>
      %convert_element_type3A_2437 = arith.sitofp %select_n3A_2409 : vector<16xi32> to vector<16xf32>
      %mul3A_2438 = arith.constant 0.693147182 : f32
      %mul3A_2439 = vector.broadcast %mul3A_2438 : f32 to vector<16xf32>
      %mul3A_2440 = arith.mulf %convert_element_type3A_2437, %mul3A_2439 : vector<16xf32>
      %add3A_2441 = arith.addf %mul3A_2440, %mul3A_2436 : vector<16xf32>
      %ne3A_2442 = arith.constant -100 : i32
      %ne3A_2443 = vector.broadcast %ne3A_2442 : i32 to vector<16xi32>
      %ne3A_2444 = arith.cmpi ne, %get3A_2301, %ne3A_2443 : vector<16xi32>
      %ne3A_2445 = arith.constant -100 : i32
      %ne3A_2446 = vector.broadcast %ne3A_2445 : i32 to vector<16xi32>
      %ne3A_2447 = arith.cmpi ne, %get3A_2304, %ne3A_2446 : vector<16xi32>
      %jit3A_2448 = arith.constant 0.000000e+00 : f32
      %broadcast_in_dim3A_2449 = vector.broadcast %jit3A_2448 : f32 to vector<16xf32>
      %select_n3A_2450 = arith.select %ne3A_2444, %add3A_2383, %broadcast_in_dim3A_2449 : vector<16xi1>, vector<16xf32>
      %add3A_2451 = arith.addf %add3A_2282, %select_n3A_2450 : vector<16xf32>
      %jit3A_2452 = arith.constant 0.000000e+00 : f32
      %broadcast_in_dim3A_2453 = vector.broadcast %jit3A_2452 : f32 to vector<16xf32>
      %select_n3A_2454 = arith.select %ne3A_2447, %add3A_2441, %broadcast_in_dim3A_2453 : vector<16xi1>, vector<16xf32>
      %add3A_2455 = arith.addf %add3A_2286, %select_n3A_2454 : vector<16xf32>
      %jit3A_2456 = arith.constant 1.000000e+00 : f32
      %jit3A_2457 = arith.constant 0.000000e+00 : f32
      %broadcast_in_dim3A_2458 = vector.broadcast %jit3A_2456 : f32 to vector<16xf32>
      %broadcast_in_dim3A_2459 = vector.broadcast %jit3A_2457 : f32 to vector<16xf32>
      %select_n3A_2460 = arith.select %ne3A_2444, %broadcast_in_dim3A_2458, %broadcast_in_dim3A_2459 : vector<16xi1>, vector<16xf32>
      %add3A_2461 = arith.addf %add3A_2292, %select_n3A_2460 : vector<16xf32>
      %jit3A_2462 = arith.constant 1.000000e+00 : f32
      %jit3A_2463 = arith.constant 0.000000e+00 : f32
      %broadcast_in_dim3A_2464 = vector.broadcast %jit3A_2462 : f32 to vector<16xf32>
      %broadcast_in_dim3A_2465 = vector.broadcast %jit3A_2463 : f32 to vector<16xf32>
      %select_n3A_2466 = arith.select %ne3A_2447, %broadcast_in_dim3A_2464, %broadcast_in_dim3A_2465 : vector<16xi1>, vector<16xf32>
      %add3A_2467 = arith.addf %add3A_2298, %select_n3A_2466 : vector<16xf32>
      %get3A_2468 = arith.constant 144 : index
      %get3A_2469 = tpu.vector_load %arg8[%get3A_2468] {strides = array<i32>} : memref<256xi32, #tpu.memory_space<vmem>>, vector<16xi32>,
      %get3A_2470 = vector.shape_cast %get3A_2469 : vector<16xi32> to vector<16xi32>
      %get3A_2471 = arith.constant 144 : index
      %get3A_2472 = tpu.vector_load %arg9[%get3A_2471] {strides = array<i32>} : memref<256xi32, #tpu.memory_space<vmem>>, vector<16xi32>,
      %get3A_2473 = vector.shape_cast %get3A_2472 : vector<16xi32> to vector<16xi32>
      %get3A_2474 = arith.constant 1 : i32
      %get3A_2475 = arith.index_cast %get3A_2474 : i32 to index
      %get3A_2476 = arith.constant 16 : index
      %get3A_2477 = tpu.vector_load %arg13[%get3A_2475, %get3A_2476] {strides = array<i32>} : memref<2x128xf32, #tpu.memory_space<vmem>>, vector<1x16xf32>,
      %get3A_2478 = vector.shape_cast %get3A_2477 : vector<1x16xf32> to vector<16xf32>
      %get3A_2479 = arith.constant 1 : i32
      %get3A_2480 = arith.index_cast %get3A_2479 : i32 to index
      %get3A_2481 = arith.constant 16 : index
      %get3A_2482 = tpu.vector_load %arg14[%get3A_2480, %get3A_2481] {strides = array<i32>} : memref<2x128xf32, #tpu.memory_space<vmem>>, vector<1x16xf32>,
      %get3A_2483 = vector.shape_cast %get3A_2482 : vector<1x16xf32> to vector<16xf32>
      %get3A_2484 = arith.constant 1 : i32
      %get3A_2485 = arith.index_cast %get3A_2484 : i32 to index
      %get3A_2486 = arith.constant 16 : index
      %get3A_2487 = tpu.vector_load %arg15[%get3A_2485, %get3A_2486] {strides = array<i32>} : memref<2x128xf32, #tpu.memory_space<vmem>>, vector<1x16xf32>,
      %get3A_2488 = vector.shape_cast %get3A_2487 : vector<1x16xf32> to vector<16xf32>
      %jit3A_2489 = arith.constant 0.000000e+00 : f32
      %jit3A_2490 = arith.constant 1.000000e+00 : f32
      %max3A_2491 = vector.broadcast %jit3A_2489 : f32 to vector<16xf32>
      %max3A_2492 = arith.maximumf %max3A_2491, %get3A_2488 : vector<16xf32>
      %min3A_2493 = vector.broadcast %jit3A_2490 : f32 to vector<16xf32>
      %min3A_2494 = arith.minimumf %min3A_2493, %max3A_2492 : vector<16xf32>
      %mul3A_2495 = arith.mulf %get3A_2478, %min3A_2494 : vector<16xf32>
      %bitcast_convert_type3A_2496 = tpu.bitcast %mul3A_2495 : vector<16xf32> -> vector<16xi32>
      %shift_right_arithmetic3A_2497 = arith.constant 23 : i32
      %shift_right_arithmetic3A_2498 = vector.broadcast %shift_right_arithmetic3A_2497 : i32 to vector<16xi32>
      %shift_right_arithmetic3A_2499 = arith.shrsi %bitcast_convert_type3A_2496, %shift_right_arithmetic3A_2498 : vector<16xi32>
      %sub3A_2500 = arith.constant 127 : i32
      %sub3A_2501 = vector.broadcast %sub3A_2500 : i32 to vector<16xi32>
      %sub3A_2502 = arith.subi %shift_right_arithmetic3A_2499, %sub3A_2501 : vector<16xi32>
      %and3A_2503 = arith.constant 8388607 : i32
      %and3A_2504 = vector.broadcast %and3A_2503 : i32 to vector<16xi32>
      %and3A_2505 = arith.andi %bitcast_convert_type3A_2496, %and3A_2504 : vector<16xi32>
      %or3A_2506 = arith.constant 1065353216 : i32
      %or3A_2507 = vector.broadcast %or3A_2506 : i32 to vector<16xi32>
      %or3A_2508 = arith.ori %and3A_2505, %or3A_2507 : vector<16xi32>
      %bitcast_convert_type3A_2509 = tpu.bitcast %or3A_2508 : vector<16xi32> -> vector<16xf32>
      %gt3A_2510 = arith.constant 1.41421354 : f32
      %gt3A_2511 = vector.broadcast %gt3A_2510 : f32 to vector<16xf32>
      %gt3A_2512 = arith.cmpf ogt, %bitcast_convert_type3A_2509, %gt3A_2511 : vector<16xf32>
      %mul3A_2513 = arith.constant 5.000000e-01 : f32
      %mul3A_2514 = vector.broadcast %mul3A_2513 : f32 to vector<16xf32>
      %mul3A_2515 = arith.mulf %bitcast_convert_type3A_2509, %mul3A_2514 : vector<16xf32>
      %select_n3A_2516 = arith.select %gt3A_2512, %mul3A_2515, %bitcast_convert_type3A_2509 : vector<16xi1>, vector<16xf32>
      %add3A_2517 = arith.constant 1 : i32
      %add3A_2518 = vector.broadcast %add3A_2517 : i32 to vector<16xi32>
      %add3A_2519 = arith.addi %sub3A_2502, %add3A_2518 : vector<16xi32>
      %select_n3A_2520 = arith.select %gt3A_2512, %add3A_2519, %sub3A_2502 : vector<16xi1>, vector<16xi32>
      %sub3A_2521 = arith.constant 1.000000e+00 : f32
      %sub3A_2522 = vector.broadcast %sub3A_2521 : f32 to vector<16xf32>
      %sub3A_2523 = arith.subf %select_n3A_2516, %sub3A_2522 : vector<16xf32>
      %add3A_2524 = arith.constant 1.000000e+00 : f32
      %add3A_2525 = vector.broadcast %add3A_2524 : f32 to vector<16xf32>
      %add3A_2526 = arith.addf %select_n3A_2516, %add3A_2525 : vector<16xf32>
      %div3A_2527 = arith.divf %sub3A_2523, %add3A_2526 : vector<16xf32>
      %mul3A_2528 = arith.mulf %div3A_2527, %div3A_2527 : vector<16xf32>
      %mul3A_2529 = arith.constant 0.222222224 : f32
      %mul3A_2530 = vector.broadcast %mul3A_2529 : f32 to vector<16xf32>
      %mul3A_2531 = arith.mulf %mul3A_2528, %mul3A_2530 : vector<16xf32>
      %add3A_2532 = arith.constant 0.285714298 : f32
      %add3A_2533 = vector.broadcast %add3A_2532 : f32 to vector<16xf32>
      %add3A_2534 = arith.addf %add3A_2533, %mul3A_2531 : vector<16xf32>
      %mul3A_2535 = arith.mulf %mul3A_2528, %add3A_2534 : vector<16xf32>
      %add3A_2536 = arith.constant 4.000000e-01 : f32
      %add3A_2537 = vector.broadcast %add3A_2536 : f32 to vector<16xf32>
      %add3A_2538 = arith.addf %add3A_2537, %mul3A_2535 : vector<16xf32>
      %mul3A_2539 = arith.mulf %mul3A_2528, %add3A_2538 : vector<16xf32>
      %add3A_2540 = arith.constant 0.666666686 : f32
      %add3A_2541 = vector.broadcast %add3A_2540 : f32 to vector<16xf32>
      %add3A_2542 = arith.addf %add3A_2541, %mul3A_2539 : vector<16xf32>
      %mul3A_2543 = arith.mulf %mul3A_2528, %add3A_2542 : vector<16xf32>
      %add3A_2544 = arith.constant 2.000000e+00 : f32
      %add3A_2545 = vector.broadcast %add3A_2544 : f32 to vector<16xf32>
      %add3A_2546 = arith.addf %add3A_2545, %mul3A_2543 : vector<16xf32>
      %mul3A_2547 = arith.mulf %div3A_2527, %add3A_2546 : vector<16xf32>
      %convert_element_type3A_2548 = arith.sitofp %select_n3A_2520 : vector<16xi32> to vector<16xf32>
      %mul3A_2549 = arith.constant 0.693147182 : f32
      %mul3A_2550 = vector.broadcast %mul3A_2549 : f32 to vector<16xf32>
      %mul3A_2551 = arith.mulf %convert_element_type3A_2548, %mul3A_2550 : vector<16xf32>
      %add3A_2552 = arith.addf %mul3A_2551, %mul3A_2547 : vector<16xf32>
      %mul3A_2553 = arith.mulf %get3A_2483, %min3A_2494 : vector<16xf32>
      %bitcast_convert_type3A_2554 = tpu.bitcast %mul3A_2553 : vector<16xf32> -> vector<16xi32>
      %shift_right_arithmetic3A_2555 = arith.constant 23 : i32
      %shift_right_arithmetic3A_2556 = vector.broadcast %shift_right_arithmetic3A_2555 : i32 to vector<16xi32>
      %shift_right_arithmetic3A_2557 = arith.shrsi %bitcast_convert_type3A_2554, %shift_right_arithmetic3A_2556 : vector<16xi32>
      %sub3A_2558 = arith.constant 127 : i32
      %sub3A_2559 = vector.broadcast %sub3A_2558 : i32 to vector<16xi32>
      %sub3A_2560 = arith.subi %shift_right_arithmetic3A_2557, %sub3A_2559 : vector<16xi32>
      %and3A_2561 = arith.constant 8388607 : i32
      %and3A_2562 = vector.broadcast %and3A_2561 : i32 to vector<16xi32>
      %and3A_2563 = arith.andi %bitcast_convert_type3A_2554, %and3A_2562 : vector<16xi32>
      %or3A_2564 = arith.constant 1065353216 : i32
      %or3A_2565 = vector.broadcast %or3A_2564 : i32 to vector<16xi32>
      %or3A_2566 = arith.ori %and3A_2563, %or3A_2565 : vector<16xi32>
      %bitcast_convert_type3A_2567 = tpu.bitcast %or3A_2566 : vector<16xi32> -> vector<16xf32>
      %gt3A_2568 = arith.constant 1.41421354 : f32
      %gt3A_2569 = vector.broadcast %gt3A_2568 : f32 to vector<16xf32>
      %gt3A_2570 = arith.cmpf ogt, %bitcast_convert_type3A_2567, %gt3A_2569 : vector<16xf32>
      %mul3A_2571 = arith.constant 5.000000e-01 : f32
      %mul3A_2572 = vector.broadcast %mul3A_2571 : f32 to vector<16xf32>
      %mul3A_2573 = arith.mulf %bitcast_convert_type3A_2567, %mul3A_2572 : vector<16xf32>
      %select_n3A_2574 = arith.select %gt3A_2570, %mul3A_2573, %bitcast_convert_type3A_2567 : vector<16xi1>, vector<16xf32>
      %add3A_2575 = arith.constant 1 : i32
      %add3A_2576 = vector.broadcast %add3A_2575 : i32 to vector<16xi32>
      %add3A_2577 = arith.addi %sub3A_2560, %add3A_2576 : vector<16xi32>
      %select_n3A_2578 = arith.select %gt3A_2570, %add3A_2577, %sub3A_2560 : vector<16xi1>, vector<16xi32>
      %sub3A_2579 = arith.constant 1.000000e+00 : f32
      %sub3A_2580 = vector.broadcast %sub3A_2579 : f32 to vector<16xf32>
      %sub3A_2581 = arith.subf %select_n3A_2574, %sub3A_2580 : vector<16xf32>
      %add3A_2582 = arith.constant 1.000000e+00 : f32
      %add3A_2583 = vector.broadcast %add3A_2582 : f32 to vector<16xf32>
      %add3A_2584 = arith.addf %select_n3A_2574, %add3A_2583 : vector<16xf32>
      %div3A_2585 = arith.divf %sub3A_2581, %add3A_2584 : vector<16xf32>
      %mul3A_2586 = arith.mulf %div3A_2585, %div3A_2585 : vector<16xf32>
      %mul3A_2587 = arith.constant 0.222222224 : f32
      %mul3A_2588 = vector.broadcast %mul3A_2587 : f32 to vector<16xf32>
      %mul3A_2589 = arith.mulf %mul3A_2586, %mul3A_2588 : vector<16xf32>
      %add3A_2590 = arith.constant 0.285714298 : f32
      %add3A_2591 = vector.broadcast %add3A_2590 : f32 to vector<16xf32>
      %add3A_2592 = arith.addf %add3A_2591, %mul3A_2589 : vector<16xf32>
      %mul3A_2593 = arith.mulf %mul3A_2586, %add3A_2592 : vector<16xf32>
      %add3A_2594 = arith.constant 4.000000e-01 : f32
      %add3A_2595 = vector.broadcast %add3A_2594 : f32 to vector<16xf32>
      %add3A_2596 = arith.addf %add3A_2595, %mul3A_2593 : vector<16xf32>
      %mul3A_2597 = arith.mulf %mul3A_2586, %add3A_2596 : vector<16xf32>
      %add3A_2598 = arith.constant 0.666666686 : f32
      %add3A_2599 = vector.broadcast %add3A_2598 : f32 to vector<16xf32>
      %add3A_2600 = arith.addf %add3A_2599, %mul3A_2597 : vector<16xf32>
      %mul3A_2601 = arith.mulf %mul3A_2586, %add3A_2600 : vector<16xf32>
      %add3A_2602 = arith.constant 2.000000e+00 : f32
      %add3A_2603 = vector.broadcast %add3A_2602 : f32 to vector<16xf32>
      %add3A_2604 = arith.addf %add3A_2603, %mul3A_2601 : vector<16xf32>
      %mul3A_2605 = arith.mulf %div3A_2585, %add3A_2604 : vector<16xf32>
      %convert_element_type3A_2606 = arith.sitofp %select_n3A_2578 : vector<16xi32> to vector<16xf32>
      %mul3A_2607 = arith.constant 0.693147182 : f32
      %mul3A_2608 = vector.broadcast %mul3A_2607 : f32 to vector<16xf32>
      %mul3A_2609 = arith.mulf %convert_element_type3A_2606, %mul3A_2608 : vector<16xf32>
      %add3A_2610 = arith.addf %mul3A_2609, %mul3A_2605 : vector<16xf32>
      %ne3A_2611 = arith.constant -100 : i32
      %ne3A_2612 = vector.broadcast %ne3A_2611 : i32 to vector<16xi32>
      %ne3A_2613 = arith.cmpi ne, %get3A_2470, %ne3A_2612 : vector<16xi32>
      %ne3A_2614 = arith.constant -100 : i32
      %ne3A_2615 = vector.broadcast %ne3A_2614 : i32 to vector<16xi32>
      %ne3A_2616 = arith.cmpi ne, %get3A_2473, %ne3A_2615 : vector<16xi32>
      %jit3A_2617 = arith.constant 0.000000e+00 : f32
      %broadcast_in_dim3A_2618 = vector.broadcast %jit3A_2617 : f32 to vector<16xf32>
      %select_n3A_2619 = arith.select %ne3A_2613, %add3A_2552, %broadcast_in_dim3A_2618 : vector<16xi1>, vector<16xf32>
      %add3A_2620 = arith.addf %add3A_2451, %select_n3A_2619 : vector<16xf32>
      %jit3A_2621 = arith.constant 0.000000e+00 : f32
      %broadcast_in_dim3A_2622 = vector.broadcast %jit3A_2621 : f32 to vector<16xf32>
      %select_n3A_2623 = arith.select %ne3A_2616, %add3A_2610, %broadcast_in_dim3A_2622 : vector<16xi1>, vector<16xf32>
      %add3A_2624 = arith.addf %add3A_2455, %select_n3A_2623 : vector<16xf32>
      %jit3A_2625 = arith.constant 1.000000e+00 : f32
      %jit3A_2626 = arith.constant 0.000000e+00 : f32
      %broadcast_in_dim3A_2627 = vector.broadcast %jit3A_2625 : f32 to vector<16xf32>
      %broadcast_in_dim3A_2628 = vector.broadcast %jit3A_2626 : f32 to vector<16xf32>
      %select_n3A_2629 = arith.select %ne3A_2613, %broadcast_in_dim3A_2627, %broadcast_in_dim3A_2628 : vector<16xi1>, vector<16xf32>
      %add3A_2630 = arith.addf %add3A_2461, %select_n3A_2629 : vector<16xf32>
      %jit3A_2631 = arith.constant 1.000000e+00 : f32
      %jit3A_2632 = arith.constant 0.000000e+00 : f32
      %broadcast_in_dim3A_2633 = vector.broadcast %jit3A_2631 : f32 to vector<16xf32>
      %broadcast_in_dim3A_2634 = vector.broadcast %jit3A_2632 : f32 to vector<16xf32>
      %select_n3A_2635 = arith.select %ne3A_2616, %broadcast_in_dim3A_2633, %broadcast_in_dim3A_2634 : vector<16xi1>, vector<16xf32>
      %add3A_2636 = arith.addf %add3A_2467, %select_n3A_2635 : vector<16xf32>
      %get3A_2637 = arith.constant 160 : index
      %get3A_2638 = tpu.vector_load %arg8[%get3A_2637] {strides = array<i32>} : memref<256xi32, #tpu.memory_space<vmem>>, vector<16xi32>,
      %get3A_2639 = vector.shape_cast %get3A_2638 : vector<16xi32> to vector<16xi32>
      %get3A_2640 = arith.constant 160 : index
      %get3A_2641 = tpu.vector_load %arg9[%get3A_2640] {strides = array<i32>} : memref<256xi32, #tpu.memory_space<vmem>>, vector<16xi32>,
      %get3A_2642 = vector.shape_cast %get3A_2641 : vector<16xi32> to vector<16xi32>
      %get3A_2643 = arith.constant 1 : i32
      %get3A_2644 = arith.index_cast %get3A_2643 : i32 to index
      %get3A_2645 = arith.constant 32 : index
      %get3A_2646 = tpu.vector_load %arg13[%get3A_2644, %get3A_2645] {strides = array<i32>} : memref<2x128xf32, #tpu.memory_space<vmem>>, vector<1x16xf32>,
      %get3A_2647 = vector.shape_cast %get3A_2646 : vector<1x16xf32> to vector<16xf32>
      %get3A_2648 = arith.constant 1 : i32
      %get3A_2649 = arith.index_cast %get3A_2648 : i32 to index
      %get3A_2650 = arith.constant 32 : index
      %get3A_2651 = tpu.vector_load %arg14[%get3A_2649, %get3A_2650] {strides = array<i32>} : memref<2x128xf32, #tpu.memory_space<vmem>>, vector<1x16xf32>,
      %get3A_2652 = vector.shape_cast %get3A_2651 : vector<1x16xf32> to vector<16xf32>
      %get3A_2653 = arith.constant 1 : i32
      %get3A_2654 = arith.index_cast %get3A_2653 : i32 to index
      %get3A_2655 = arith.constant 32 : index
      %get3A_2656 = tpu.vector_load %arg15[%get3A_2654, %get3A_2655] {strides = array<i32>} : memref<2x128xf32, #tpu.memory_space<vmem>>, vector<1x16xf32>,
      %get3A_2657 = vector.shape_cast %get3A_2656 : vector<1x16xf32> to vector<16xf32>
      %jit3A_2658 = arith.constant 0.000000e+00 : f32
      %jit3A_2659 = arith.constant 1.000000e+00 : f32
      %max3A_2660 = vector.broadcast %jit3A_2658 : f32 to vector<16xf32>
      %max3A_2661 = arith.maximumf %max3A_2660, %get3A_2657 : vector<16xf32>
      %min3A_2662 = vector.broadcast %jit3A_2659 : f32 to vector<16xf32>
      %min3A_2663 = arith.minimumf %min3A_2662, %max3A_2661 : vector<16xf32>
      %mul3A_2664 = arith.mulf %get3A_2647, %min3A_2663 : vector<16xf32>
      %bitcast_convert_type3A_2665 = tpu.bitcast %mul3A_2664 : vector<16xf32> -> vector<16xi32>
      %shift_right_arithmetic3A_2666 = arith.constant 23 : i32
      %shift_right_arithmetic3A_2667 = vector.broadcast %shift_right_arithmetic3A_2666 : i32 to vector<16xi32>
      %shift_right_arithmetic3A_2668 = arith.shrsi %bitcast_convert_type3A_2665, %shift_right_arithmetic3A_2667 : vector<16xi32>
      %sub3A_2669 = arith.constant 127 : i32
      %sub3A_2670 = vector.broadcast %sub3A_2669 : i32 to vector<16xi32>
      %sub3A_2671 = arith.subi %shift_right_arithmetic3A_2668, %sub3A_2670 : vector<16xi32>
      %and3A_2672 = arith.constant 8388607 : i32
      %and3A_2673 = vector.broadcast %and3A_2672 : i32 to vector<16xi32>
      %and3A_2674 = arith.andi %bitcast_convert_type3A_2665, %and3A_2673 : vector<16xi32>
      %or3A_2675 = arith.constant 1065353216 : i32
      %or3A_2676 = vector.broadcast %or3A_2675 : i32 to vector<16xi32>
      %or3A_2677 = arith.ori %and3A_2674, %or3A_2676 : vector<16xi32>
      %bitcast_convert_type3A_2678 = tpu.bitcast %or3A_2677 : vector<16xi32> -> vector<16xf32>
      %gt3A_2679 = arith.constant 1.41421354 : f32
      %gt3A_2680 = vector.broadcast %gt3A_2679 : f32 to vector<16xf32>
      %gt3A_2681 = arith.cmpf ogt, %bitcast_convert_type3A_2678, %gt3A_2680 : vector<16xf32>
      %mul3A_2682 = arith.constant 5.000000e-01 : f32
      %mul3A_2683 = vector.broadcast %mul3A_2682 : f32 to vector<16xf32>
      %mul3A_2684 = arith.mulf %bitcast_convert_type3A_2678, %mul3A_2683 : vector<16xf32>
      %select_n3A_2685 = arith.select %gt3A_2681, %mul3A_2684, %bitcast_convert_type3A_2678 : vector<16xi1>, vector<16xf32>
      %add3A_2686 = arith.constant 1 : i32
      %add3A_2687 = vector.broadcast %add3A_2686 : i32 to vector<16xi32>
      %add3A_2688 = arith.addi %sub3A_2671, %add3A_2687 : vector<16xi32>
      %select_n3A_2689 = arith.select %gt3A_2681, %add3A_2688, %sub3A_2671 : vector<16xi1>, vector<16xi32>
      %sub3A_2690 = arith.constant 1.000000e+00 : f32
      %sub3A_2691 = vector.broadcast %sub3A_2690 : f32 to vector<16xf32>
      %sub3A_2692 = arith.subf %select_n3A_2685, %sub3A_2691 : vector<16xf32>
      %add3A_2693 = arith.constant 1.000000e+00 : f32
      %add3A_2694 = vector.broadcast %add3A_2693 : f32 to vector<16xf32>
      %add3A_2695 = arith.addf %select_n3A_2685, %add3A_2694 : vector<16xf32>
      %div3A_2696 = arith.divf %sub3A_2692, %add3A_2695 : vector<16xf32>
      %mul3A_2697 = arith.mulf %div3A_2696, %div3A_2696 : vector<16xf32>
      %mul3A_2698 = arith.constant 0.222222224 : f32
      %mul3A_2699 = vector.broadcast %mul3A_2698 : f32 to vector<16xf32>
      %mul3A_2700 = arith.mulf %mul3A_2697, %mul3A_2699 : vector<16xf32>
      %add3A_2701 = arith.constant 0.285714298 : f32
      %add3A_2702 = vector.broadcast %add3A_2701 : f32 to vector<16xf32>
      %add3A_2703 = arith.addf %add3A_2702, %mul3A_2700 : vector<16xf32>
      %mul3A_2704 = arith.mulf %mul3A_2697, %add3A_2703 : vector<16xf32>
      %add3A_2705 = arith.constant 4.000000e-01 : f32
      %add3A_2706 = vector.broadcast %add3A_2705 : f32 to vector<16xf32>
      %add3A_2707 = arith.addf %add3A_2706, %mul3A_2704 : vector<16xf32>
      %mul3A_2708 = arith.mulf %mul3A_2697, %add3A_2707 : vector<16xf32>
      %add3A_2709 = arith.constant 0.666666686 : f32
      %add3A_2710 = vector.broadcast %add3A_2709 : f32 to vector<16xf32>
      %add3A_2711 = arith.addf %add3A_2710, %mul3A_2708 : vector<16xf32>
      %mul3A_2712 = arith.mulf %mul3A_2697, %add3A_2711 : vector<16xf32>
      %add3A_2713 = arith.constant 2.000000e+00 : f32
      %add3A_2714 = vector.broadcast %add3A_2713 : f32 to vector<16xf32>
      %add3A_2715 = arith.addf %add3A_2714, %mul3A_2712 : vector<16xf32>
      %mul3A_2716 = arith.mulf %div3A_2696, %add3A_2715 : vector<16xf32>
      %convert_element_type3A_2717 = arith.sitofp %select_n3A_2689 : vector<16xi32> to vector<16xf32>
      %mul3A_2718 = arith.constant 0.693147182 : f32
      %mul3A_2719 = vector.broadcast %mul3A_2718 : f32 to vector<16xf32>
      %mul3A_2720 = arith.mulf %convert_element_type3A_2717, %mul3A_2719 : vector<16xf32>
      %add3A_2721 = arith.addf %mul3A_2720, %mul3A_2716 : vector<16xf32>
      %mul3A_2722 = arith.mulf %get3A_2652, %min3A_2663 : vector<16xf32>
      %bitcast_convert_type3A_2723 = tpu.bitcast %mul3A_2722 : vector<16xf32> -> vector<16xi32>
      %shift_right_arithmetic3A_2724 = arith.constant 23 : i32
      %shift_right_arithmetic3A_2725 = vector.broadcast %shift_right_arithmetic3A_2724 : i32 to vector<16xi32>
      %shift_right_arithmetic3A_2726 = arith.shrsi %bitcast_convert_type3A_2723, %shift_right_arithmetic3A_2725 : vector<16xi32>
      %sub3A_2727 = arith.constant 127 : i32
      %sub3A_2728 = vector.broadcast %sub3A_2727 : i32 to vector<16xi32>
      %sub3A_2729 = arith.subi %shift_right_arithmetic3A_2726, %sub3A_2728 : vector<16xi32>
      %and3A_2730 = arith.constant 8388607 : i32
      %and3A_2731 = vector.broadcast %and3A_2730 : i32 to vector<16xi32>
      %and3A_2732 = arith.andi %bitcast_convert_type3A_2723, %and3A_2731 : vector<16xi32>
      %or3A_2733 = arith.constant 1065353216 : i32
      %or3A_2734 = vector.broadcast %or3A_2733 : i32 to vector<16xi32>
      %or3A_2735 = arith.ori %and3A_2732, %or3A_2734 : vector<16xi32>
      %bitcast_convert_type3A_2736 = tpu.bitcast %or3A_2735 : vector<16xi32> -> vector<16xf32>
      %gt3A_2737 = arith.constant 1.41421354 : f32
      %gt3A_2738 = vector.broadcast %gt3A_2737 : f32 to vector<16xf32>
      %gt3A_2739 = arith.cmpf ogt, %bitcast_convert_type3A_2736, %gt3A_2738 : vector<16xf32>
      %mul3A_2740 = arith.constant 5.000000e-01 : f32
      %mul3A_2741 = vector.broadcast %mul3A_2740 : f32 to vector<16xf32>
      %mul3A_2742 = arith.mulf %bitcast_convert_type3A_2736, %mul3A_2741 : vector<16xf32>
      %select_n3A_2743 = arith.select %gt3A_2739, %mul3A_2742, %bitcast_convert_type3A_2736 : vector<16xi1>, vector<16xf32>
      %add3A_2744 = arith.constant 1 : i32
      %add3A_2745 = vector.broadcast %add3A_2744 : i32 to vector<16xi32>
      %add3A_2746 = arith.addi %sub3A_2729, %add3A_2745 : vector<16xi32>
      %select_n3A_2747 = arith.select %gt3A_2739, %add3A_2746, %sub3A_2729 : vector<16xi1>, vector<16xi32>
      %sub3A_2748 = arith.constant 1.000000e+00 : f32
      %sub3A_2749 = vector.broadcast %sub3A_2748 : f32 to vector<16xf32>
      %sub3A_2750 = arith.subf %select_n3A_2743, %sub3A_2749 : vector<16xf32>
      %add3A_2751 = arith.constant 1.000000e+00 : f32
      %add3A_2752 = vector.broadcast %add3A_2751 : f32 to vector<16xf32>
      %add3A_2753 = arith.addf %select_n3A_2743, %add3A_2752 : vector<16xf32>
      %div3A_2754 = arith.divf %sub3A_2750, %add3A_2753 : vector<16xf32>
      %mul3A_2755 = arith.mulf %div3A_2754, %div3A_2754 : vector<16xf32>
      %mul3A_2756 = arith.constant 0.222222224 : f32
      %mul3A_2757 = vector.broadcast %mul3A_2756 : f32 to vector<16xf32>
      %mul3A_2758 = arith.mulf %mul3A_2755, %mul3A_2757 : vector<16xf32>
      %add3A_2759 = arith.constant 0.285714298 : f32
      %add3A_2760 = vector.broadcast %add3A_2759 : f32 to vector<16xf32>
      %add3A_2761 = arith.addf %add3A_2760, %mul3A_2758 : vector<16xf32>
      %mul3A_2762 = arith.mulf %mul3A_2755, %add3A_2761 : vector<16xf32>
      %add3A_2763 = arith.constant 4.000000e-01 : f32
      %add3A_2764 = vector.broadcast %add3A_2763 : f32 to vector<16xf32>
      %add3A_2765 = arith.addf %add3A_2764, %mul3A_2762 : vector<16xf32>
      %mul3A_2766 = arith.mulf %mul3A_2755, %add3A_2765 : vector<16xf32>
      %add3A_2767 = arith.constant 0.666666686 : f32
      %add3A_2768 = vector.broadcast %add3A_2767 : f32 to vector<16xf32>
      %add3A_2769 = arith.addf %add3A_2768, %mul3A_2766 : vector<16xf32>
      %mul3A_2770 = arith.mulf %mul3A_2755, %add3A_2769 : vector<16xf32>
      %add3A_2771 = arith.constant 2.000000e+00 : f32
      %add3A_2772 = vector.broadcast %add3A_2771 : f32 to vector<16xf32>
      %add3A_2773 = arith.addf %add3A_2772, %mul3A_2770 : vector<16xf32>
      %mul3A_2774 = arith.mulf %div3A_2754, %add3A_2773 : vector<16xf32>
      %convert_element_type3A_2775 = arith.sitofp %select_n3A_2747 : vector<16xi32> to vector<16xf32>
      %mul3A_2776 = arith.constant 0.693147182 : f32
      %mul3A_2777 = vector.broadcast %mul3A_2776 : f32 to vector<16xf32>
      %mul3A_2778 = arith.mulf %convert_element_type3A_2775, %mul3A_2777 : vector<16xf32>
      %add3A_2779 = arith.addf %mul3A_2778, %mul3A_2774 : vector<16xf32>
      %ne3A_2780 = arith.constant -100 : i32
      %ne3A_2781 = vector.broadcast %ne3A_2780 : i32 to vector<16xi32>
      %ne3A_2782 = arith.cmpi ne, %get3A_2639, %ne3A_2781 : vector<16xi32>
      %ne3A_2783 = arith.constant -100 : i32
      %ne3A_2784 = vector.broadcast %ne3A_2783 : i32 to vector<16xi32>
      %ne3A_2785 = arith.cmpi ne, %get3A_2642, %ne3A_2784 : vector<16xi32>
      %jit3A_2786 = arith.constant 0.000000e+00 : f32
      %broadcast_in_dim3A_2787 = vector.broadcast %jit3A_2786 : f32 to vector<16xf32>
      %select_n3A_2788 = arith.select %ne3A_2782, %add3A_2721, %broadcast_in_dim3A_2787 : vector<16xi1>, vector<16xf32>
      %add3A_2789 = arith.addf %add3A_2620, %select_n3A_2788 : vector<16xf32>
      %jit3A_2790 = arith.constant 0.000000e+00 : f32
      %broadcast_in_dim3A_2791 = vector.broadcast %jit3A_2790 : f32 to vector<16xf32>
      %select_n3A_2792 = arith.select %ne3A_2785, %add3A_2779, %broadcast_in_dim3A_2791 : vector<16xi1>, vector<16xf32>
      %add3A_2793 = arith.addf %add3A_2624, %select_n3A_2792 : vector<16xf32>
      %jit3A_2794 = arith.constant 1.000000e+00 : f32
      %jit3A_2795 = arith.constant 0.000000e+00 : f32
      %broadcast_in_dim3A_2796 = vector.broadcast %jit3A_2794 : f32 to vector<16xf32>
      %broadcast_in_dim3A_2797 = vector.broadcast %jit3A_2795 : f32 to vector<16xf32>
      %select_n3A_2798 = arith.select %ne3A_2782, %broadcast_in_dim3A_2796, %broadcast_in_dim3A_2797 : vector<16xi1>, vector<16xf32>
      %add3A_2799 = arith.addf %add3A_2630, %select_n3A_2798 : vector<16xf32>
      %jit3A_2800 = arith.constant 1.000000e+00 : f32
      %jit3A_2801 = arith.constant 0.000000e+00 : f32
      %broadcast_in_dim3A_2802 = vector.broadcast %jit3A_2800 : f32 to vector<16xf32>
      %broadcast_in_dim3A_2803 = vector.broadcast %jit3A_2801 : f32 to vector<16xf32>
      %select_n3A_2804 = arith.select %ne3A_2785, %broadcast_in_dim3A_2802, %broadcast_in_dim3A_2803 : vector<16xi1>, vector<16xf32>
      %add3A_2805 = arith.addf %add3A_2636, %select_n3A_2804 : vector<16xf32>
      %get3A_2806 = arith.constant 176 : index
      %get3A_2807 = tpu.vector_load %arg8[%get3A_2806] {strides = array<i32>} : memref<256xi32, #tpu.memory_space<vmem>>, vector<16xi32>,
      %get3A_2808 = vector.shape_cast %get3A_2807 : vector<16xi32> to vector<16xi32>
      %get3A_2809 = arith.constant 176 : index
      %get3A_2810 = tpu.vector_load %arg9[%get3A_2809] {strides = array<i32>} : memref<256xi32, #tpu.memory_space<vmem>>, vector<16xi32>,
      %get3A_2811 = vector.shape_cast %get3A_2810 : vector<16xi32> to vector<16xi32>
      %get3A_2812 = arith.constant 1 : i32
      %get3A_2813 = arith.index_cast %get3A_2812 : i32 to index
      %get3A_2814 = arith.constant 48 : index
      %get3A_2815 = tpu.vector_load %arg13[%get3A_2813, %get3A_2814] {strides = array<i32>} : memref<2x128xf32, #tpu.memory_space<vmem>>, vector<1x16xf32>,
      %get3A_2816 = vector.shape_cast %get3A_2815 : vector<1x16xf32> to vector<16xf32>
      %get3A_2817 = arith.constant 1 : i32
      %get3A_2818 = arith.index_cast %get3A_2817 : i32 to index
      %get3A_2819 = arith.constant 48 : index
      %get3A_2820 = tpu.vector_load %arg14[%get3A_2818, %get3A_2819] {strides = array<i32>} : memref<2x128xf32, #tpu.memory_space<vmem>>, vector<1x16xf32>,
      %get3A_2821 = vector.shape_cast %get3A_2820 : vector<1x16xf32> to vector<16xf32>
      %get3A_2822 = arith.constant 1 : i32
      %get3A_2823 = arith.index_cast %get3A_2822 : i32 to index
      %get3A_2824 = arith.constant 48 : index
      %get3A_2825 = tpu.vector_load %arg15[%get3A_2823, %get3A_2824] {strides = array<i32>} : memref<2x128xf32, #tpu.memory_space<vmem>>, vector<1x16xf32>,
      %get3A_2826 = vector.shape_cast %get3A_2825 : vector<1x16xf32> to vector<16xf32>
      %jit3A_2827 = arith.constant 0.000000e+00 : f32
      %jit3A_2828 = arith.constant 1.000000e+00 : f32
      %max3A_2829 = vector.broadcast %jit3A_2827 : f32 to vector<16xf32>
      %max3A_2830 = arith.maximumf %max3A_2829, %get3A_2826 : vector<16xf32>
      %min3A_2831 = vector.broadcast %jit3A_2828 : f32 to vector<16xf32>
      %min3A_2832 = arith.minimumf %min3A_2831, %max3A_2830 : vector<16xf32>
      %mul3A_2833 = arith.mulf %get3A_2816, %min3A_2832 : vector<16xf32>
      %bitcast_convert_type3A_2834 = tpu.bitcast %mul3A_2833 : vector<16xf32> -> vector<16xi32>
      %shift_right_arithmetic3A_2835 = arith.constant 23 : i32
      %shift_right_arithmetic3A_2836 = vector.broadcast %shift_right_arithmetic3A_2835 : i32 to vector<16xi32>
      %shift_right_arithmetic3A_2837 = arith.shrsi %bitcast_convert_type3A_2834, %shift_right_arithmetic3A_2836 : vector<16xi32>
      %sub3A_2838 = arith.constant 127 : i32
      %sub3A_2839 = vector.broadcast %sub3A_2838 : i32 to vector<16xi32>
      %sub3A_2840 = arith.subi %shift_right_arithmetic3A_2837, %sub3A_2839 : vector<16xi32>
      %and3A_2841 = arith.constant 8388607 : i32
      %and3A_2842 = vector.broadcast %and3A_2841 : i32 to vector<16xi32>
      %and3A_2843 = arith.andi %bitcast_convert_type3A_2834, %and3A_2842 : vector<16xi32>
      %or3A_2844 = arith.constant 1065353216 : i32
      %or3A_2845 = vector.broadcast %or3A_2844 : i32 to vector<16xi32>
      %or3A_2846 = arith.ori %and3A_2843, %or3A_2845 : vector<16xi32>
      %bitcast_convert_type3A_2847 = tpu.bitcast %or3A_2846 : vector<16xi32> -> vector<16xf32>
      %gt3A_2848 = arith.constant 1.41421354 : f32
      %gt3A_2849 = vector.broadcast %gt3A_2848 : f32 to vector<16xf32>
      %gt3A_2850 = arith.cmpf ogt, %bitcast_convert_type3A_2847, %gt3A_2849 : vector<16xf32>
      %mul3A_2851 = arith.constant 5.000000e-01 : f32
      %mul3A_2852 = vector.broadcast %mul3A_2851 : f32 to vector<16xf32>
      %mul3A_2853 = arith.mulf %bitcast_convert_type3A_2847, %mul3A_2852 : vector<16xf32>
      %select_n3A_2854 = arith.select %gt3A_2850, %mul3A_2853, %bitcast_convert_type3A_2847 : vector<16xi1>, vector<16xf32>
      %add3A_2855 = arith.constant 1 : i32
      %add3A_2856 = vector.broadcast %add3A_2855 : i32 to vector<16xi32>
      %add3A_2857 = arith.addi %sub3A_2840, %add3A_2856 : vector<16xi32>
      %select_n3A_2858 = arith.select %gt3A_2850, %add3A_2857, %sub3A_2840 : vector<16xi1>, vector<16xi32>
      %sub3A_2859 = arith.constant 1.000000e+00 : f32
      %sub3A_2860 = vector.broadcast %sub3A_2859 : f32 to vector<16xf32>
      %sub3A_2861 = arith.subf %select_n3A_2854, %sub3A_2860 : vector<16xf32>
      %add3A_2862 = arith.constant 1.000000e+00 : f32
      %add3A_2863 = vector.broadcast %add3A_2862 : f32 to vector<16xf32>
      %add3A_2864 = arith.addf %select_n3A_2854, %add3A_2863 : vector<16xf32>
      %div3A_2865 = arith.divf %sub3A_2861, %add3A_2864 : vector<16xf32>
      %mul3A_2866 = arith.mulf %div3A_2865, %div3A_2865 : vector<16xf32>
      %mul3A_2867 = arith.constant 0.222222224 : f32
      %mul3A_2868 = vector.broadcast %mul3A_2867 : f32 to vector<16xf32>
      %mul3A_2869 = arith.mulf %mul3A_2866, %mul3A_2868 : vector<16xf32>
      %add3A_2870 = arith.constant 0.285714298 : f32
      %add3A_2871 = vector.broadcast %add3A_2870 : f32 to vector<16xf32>
      %add3A_2872 = arith.addf %add3A_2871, %mul3A_2869 : vector<16xf32>
      %mul3A_2873 = arith.mulf %mul3A_2866, %add3A_2872 : vector<16xf32>
      %add3A_2874 = arith.constant 4.000000e-01 : f32
      %add3A_2875 = vector.broadcast %add3A_2874 : f32 to vector<16xf32>
      %add3A_2876 = arith.addf %add3A_2875, %mul3A_2873 : vector<16xf32>
      %mul3A_2877 = arith.mulf %mul3A_2866, %add3A_2876 : vector<16xf32>
      %add3A_2878 = arith.constant 0.666666686 : f32
      %add3A_2879 = vector.broadcast %add3A_2878 : f32 to vector<16xf32>
      %add3A_2880 = arith.addf %add3A_2879, %mul3A_2877 : vector<16xf32>
      %mul3A_2881 = arith.mulf %mul3A_2866, %add3A_2880 : vector<16xf32>
      %add3A_2882 = arith.constant 2.000000e+00 : f32
      %add3A_2883 = vector.broadcast %add3A_2882 : f32 to vector<16xf32>
      %add3A_2884 = arith.addf %add3A_2883, %mul3A_2881 : vector<16xf32>
      %mul3A_2885 = arith.mulf %div3A_2865, %add3A_2884 : vector<16xf32>
      %convert_element_type3A_2886 = arith.sitofp %select_n3A_2858 : vector<16xi32> to vector<16xf32>
      %mul3A_2887 = arith.constant 0.693147182 : f32
      %mul3A_2888 = vector.broadcast %mul3A_2887 : f32 to vector<16xf32>
      %mul3A_2889 = arith.mulf %convert_element_type3A_2886, %mul3A_2888 : vector<16xf32>
      %add3A_2890 = arith.addf %mul3A_2889, %mul3A_2885 : vector<16xf32>
      %mul3A_2891 = arith.mulf %get3A_2821, %min3A_2832 : vector<16xf32>
      %bitcast_convert_type3A_2892 = tpu.bitcast %mul3A_2891 : vector<16xf32> -> vector<16xi32>
      %shift_right_arithmetic3A_2893 = arith.constant 23 : i32
      %shift_right_arithmetic3A_2894 = vector.broadcast %shift_right_arithmetic3A_2893 : i32 to vector<16xi32>
      %shift_right_arithmetic3A_2895 = arith.shrsi %bitcast_convert_type3A_2892, %shift_right_arithmetic3A_2894 : vector<16xi32>
      %sub3A_2896 = arith.constant 127 : i32
      %sub3A_2897 = vector.broadcast %sub3A_2896 : i32 to vector<16xi32>
      %sub3A_2898 = arith.subi %shift_right_arithmetic3A_2895, %sub3A_2897 : vector<16xi32>
      %and3A_2899 = arith.constant 8388607 : i32
      %and3A_2900 = vector.broadcast %and3A_2899 : i32 to vector<16xi32>
      %and3A_2901 = arith.andi %bitcast_convert_type3A_2892, %and3A_2900 : vector<16xi32>
      %or3A_2902 = arith.constant 1065353216 : i32
      %or3A_2903 = vector.broadcast %or3A_2902 : i32 to vector<16xi32>
      %or3A_2904 = arith.ori %and3A_2901, %or3A_2903 : vector<16xi32>
      %bitcast_convert_type3A_2905 = tpu.bitcast %or3A_2904 : vector<16xi32> -> vector<16xf32>
      %gt3A_2906 = arith.constant 1.41421354 : f32
      %gt3A_2907 = vector.broadcast %gt3A_2906 : f32 to vector<16xf32>
      %gt3A_2908 = arith.cmpf ogt, %bitcast_convert_type3A_2905, %gt3A_2907 : vector<16xf32>
      %mul3A_2909 = arith.constant 5.000000e-01 : f32
      %mul3A_2910 = vector.broadcast %mul3A_2909 : f32 to vector<16xf32>
      %mul3A_2911 = arith.mulf %bitcast_convert_type3A_2905, %mul3A_2910 : vector<16xf32>
      %select_n3A_2912 = arith.select %gt3A_2908, %mul3A_2911, %bitcast_convert_type3A_2905 : vector<16xi1>, vector<16xf32>
      %add3A_2913 = arith.constant 1 : i32
      %add3A_2914 = vector.broadcast %add3A_2913 : i32 to vector<16xi32>
      %add3A_2915 = arith.addi %sub3A_2898, %add3A_2914 : vector<16xi32>
      %select_n3A_2916 = arith.select %gt3A_2908, %add3A_2915, %sub3A_2898 : vector<16xi1>, vector<16xi32>
      %sub3A_2917 = arith.constant 1.000000e+00 : f32
      %sub3A_2918 = vector.broadcast %sub3A_2917 : f32 to vector<16xf32>
      %sub3A_2919 = arith.subf %select_n3A_2912, %sub3A_2918 : vector<16xf32>
      %add3A_2920 = arith.constant 1.000000e+00 : f32
      %add3A_2921 = vector.broadcast %add3A_2920 : f32 to vector<16xf32>
      %add3A_2922 = arith.addf %select_n3A_2912, %add3A_2921 : vector<16xf32>
      %div3A_2923 = arith.divf %sub3A_2919, %add3A_2922 : vector<16xf32>
      %mul3A_2924 = arith.mulf %div3A_2923, %div3A_2923 : vector<16xf32>
      %mul3A_2925 = arith.constant 0.222222224 : f32
      %mul3A_2926 = vector.broadcast %mul3A_2925 : f32 to vector<16xf32>
      %mul3A_2927 = arith.mulf %mul3A_2924, %mul3A_2926 : vector<16xf32>
      %add3A_2928 = arith.constant 0.285714298 : f32
      %add3A_2929 = vector.broadcast %add3A_2928 : f32 to vector<16xf32>
      %add3A_2930 = arith.addf %add3A_2929, %mul3A_2927 : vector<16xf32>
      %mul3A_2931 = arith.mulf %mul3A_2924, %add3A_2930 : vector<16xf32>
      %add3A_2932 = arith.constant 4.000000e-01 : f32
      %add3A_2933 = vector.broadcast %add3A_2932 : f32 to vector<16xf32>
      %add3A_2934 = arith.addf %add3A_2933, %mul3A_2931 : vector<16xf32>
      %mul3A_2935 = arith.mulf %mul3A_2924, %add3A_2934 : vector<16xf32>
      %add3A_2936 = arith.constant 0.666666686 : f32
      %add3A_2937 = vector.broadcast %add3A_2936 : f32 to vector<16xf32>
      %add3A_2938 = arith.addf %add3A_2937, %mul3A_2935 : vector<16xf32>
      %mul3A_2939 = arith.mulf %mul3A_2924, %add3A_2938 : vector<16xf32>
      %add3A_2940 = arith.constant 2.000000e+00 : f32
      %add3A_2941 = vector.broadcast %add3A_2940 : f32 to vector<16xf32>
      %add3A_2942 = arith.addf %add3A_2941, %mul3A_2939 : vector<16xf32>
      %mul3A_2943 = arith.mulf %div3A_2923, %add3A_2942 : vector<16xf32>
      %convert_element_type3A_2944 = arith.sitofp %select_n3A_2916 : vector<16xi32> to vector<16xf32>
      %mul3A_2945 = arith.constant 0.693147182 : f32
      %mul3A_2946 = vector.broadcast %mul3A_2945 : f32 to vector<16xf32>
      %mul3A_2947 = arith.mulf %convert_element_type3A_2944, %mul3A_2946 : vector<16xf32>
      %add3A_2948 = arith.addf %mul3A_2947, %mul3A_2943 : vector<16xf32>
      %ne3A_2949 = arith.constant -100 : i32
      %ne3A_2950 = vector.broadcast %ne3A_2949 : i32 to vector<16xi32>
      %ne3A_2951 = arith.cmpi ne, %get3A_2808, %ne3A_2950 : vector<16xi32>
      %ne3A_2952 = arith.constant -100 : i32
      %ne3A_2953 = vector.broadcast %ne3A_2952 : i32 to vector<16xi32>
      %ne3A_2954 = arith.cmpi ne, %get3A_2811, %ne3A_2953 : vector<16xi32>
      %jit3A_2955 = arith.constant 0.000000e+00 : f32
      %broadcast_in_dim3A_2956 = vector.broadcast %jit3A_2955 : f32 to vector<16xf32>
      %select_n3A_2957 = arith.select %ne3A_2951, %add3A_2890, %broadcast_in_dim3A_2956 : vector<16xi1>, vector<16xf32>
      %add3A_2958 = arith.addf %add3A_2789, %select_n3A_2957 : vector<16xf32>
      %jit3A_2959 = arith.constant 0.000000e+00 : f32
      %broadcast_in_dim3A_2960 = vector.broadcast %jit3A_2959 : f32 to vector<16xf32>
      %select_n3A_2961 = arith.select %ne3A_2954, %add3A_2948, %broadcast_in_dim3A_2960 : vector<16xi1>, vector<16xf32>
      %add3A_2962 = arith.addf %add3A_2793, %select_n3A_2961 : vector<16xf32>
      %jit3A_2963 = arith.constant 1.000000e+00 : f32
      %jit3A_2964 = arith.constant 0.000000e+00 : f32
      %broadcast_in_dim3A_2965 = vector.broadcast %jit3A_2963 : f32 to vector<16xf32>
      %broadcast_in_dim3A_2966 = vector.broadcast %jit3A_2964 : f32 to vector<16xf32>
      %select_n3A_2967 = arith.select %ne3A_2951, %broadcast_in_dim3A_2965, %broadcast_in_dim3A_2966 : vector<16xi1>, vector<16xf32>
      %add3A_2968 = arith.addf %add3A_2799, %select_n3A_2967 : vector<16xf32>
      %jit3A_2969 = arith.constant 1.000000e+00 : f32
      %jit3A_2970 = arith.constant 0.000000e+00 : f32
      %broadcast_in_dim3A_2971 = vector.broadcast %jit3A_2969 : f32 to vector<16xf32>
      %broadcast_in_dim3A_2972 = vector.broadcast %jit3A_2970 : f32 to vector<16xf32>
      %select_n3A_2973 = arith.select %ne3A_2954, %broadcast_in_dim3A_2971, %broadcast_in_dim3A_2972 : vector<16xi1>, vector<16xf32>
      %add3A_2974 = arith.addf %add3A_2805, %select_n3A_2973 : vector<16xf32>
      %get3A_2975 = arith.constant 192 : index
      %get3A_2976 = tpu.vector_load %arg8[%get3A_2975] {strides = array<i32>} : memref<256xi32, #tpu.memory_space<vmem>>, vector<16xi32>,
      %get3A_2977 = vector.shape_cast %get3A_2976 : vector<16xi32> to vector<16xi32>
      %get3A_2978 = arith.constant 192 : index
      %get3A_2979 = tpu.vector_load %arg9[%get3A_2978] {strides = array<i32>} : memref<256xi32, #tpu.memory_space<vmem>>, vector<16xi32>,
      %get3A_2980 = vector.shape_cast %get3A_2979 : vector<16xi32> to vector<16xi32>
      %get3A_2981 = arith.constant 1 : i32
      %get3A_2982 = arith.index_cast %get3A_2981 : i32 to index
      %get3A_2983 = arith.constant 64 : index
      %get3A_2984 = tpu.vector_load %arg13[%get3A_2982, %get3A_2983] {strides = array<i32>} : memref<2x128xf32, #tpu.memory_space<vmem>>, vector<1x16xf32>,
      %get3A_2985 = vector.shape_cast %get3A_2984 : vector<1x16xf32> to vector<16xf32>
      %get3A_2986 = arith.constant 1 : i32
      %get3A_2987 = arith.index_cast %get3A_2986 : i32 to index
      %get3A_2988 = arith.constant 64 : index
      %get3A_2989 = tpu.vector_load %arg14[%get3A_2987, %get3A_2988] {strides = array<i32>} : memref<2x128xf32, #tpu.memory_space<vmem>>, vector<1x16xf32>,
      %get3A_2990 = vector.shape_cast %get3A_2989 : vector<1x16xf32> to vector<16xf32>
      %get3A_2991 = arith.constant 1 : i32
      %get3A_2992 = arith.index_cast %get3A_2991 : i32 to index
      %get3A_2993 = arith.constant 64 : index
      %get3A_2994 = tpu.vector_load %arg15[%get3A_2992, %get3A_2993] {strides = array<i32>} : memref<2x128xf32, #tpu.memory_space<vmem>>, vector<1x16xf32>,
      %get3A_2995 = vector.shape_cast %get3A_2994 : vector<1x16xf32> to vector<16xf32>
      %jit3A_2996 = arith.constant 0.000000e+00 : f32
      %jit3A_2997 = arith.constant 1.000000e+00 : f32
      %max3A_2998 = vector.broadcast %jit3A_2996 : f32 to vector<16xf32>
      %max3A_2999 = arith.maximumf %max3A_2998, %get3A_2995 : vector<16xf32>
      %min3A_3000 = vector.broadcast %jit3A_2997 : f32 to vector<16xf32>
      %min3A_3001 = arith.minimumf %min3A_3000, %max3A_2999 : vector<16xf32>
      %mul3A_3002 = arith.mulf %get3A_2985, %min3A_3001 : vector<16xf32>
      %bitcast_convert_type3A_3003 = tpu.bitcast %mul3A_3002 : vector<16xf32> -> vector<16xi32>
      %shift_right_arithmetic3A_3004 = arith.constant 23 : i32
      %shift_right_arithmetic3A_3005 = vector.broadcast %shift_right_arithmetic3A_3004 : i32 to vector<16xi32>
      %shift_right_arithmetic3A_3006 = arith.shrsi %bitcast_convert_type3A_3003, %shift_right_arithmetic3A_3005 : vector<16xi32>
      %sub3A_3007 = arith.constant 127 : i32
      %sub3A_3008 = vector.broadcast %sub3A_3007 : i32 to vector<16xi32>
      %sub3A_3009 = arith.subi %shift_right_arithmetic3A_3006, %sub3A_3008 : vector<16xi32>
      %and3A_3010 = arith.constant 8388607 : i32
      %and3A_3011 = vector.broadcast %and3A_3010 : i32 to vector<16xi32>
      %and3A_3012 = arith.andi %bitcast_convert_type3A_3003, %and3A_3011 : vector<16xi32>
      %or3A_3013 = arith.constant 1065353216 : i32
      %or3A_3014 = vector.broadcast %or3A_3013 : i32 to vector<16xi32>
      %or3A_3015 = arith.ori %and3A_3012, %or3A_3014 : vector<16xi32>
      %bitcast_convert_type3A_3016 = tpu.bitcast %or3A_3015 : vector<16xi32> -> vector<16xf32>
      %gt3A_3017 = arith.constant 1.41421354 : f32
      %gt3A_3018 = vector.broadcast %gt3A_3017 : f32 to vector<16xf32>
      %gt3A_3019 = arith.cmpf ogt, %bitcast_convert_type3A_3016, %gt3A_3018 : vector<16xf32>
      %mul3A_3020 = arith.constant 5.000000e-01 : f32
      %mul3A_3021 = vector.broadcast %mul3A_3020 : f32 to vector<16xf32>
      %mul3A_3022 = arith.mulf %bitcast_convert_type3A_3016, %mul3A_3021 : vector<16xf32>
      %select_n3A_3023 = arith.select %gt3A_3019, %mul3A_3022, %bitcast_convert_type3A_3016 : vector<16xi1>, vector<16xf32>
      %add3A_3024 = arith.constant 1 : i32
      %add3A_3025 = vector.broadcast %add3A_3024 : i32 to vector<16xi32>
      %add3A_3026 = arith.addi %sub3A_3009, %add3A_3025 : vector<16xi32>
      %select_n3A_3027 = arith.select %gt3A_3019, %add3A_3026, %sub3A_3009 : vector<16xi1>, vector<16xi32>
      %sub3A_3028 = arith.constant 1.000000e+00 : f32
      %sub3A_3029 = vector.broadcast %sub3A_3028 : f32 to vector<16xf32>
      %sub3A_3030 = arith.subf %select_n3A_3023, %sub3A_3029 : vector<16xf32>
      %add3A_3031 = arith.constant 1.000000e+00 : f32
      %add3A_3032 = vector.broadcast %add3A_3031 : f32 to vector<16xf32>
      %add3A_3033 = arith.addf %select_n3A_3023, %add3A_3032 : vector<16xf32>
      %div3A_3034 = arith.divf %sub3A_3030, %add3A_3033 : vector<16xf32>
      %mul3A_3035 = arith.mulf %div3A_3034, %div3A_3034 : vector<16xf32>
      %mul3A_3036 = arith.constant 0.222222224 : f32
      %mul3A_3037 = vector.broadcast %mul3A_3036 : f32 to vector<16xf32>
      %mul3A_3038 = arith.mulf %mul3A_3035, %mul3A_3037 : vector<16xf32>
      %add3A_3039 = arith.constant 0.285714298 : f32
      %add3A_3040 = vector.broadcast %add3A_3039 : f32 to vector<16xf32>
      %add3A_3041 = arith.addf %add3A_3040, %mul3A_3038 : vector<16xf32>
      %mul3A_3042 = arith.mulf %mul3A_3035, %add3A_3041 : vector<16xf32>
      %add3A_3043 = arith.constant 4.000000e-01 : f32
      %add3A_3044 = vector.broadcast %add3A_3043 : f32 to vector<16xf32>
      %add3A_3045 = arith.addf %add3A_3044, %mul3A_3042 : vector<16xf32>
      %mul3A_3046 = arith.mulf %mul3A_3035, %add3A_3045 : vector<16xf32>
      %add3A_3047 = arith.constant 0.666666686 : f32
      %add3A_3048 = vector.broadcast %add3A_3047 : f32 to vector<16xf32>
      %add3A_3049 = arith.addf %add3A_3048, %mul3A_3046 : vector<16xf32>
      %mul3A_3050 = arith.mulf %mul3A_3035, %add3A_3049 : vector<16xf32>
      %add3A_3051 = arith.constant 2.000000e+00 : f32
      %add3A_3052 = vector.broadcast %add3A_3051 : f32 to vector<16xf32>
      %add3A_3053 = arith.addf %add3A_3052, %mul3A_3050 : vector<16xf32>
      %mul3A_3054 = arith.mulf %div3A_3034, %add3A_3053 : vector<16xf32>
      %convert_element_type3A_3055 = arith.sitofp %select_n3A_3027 : vector<16xi32> to vector<16xf32>
      %mul3A_3056 = arith.constant 0.693147182 : f32
      %mul3A_3057 = vector.broadcast %mul3A_3056 : f32 to vector<16xf32>
      %mul3A_3058 = arith.mulf %convert_element_type3A_3055, %mul3A_3057 : vector<16xf32>
      %add3A_3059 = arith.addf %mul3A_3058, %mul3A_3054 : vector<16xf32>
      %mul3A_3060 = arith.mulf %get3A_2990, %min3A_3001 : vector<16xf32>
      %bitcast_convert_type3A_3061 = tpu.bitcast %mul3A_3060 : vector<16xf32> -> vector<16xi32>
      %shift_right_arithmetic3A_3062 = arith.constant 23 : i32
      %shift_right_arithmetic3A_3063 = vector.broadcast %shift_right_arithmetic3A_3062 : i32 to vector<16xi32>
      %shift_right_arithmetic3A_3064 = arith.shrsi %bitcast_convert_type3A_3061, %shift_right_arithmetic3A_3063 : vector<16xi32>
      %sub3A_3065 = arith.constant 127 : i32
      %sub3A_3066 = vector.broadcast %sub3A_3065 : i32 to vector<16xi32>
      %sub3A_3067 = arith.subi %shift_right_arithmetic3A_3064, %sub3A_3066 : vector<16xi32>
      %and3A_3068 = arith.constant 8388607 : i32
      %and3A_3069 = vector.broadcast %and3A_3068 : i32 to vector<16xi32>
      %and3A_3070 = arith.andi %bitcast_convert_type3A_3061, %and3A_3069 : vector<16xi32>
      %or3A_3071 = arith.constant 1065353216 : i32
      %or3A_3072 = vector.broadcast %or3A_3071 : i32 to vector<16xi32>
      %or3A_3073 = arith.ori %and3A_3070, %or3A_3072 : vector<16xi32>
      %bitcast_convert_type3A_3074 = tpu.bitcast %or3A_3073 : vector<16xi32> -> vector<16xf32>
      %gt3A_3075 = arith.constant 1.41421354 : f32
      %gt3A_3076 = vector.broadcast %gt3A_3075 : f32 to vector<16xf32>
      %gt3A_3077 = arith.cmpf ogt, %bitcast_convert_type3A_3074, %gt3A_3076 : vector<16xf32>
      %mul3A_3078 = arith.constant 5.000000e-01 : f32
      %mul3A_3079 = vector.broadcast %mul3A_3078 : f32 to vector<16xf32>
      %mul3A_3080 = arith.mulf %bitcast_convert_type3A_3074, %mul3A_3079 : vector<16xf32>
      %select_n3A_3081 = arith.select %gt3A_3077, %mul3A_3080, %bitcast_convert_type3A_3074 : vector<16xi1>, vector<16xf32>
      %add3A_3082 = arith.constant 1 : i32
      %add3A_3083 = vector.broadcast %add3A_3082 : i32 to vector<16xi32>
      %add3A_3084 = arith.addi %sub3A_3067, %add3A_3083 : vector<16xi32>
      %select_n3A_3085 = arith.select %gt3A_3077, %add3A_3084, %sub3A_3067 : vector<16xi1>, vector<16xi32>
      %sub3A_3086 = arith.constant 1.000000e+00 : f32
      %sub3A_3087 = vector.broadcast %sub3A_3086 : f32 to vector<16xf32>
      %sub3A_3088 = arith.subf %select_n3A_3081, %sub3A_3087 : vector<16xf32>
      %add3A_3089 = arith.constant 1.000000e+00 : f32
      %add3A_3090 = vector.broadcast %add3A_3089 : f32 to vector<16xf32>
      %add3A_3091 = arith.addf %select_n3A_3081, %add3A_3090 : vector<16xf32>
      %div3A_3092 = arith.divf %sub3A_3088, %add3A_3091 : vector<16xf32>
      %mul3A_3093 = arith.mulf %div3A_3092, %div3A_3092 : vector<16xf32>
      %mul3A_3094 = arith.constant 0.222222224 : f32
      %mul3A_3095 = vector.broadcast %mul3A_3094 : f32 to vector<16xf32>
      %mul3A_3096 = arith.mulf %mul3A_3093, %mul3A_3095 : vector<16xf32>
      %add3A_3097 = arith.constant 0.285714298 : f32
      %add3A_3098 = vector.broadcast %add3A_3097 : f32 to vector<16xf32>
      %add3A_3099 = arith.addf %add3A_3098, %mul3A_3096 : vector<16xf32>
      %mul3A_3100 = arith.mulf %mul3A_3093, %add3A_3099 : vector<16xf32>
      %add3A_3101 = arith.constant 4.000000e-01 : f32
      %add3A_3102 = vector.broadcast %add3A_3101 : f32 to vector<16xf32>
      %add3A_3103 = arith.addf %add3A_3102, %mul3A_3100 : vector<16xf32>
      %mul3A_3104 = arith.mulf %mul3A_3093, %add3A_3103 : vector<16xf32>
      %add3A_3105 = arith.constant 0.666666686 : f32
      %add3A_3106 = vector.broadcast %add3A_3105 : f32 to vector<16xf32>
      %add3A_3107 = arith.addf %add3A_3106, %mul3A_3104 : vector<16xf32>
      %mul3A_3108 = arith.mulf %mul3A_3093, %add3A_3107 : vector<16xf32>
      %add3A_3109 = arith.constant 2.000000e+00 : f32
      %add3A_3110 = vector.broadcast %add3A_3109 : f32 to vector<16xf32>
      %add3A_3111 = arith.addf %add3A_3110, %mul3A_3108 : vector<16xf32>
      %mul3A_3112 = arith.mulf %div3A_3092, %add3A_3111 : vector<16xf32>
      %convert_element_type3A_3113 = arith.sitofp %select_n3A_3085 : vector<16xi32> to vector<16xf32>
      %mul3A_3114 = arith.constant 0.693147182 : f32
      %mul3A_3115 = vector.broadcast %mul3A_3114 : f32 to vector<16xf32>
      %mul3A_3116 = arith.mulf %convert_element_type3A_3113, %mul3A_3115 : vector<16xf32>
      %add3A_3117 = arith.addf %mul3A_3116, %mul3A_3112 : vector<16xf32>
      %ne3A_3118 = arith.constant -100 : i32
      %ne3A_3119 = vector.broadcast %ne3A_3118 : i32 to vector<16xi32>
      %ne3A_3120 = arith.cmpi ne, %get3A_2977, %ne3A_3119 : vector<16xi32>
      %ne3A_3121 = arith.constant -100 : i32
      %ne3A_3122 = vector.broadcast %ne3A_3121 : i32 to vector<16xi32>
      %ne3A_3123 = arith.cmpi ne, %get3A_2980, %ne3A_3122 : vector<16xi32>
      %jit3A_3124 = arith.constant 0.000000e+00 : f32
      %broadcast_in_dim3A_3125 = vector.broadcast %jit3A_3124 : f32 to vector<16xf32>
      %select_n3A_3126 = arith.select %ne3A_3120, %add3A_3059, %broadcast_in_dim3A_3125 : vector<16xi1>, vector<16xf32>
      %add3A_3127 = arith.addf %add3A_2958, %select_n3A_3126 : vector<16xf32>
      %jit3A_3128 = arith.constant 0.000000e+00 : f32
      %broadcast_in_dim3A_3129 = vector.broadcast %jit3A_3128 : f32 to vector<16xf32>
      %select_n3A_3130 = arith.select %ne3A_3123, %add3A_3117, %broadcast_in_dim3A_3129 : vector<16xi1>, vector<16xf32>
      %add3A_3131 = arith.addf %add3A_2962, %select_n3A_3130 : vector<16xf32>
      %jit3A_3132 = arith.constant 1.000000e+00 : f32
      %jit3A_3133 = arith.constant 0.000000e+00 : f32
      %broadcast_in_dim3A_3134 = vector.broadcast %jit3A_3132 : f32 to vector<16xf32>
      %broadcast_in_dim3A_3135 = vector.broadcast %jit3A_3133 : f32 to vector<16xf32>
      %select_n3A_3136 = arith.select %ne3A_3120, %broadcast_in_dim3A_3134, %broadcast_in_dim3A_3135 : vector<16xi1>, vector<16xf32>
      %add3A_3137 = arith.addf %add3A_2968, %select_n3A_3136 : vector<16xf32>
      %jit3A_3138 = arith.constant 1.000000e+00 : f32
      %jit3A_3139 = arith.constant 0.000000e+00 : f32
      %broadcast_in_dim3A_3140 = vector.broadcast %jit3A_3138 : f32 to vector<16xf32>
      %broadcast_in_dim3A_3141 = vector.broadcast %jit3A_3139 : f32 to vector<16xf32>
      %select_n3A_3142 = arith.select %ne3A_3123, %broadcast_in_dim3A_3140, %broadcast_in_dim3A_3141 : vector<16xi1>, vector<16xf32>
      %add3A_3143 = arith.addf %add3A_2974, %select_n3A_3142 : vector<16xf32>
      %get3A_3144 = arith.constant 208 : index
      %get3A_3145 = tpu.vector_load %arg8[%get3A_3144] {strides = array<i32>} : memref<256xi32, #tpu.memory_space<vmem>>, vector<16xi32>,
      %get3A_3146 = vector.shape_cast %get3A_3145 : vector<16xi32> to vector<16xi32>
      %get3A_3147 = arith.constant 208 : index
      %get3A_3148 = tpu.vector_load %arg9[%get3A_3147] {strides = array<i32>} : memref<256xi32, #tpu.memory_space<vmem>>, vector<16xi32>,
      %get3A_3149 = vector.shape_cast %get3A_3148 : vector<16xi32> to vector<16xi32>
      %get3A_3150 = arith.constant 1 : i32
      %get3A_3151 = arith.index_cast %get3A_3150 : i32 to index
      %get3A_3152 = arith.constant 80 : index
      %get3A_3153 = tpu.vector_load %arg13[%get3A_3151, %get3A_3152] {strides = array<i32>} : memref<2x128xf32, #tpu.memory_space<vmem>>, vector<1x16xf32>,
      %get3A_3154 = vector.shape_cast %get3A_3153 : vector<1x16xf32> to vector<16xf32>
      %get3A_3155 = arith.constant 1 : i32
      %get3A_3156 = arith.index_cast %get3A_3155 : i32 to index
      %get3A_3157 = arith.constant 80 : index
      %get3A_3158 = tpu.vector_load %arg14[%get3A_3156, %get3A_3157] {strides = array<i32>} : memref<2x128xf32, #tpu.memory_space<vmem>>, vector<1x16xf32>,
      %get3A_3159 = vector.shape_cast %get3A_3158 : vector<1x16xf32> to vector<16xf32>
      %get3A_3160 = arith.constant 1 : i32
      %get3A_3161 = arith.index_cast %get3A_3160 : i32 to index
      %get3A_3162 = arith.constant 80 : index
      %get3A_3163 = tpu.vector_load %arg15[%get3A_3161, %get3A_3162] {strides = array<i32>} : memref<2x128xf32, #tpu.memory_space<vmem>>, vector<1x16xf32>,
      %get3A_3164 = vector.shape_cast %get3A_3163 : vector<1x16xf32> to vector<16xf32>
      %jit3A_3165 = arith.constant 0.000000e+00 : f32
      %jit3A_3166 = arith.constant 1.000000e+00 : f32
      %max3A_3167 = vector.broadcast %jit3A_3165 : f32 to vector<16xf32>
      %max3A_3168 = arith.maximumf %max3A_3167, %get3A_3164 : vector<16xf32>
      %min3A_3169 = vector.broadcast %jit3A_3166 : f32 to vector<16xf32>
      %min3A_3170 = arith.minimumf %min3A_3169, %max3A_3168 : vector<16xf32>
      %mul3A_3171 = arith.mulf %get3A_3154, %min3A_3170 : vector<16xf32>
      %bitcast_convert_type3A_3172 = tpu.bitcast %mul3A_3171 : vector<16xf32> -> vector<16xi32>
      %shift_right_arithmetic3A_3173 = arith.constant 23 : i32
      %shift_right_arithmetic3A_3174 = vector.broadcast %shift_right_arithmetic3A_3173 : i32 to vector<16xi32>
      %shift_right_arithmetic3A_3175 = arith.shrsi %bitcast_convert_type3A_3172, %shift_right_arithmetic3A_3174 : vector<16xi32>
      %sub3A_3176 = arith.constant 127 : i32
      %sub3A_3177 = vector.broadcast %sub3A_3176 : i32 to vector<16xi32>
      %sub3A_3178 = arith.subi %shift_right_arithmetic3A_3175, %sub3A_3177 : vector<16xi32>
      %and3A_3179 = arith.constant 8388607 : i32
      %and3A_3180 = vector.broadcast %and3A_3179 : i32 to vector<16xi32>
      %and3A_3181 = arith.andi %bitcast_convert_type3A_3172, %and3A_3180 : vector<16xi32>
      %or3A_3182 = arith.constant 1065353216 : i32
      %or3A_3183 = vector.broadcast %or3A_3182 : i32 to vector<16xi32>
      %or3A_3184 = arith.ori %and3A_3181, %or3A_3183 : vector<16xi32>
      %bitcast_convert_type3A_3185 = tpu.bitcast %or3A_3184 : vector<16xi32> -> vector<16xf32>
      %gt3A_3186 = arith.constant 1.41421354 : f32
      %gt3A_3187 = vector.broadcast %gt3A_3186 : f32 to vector<16xf32>
      %gt3A_3188 = arith.cmpf ogt, %bitcast_convert_type3A_3185, %gt3A_3187 : vector<16xf32>
      %mul3A_3189 = arith.constant 5.000000e-01 : f32
      %mul3A_3190 = vector.broadcast %mul3A_3189 : f32 to vector<16xf32>
      %mul3A_3191 = arith.mulf %bitcast_convert_type3A_3185, %mul3A_3190 : vector<16xf32>
      %select_n3A_3192 = arith.select %gt3A_3188, %mul3A_3191, %bitcast_convert_type3A_3185 : vector<16xi1>, vector<16xf32>
      %add3A_3193 = arith.constant 1 : i32
      %add3A_3194 = vector.broadcast %add3A_3193 : i32 to vector<16xi32>
      %add3A_3195 = arith.addi %sub3A_3178, %add3A_3194 : vector<16xi32>
      %select_n3A_3196 = arith.select %gt3A_3188, %add3A_3195, %sub3A_3178 : vector<16xi1>, vector<16xi32>
      %sub3A_3197 = arith.constant 1.000000e+00 : f32
      %sub3A_3198 = vector.broadcast %sub3A_3197 : f32 to vector<16xf32>
      %sub3A_3199 = arith.subf %select_n3A_3192, %sub3A_3198 : vector<16xf32>
      %add3A_3200 = arith.constant 1.000000e+00 : f32
      %add3A_3201 = vector.broadcast %add3A_3200 : f32 to vector<16xf32>
      %add3A_3202 = arith.addf %select_n3A_3192, %add3A_3201 : vector<16xf32>
      %div3A_3203 = arith.divf %sub3A_3199, %add3A_3202 : vector<16xf32>
      %mul3A_3204 = arith.mulf %div3A_3203, %div3A_3203 : vector<16xf32>
      %mul3A_3205 = arith.constant 0.222222224 : f32
      %mul3A_3206 = vector.broadcast %mul3A_3205 : f32 to vector<16xf32>
      %mul3A_3207 = arith.mulf %mul3A_3204, %mul3A_3206 : vector<16xf32>
      %add3A_3208 = arith.constant 0.285714298 : f32
      %add3A_3209 = vector.broadcast %add3A_3208 : f32 to vector<16xf32>
      %add3A_3210 = arith.addf %add3A_3209, %mul3A_3207 : vector<16xf32>
      %mul3A_3211 = arith.mulf %mul3A_3204, %add3A_3210 : vector<16xf32>
      %add3A_3212 = arith.constant 4.000000e-01 : f32
      %add3A_3213 = vector.broadcast %add3A_3212 : f32 to vector<16xf32>
      %add3A_3214 = arith.addf %add3A_3213, %mul3A_3211 : vector<16xf32>
      %mul3A_3215 = arith.mulf %mul3A_3204, %add3A_3214 : vector<16xf32>
      %add3A_3216 = arith.constant 0.666666686 : f32
      %add3A_3217 = vector.broadcast %add3A_3216 : f32 to vector<16xf32>
      %add3A_3218 = arith.addf %add3A_3217, %mul3A_3215 : vector<16xf32>
      %mul3A_3219 = arith.mulf %mul3A_3204, %add3A_3218 : vector<16xf32>
      %add3A_3220 = arith.constant 2.000000e+00 : f32
      %add3A_3221 = vector.broadcast %add3A_3220 : f32 to vector<16xf32>
      %add3A_3222 = arith.addf %add3A_3221, %mul3A_3219 : vector<16xf32>
      %mul3A_3223 = arith.mulf %div3A_3203, %add3A_3222 : vector<16xf32>
      %convert_element_type3A_3224 = arith.sitofp %select_n3A_3196 : vector<16xi32> to vector<16xf32>
      %mul3A_3225 = arith.constant 0.693147182 : f32
      %mul3A_3226 = vector.broadcast %mul3A_3225 : f32 to vector<16xf32>
      %mul3A_3227 = arith.mulf %convert_element_type3A_3224, %mul3A_3226 : vector<16xf32>
      %add3A_3228 = arith.addf %mul3A_3227, %mul3A_3223 : vector<16xf32>
      %mul3A_3229 = arith.mulf %get3A_3159, %min3A_3170 : vector<16xf32>
      %bitcast_convert_type3A_3230 = tpu.bitcast %mul3A_3229 : vector<16xf32> -> vector<16xi32>
      %shift_right_arithmetic3A_3231 = arith.constant 23 : i32
      %shift_right_arithmetic3A_3232 = vector.broadcast %shift_right_arithmetic3A_3231 : i32 to vector<16xi32>
      %shift_right_arithmetic3A_3233 = arith.shrsi %bitcast_convert_type3A_3230, %shift_right_arithmetic3A_3232 : vector<16xi32>
      %sub3A_3234 = arith.constant 127 : i32
      %sub3A_3235 = vector.broadcast %sub3A_3234 : i32 to vector<16xi32>
      %sub3A_3236 = arith.subi %shift_right_arithmetic3A_3233, %sub3A_3235 : vector<16xi32>
      %and3A_3237 = arith.constant 8388607 : i32
      %and3A_3238 = vector.broadcast %and3A_3237 : i32 to vector<16xi32>
      %and3A_3239 = arith.andi %bitcast_convert_type3A_3230, %and3A_3238 : vector<16xi32>
      %or3A_3240 = arith.constant 1065353216 : i32
      %or3A_3241 = vector.broadcast %or3A_3240 : i32 to vector<16xi32>
      %or3A_3242 = arith.ori %and3A_3239, %or3A_3241 : vector<16xi32>
      %bitcast_convert_type3A_3243 = tpu.bitcast %or3A_3242 : vector<16xi32> -> vector<16xf32>
      %gt3A_3244 = arith.constant 1.41421354 : f32
      %gt3A_3245 = vector.broadcast %gt3A_3244 : f32 to vector<16xf32>
      %gt3A_3246 = arith.cmpf ogt, %bitcast_convert_type3A_3243, %gt3A_3245 : vector<16xf32>
      %mul3A_3247 = arith.constant 5.000000e-01 : f32
      %mul3A_3248 = vector.broadcast %mul3A_3247 : f32 to vector<16xf32>
      %mul3A_3249 = arith.mulf %bitcast_convert_type3A_3243, %mul3A_3248 : vector<16xf32>
      %select_n3A_3250 = arith.select %gt3A_3246, %mul3A_3249, %bitcast_convert_type3A_3243 : vector<16xi1>, vector<16xf32>
      %add3A_3251 = arith.constant 1 : i32
      %add3A_3252 = vector.broadcast %add3A_3251 : i32 to vector<16xi32>
      %add3A_3253 = arith.addi %sub3A_3236, %add3A_3252 : vector<16xi32>
      %select_n3A_3254 = arith.select %gt3A_3246, %add3A_3253, %sub3A_3236 : vector<16xi1>, vector<16xi32>
      %sub3A_3255 = arith.constant 1.000000e+00 : f32
      %sub3A_3256 = vector.broadcast %sub3A_3255 : f32 to vector<16xf32>
      %sub3A_3257 = arith.subf %select_n3A_3250, %sub3A_3256 : vector<16xf32>
      %add3A_3258 = arith.constant 1.000000e+00 : f32
      %add3A_3259 = vector.broadcast %add3A_3258 : f32 to vector<16xf32>
      %add3A_3260 = arith.addf %select_n3A_3250, %add3A_3259 : vector<16xf32>
      %div3A_3261 = arith.divf %sub3A_3257, %add3A_3260 : vector<16xf32>
      %mul3A_3262 = arith.mulf %div3A_3261, %div3A_3261 : vector<16xf32>
      %mul3A_3263 = arith.constant 0.222222224 : f32
      %mul3A_3264 = vector.broadcast %mul3A_3263 : f32 to vector<16xf32>
      %mul3A_3265 = arith.mulf %mul3A_3262, %mul3A_3264 : vector<16xf32>
      %add3A_3266 = arith.constant 0.285714298 : f32
      %add3A_3267 = vector.broadcast %add3A_3266 : f32 to vector<16xf32>
      %add3A_3268 = arith.addf %add3A_3267, %mul3A_3265 : vector<16xf32>
      %mul3A_3269 = arith.mulf %mul3A_3262, %add3A_3268 : vector<16xf32>
      %add3A_3270 = arith.constant 4.000000e-01 : f32
      %add3A_3271 = vector.broadcast %add3A_3270 : f32 to vector<16xf32>
      %add3A_3272 = arith.addf %add3A_3271, %mul3A_3269 : vector<16xf32>
      %mul3A_3273 = arith.mulf %mul3A_3262, %add3A_3272 : vector<16xf32>
      %add3A_3274 = arith.constant 0.666666686 : f32
      %add3A_3275 = vector.broadcast %add3A_3274 : f32 to vector<16xf32>
      %add3A_3276 = arith.addf %add3A_3275, %mul3A_3273 : vector<16xf32>
      %mul3A_3277 = arith.mulf %mul3A_3262, %add3A_3276 : vector<16xf32>
      %add3A_3278 = arith.constant 2.000000e+00 : f32
      %add3A_3279 = vector.broadcast %add3A_3278 : f32 to vector<16xf32>
      %add3A_3280 = arith.addf %add3A_3279, %mul3A_3277 : vector<16xf32>
      %mul3A_3281 = arith.mulf %div3A_3261, %add3A_3280 : vector<16xf32>
      %convert_element_type3A_3282 = arith.sitofp %select_n3A_3254 : vector<16xi32> to vector<16xf32>
      %mul3A_3283 = arith.constant 0.693147182 : f32
      %mul3A_3284 = vector.broadcast %mul3A_3283 : f32 to vector<16xf32>
      %mul3A_3285 = arith.mulf %convert_element_type3A_3282, %mul3A_3284 : vector<16xf32>
      %add3A_3286 = arith.addf %mul3A_3285, %mul3A_3281 : vector<16xf32>
      %ne3A_3287 = arith.constant -100 : i32
      %ne3A_3288 = vector.broadcast %ne3A_3287 : i32 to vector<16xi32>
      %ne3A_3289 = arith.cmpi ne, %get3A_3146, %ne3A_3288 : vector<16xi32>
      %ne3A_3290 = arith.constant -100 : i32
      %ne3A_3291 = vector.broadcast %ne3A_3290 : i32 to vector<16xi32>
      %ne3A_3292 = arith.cmpi ne, %get3A_3149, %ne3A_3291 : vector<16xi32>
      %jit3A_3293 = arith.constant 0.000000e+00 : f32
      %broadcast_in_dim3A_3294 = vector.broadcast %jit3A_3293 : f32 to vector<16xf32>
      %select_n3A_3295 = arith.select %ne3A_3289, %add3A_3228, %broadcast_in_dim3A_3294 : vector<16xi1>, vector<16xf32>
      %add3A_3296 = arith.addf %add3A_3127, %select_n3A_3295 : vector<16xf32>
      %jit3A_3297 = arith.constant 0.000000e+00 : f32
      %broadcast_in_dim3A_3298 = vector.broadcast %jit3A_3297 : f32 to vector<16xf32>
      %select_n3A_3299 = arith.select %ne3A_3292, %add3A_3286, %broadcast_in_dim3A_3298 : vector<16xi1>, vector<16xf32>
      %add3A_3300 = arith.addf %add3A_3131, %select_n3A_3299 : vector<16xf32>
      %jit3A_3301 = arith.constant 1.000000e+00 : f32
      %jit3A_3302 = arith.constant 0.000000e+00 : f32
      %broadcast_in_dim3A_3303 = vector.broadcast %jit3A_3301 : f32 to vector<16xf32>
      %broadcast_in_dim3A_3304 = vector.broadcast %jit3A_3302 : f32 to vector<16xf32>
      %select_n3A_3305 = arith.select %ne3A_3289, %broadcast_in_dim3A_3303, %broadcast_in_dim3A_3304 : vector<16xi1>, vector<16xf32>
      %add3A_3306 = arith.addf %add3A_3137, %select_n3A_3305 : vector<16xf32>
      %jit3A_3307 = arith.constant 1.000000e+00 : f32
      %jit3A_3308 = arith.constant 0.000000e+00 : f32
      %broadcast_in_dim3A_3309 = vector.broadcast %jit3A_3307 : f32 to vector<16xf32>
      %broadcast_in_dim3A_3310 = vector.broadcast %jit3A_3308 : f32 to vector<16xf32>
      %select_n3A_3311 = arith.select %ne3A_3292, %broadcast_in_dim3A_3309, %broadcast_in_dim3A_3310 : vector<16xi1>, vector<16xf32>
      %add3A_3312 = arith.addf %add3A_3143, %select_n3A_3311 : vector<16xf32>
      %get3A_3313 = arith.constant 224 : index
      %get3A_3314 = tpu.vector_load %arg8[%get3A_3313] {strides = array<i32>} : memref<256xi32, #tpu.memory_space<vmem>>, vector<16xi32>,
      %get3A_3315 = vector.shape_cast %get3A_3314 : vector<16xi32> to vector<16xi32>
      %get3A_3316 = arith.constant 224 : index
      %get3A_3317 = tpu.vector_load %arg9[%get3A_3316] {strides = array<i32>} : memref<256xi32, #tpu.memory_space<vmem>>, vector<16xi32>,
      %get3A_3318 = vector.shape_cast %get3A_3317 : vector<16xi32> to vector<16xi32>
      %get3A_3319 = arith.constant 1 : i32
      %get3A_3320 = arith.index_cast %get3A_3319 : i32 to index
      %get3A_3321 = arith.constant 96 : index
      %get3A_3322 = tpu.vector_load %arg13[%get3A_3320, %get3A_3321] {strides = array<i32>} : memref<2x128xf32, #tpu.memory_space<vmem>>, vector<1x16xf32>,
      %get3A_3323 = vector.shape_cast %get3A_3322 : vector<1x16xf32> to vector<16xf32>
      %get3A_3324 = arith.constant 1 : i32
      %get3A_3325 = arith.index_cast %get3A_3324 : i32 to index
      %get3A_3326 = arith.constant 96 : index
      %get3A_3327 = tpu.vector_load %arg14[%get3A_3325, %get3A_3326] {strides = array<i32>} : memref<2x128xf32, #tpu.memory_space<vmem>>, vector<1x16xf32>,
      %get3A_3328 = vector.shape_cast %get3A_3327 : vector<1x16xf32> to vector<16xf32>
      %get3A_3329 = arith.constant 1 : i32
      %get3A_3330 = arith.index_cast %get3A_3329 : i32 to index
      %get3A_3331 = arith.constant 96 : index
      %get3A_3332 = tpu.vector_load %arg15[%get3A_3330, %get3A_3331] {strides = array<i32>} : memref<2x128xf32, #tpu.memory_space<vmem>>, vector<1x16xf32>,
      %get3A_3333 = vector.shape_cast %get3A_3332 : vector<1x16xf32> to vector<16xf32>
      %jit3A_3334 = arith.constant 0.000000e+00 : f32
      %jit3A_3335 = arith.constant 1.000000e+00 : f32
      %max3A_3336 = vector.broadcast %jit3A_3334 : f32 to vector<16xf32>
      %max3A_3337 = arith.maximumf %max3A_3336, %get3A_3333 : vector<16xf32>
      %min3A_3338 = vector.broadcast %jit3A_3335 : f32 to vector<16xf32>
      %min3A_3339 = arith.minimumf %min3A_3338, %max3A_3337 : vector<16xf32>
      %mul3A_3340 = arith.mulf %get3A_3323, %min3A_3339 : vector<16xf32>
      %bitcast_convert_type3A_3341 = tpu.bitcast %mul3A_3340 : vector<16xf32> -> vector<16xi32>
      %shift_right_arithmetic3A_3342 = arith.constant 23 : i32
      %shift_right_arithmetic3A_3343 = vector.broadcast %shift_right_arithmetic3A_3342 : i32 to vector<16xi32>
      %shift_right_arithmetic3A_3344 = arith.shrsi %bitcast_convert_type3A_3341, %shift_right_arithmetic3A_3343 : vector<16xi32>
      %sub3A_3345 = arith.constant 127 : i32
      %sub3A_3346 = vector.broadcast %sub3A_3345 : i32 to vector<16xi32>
      %sub3A_3347 = arith.subi %shift_right_arithmetic3A_3344, %sub3A_3346 : vector<16xi32>
      %and3A_3348 = arith.constant 8388607 : i32
      %and3A_3349 = vector.broadcast %and3A_3348 : i32 to vector<16xi32>
      %and3A_3350 = arith.andi %bitcast_convert_type3A_3341, %and3A_3349 : vector<16xi32>
      %or3A_3351 = arith.constant 1065353216 : i32
      %or3A_3352 = vector.broadcast %or3A_3351 : i32 to vector<16xi32>
      %or3A_3353 = arith.ori %and3A_3350, %or3A_3352 : vector<16xi32>
      %bitcast_convert_type3A_3354 = tpu.bitcast %or3A_3353 : vector<16xi32> -> vector<16xf32>
      %gt3A_3355 = arith.constant 1.41421354 : f32
      %gt3A_3356 = vector.broadcast %gt3A_3355 : f32 to vector<16xf32>
      %gt3A_3357 = arith.cmpf ogt, %bitcast_convert_type3A_3354, %gt3A_3356 : vector<16xf32>
      %mul3A_3358 = arith.constant 5.000000e-01 : f32
      %mul3A_3359 = vector.broadcast %mul3A_3358 : f32 to vector<16xf32>
      %mul3A_3360 = arith.mulf %bitcast_convert_type3A_3354, %mul3A_3359 : vector<16xf32>
      %select_n3A_3361 = arith.select %gt3A_3357, %mul3A_3360, %bitcast_convert_type3A_3354 : vector<16xi1>, vector<16xf32>
      %add3A_3362 = arith.constant 1 : i32
      %add3A_3363 = vector.broadcast %add3A_3362 : i32 to vector<16xi32>
      %add3A_3364 = arith.addi %sub3A_3347, %add3A_3363 : vector<16xi32>
      %select_n3A_3365 = arith.select %gt3A_3357, %add3A_3364, %sub3A_3347 : vector<16xi1>, vector<16xi32>
      %sub3A_3366 = arith.constant 1.000000e+00 : f32
      %sub3A_3367 = vector.broadcast %sub3A_3366 : f32 to vector<16xf32>
      %sub3A_3368 = arith.subf %select_n3A_3361, %sub3A_3367 : vector<16xf32>
      %add3A_3369 = arith.constant 1.000000e+00 : f32
      %add3A_3370 = vector.broadcast %add3A_3369 : f32 to vector<16xf32>
      %add3A_3371 = arith.addf %select_n3A_3361, %add3A_3370 : vector<16xf32>
      %div3A_3372 = arith.divf %sub3A_3368, %add3A_3371 : vector<16xf32>
      %mul3A_3373 = arith.mulf %div3A_3372, %div3A_3372 : vector<16xf32>
      %mul3A_3374 = arith.constant 0.222222224 : f32
      %mul3A_3375 = vector.broadcast %mul3A_3374 : f32 to vector<16xf32>
      %mul3A_3376 = arith.mulf %mul3A_3373, %mul3A_3375 : vector<16xf32>
      %add3A_3377 = arith.constant 0.285714298 : f32
      %add3A_3378 = vector.broadcast %add3A_3377 : f32 to vector<16xf32>
      %add3A_3379 = arith.addf %add3A_3378, %mul3A_3376 : vector<16xf32>
      %mul3A_3380 = arith.mulf %mul3A_3373, %add3A_3379 : vector<16xf32>
      %add3A_3381 = arith.constant 4.000000e-01 : f32
      %add3A_3382 = vector.broadcast %add3A_3381 : f32 to vector<16xf32>
      %add3A_3383 = arith.addf %add3A_3382, %mul3A_3380 : vector<16xf32>
      %mul3A_3384 = arith.mulf %mul3A_3373, %add3A_3383 : vector<16xf32>
      %add3A_3385 = arith.constant 0.666666686 : f32
      %add3A_3386 = vector.broadcast %add3A_3385 : f32 to vector<16xf32>
      %add3A_3387 = arith.addf %add3A_3386, %mul3A_3384 : vector<16xf32>
      %mul3A_3388 = arith.mulf %mul3A_3373, %add3A_3387 : vector<16xf32>
      %add3A_3389 = arith.constant 2.000000e+00 : f32
      %add3A_3390 = vector.broadcast %add3A_3389 : f32 to vector<16xf32>
      %add3A_3391 = arith.addf %add3A_3390, %mul3A_3388 : vector<16xf32>
      %mul3A_3392 = arith.mulf %div3A_3372, %add3A_3391 : vector<16xf32>
      %convert_element_type3A_3393 = arith.sitofp %select_n3A_3365 : vector<16xi32> to vector<16xf32>
      %mul3A_3394 = arith.constant 0.693147182 : f32
      %mul3A_3395 = vector.broadcast %mul3A_3394 : f32 to vector<16xf32>
      %mul3A_3396 = arith.mulf %convert_element_type3A_3393, %mul3A_3395 : vector<16xf32>
      %add3A_3397 = arith.addf %mul3A_3396, %mul3A_3392 : vector<16xf32>
      %mul3A_3398 = arith.mulf %get3A_3328, %min3A_3339 : vector<16xf32>
      %bitcast_convert_type3A_3399 = tpu.bitcast %mul3A_3398 : vector<16xf32> -> vector<16xi32>
      %shift_right_arithmetic3A_3400 = arith.constant 23 : i32
      %shift_right_arithmetic3A_3401 = vector.broadcast %shift_right_arithmetic3A_3400 : i32 to vector<16xi32>
      %shift_right_arithmetic3A_3402 = arith.shrsi %bitcast_convert_type3A_3399, %shift_right_arithmetic3A_3401 : vector<16xi32>
      %sub3A_3403 = arith.constant 127 : i32
      %sub3A_3404 = vector.broadcast %sub3A_3403 : i32 to vector<16xi32>
      %sub3A_3405 = arith.subi %shift_right_arithmetic3A_3402, %sub3A_3404 : vector<16xi32>
      %and3A_3406 = arith.constant 8388607 : i32
      %and3A_3407 = vector.broadcast %and3A_3406 : i32 to vector<16xi32>
      %and3A_3408 = arith.andi %bitcast_convert_type3A_3399, %and3A_3407 : vector<16xi32>
      %or3A_3409 = arith.constant 1065353216 : i32
      %or3A_3410 = vector.broadcast %or3A_3409 : i32 to vector<16xi32>
      %or3A_3411 = arith.ori %and3A_3408, %or3A_3410 : vector<16xi32>
      %bitcast_convert_type3A_3412 = tpu.bitcast %or3A_3411 : vector<16xi32> -> vector<16xf32>
      %gt3A_3413 = arith.constant 1.41421354 : f32
      %gt3A_3414 = vector.broadcast %gt3A_3413 : f32 to vector<16xf32>
      %gt3A_3415 = arith.cmpf ogt, %bitcast_convert_type3A_3412, %gt3A_3414 : vector<16xf32>
      %mul3A_3416 = arith.constant 5.000000e-01 : f32
      %mul3A_3417 = vector.broadcast %mul3A_3416 : f32 to vector<16xf32>
      %mul3A_3418 = arith.mulf %bitcast_convert_type3A_3412, %mul3A_3417 : vector<16xf32>
      %select_n3A_3419 = arith.select %gt3A_3415, %mul3A_3418, %bitcast_convert_type3A_3412 : vector<16xi1>, vector<16xf32>
      %add3A_3420 = arith.constant 1 : i32
      %add3A_3421 = vector.broadcast %add3A_3420 : i32 to vector<16xi32>
      %add3A_3422 = arith.addi %sub3A_3405, %add3A_3421 : vector<16xi32>
      %select_n3A_3423 = arith.select %gt3A_3415, %add3A_3422, %sub3A_3405 : vector<16xi1>, vector<16xi32>
      %sub3A_3424 = arith.constant 1.000000e+00 : f32
      %sub3A_3425 = vector.broadcast %sub3A_3424 : f32 to vector<16xf32>
      %sub3A_3426 = arith.subf %select_n3A_3419, %sub3A_3425 : vector<16xf32>
      %add3A_3427 = arith.constant 1.000000e+00 : f32
      %add3A_3428 = vector.broadcast %add3A_3427 : f32 to vector<16xf32>
      %add3A_3429 = arith.addf %select_n3A_3419, %add3A_3428 : vector<16xf32>
      %div3A_3430 = arith.divf %sub3A_3426, %add3A_3429 : vector<16xf32>
      %mul3A_3431 = arith.mulf %div3A_3430, %div3A_3430 : vector<16xf32>
      %mul3A_3432 = arith.constant 0.222222224 : f32
      %mul3A_3433 = vector.broadcast %mul3A_3432 : f32 to vector<16xf32>
      %mul3A_3434 = arith.mulf %mul3A_3431, %mul3A_3433 : vector<16xf32>
      %add3A_3435 = arith.constant 0.285714298 : f32
      %add3A_3436 = vector.broadcast %add3A_3435 : f32 to vector<16xf32>
      %add3A_3437 = arith.addf %add3A_3436, %mul3A_3434 : vector<16xf32>
      %mul3A_3438 = arith.mulf %mul3A_3431, %add3A_3437 : vector<16xf32>
      %add3A_3439 = arith.constant 4.000000e-01 : f32
      %add3A_3440 = vector.broadcast %add3A_3439 : f32 to vector<16xf32>
      %add3A_3441 = arith.addf %add3A_3440, %mul3A_3438 : vector<16xf32>
      %mul3A_3442 = arith.mulf %mul3A_3431, %add3A_3441 : vector<16xf32>
      %add3A_3443 = arith.constant 0.666666686 : f32
      %add3A_3444 = vector.broadcast %add3A_3443 : f32 to vector<16xf32>
      %add3A_3445 = arith.addf %add3A_3444, %mul3A_3442 : vector<16xf32>
      %mul3A_3446 = arith.mulf %mul3A_3431, %add3A_3445 : vector<16xf32>
      %add3A_3447 = arith.constant 2.000000e+00 : f32
      %add3A_3448 = vector.broadcast %add3A_3447 : f32 to vector<16xf32>
      %add3A_3449 = arith.addf %add3A_3448, %mul3A_3446 : vector<16xf32>
      %mul3A_3450 = arith.mulf %div3A_3430, %add3A_3449 : vector<16xf32>
      %convert_element_type3A_3451 = arith.sitofp %select_n3A_3423 : vector<16xi32> to vector<16xf32>
      %mul3A_3452 = arith.constant 0.693147182 : f32
      %mul3A_3453 = vector.broadcast %mul3A_3452 : f32 to vector<16xf32>
      %mul3A_3454 = arith.mulf %convert_element_type3A_3451, %mul3A_3453 : vector<16xf32>
      %add3A_3455 = arith.addf %mul3A_3454, %mul3A_3450 : vector<16xf32>
      %ne3A_3456 = arith.constant -100 : i32
      %ne3A_3457 = vector.broadcast %ne3A_3456 : i32 to vector<16xi32>
      %ne3A_3458 = arith.cmpi ne, %get3A_3315, %ne3A_3457 : vector<16xi32>
      %ne3A_3459 = arith.constant -100 : i32
      %ne3A_3460 = vector.broadcast %ne3A_3459 : i32 to vector<16xi32>
      %ne3A_3461 = arith.cmpi ne, %get3A_3318, %ne3A_3460 : vector<16xi32>
      %jit3A_3462 = arith.constant 0.000000e+00 : f32
      %broadcast_in_dim3A_3463 = vector.broadcast %jit3A_3462 : f32 to vector<16xf32>
      %select_n3A_3464 = arith.select %ne3A_3458, %add3A_3397, %broadcast_in_dim3A_3463 : vector<16xi1>, vector<16xf32>
      %add3A_3465 = arith.addf %add3A_3296, %select_n3A_3464 : vector<16xf32>
      %jit3A_3466 = arith.constant 0.000000e+00 : f32
      %broadcast_in_dim3A_3467 = vector.broadcast %jit3A_3466 : f32 to vector<16xf32>
      %select_n3A_3468 = arith.select %ne3A_3461, %add3A_3455, %broadcast_in_dim3A_3467 : vector<16xi1>, vector<16xf32>
      %add3A_3469 = arith.addf %add3A_3300, %select_n3A_3468 : vector<16xf32>
      %jit3A_3470 = arith.constant 1.000000e+00 : f32
      %jit3A_3471 = arith.constant 0.000000e+00 : f32
      %broadcast_in_dim3A_3472 = vector.broadcast %jit3A_3470 : f32 to vector<16xf32>
      %broadcast_in_dim3A_3473 = vector.broadcast %jit3A_3471 : f32 to vector<16xf32>
      %select_n3A_3474 = arith.select %ne3A_3458, %broadcast_in_dim3A_3472, %broadcast_in_dim3A_3473 : vector<16xi1>, vector<16xf32>
      %add3A_3475 = arith.addf %add3A_3306, %select_n3A_3474 : vector<16xf32>
      %jit3A_3476 = arith.constant 1.000000e+00 : f32
      %jit3A_3477 = arith.constant 0.000000e+00 : f32
      %broadcast_in_dim3A_3478 = vector.broadcast %jit3A_3476 : f32 to vector<16xf32>
      %broadcast_in_dim3A_3479 = vector.broadcast %jit3A_3477 : f32 to vector<16xf32>
      %select_n3A_3480 = arith.select %ne3A_3461, %broadcast_in_dim3A_3478, %broadcast_in_dim3A_3479 : vector<16xi1>, vector<16xf32>
      %add3A_3481 = arith.addf %add3A_3312, %select_n3A_3480 : vector<16xf32>
      %get3A_3482 = arith.constant 240 : index
      %get3A_3483 = tpu.vector_load %arg8[%get3A_3482] {strides = array<i32>} : memref<256xi32, #tpu.memory_space<vmem>>, vector<16xi32>,
      %get3A_3484 = vector.shape_cast %get3A_3483 : vector<16xi32> to vector<16xi32>
      %get3A_3485 = arith.constant 240 : index
      %get3A_3486 = tpu.vector_load %arg9[%get3A_3485] {strides = array<i32>} : memref<256xi32, #tpu.memory_space<vmem>>, vector<16xi32>,
      %get3A_3487 = vector.shape_cast %get3A_3486 : vector<16xi32> to vector<16xi32>
      %get3A_3488 = arith.constant 1 : i32
      %get3A_3489 = arith.index_cast %get3A_3488 : i32 to index
      %get3A_3490 = arith.constant 112 : index
      %get3A_3491 = tpu.vector_load %arg13[%get3A_3489, %get3A_3490] {strides = array<i32>} : memref<2x128xf32, #tpu.memory_space<vmem>>, vector<1x16xf32>,
      %get3A_3492 = vector.shape_cast %get3A_3491 : vector<1x16xf32> to vector<16xf32>
      %get3A_3493 = arith.constant 1 : i32
      %get3A_3494 = arith.index_cast %get3A_3493 : i32 to index
      %get3A_3495 = arith.constant 112 : index
      %get3A_3496 = tpu.vector_load %arg14[%get3A_3494, %get3A_3495] {strides = array<i32>} : memref<2x128xf32, #tpu.memory_space<vmem>>, vector<1x16xf32>,
      %get3A_3497 = vector.shape_cast %get3A_3496 : vector<1x16xf32> to vector<16xf32>
      %get3A_3498 = arith.constant 1 : i32
      %get3A_3499 = arith.index_cast %get3A_3498 : i32 to index
      %get3A_3500 = arith.constant 112 : index
      %get3A_3501 = tpu.vector_load %arg15[%get3A_3499, %get3A_3500] {strides = array<i32>} : memref<2x128xf32, #tpu.memory_space<vmem>>, vector<1x16xf32>,
      %get3A_3502 = vector.shape_cast %get3A_3501 : vector<1x16xf32> to vector<16xf32>
      %jit3A_3503 = arith.constant 0.000000e+00 : f32
      %jit3A_3504 = arith.constant 1.000000e+00 : f32
      %max3A_3505 = vector.broadcast %jit3A_3503 : f32 to vector<16xf32>
      %max3A_3506 = arith.maximumf %max3A_3505, %get3A_3502 : vector<16xf32>
      %min3A_3507 = vector.broadcast %jit3A_3504 : f32 to vector<16xf32>
      %min3A_3508 = arith.minimumf %min3A_3507, %max3A_3506 : vector<16xf32>
      %mul3A_3509 = arith.mulf %get3A_3492, %min3A_3508 : vector<16xf32>
      %bitcast_convert_type3A_3510 = tpu.bitcast %mul3A_3509 : vector<16xf32> -> vector<16xi32>
      %shift_right_arithmetic3A_3511 = arith.constant 23 : i32
      %shift_right_arithmetic3A_3512 = vector.broadcast %shift_right_arithmetic3A_3511 : i32 to vector<16xi32>
      %shift_right_arithmetic3A_3513 = arith.shrsi %bitcast_convert_type3A_3510, %shift_right_arithmetic3A_3512 : vector<16xi32>
      %sub3A_3514 = arith.constant 127 : i32
      %sub3A_3515 = vector.broadcast %sub3A_3514 : i32 to vector<16xi32>
      %sub3A_3516 = arith.subi %shift_right_arithmetic3A_3513, %sub3A_3515 : vector<16xi32>
      %and3A_3517 = arith.constant 8388607 : i32
      %and3A_3518 = vector.broadcast %and3A_3517 : i32 to vector<16xi32>
      %and3A_3519 = arith.andi %bitcast_convert_type3A_3510, %and3A_3518 : vector<16xi32>
      %or3A_3520 = arith.constant 1065353216 : i32
      %or3A_3521 = vector.broadcast %or3A_3520 : i32 to vector<16xi32>
      %or3A_3522 = arith.ori %and3A_3519, %or3A_3521 : vector<16xi32>
      %bitcast_convert_type3A_3523 = tpu.bitcast %or3A_3522 : vector<16xi32> -> vector<16xf32>
      %gt3A_3524 = arith.constant 1.41421354 : f32
      %gt3A_3525 = vector.broadcast %gt3A_3524 : f32 to vector<16xf32>
      %gt3A_3526 = arith.cmpf ogt, %bitcast_convert_type3A_3523, %gt3A_3525 : vector<16xf32>
      %mul3A_3527 = arith.constant 5.000000e-01 : f32
      %mul3A_3528 = vector.broadcast %mul3A_3527 : f32 to vector<16xf32>
      %mul3A_3529 = arith.mulf %bitcast_convert_type3A_3523, %mul3A_3528 : vector<16xf32>
      %select_n3A_3530 = arith.select %gt3A_3526, %mul3A_3529, %bitcast_convert_type3A_3523 : vector<16xi1>, vector<16xf32>
      %add3A_3531 = arith.constant 1 : i32
      %add3A_3532 = vector.broadcast %add3A_3531 : i32 to vector<16xi32>
      %add3A_3533 = arith.addi %sub3A_3516, %add3A_3532 : vector<16xi32>
      %select_n3A_3534 = arith.select %gt3A_3526, %add3A_3533, %sub3A_3516 : vector<16xi1>, vector<16xi32>
      %sub3A_3535 = arith.constant 1.000000e+00 : f32
      %sub3A_3536 = vector.broadcast %sub3A_3535 : f32 to vector<16xf32>
      %sub3A_3537 = arith.subf %select_n3A_3530, %sub3A_3536 : vector<16xf32>
      %add3A_3538 = arith.constant 1.000000e+00 : f32
      %add3A_3539 = vector.broadcast %add3A_3538 : f32 to vector<16xf32>
      %add3A_3540 = arith.addf %select_n3A_3530, %add3A_3539 : vector<16xf32>
      %div3A_3541 = arith.divf %sub3A_3537, %add3A_3540 : vector<16xf32>
      %mul3A_3542 = arith.mulf %div3A_3541, %div3A_3541 : vector<16xf32>
      %mul3A_3543 = arith.constant 0.222222224 : f32
      %mul3A_3544 = vector.broadcast %mul3A_3543 : f32 to vector<16xf32>
      %mul3A_3545 = arith.mulf %mul3A_3542, %mul3A_3544 : vector<16xf32>
      %add3A_3546 = arith.constant 0.285714298 : f32
      %add3A_3547 = vector.broadcast %add3A_3546 : f32 to vector<16xf32>
      %add3A_3548 = arith.addf %add3A_3547, %mul3A_3545 : vector<16xf32>
      %mul3A_3549 = arith.mulf %mul3A_3542, %add3A_3548 : vector<16xf32>
      %add3A_3550 = arith.constant 4.000000e-01 : f32
      %add3A_3551 = vector.broadcast %add3A_3550 : f32 to vector<16xf32>
      %add3A_3552 = arith.addf %add3A_3551, %mul3A_3549 : vector<16xf32>
      %mul3A_3553 = arith.mulf %mul3A_3542, %add3A_3552 : vector<16xf32>
      %add3A_3554 = arith.constant 0.666666686 : f32
      %add3A_3555 = vector.broadcast %add3A_3554 : f32 to vector<16xf32>
      %add3A_3556 = arith.addf %add3A_3555, %mul3A_3553 : vector<16xf32>
      %mul3A_3557 = arith.mulf %mul3A_3542, %add3A_3556 : vector<16xf32>
      %add3A_3558 = arith.constant 2.000000e+00 : f32
      %add3A_3559 = vector.broadcast %add3A_3558 : f32 to vector<16xf32>
      %add3A_3560 = arith.addf %add3A_3559, %mul3A_3557 : vector<16xf32>
      %mul3A_3561 = arith.mulf %div3A_3541, %add3A_3560 : vector<16xf32>
      %convert_element_type3A_3562 = arith.sitofp %select_n3A_3534 : vector<16xi32> to vector<16xf32>
      %mul3A_3563 = arith.constant 0.693147182 : f32
      %mul3A_3564 = vector.broadcast %mul3A_3563 : f32 to vector<16xf32>
      %mul3A_3565 = arith.mulf %convert_element_type3A_3562, %mul3A_3564 : vector<16xf32>
      %add3A_3566 = arith.addf %mul3A_3565, %mul3A_3561 : vector<16xf32>
      %mul3A_3567 = arith.mulf %get3A_3497, %min3A_3508 : vector<16xf32>
      %bitcast_convert_type3A_3568 = tpu.bitcast %mul3A_3567 : vector<16xf32> -> vector<16xi32>
      %shift_right_arithmetic3A_3569 = arith.constant 23 : i32
      %shift_right_arithmetic3A_3570 = vector.broadcast %shift_right_arithmetic3A_3569 : i32 to vector<16xi32>
      %shift_right_arithmetic3A_3571 = arith.shrsi %bitcast_convert_type3A_3568, %shift_right_arithmetic3A_3570 : vector<16xi32>
      %sub3A_3572 = arith.constant 127 : i32
      %sub3A_3573 = vector.broadcast %sub3A_3572 : i32 to vector<16xi32>
      %sub3A_3574 = arith.subi %shift_right_arithmetic3A_3571, %sub3A_3573 : vector<16xi32>
      %and3A_3575 = arith.constant 8388607 : i32
      %and3A_3576 = vector.broadcast %and3A_3575 : i32 to vector<16xi32>
      %and3A_3577 = arith.andi %bitcast_convert_type3A_3568, %and3A_3576 : vector<16xi32>
      %or3A_3578 = arith.constant 1065353216 : i32
      %or3A_3579 = vector.broadcast %or3A_3578 : i32 to vector<16xi32>
      %or3A_3580 = arith.ori %and3A_3577, %or3A_3579 : vector<16xi32>
      %bitcast_convert_type3A_3581 = tpu.bitcast %or3A_3580 : vector<16xi32> -> vector<16xf32>
      %gt3A_3582 = arith.constant 1.41421354 : f32
      %gt3A_3583 = vector.broadcast %gt3A_3582 : f32 to vector<16xf32>
      %gt3A_3584 = arith.cmpf ogt, %bitcast_convert_type3A_3581, %gt3A_3583 : vector<16xf32>
      %mul3A_3585 = arith.constant 5.000000e-01 : f32
      %mul3A_3586 = vector.broadcast %mul3A_3585 : f32 to vector<16xf32>
      %mul3A_3587 = arith.mulf %bitcast_convert_type3A_3581, %mul3A_3586 : vector<16xf32>
      %select_n3A_3588 = arith.select %gt3A_3584, %mul3A_3587, %bitcast_convert_type3A_3581 : vector<16xi1>, vector<16xf32>
      %add3A_3589 = arith.constant 1 : i32
      %add3A_3590 = vector.broadcast %add3A_3589 : i32 to vector<16xi32>
      %add3A_3591 = arith.addi %sub3A_3574, %add3A_3590 : vector<16xi32>
      %select_n3A_3592 = arith.select %gt3A_3584, %add3A_3591, %sub3A_3574 : vector<16xi1>, vector<16xi32>
      %sub3A_3593 = arith.constant 1.000000e+00 : f32
      %sub3A_3594 = vector.broadcast %sub3A_3593 : f32 to vector<16xf32>
      %sub3A_3595 = arith.subf %select_n3A_3588, %sub3A_3594 : vector<16xf32>
      %add3A_3596 = arith.constant 1.000000e+00 : f32
      %add3A_3597 = vector.broadcast %add3A_3596 : f32 to vector<16xf32>
      %add3A_3598 = arith.addf %select_n3A_3588, %add3A_3597 : vector<16xf32>
      %div3A_3599 = arith.divf %sub3A_3595, %add3A_3598 : vector<16xf32>
      %mul3A_3600 = arith.mulf %div3A_3599, %div3A_3599 : vector<16xf32>
      %mul3A_3601 = arith.constant 0.222222224 : f32
      %mul3A_3602 = vector.broadcast %mul3A_3601 : f32 to vector<16xf32>
      %mul3A_3603 = arith.mulf %mul3A_3600, %mul3A_3602 : vector<16xf32>
      %add3A_3604 = arith.constant 0.285714298 : f32
      %add3A_3605 = vector.broadcast %add3A_3604 : f32 to vector<16xf32>
      %add3A_3606 = arith.addf %add3A_3605, %mul3A_3603 : vector<16xf32>
      %mul3A_3607 = arith.mulf %mul3A_3600, %add3A_3606 : vector<16xf32>
      %add3A_3608 = arith.constant 4.000000e-01 : f32
      %add3A_3609 = vector.broadcast %add3A_3608 : f32 to vector<16xf32>
      %add3A_3610 = arith.addf %add3A_3609, %mul3A_3607 : vector<16xf32>
      %mul3A_3611 = arith.mulf %mul3A_3600, %add3A_3610 : vector<16xf32>
      %add3A_3612 = arith.constant 0.666666686 : f32
      %add3A_3613 = vector.broadcast %add3A_3612 : f32 to vector<16xf32>
      %add3A_3614 = arith.addf %add3A_3613, %mul3A_3611 : vector<16xf32>
      %mul3A_3615 = arith.mulf %mul3A_3600, %add3A_3614 : vector<16xf32>
      %add3A_3616 = arith.constant 2.000000e+00 : f32
      %add3A_3617 = vector.broadcast %add3A_3616 : f32 to vector<16xf32>
      %add3A_3618 = arith.addf %add3A_3617, %mul3A_3615 : vector<16xf32>
      %mul3A_3619 = arith.mulf %div3A_3599, %add3A_3618 : vector<16xf32>
      %convert_element_type3A_3620 = arith.sitofp %select_n3A_3592 : vector<16xi32> to vector<16xf32>
      %mul3A_3621 = arith.constant 0.693147182 : f32
      %mul3A_3622 = vector.broadcast %mul3A_3621 : f32 to vector<16xf32>
      %mul3A_3623 = arith.mulf %convert_element_type3A_3620, %mul3A_3622 : vector<16xf32>
      %add3A_3624 = arith.addf %mul3A_3623, %mul3A_3619 : vector<16xf32>
      %ne3A_3625 = arith.constant -100 : i32
      %ne3A_3626 = vector.broadcast %ne3A_3625 : i32 to vector<16xi32>
      %ne3A_3627 = arith.cmpi ne, %get3A_3484, %ne3A_3626 : vector<16xi32>
      %ne3A_3628 = arith.constant -100 : i32
      %ne3A_3629 = vector.broadcast %ne3A_3628 : i32 to vector<16xi32>
      %ne3A_3630 = arith.cmpi ne, %get3A_3487, %ne3A_3629 : vector<16xi32>
      %jit3A_3631 = arith.constant 0.000000e+00 : f32
      %broadcast_in_dim3A_3632 = vector.broadcast %jit3A_3631 : f32 to vector<16xf32>
      %select_n3A_3633 = arith.select %ne3A_3627, %add3A_3566, %broadcast_in_dim3A_3632 : vector<16xi1>, vector<16xf32>
      %add3A_3634 = arith.addf %add3A_3465, %select_n3A_3633 : vector<16xf32>
      %jit3A_3635 = arith.constant 0.000000e+00 : f32
      %broadcast_in_dim3A_3636 = vector.broadcast %jit3A_3635 : f32 to vector<16xf32>
      %select_n3A_3637 = arith.select %ne3A_3630, %add3A_3624, %broadcast_in_dim3A_3636 : vector<16xi1>, vector<16xf32>
      %add3A_3638 = arith.addf %add3A_3469, %select_n3A_3637 : vector<16xf32>
      %jit3A_3639 = arith.constant 1.000000e+00 : f32
      %jit3A_3640 = arith.constant 0.000000e+00 : f32
      %broadcast_in_dim3A_3641 = vector.broadcast %jit3A_3639 : f32 to vector<16xf32>
      %broadcast_in_dim3A_3642 = vector.broadcast %jit3A_3640 : f32 to vector<16xf32>
      %select_n3A_3643 = arith.select %ne3A_3627, %broadcast_in_dim3A_3641, %broadcast_in_dim3A_3642 : vector<16xi1>, vector<16xf32>
      %add3A_3644 = arith.addf %add3A_3475, %select_n3A_3643 : vector<16xf32>
      %jit3A_3645 = arith.constant 1.000000e+00 : f32
      %jit3A_3646 = arith.constant 0.000000e+00 : f32
      %broadcast_in_dim3A_3647 = vector.broadcast %jit3A_3645 : f32 to vector<16xf32>
      %broadcast_in_dim3A_3648 = vector.broadcast %jit3A_3646 : f32 to vector<16xf32>
      %select_n3A_3649 = arith.select %ne3A_3630, %broadcast_in_dim3A_3647, %broadcast_in_dim3A_3648 : vector<16xi1>, vector<16xf32>
      %add3A_3650 = arith.addf %add3A_3481, %select_n3A_3649 : vector<16xf32>
      %swap3A_3651 = arith.constant 0 : index
      %swap3A_3652 = tpu.vector_load %arg16[%swap3A_3651] {strides = array<i32>} : memref<64xf32, #tpu.memory_space<vmem>>, vector<16xf32>,
      %swap3A_3653 = vector.shape_cast %swap3A_3652 : vector<16xf32> to vector<16xf32>
      %swap3A_3654 = vector.shape_cast %add3A_3634 : vector<16xf32> to vector<16xf32>
      tpu.vector_store %arg16[%swap3A_3651], %swap3A_3654 {strides = array<i32>} : memref<64xf32, #tpu.memory_space<vmem>>, vector<16xf32>,
      %swap3A_3655 = arith.constant 16 : index
      %swap3A_3656 = tpu.vector_load %arg16[%swap3A_3655] {strides = array<i32>} : memref<64xf32, #tpu.memory_space<vmem>>, vector<16xf32>,
      %swap3A_3657 = vector.shape_cast %swap3A_3656 : vector<16xf32> to vector<16xf32>
      %swap3A_3658 = vector.shape_cast %add3A_3638 : vector<16xf32> to vector<16xf32>
      tpu.vector_store %arg16[%swap3A_3655], %swap3A_3658 {strides = array<i32>} : memref<64xf32, #tpu.memory_space<vmem>>, vector<16xf32>,
      %swap3A_3659 = arith.constant 32 : index
      %swap3A_3660 = tpu.vector_load %arg16[%swap3A_3659] {strides = array<i32>} : memref<64xf32, #tpu.memory_space<vmem>>, vector<16xf32>,
      %swap3A_3661 = vector.shape_cast %swap3A_3660 : vector<16xf32> to vector<16xf32>
      %swap3A_3662 = vector.shape_cast %add3A_3644 : vector<16xf32> to vector<16xf32>
      tpu.vector_store %arg16[%swap3A_3659], %swap3A_3662 {strides = array<i32>} : memref<64xf32, #tpu.memory_space<vmem>>, vector<16xf32>,
      %swap3A_3663 = arith.constant 48 : index
      %swap3A_3664 = tpu.vector_load %arg16[%swap3A_3663] {strides = array<i32>} : memref<64xf32, #tpu.memory_space<vmem>>, vector<16xf32>,
      %swap3A_3665 = vector.shape_cast %swap3A_3664 : vector<16xf32> to vector<16xf32>
      %swap3A_3666 = vector.shape_cast %add3A_3650 : vector<16xf32> to vector<16xf32>
      tpu.vector_store %arg16[%swap3A_3663], %swap3A_3666 {strides = array<i32>} : memref<64xf32, #tpu.memory_space<vmem>>, vector<16xf32>,
      %mul3A_3667 = arith.constant 64 : i32
      %mul3A_3668 = arith.muli %arg1, %mul3A_3667 : i32
      "tpu.region"() ({
        %run_scoped3A = tpu.sem_alloc : memref<!tpu.dma_semaphore, #tpu.memory_space<semaphore_mem>>
        %dma_start3A_3669 = tpu.memref_slice %arg19[%mul3A_3668] : memref<1024xf32, #tpu.memory_space<vmem_shared>> -> memref<64xf32, #tpu.memory_space<vmem_shared>>
        %dma_start3A_3670 = tpu.memref_slice %arg19[%mul3A_3668] : memref<1024xf32, #tpu.memory_space<vmem_shared>> -> memref<64xf32, #tpu.memory_space<vmem_shared>>
        tpu.enqueue_dma source(%arg16 : memref<64xf32, #tpu.memory_space<vmem>>) target(%dma_start3A_3670 : memref<64xf32, #tpu.memory_space<vmem_shared>>) target_semaphore(%run_scoped3A : memref<!tpu.dma_semaphore, #tpu.memory_space<semaphore_mem>>)
        %dma_wait3A_3671 = tpu.memref_slice %arg19[%mul3A_3668] : memref<1024xf32, #tpu.memory_space<vmem_shared>> -> memref<64xf32, #tpu.memory_space<vmem_shared>>
        %dma_wait3A_3672 = tpu.memref_slice %arg19[%mul3A_3668] : memref<1024xf32, #tpu.memory_space<vmem_shared>> -> memref<64xf32, #tpu.memory_space<vmem_shared>>
        tpu.wait_dma2 semaphore(%run_scoped3A : memref<!tpu.dma_semaphore, #tpu.memory_space<semaphore_mem>>) src(%arg16 : memref<64xf32, #tpu.memory_space<vmem>>) dst(%dma_wait3A_3672 : memref<64xf32, #tpu.memory_space<vmem_shared>>)
        tpu.yield
      }) : () -> ()
    } else {
    }
    %barrier3A = arith.constant 0 : index
    tpu.barrier barrier_id(%barrier3A)
    %eq3A_3 = arith.constant 0 : i32
    %eq3A_4 = arith.cmpi eq, %arg0, %eq3A_3 : i32
    %eq3A_5 = arith.constant 0 : i32
    %eq3A_6 = arith.cmpi eq, %arg1, %eq3A_5 : i32
    %and3A = arith.andi %eq3A_4, %eq3A_6 : i1
    %convert_element_type3A_7 = arith.extui %and3A : i1 to i32
    %cond3A_8 = arith.constant 0 : i32
    %cond3A_9 = arith.cmpi ne, %convert_element_type3A_7, %cond3A_8 : i32
    scf.if %cond3A_9 {
      "tpu.region"() ({
        %run_scoped3A = tpu.sem_alloc : memref<!tpu.dma_semaphore, #tpu.memory_space<semaphore_mem>>
        tpu.enqueue_dma source(%arg19 : memref<1024xf32, #tpu.memory_space<vmem_shared>>) target(%arg17 : memref<1024xf32, #tpu.memory_space<vmem>>) target_semaphore(%run_scoped3A : memref<!tpu.dma_semaphore, #tpu.memory_space<semaphore_mem>>)
        tpu.wait_dma2 semaphore(%run_scoped3A : memref<!tpu.dma_semaphore, #tpu.memory_space<semaphore_mem>>) src(%arg19 : memref<1024xf32, #tpu.memory_space<vmem_shared>>) dst(%arg17 : memref<1024xf32, #tpu.memory_space<vmem>>)
        tpu.yield
      }) : () -> ()
      %broadcast_in_dim3A = arith.constant 0.000000e+00 : f32
      %broadcast_in_dim3A_10 = vector.broadcast %broadcast_in_dim3A : f32 to vector<16xf32>
      %get3A = arith.constant 0 : index
      %get3A_11 = tpu.vector_load %arg17[%get3A] {strides = array<i32>} : memref<1024xf32, #tpu.memory_space<vmem>>, vector<16xf32>,
      %get3A_12 = vector.shape_cast %get3A_11 : vector<16xf32> to vector<16xf32>
      %add3A = arith.addf %broadcast_in_dim3A_10, %get3A_12 : vector<16xf32>
      %get3A_13 = arith.constant 16 : index
      %get3A_14 = tpu.vector_load %arg17[%get3A_13] {strides = array<i32>} : memref<1024xf32, #tpu.memory_space<vmem>>, vector<16xf32>,
      %get3A_15 = vector.shape_cast %get3A_14 : vector<16xf32> to vector<16xf32>
      %add3A_16 = arith.addf %broadcast_in_dim3A_10, %get3A_15 : vector<16xf32>
      %get3A_17 = arith.constant 32 : index
      %get3A_18 = tpu.vector_load %arg17[%get3A_17] {strides = array<i32>} : memref<1024xf32, #tpu.memory_space<vmem>>, vector<16xf32>,
      %get3A_19 = vector.shape_cast %get3A_18 : vector<16xf32> to vector<16xf32>
      %add3A_20 = arith.addf %broadcast_in_dim3A_10, %get3A_19 : vector<16xf32>
      %get3A_21 = arith.constant 48 : index
      %get3A_22 = tpu.vector_load %arg17[%get3A_21] {strides = array<i32>} : memref<1024xf32, #tpu.memory_space<vmem>>, vector<16xf32>,
      %get3A_23 = vector.shape_cast %get3A_22 : vector<16xf32> to vector<16xf32>
      %add3A_24 = arith.addf %broadcast_in_dim3A_10, %get3A_23 : vector<16xf32>
      %get3A_25 = arith.constant 64 : index
      %get3A_26 = tpu.vector_load %arg17[%get3A_25] {strides = array<i32>} : memref<1024xf32, #tpu.memory_space<vmem>>, vector<16xf32>,
      %get3A_27 = vector.shape_cast %get3A_26 : vector<16xf32> to vector<16xf32>
      %add3A_28 = arith.addf %add3A, %get3A_27 : vector<16xf32>
      %get3A_29 = arith.constant 80 : index
      %get3A_30 = tpu.vector_load %arg17[%get3A_29] {strides = array<i32>} : memref<1024xf32, #tpu.memory_space<vmem>>, vector<16xf32>,
      %get3A_31 = vector.shape_cast %get3A_30 : vector<16xf32> to vector<16xf32>
      %add3A_32 = arith.addf %add3A_16, %get3A_31 : vector<16xf32>
      %get3A_33 = arith.constant 96 : index
      %get3A_34 = tpu.vector_load %arg17[%get3A_33] {strides = array<i32>} : memref<1024xf32, #tpu.memory_space<vmem>>, vector<16xf32>,
      %get3A_35 = vector.shape_cast %get3A_34 : vector<16xf32> to vector<16xf32>
      %add3A_36 = arith.addf %add3A_20, %get3A_35 : vector<16xf32>
      %get3A_37 = arith.constant 112 : index
      %get3A_38 = tpu.vector_load %arg17[%get3A_37] {strides = array<i32>} : memref<1024xf32, #tpu.memory_space<vmem>>, vector<16xf32>,
      %get3A_39 = vector.shape_cast %get3A_38 : vector<16xf32> to vector<16xf32>
      %add3A_40 = arith.addf %add3A_24, %get3A_39 : vector<16xf32>
      %get3A_41 = arith.constant 128 : index
      %get3A_42 = tpu.vector_load %arg17[%get3A_41] {strides = array<i32>} : memref<1024xf32, #tpu.memory_space<vmem>>, vector<16xf32>,
      %get3A_43 = vector.shape_cast %get3A_42 : vector<16xf32> to vector<16xf32>
      %add3A_44 = arith.addf %add3A_28, %get3A_43 : vector<16xf32>
      %get3A_45 = arith.constant 144 : index
      %get3A_46 = tpu.vector_load %arg17[%get3A_45] {strides = array<i32>} : memref<1024xf32, #tpu.memory_space<vmem>>, vector<16xf32>,
      %get3A_47 = vector.shape_cast %get3A_46 : vector<16xf32> to vector<16xf32>
      %add3A_48 = arith.addf %add3A_32, %get3A_47 : vector<16xf32>
      %get3A_49 = arith.constant 160 : index
      %get3A_50 = tpu.vector_load %arg17[%get3A_49] {strides = array<i32>} : memref<1024xf32, #tpu.memory_space<vmem>>, vector<16xf32>,
      %get3A_51 = vector.shape_cast %get3A_50 : vector<16xf32> to vector<16xf32>
      %add3A_52 = arith.addf %add3A_36, %get3A_51 : vector<16xf32>
      %get3A_53 = arith.constant 176 : index
      %get3A_54 = tpu.vector_load %arg17[%get3A_53] {strides = array<i32>} : memref<1024xf32, #tpu.memory_space<vmem>>, vector<16xf32>,
      %get3A_55 = vector.shape_cast %get3A_54 : vector<16xf32> to vector<16xf32>
      %add3A_56 = arith.addf %add3A_40, %get3A_55 : vector<16xf32>
      %get3A_57 = arith.constant 192 : index
      %get3A_58 = tpu.vector_load %arg17[%get3A_57] {strides = array<i32>} : memref<1024xf32, #tpu.memory_space<vmem>>, vector<16xf32>,
      %get3A_59 = vector.shape_cast %get3A_58 : vector<16xf32> to vector<16xf32>
      %add3A_60 = arith.addf %add3A_44, %get3A_59 : vector<16xf32>
      %get3A_61 = arith.constant 208 : index
      %get3A_62 = tpu.vector_load %arg17[%get3A_61] {strides = array<i32>} : memref<1024xf32, #tpu.memory_space<vmem>>, vector<16xf32>,
      %get3A_63 = vector.shape_cast %get3A_62 : vector<16xf32> to vector<16xf32>
      %add3A_64 = arith.addf %add3A_48, %get3A_63 : vector<16xf32>
      %get3A_65 = arith.constant 224 : index
      %get3A_66 = tpu.vector_load %arg17[%get3A_65] {strides = array<i32>} : memref<1024xf32, #tpu.memory_space<vmem>>, vector<16xf32>,
      %get3A_67 = vector.shape_cast %get3A_66 : vector<16xf32> to vector<16xf32>
      %add3A_68 = arith.addf %add3A_52, %get3A_67 : vector<16xf32>
      %get3A_69 = arith.constant 240 : index
      %get3A_70 = tpu.vector_load %arg17[%get3A_69] {strides = array<i32>} : memref<1024xf32, #tpu.memory_space<vmem>>, vector<16xf32>,
      %get3A_71 = vector.shape_cast %get3A_70 : vector<16xf32> to vector<16xf32>
      %add3A_72 = arith.addf %add3A_56, %get3A_71 : vector<16xf32>
      %get3A_73 = arith.constant 256 : index
      %get3A_74 = tpu.vector_load %arg17[%get3A_73] {strides = array<i32>} : memref<1024xf32, #tpu.memory_space<vmem>>, vector<16xf32>,
      %get3A_75 = vector.shape_cast %get3A_74 : vector<16xf32> to vector<16xf32>
      %add3A_76 = arith.addf %add3A_60, %get3A_75 : vector<16xf32>
      %get3A_77 = arith.constant 272 : index
      %get3A_78 = tpu.vector_load %arg17[%get3A_77] {strides = array<i32>} : memref<1024xf32, #tpu.memory_space<vmem>>, vector<16xf32>,
      %get3A_79 = vector.shape_cast %get3A_78 : vector<16xf32> to vector<16xf32>
      %add3A_80 = arith.addf %add3A_64, %get3A_79 : vector<16xf32>
      %get3A_81 = arith.constant 288 : index
      %get3A_82 = tpu.vector_load %arg17[%get3A_81] {strides = array<i32>} : memref<1024xf32, #tpu.memory_space<vmem>>, vector<16xf32>,
      %get3A_83 = vector.shape_cast %get3A_82 : vector<16xf32> to vector<16xf32>
      %add3A_84 = arith.addf %add3A_68, %get3A_83 : vector<16xf32>
      %get3A_85 = arith.constant 304 : index
      %get3A_86 = tpu.vector_load %arg17[%get3A_85] {strides = array<i32>} : memref<1024xf32, #tpu.memory_space<vmem>>, vector<16xf32>,
      %get3A_87 = vector.shape_cast %get3A_86 : vector<16xf32> to vector<16xf32>
      %add3A_88 = arith.addf %add3A_72, %get3A_87 : vector<16xf32>
      %get3A_89 = arith.constant 320 : index
      %get3A_90 = tpu.vector_load %arg17[%get3A_89] {strides = array<i32>} : memref<1024xf32, #tpu.memory_space<vmem>>, vector<16xf32>,
      %get3A_91 = vector.shape_cast %get3A_90 : vector<16xf32> to vector<16xf32>
      %add3A_92 = arith.addf %add3A_76, %get3A_91 : vector<16xf32>
      %get3A_93 = arith.constant 336 : index
      %get3A_94 = tpu.vector_load %arg17[%get3A_93] {strides = array<i32>} : memref<1024xf32, #tpu.memory_space<vmem>>, vector<16xf32>,
      %get3A_95 = vector.shape_cast %get3A_94 : vector<16xf32> to vector<16xf32>
      %add3A_96 = arith.addf %add3A_80, %get3A_95 : vector<16xf32>
      %get3A_97 = arith.constant 352 : index
      %get3A_98 = tpu.vector_load %arg17[%get3A_97] {strides = array<i32>} : memref<1024xf32, #tpu.memory_space<vmem>>, vector<16xf32>,
      %get3A_99 = vector.shape_cast %get3A_98 : vector<16xf32> to vector<16xf32>
      %add3A_100 = arith.addf %add3A_84, %get3A_99 : vector<16xf32>
      %get3A_101 = arith.constant 368 : index
      %get3A_102 = tpu.vector_load %arg17[%get3A_101] {strides = array<i32>} : memref<1024xf32, #tpu.memory_space<vmem>>, vector<16xf32>,
      %get3A_103 = vector.shape_cast %get3A_102 : vector<16xf32> to vector<16xf32>
      %add3A_104 = arith.addf %add3A_88, %get3A_103 : vector<16xf32>
      %get3A_105 = arith.constant 384 : index
      %get3A_106 = tpu.vector_load %arg17[%get3A_105] {strides = array<i32>} : memref<1024xf32, #tpu.memory_space<vmem>>, vector<16xf32>,
      %get3A_107 = vector.shape_cast %get3A_106 : vector<16xf32> to vector<16xf32>
      %add3A_108 = arith.addf %add3A_92, %get3A_107 : vector<16xf32>
      %get3A_109 = arith.constant 400 : index
      %get3A_110 = tpu.vector_load %arg17[%get3A_109] {strides = array<i32>} : memref<1024xf32, #tpu.memory_space<vmem>>, vector<16xf32>,
      %get3A_111 = vector.shape_cast %get3A_110 : vector<16xf32> to vector<16xf32>
      %add3A_112 = arith.addf %add3A_96, %get3A_111 : vector<16xf32>
      %get3A_113 = arith.constant 416 : index
      %get3A_114 = tpu.vector_load %arg17[%get3A_113] {strides = array<i32>} : memref<1024xf32, #tpu.memory_space<vmem>>, vector<16xf32>,
      %get3A_115 = vector.shape_cast %get3A_114 : vector<16xf32> to vector<16xf32>
      %add3A_116 = arith.addf %add3A_100, %get3A_115 : vector<16xf32>
      %get3A_117 = arith.constant 432 : index
      %get3A_118 = tpu.vector_load %arg17[%get3A_117] {strides = array<i32>} : memref<1024xf32, #tpu.memory_space<vmem>>, vector<16xf32>,
      %get3A_119 = vector.shape_cast %get3A_118 : vector<16xf32> to vector<16xf32>
      %add3A_120 = arith.addf %add3A_104, %get3A_119 : vector<16xf32>
      %get3A_121 = arith.constant 448 : index
      %get3A_122 = tpu.vector_load %arg17[%get3A_121] {strides = array<i32>} : memref<1024xf32, #tpu.memory_space<vmem>>, vector<16xf32>,
      %get3A_123 = vector.shape_cast %get3A_122 : vector<16xf32> to vector<16xf32>
      %add3A_124 = arith.addf %add3A_108, %get3A_123 : vector<16xf32>
      %get3A_125 = arith.constant 464 : index
      %get3A_126 = tpu.vector_load %arg17[%get3A_125] {strides = array<i32>} : memref<1024xf32, #tpu.memory_space<vmem>>, vector<16xf32>,
      %get3A_127 = vector.shape_cast %get3A_126 : vector<16xf32> to vector<16xf32>
      %add3A_128 = arith.addf %add3A_112, %get3A_127 : vector<16xf32>
      %get3A_129 = arith.constant 480 : index
      %get3A_130 = tpu.vector_load %arg17[%get3A_129] {strides = array<i32>} : memref<1024xf32, #tpu.memory_space<vmem>>, vector<16xf32>,
      %get3A_131 = vector.shape_cast %get3A_130 : vector<16xf32> to vector<16xf32>
      %add3A_132 = arith.addf %add3A_116, %get3A_131 : vector<16xf32>
      %get3A_133 = arith.constant 496 : index
      %get3A_134 = tpu.vector_load %arg17[%get3A_133] {strides = array<i32>} : memref<1024xf32, #tpu.memory_space<vmem>>, vector<16xf32>,
      %get3A_135 = vector.shape_cast %get3A_134 : vector<16xf32> to vector<16xf32>
      %add3A_136 = arith.addf %add3A_120, %get3A_135 : vector<16xf32>
      %get3A_137 = arith.constant 512 : index
      %get3A_138 = tpu.vector_load %arg17[%get3A_137] {strides = array<i32>} : memref<1024xf32, #tpu.memory_space<vmem>>, vector<16xf32>,
      %get3A_139 = vector.shape_cast %get3A_138 : vector<16xf32> to vector<16xf32>
      %add3A_140 = arith.addf %add3A_124, %get3A_139 : vector<16xf32>
      %get3A_141 = arith.constant 528 : index
      %get3A_142 = tpu.vector_load %arg17[%get3A_141] {strides = array<i32>} : memref<1024xf32, #tpu.memory_space<vmem>>, vector<16xf32>,
      %get3A_143 = vector.shape_cast %get3A_142 : vector<16xf32> to vector<16xf32>
      %add3A_144 = arith.addf %add3A_128, %get3A_143 : vector<16xf32>
      %get3A_145 = arith.constant 544 : index
      %get3A_146 = tpu.vector_load %arg17[%get3A_145] {strides = array<i32>} : memref<1024xf32, #tpu.memory_space<vmem>>, vector<16xf32>,
      %get3A_147 = vector.shape_cast %get3A_146 : vector<16xf32> to vector<16xf32>
      %add3A_148 = arith.addf %add3A_132, %get3A_147 : vector<16xf32>
      %get3A_149 = arith.constant 560 : index
      %get3A_150 = tpu.vector_load %arg17[%get3A_149] {strides = array<i32>} : memref<1024xf32, #tpu.memory_space<vmem>>, vector<16xf32>,
      %get3A_151 = vector.shape_cast %get3A_150 : vector<16xf32> to vector<16xf32>
      %add3A_152 = arith.addf %add3A_136, %get3A_151 : vector<16xf32>
      %get3A_153 = arith.constant 576 : index
      %get3A_154 = tpu.vector_load %arg17[%get3A_153] {strides = array<i32>} : memref<1024xf32, #tpu.memory_space<vmem>>, vector<16xf32>,
      %get3A_155 = vector.shape_cast %get3A_154 : vector<16xf32> to vector<16xf32>
      %add3A_156 = arith.addf %add3A_140, %get3A_155 : vector<16xf32>
      %get3A_157 = arith.constant 592 : index
      %get3A_158 = tpu.vector_load %arg17[%get3A_157] {strides = array<i32>} : memref<1024xf32, #tpu.memory_space<vmem>>, vector<16xf32>,
      %get3A_159 = vector.shape_cast %get3A_158 : vector<16xf32> to vector<16xf32>
      %add3A_160 = arith.addf %add3A_144, %get3A_159 : vector<16xf32>
      %get3A_161 = arith.constant 608 : index
      %get3A_162 = tpu.vector_load %arg17[%get3A_161] {strides = array<i32>} : memref<1024xf32, #tpu.memory_space<vmem>>, vector<16xf32>,
      %get3A_163 = vector.shape_cast %get3A_162 : vector<16xf32> to vector<16xf32>
      %add3A_164 = arith.addf %add3A_148, %get3A_163 : vector<16xf32>
      %get3A_165 = arith.constant 624 : index
      %get3A_166 = tpu.vector_load %arg17[%get3A_165] {strides = array<i32>} : memref<1024xf32, #tpu.memory_space<vmem>>, vector<16xf32>,
      %get3A_167 = vector.shape_cast %get3A_166 : vector<16xf32> to vector<16xf32>
      %add3A_168 = arith.addf %add3A_152, %get3A_167 : vector<16xf32>
      %get3A_169 = arith.constant 640 : index
      %get3A_170 = tpu.vector_load %arg17[%get3A_169] {strides = array<i32>} : memref<1024xf32, #tpu.memory_space<vmem>>, vector<16xf32>,
      %get3A_171 = vector.shape_cast %get3A_170 : vector<16xf32> to vector<16xf32>
      %add3A_172 = arith.addf %add3A_156, %get3A_171 : vector<16xf32>
      %get3A_173 = arith.constant 656 : index
      %get3A_174 = tpu.vector_load %arg17[%get3A_173] {strides = array<i32>} : memref<1024xf32, #tpu.memory_space<vmem>>, vector<16xf32>,
      %get3A_175 = vector.shape_cast %get3A_174 : vector<16xf32> to vector<16xf32>
      %add3A_176 = arith.addf %add3A_160, %get3A_175 : vector<16xf32>
      %get3A_177 = arith.constant 672 : index
      %get3A_178 = tpu.vector_load %arg17[%get3A_177] {strides = array<i32>} : memref<1024xf32, #tpu.memory_space<vmem>>, vector<16xf32>,
      %get3A_179 = vector.shape_cast %get3A_178 : vector<16xf32> to vector<16xf32>
      %add3A_180 = arith.addf %add3A_164, %get3A_179 : vector<16xf32>
      %get3A_181 = arith.constant 688 : index
      %get3A_182 = tpu.vector_load %arg17[%get3A_181] {strides = array<i32>} : memref<1024xf32, #tpu.memory_space<vmem>>, vector<16xf32>,
      %get3A_183 = vector.shape_cast %get3A_182 : vector<16xf32> to vector<16xf32>
      %add3A_184 = arith.addf %add3A_168, %get3A_183 : vector<16xf32>
      %get3A_185 = arith.constant 704 : index
      %get3A_186 = tpu.vector_load %arg17[%get3A_185] {strides = array<i32>} : memref<1024xf32, #tpu.memory_space<vmem>>, vector<16xf32>,
      %get3A_187 = vector.shape_cast %get3A_186 : vector<16xf32> to vector<16xf32>
      %add3A_188 = arith.addf %add3A_172, %get3A_187 : vector<16xf32>
      %get3A_189 = arith.constant 720 : index
      %get3A_190 = tpu.vector_load %arg17[%get3A_189] {strides = array<i32>} : memref<1024xf32, #tpu.memory_space<vmem>>, vector<16xf32>,
      %get3A_191 = vector.shape_cast %get3A_190 : vector<16xf32> to vector<16xf32>
      %add3A_192 = arith.addf %add3A_176, %get3A_191 : vector<16xf32>
      %get3A_193 = arith.constant 736 : index
      %get3A_194 = tpu.vector_load %arg17[%get3A_193] {strides = array<i32>} : memref<1024xf32, #tpu.memory_space<vmem>>, vector<16xf32>,
      %get3A_195 = vector.shape_cast %get3A_194 : vector<16xf32> to vector<16xf32>
      %add3A_196 = arith.addf %add3A_180, %get3A_195 : vector<16xf32>
      %get3A_197 = arith.constant 752 : index
      %get3A_198 = tpu.vector_load %arg17[%get3A_197] {strides = array<i32>} : memref<1024xf32, #tpu.memory_space<vmem>>, vector<16xf32>,
      %get3A_199 = vector.shape_cast %get3A_198 : vector<16xf32> to vector<16xf32>
      %add3A_200 = arith.addf %add3A_184, %get3A_199 : vector<16xf32>
      %get3A_201 = arith.constant 768 : index
      %get3A_202 = tpu.vector_load %arg17[%get3A_201] {strides = array<i32>} : memref<1024xf32, #tpu.memory_space<vmem>>, vector<16xf32>,
      %get3A_203 = vector.shape_cast %get3A_202 : vector<16xf32> to vector<16xf32>
      %add3A_204 = arith.addf %add3A_188, %get3A_203 : vector<16xf32>
      %get3A_205 = arith.constant 784 : index
      %get3A_206 = tpu.vector_load %arg17[%get3A_205] {strides = array<i32>} : memref<1024xf32, #tpu.memory_space<vmem>>, vector<16xf32>,
      %get3A_207 = vector.shape_cast %get3A_206 : vector<16xf32> to vector<16xf32>
      %add3A_208 = arith.addf %add3A_192, %get3A_207 : vector<16xf32>
      %get3A_209 = arith.constant 800 : index
      %get3A_210 = tpu.vector_load %arg17[%get3A_209] {strides = array<i32>} : memref<1024xf32, #tpu.memory_space<vmem>>, vector<16xf32>,
      %get3A_211 = vector.shape_cast %get3A_210 : vector<16xf32> to vector<16xf32>
      %add3A_212 = arith.addf %add3A_196, %get3A_211 : vector<16xf32>
      %get3A_213 = arith.constant 816 : index
      %get3A_214 = tpu.vector_load %arg17[%get3A_213] {strides = array<i32>} : memref<1024xf32, #tpu.memory_space<vmem>>, vector<16xf32>,
      %get3A_215 = vector.shape_cast %get3A_214 : vector<16xf32> to vector<16xf32>
      %add3A_216 = arith.addf %add3A_200, %get3A_215 : vector<16xf32>
      %get3A_217 = arith.constant 832 : index
      %get3A_218 = tpu.vector_load %arg17[%get3A_217] {strides = array<i32>} : memref<1024xf32, #tpu.memory_space<vmem>>, vector<16xf32>,
      %get3A_219 = vector.shape_cast %get3A_218 : vector<16xf32> to vector<16xf32>
      %add3A_220 = arith.addf %add3A_204, %get3A_219 : vector<16xf32>
      %get3A_221 = arith.constant 848 : index
      %get3A_222 = tpu.vector_load %arg17[%get3A_221] {strides = array<i32>} : memref<1024xf32, #tpu.memory_space<vmem>>, vector<16xf32>,
      %get3A_223 = vector.shape_cast %get3A_222 : vector<16xf32> to vector<16xf32>
      %add3A_224 = arith.addf %add3A_208, %get3A_223 : vector<16xf32>
      %get3A_225 = arith.constant 864 : index
      %get3A_226 = tpu.vector_load %arg17[%get3A_225] {strides = array<i32>} : memref<1024xf32, #tpu.memory_space<vmem>>, vector<16xf32>,
      %get3A_227 = vector.shape_cast %get3A_226 : vector<16xf32> to vector<16xf32>
      %add3A_228 = arith.addf %add3A_212, %get3A_227 : vector<16xf32>
      %get3A_229 = arith.constant 880 : index
      %get3A_230 = tpu.vector_load %arg17[%get3A_229] {strides = array<i32>} : memref<1024xf32, #tpu.memory_space<vmem>>, vector<16xf32>,
      %get3A_231 = vector.shape_cast %get3A_230 : vector<16xf32> to vector<16xf32>
      %add3A_232 = arith.addf %add3A_216, %get3A_231 : vector<16xf32>
      %get3A_233 = arith.constant 896 : index
      %get3A_234 = tpu.vector_load %arg17[%get3A_233] {strides = array<i32>} : memref<1024xf32, #tpu.memory_space<vmem>>, vector<16xf32>,
      %get3A_235 = vector.shape_cast %get3A_234 : vector<16xf32> to vector<16xf32>
      %add3A_236 = arith.addf %add3A_220, %get3A_235 : vector<16xf32>
      %get3A_237 = arith.constant 912 : index
      %get3A_238 = tpu.vector_load %arg17[%get3A_237] {strides = array<i32>} : memref<1024xf32, #tpu.memory_space<vmem>>, vector<16xf32>,
      %get3A_239 = vector.shape_cast %get3A_238 : vector<16xf32> to vector<16xf32>
      %add3A_240 = arith.addf %add3A_224, %get3A_239 : vector<16xf32>
      %get3A_241 = arith.constant 928 : index
      %get3A_242 = tpu.vector_load %arg17[%get3A_241] {strides = array<i32>} : memref<1024xf32, #tpu.memory_space<vmem>>, vector<16xf32>,
      %get3A_243 = vector.shape_cast %get3A_242 : vector<16xf32> to vector<16xf32>
      %add3A_244 = arith.addf %add3A_228, %get3A_243 : vector<16xf32>
      %get3A_245 = arith.constant 944 : index
      %get3A_246 = tpu.vector_load %arg17[%get3A_245] {strides = array<i32>} : memref<1024xf32, #tpu.memory_space<vmem>>, vector<16xf32>,
      %get3A_247 = vector.shape_cast %get3A_246 : vector<16xf32> to vector<16xf32>
      %add3A_248 = arith.addf %add3A_232, %get3A_247 : vector<16xf32>
      %get3A_249 = arith.constant 960 : index
      %get3A_250 = tpu.vector_load %arg17[%get3A_249] {strides = array<i32>} : memref<1024xf32, #tpu.memory_space<vmem>>, vector<16xf32>,
      %get3A_251 = vector.shape_cast %get3A_250 : vector<16xf32> to vector<16xf32>
      %add3A_252 = arith.addf %add3A_236, %get3A_251 : vector<16xf32>
      %get3A_253 = arith.constant 976 : index
      %get3A_254 = tpu.vector_load %arg17[%get3A_253] {strides = array<i32>} : memref<1024xf32, #tpu.memory_space<vmem>>, vector<16xf32>,
      %get3A_255 = vector.shape_cast %get3A_254 : vector<16xf32> to vector<16xf32>
      %add3A_256 = arith.addf %add3A_240, %get3A_255 : vector<16xf32>
      %get3A_257 = arith.constant 992 : index
      %get3A_258 = tpu.vector_load %arg17[%get3A_257] {strides = array<i32>} : memref<1024xf32, #tpu.memory_space<vmem>>, vector<16xf32>,
      %get3A_259 = vector.shape_cast %get3A_258 : vector<16xf32> to vector<16xf32>
      %add3A_260 = arith.addf %add3A_244, %get3A_259 : vector<16xf32>
      %get3A_261 = arith.constant 1008 : index
      %get3A_262 = tpu.vector_load %arg17[%get3A_261] {strides = array<i32>} : memref<1024xf32, #tpu.memory_space<vmem>>, vector<16xf32>,
      %get3A_263 = vector.shape_cast %get3A_262 : vector<16xf32> to vector<16xf32>
      %add3A_264 = arith.addf %add3A_248, %get3A_263 : vector<16xf32>
      %iota3A = tpu.iota {dimensions = array<i32: 0>} : vector<16xi32>
      %xor3A = arith.constant 8 : i32
      %xor3A_265 = vector.broadcast %xor3A : i32 to vector<16xi32>
      %xor3A_266 = arith.xori %iota3A, %xor3A_265 : vector<16xi32>
      %reshape3A = vector.shape_cast %xor3A_266 : vector<16xi32> to vector<16x1xi32>
      %gather3A = vector.shape_cast %reshape3A : vector<16x1xi32> to vector<16xi32>
      %gather3A_267 = tpu.dynamic_gather %add3A_252[%gather3A] in [0] : vector<16xf32>, vector<16xi32> -> vector<16xf32>
      %add3A_268 = arith.addf %add3A_252, %gather3A_267 : vector<16xf32>
      %xor3A_269 = arith.constant 4 : i32
      %xor3A_270 = vector.broadcast %xor3A_269 : i32 to vector<16xi32>
      %xor3A_271 = arith.xori %iota3A, %xor3A_270 : vector<16xi32>
      %reshape3A_272 = vector.shape_cast %xor3A_271 : vector<16xi32> to vector<16x1xi32>
      %gather3A_273 = vector.shape_cast %reshape3A_272 : vector<16x1xi32> to vector<16xi32>
      %gather3A_274 = tpu.dynamic_gather %add3A_268[%gather3A_273] in [0] : vector<16xf32>, vector<16xi32> -> vector<16xf32>
      %add3A_275 = arith.addf %add3A_268, %gather3A_274 : vector<16xf32>
      %xor3A_276 = arith.constant 2 : i32
      %xor3A_277 = vector.broadcast %xor3A_276 : i32 to vector<16xi32>
      %xor3A_278 = arith.xori %iota3A, %xor3A_277 : vector<16xi32>
      %reshape3A_279 = vector.shape_cast %xor3A_278 : vector<16xi32> to vector<16x1xi32>
      %gather3A_280 = vector.shape_cast %reshape3A_279 : vector<16x1xi32> to vector<16xi32>
      %gather3A_281 = tpu.dynamic_gather %add3A_275[%gather3A_280] in [0] : vector<16xf32>, vector<16xi32> -> vector<16xf32>
      %add3A_282 = arith.addf %add3A_275, %gather3A_281 : vector<16xf32>
      %xor3A_283 = arith.constant 1 : i32
      %xor3A_284 = vector.broadcast %xor3A_283 : i32 to vector<16xi32>
      %xor3A_285 = arith.xori %iota3A, %xor3A_284 : vector<16xi32>
      %reshape3A_286 = vector.shape_cast %xor3A_285 : vector<16xi32> to vector<16x1xi32>
      %gather3A_287 = vector.shape_cast %reshape3A_286 : vector<16x1xi32> to vector<16xi32>
      %gather3A_288 = tpu.dynamic_gather %add3A_282[%gather3A_287] in [0] : vector<16xf32>, vector<16xi32> -> vector<16xf32>
      %add3A_289 = arith.addf %add3A_282, %gather3A_288 : vector<16xf32>
      %iota3A_290 = tpu.iota {dimensions = array<i32: 0>} : vector<16xi32>
      %xor3A_291 = arith.constant 8 : i32
      %xor3A_292 = vector.broadcast %xor3A_291 : i32 to vector<16xi32>
      %xor3A_293 = arith.xori %iota3A_290, %xor3A_292 : vector<16xi32>
      %reshape3A_294 = vector.shape_cast %xor3A_293 : vector<16xi32> to vector<16x1xi32>
      %gather3A_295 = vector.shape_cast %reshape3A_294 : vector<16x1xi32> to vector<16xi32>
      %gather3A_296 = tpu.dynamic_gather %add3A_256[%gather3A_295] in [0] : vector<16xf32>, vector<16xi32> -> vector<16xf32>
      %add3A_297 = arith.addf %add3A_256, %gather3A_296 : vector<16xf32>
      %xor3A_298 = arith.constant 4 : i32
      %xor3A_299 = vector.broadcast %xor3A_298 : i32 to vector<16xi32>
      %xor3A_300 = arith.xori %iota3A_290, %xor3A_299 : vector<16xi32>
      %reshape3A_301 = vector.shape_cast %xor3A_300 : vector<16xi32> to vector<16x1xi32>
      %gather3A_302 = vector.shape_cast %reshape3A_301 : vector<16x1xi32> to vector<16xi32>
      %gather3A_303 = tpu.dynamic_gather %add3A_297[%gather3A_302] in [0] : vector<16xf32>, vector<16xi32> -> vector<16xf32>
      %add3A_304 = arith.addf %add3A_297, %gather3A_303 : vector<16xf32>
      %xor3A_305 = arith.constant 2 : i32
      %xor3A_306 = vector.broadcast %xor3A_305 : i32 to vector<16xi32>
      %xor3A_307 = arith.xori %iota3A_290, %xor3A_306 : vector<16xi32>
      %reshape3A_308 = vector.shape_cast %xor3A_307 : vector<16xi32> to vector<16x1xi32>
      %gather3A_309 = vector.shape_cast %reshape3A_308 : vector<16x1xi32> to vector<16xi32>
      %gather3A_310 = tpu.dynamic_gather %add3A_304[%gather3A_309] in [0] : vector<16xf32>, vector<16xi32> -> vector<16xf32>
      %add3A_311 = arith.addf %add3A_304, %gather3A_310 : vector<16xf32>
      %xor3A_312 = arith.constant 1 : i32
      %xor3A_313 = vector.broadcast %xor3A_312 : i32 to vector<16xi32>
      %xor3A_314 = arith.xori %iota3A_290, %xor3A_313 : vector<16xi32>
      %reshape3A_315 = vector.shape_cast %xor3A_314 : vector<16xi32> to vector<16x1xi32>
      %gather3A_316 = vector.shape_cast %reshape3A_315 : vector<16x1xi32> to vector<16xi32>
      %gather3A_317 = tpu.dynamic_gather %add3A_311[%gather3A_316] in [0] : vector<16xf32>, vector<16xi32> -> vector<16xf32>
      %add3A_318 = arith.addf %add3A_311, %gather3A_317 : vector<16xf32>
      %iota3A_319 = tpu.iota {dimensions = array<i32: 0>} : vector<16xi32>
      %xor3A_320 = arith.constant 8 : i32
      %xor3A_321 = vector.broadcast %xor3A_320 : i32 to vector<16xi32>
      %xor3A_322 = arith.xori %iota3A_319, %xor3A_321 : vector<16xi32>
      %reshape3A_323 = vector.shape_cast %xor3A_322 : vector<16xi32> to vector<16x1xi32>
      %gather3A_324 = vector.shape_cast %reshape3A_323 : vector<16x1xi32> to vector<16xi32>
      %gather3A_325 = tpu.dynamic_gather %add3A_260[%gather3A_324] in [0] : vector<16xf32>, vector<16xi32> -> vector<16xf32>
      %add3A_326 = arith.addf %add3A_260, %gather3A_325 : vector<16xf32>
      %xor3A_327 = arith.constant 4 : i32
      %xor3A_328 = vector.broadcast %xor3A_327 : i32 to vector<16xi32>
      %xor3A_329 = arith.xori %iota3A_319, %xor3A_328 : vector<16xi32>
      %reshape3A_330 = vector.shape_cast %xor3A_329 : vector<16xi32> to vector<16x1xi32>
      %gather3A_331 = vector.shape_cast %reshape3A_330 : vector<16x1xi32> to vector<16xi32>
      %gather3A_332 = tpu.dynamic_gather %add3A_326[%gather3A_331] in [0] : vector<16xf32>, vector<16xi32> -> vector<16xf32>
      %add3A_333 = arith.addf %add3A_326, %gather3A_332 : vector<16xf32>
      %xor3A_334 = arith.constant 2 : i32
      %xor3A_335 = vector.broadcast %xor3A_334 : i32 to vector<16xi32>
      %xor3A_336 = arith.xori %iota3A_319, %xor3A_335 : vector<16xi32>
      %reshape3A_337 = vector.shape_cast %xor3A_336 : vector<16xi32> to vector<16x1xi32>
      %gather3A_338 = vector.shape_cast %reshape3A_337 : vector<16x1xi32> to vector<16xi32>
      %gather3A_339 = tpu.dynamic_gather %add3A_333[%gather3A_338] in [0] : vector<16xf32>, vector<16xi32> -> vector<16xf32>
      %add3A_340 = arith.addf %add3A_333, %gather3A_339 : vector<16xf32>
      %xor3A_341 = arith.constant 1 : i32
      %xor3A_342 = vector.broadcast %xor3A_341 : i32 to vector<16xi32>
      %xor3A_343 = arith.xori %iota3A_319, %xor3A_342 : vector<16xi32>
      %reshape3A_344 = vector.shape_cast %xor3A_343 : vector<16xi32> to vector<16x1xi32>
      %gather3A_345 = vector.shape_cast %reshape3A_344 : vector<16x1xi32> to vector<16xi32>
      %gather3A_346 = tpu.dynamic_gather %add3A_340[%gather3A_345] in [0] : vector<16xf32>, vector<16xi32> -> vector<16xf32>
      %add3A_347 = arith.addf %add3A_340, %gather3A_346 : vector<16xf32>
      %iota3A_348 = tpu.iota {dimensions = array<i32: 0>} : vector<16xi32>
      %xor3A_349 = arith.constant 8 : i32
      %xor3A_350 = vector.broadcast %xor3A_349 : i32 to vector<16xi32>
      %xor3A_351 = arith.xori %iota3A_348, %xor3A_350 : vector<16xi32>
      %reshape3A_352 = vector.shape_cast %xor3A_351 : vector<16xi32> to vector<16x1xi32>
      %gather3A_353 = vector.shape_cast %reshape3A_352 : vector<16x1xi32> to vector<16xi32>
      %gather3A_354 = tpu.dynamic_gather %add3A_264[%gather3A_353] in [0] : vector<16xf32>, vector<16xi32> -> vector<16xf32>
      %add3A_355 = arith.addf %add3A_264, %gather3A_354 : vector<16xf32>
      %xor3A_356 = arith.constant 4 : i32
      %xor3A_357 = vector.broadcast %xor3A_356 : i32 to vector<16xi32>
      %xor3A_358 = arith.xori %iota3A_348, %xor3A_357 : vector<16xi32>
      %reshape3A_359 = vector.shape_cast %xor3A_358 : vector<16xi32> to vector<16x1xi32>
      %gather3A_360 = vector.shape_cast %reshape3A_359 : vector<16x1xi32> to vector<16xi32>
      %gather3A_361 = tpu.dynamic_gather %add3A_355[%gather3A_360] in [0] : vector<16xf32>, vector<16xi32> -> vector<16xf32>
      %add3A_362 = arith.addf %add3A_355, %gather3A_361 : vector<16xf32>
      %xor3A_363 = arith.constant 2 : i32
      %xor3A_364 = vector.broadcast %xor3A_363 : i32 to vector<16xi32>
      %xor3A_365 = arith.xori %iota3A_348, %xor3A_364 : vector<16xi32>
      %reshape3A_366 = vector.shape_cast %xor3A_365 : vector<16xi32> to vector<16x1xi32>
      %gather3A_367 = vector.shape_cast %reshape3A_366 : vector<16x1xi32> to vector<16xi32>
      %gather3A_368 = tpu.dynamic_gather %add3A_362[%gather3A_367] in [0] : vector<16xf32>, vector<16xi32> -> vector<16xf32>
      %add3A_369 = arith.addf %add3A_362, %gather3A_368 : vector<16xf32>
      %xor3A_370 = arith.constant 1 : i32
      %xor3A_371 = vector.broadcast %xor3A_370 : i32 to vector<16xi32>
      %xor3A_372 = arith.xori %iota3A_348, %xor3A_371 : vector<16xi32>
      %reshape3A_373 = vector.shape_cast %xor3A_372 : vector<16xi32> to vector<16x1xi32>
      %gather3A_374 = vector.shape_cast %reshape3A_373 : vector<16x1xi32> to vector<16xi32>
      %gather3A_375 = tpu.dynamic_gather %add3A_369[%gather3A_374] in [0] : vector<16xf32>, vector<16xi32> -> vector<16xf32>
      %add3A_376 = arith.addf %add3A_369, %gather3A_375 : vector<16xf32>
      %div3A = arith.divf %add3A_289, %add3A_347 : vector<16xf32>
      %neg3A = arith.constant 0.000000e+00 : f32
      %neg3A_377 = vector.broadcast %neg3A : f32 to vector<16xf32>
      %neg3A_378 = arith.subf %neg3A_377, %div3A : vector<16xf32>
      %div3A_379 = arith.divf %add3A_318, %add3A_376 : vector<16xf32>
      %sub3A = arith.subf %neg3A_378, %div3A_379 : vector<16xf32>
      %swap3A = arith.constant 0 : index
      %swap3A_380 = tpu.vector_load %arg18[%swap3A] {strides = array<i32>} : memref<16xf32, #tpu.memory_space<vmem>>, vector<16xf32>,
      %swap3A_381 = vector.shape_cast %swap3A_380 : vector<16xf32> to vector<16xf32>
      %swap3A_382 = vector.shape_cast %sub3A : vector<16xf32> to vector<16xf32>
      tpu.vector_store %arg18[%swap3A], %swap3A_382 {strides = array<i32>} : memref<16xf32, #tpu.memory_space<vmem>>, vector<16xf32>,
      "tpu.region"() ({
        %run_scoped3A = tpu.sem_alloc : memref<!tpu.dma_semaphore, #tpu.memory_space<semaphore_mem>>
        tpu.enqueue_dma source(%arg18 : memref<16xf32, #tpu.memory_space<vmem>>) target(%arg7 : memref<16xf32, #tpu.memory_space<hbm>>) target_semaphore(%run_scoped3A : memref<!tpu.dma_semaphore, #tpu.memory_space<semaphore_mem>>)
        tpu.wait_dma2 semaphore(%run_scoped3A : memref<!tpu.dma_semaphore, #tpu.memory_space<semaphore_mem>>) src(%arg18 : memref<16xf32, #tpu.memory_space<vmem>>) dst(%arg7 : memref<16xf32, #tpu.memory_space<hbm>>)
        tpu.yield
      }) : () -> ()
    } else {
    }
    return
  }
}

</mosaic_0001>

<sc_bundles>
// kernel: kernel.3.cloned.1.call-start
scs
__scs_entry_jumppad:
0x0: {  	(pc) =	sbr.rel $0x88, $3  }
0x1: {  	(tag) =	ssettag $0x0;
	lr =	simm.s32 $0x1  }
0x2: {  	[smem:$0x3F9C] =	sst lr;
	_ =	strace $0xD0000000  }
0x3: {  	_ = 	snop  }
0x4: {  	_ = 	snop  }
0x5: {  	_ = 	snop  }
0x6: {  	_ = 	snop  }
0x7: {  	_ = 	snop  }
__scs_overlays_trampoline_lowered:
0x8: {  	[smem:$0x3FAB] =	sst s0  }
0x9: {  	[smem:$0x3FAC] =	sst s1  }
0xa: {  	[smem:$0x3FAD] =	sst s2  }
0xb: {  	[smem:$0x3FAE] =	sst s3  }
0xc: {  	[smem:$0x3FAF] =	sst s4  }
0xd: {  	[smem:$0x3FB0] =	sst s5  }
0xe: {  	[smem:$0x3FB1] =	sst s6  }
0xf: {  	[smem:$0x3FB2] =	sst s7  }
0x10: {  	[smem:$0x3FB3] =	sst s8  }
0x11: {  	[smem:$0x3FB4] =	sst s9;
	s0 =	simm.s32 @!p0 $0x0  }
0x12: {  	s1 =	sld [smem:$0x3F9A];
	s0 =	simm.s32 @p0 $0x1  }
0x13: {  	[smem:$0x3FB5] =	sst s0;
	s0 =	simm.s32 @!p1 $0x0  }
0x14: {  	s2 =	sld [smem:$0x3F99];
	s0 =	simm.s32 @p1 $0x1  }
0x15: {  	[smem:$0x3FB6] =	sst s0;
	s0 =	simm.s32 @!p2 $0x0  }
0x16: {  	s3 =	sld [smem:$0x3FDB];
	s0 =	simm.s32 @p2 $0x1  }
0x17: {  	s4 =	simm.s32 $0x1BF5;
	[smem:$0x3FB8] =	sst s0  }
0x18: {  	s0 =	sld [smem:$0x3F9B];
	_ =	swait.ge [sflag:s4], $0x0  }
0x19: {  	s7 =	sld [smem:$0x3F9C]  }
0x1a: {  	s8 =	sadd.s32 $0xFFFFE003, lr  }
0x1b: {  	s9 =	sadd.s32 $0xFFFFFEF7, lr;
	s5 =	simm.s32 $0xFFFFFFFF;
	p2 =	slt.u32 s8, $0xFFFFF086  }
0x1c: {  	p1 =	slt.u32 s9, $0xF7A;
	s5 =	simm.s32 @!p2 $0x0  }
0x1d: {  	s5 =	simm.s32 @p1 $0x1;
	p0 =	seq.s32 s7, s2  }
0x1e: {  	s7 =	smul.u32 @!p0 $0xF7A, s2;
	p2 =	seq.s32 @!p0 s5, $0x0  }
0x1f: {  	s9 =	smul.u32 $0xF7A, s1;
	s8 =	simm.s32 @!p0 $0x1BF5;
	p2 =	por !p2, p0  }
0x20: {  	[sflag:s8] =	ssyncset.s32 @!p0 $0xFFFFF086;
	s6 =	sadd.s32 @!p0 s3, s7;
	s7 =	simm.s32 @!p0 $0x108  }
0x21: {  	s3 =	sadd.s32 s3, s9;
	s6 =	sadd.s32 @!p0 $0x88, s6;
	s7 =	simm.s32 @p2 $0x1082  }
0x22: {  	[simem:s7], [sflag:s8] =	dma.local @!p0 [hbm:s6], $0xF7A  }
0x23: {  	s9 =	sor.u32 $0xD0000000, s2;
	s6 =	simm.s32 $0x108;
	_ =	swait.ge @!p0 [sflag:s8], $0x0  }
0x24: {  	s3 =	sadd.s32 $0x88, s3;
	s6 =	simm.s32 @!p1 $0x1082;
	[sflag:s4] =	ssyncset.s32 $0xFFFFF086  }
0x25: {  	[simem:s6], [sflag:s4] =	dma.local [hbm:s3], $0xF7A  }
0x26: {  	[smem:$0x3F9C] =	sst s1;
	(tag) =	ssettag s2;
	_ =	strace s9  }
0x27: {  	s1 =	sld [smem:$0x3FAC]  }
0x28: {  	s2 =	sld [smem:$0x3FAD]  }
0x29: {  	s4 =	sld [smem:$0x3FAF]  }
0x2a: {  	p0 =	seq.s32 s5, $0x0;
	s5 =	sld [smem:$0x3FB0]  }
0x2b: {  	s6 =	sld [smem:$0x3FB1]  }
0x2c: {  	s7 =	sld [smem:$0x3FB2]  }
0x2d: {  	s3 =	simm.s32 $0x108;
	s8 =	sld [smem:$0x3FB3]  }
0x2e: {  	s3 =	simm.s32 @!p0 $0x1082;
	s9 =	sld [smem:$0x3FB4]  }
0x2f: {  	lr =	sadd.s32 s0, s3;
	s0 =	sld [smem:$0x3FAB]  }
0x30: {  	s3 =	sld [smem:$0x3FAE]  }
0x31: {  	[smem:$0x3FB7] =	sst s10  }
0x32: {  	s10 =	sld [smem:$0x3FB5];
	_ =	sdelay $0x3  }
0x33: {  	p0 =	seq.s32 s10, $0x1;
	s10 =	sld [smem:$0x3FB7];
	_ =	sdelay $0x3  }
0x34: {  	[smem:$0x3FB7] =	sst s10  }
0x35: {  	s10 =	sld [smem:$0x3FB6];
	_ =	sdelay $0x3  }
0x36: {  	p1 =	seq.s32 s10, $0x1;
	s10 =	sld [smem:$0x3FB7];
	_ =	sdelay $0x3  }
0x37: {  	[smem:$0x3FB7] =	sst s10  }
0x38: {  	s10 =	sld [smem:$0x3FB8]  }
0x39: {  	_ = 	snop;
	(pc) =	sbr.ind lr, $3  }
0x3a: {  	_ = 	snop  }
0x3b: {  	_ = 	snop  }
0x3c: {  	p2 =	seq.s32 s10, $0x1;
	s10 =	sld [smem:$0x3FB7]  }
0x3d: {  	_ =	shalt  }
0x3e: {  	_ =	shalt  }
0x3f: {  	_ =	shalt  }
0x40: {  	_ =	shalt  }
0x41: {  	_ =	shalt  }
0x42: {  	_ =	shalt  }
0x43: {  	_ =	shalt  }
0x44: {  	_ =	shalt  }
0x45: {  	_ =	shalt  }
0x46: {  	_ =	shalt  }
0x47: {  	_ =	shalt  }
0x48: {  	_ =	shalt  }
0x49: {  	_ =	shalt  }
0x4a: {  	_ =	shalt  }
0x4b: {  	_ =	shalt  }
0x4c: {  	_ =	shalt  }
0x4d: {  	_ =	shalt  }
0x4e: {  	_ =	shalt  }
0x4f: {  	_ =	shalt  }
0x50: {  	_ =	shalt  }
0x51: {  	_ =	shalt  }
0x52: {  	_ =	shalt  }
0x53: {  	_ =	shalt  }
0x54: {  	_ =	shalt  }
0x55: {  	_ =	shalt  }
0x56: {  	_ =	shalt  }
0x57: {  	_ =	shalt  }
0x58: {  	_ =	shalt  }
0x59: {  	_ =	shalt  }
0x5a: {  	_ =	shalt  }
0x5b: {  	_ =	shalt  }
0x5c: {  	_ =	shalt  }
0x5d: {  	_ =	shalt  }
0x5e: {  	_ =	shalt  }
0x5f: {  	_ =	shalt  }
0x60: {  	_ =	shalt  }
0x61: {  	_ =	shalt  }
0x62: {  	_ =	shalt  }
0x63: {  	_ =	shalt  }
0x64: {  	_ =	shalt  }
0x65: {  	_ =	shalt  }
0x66: {  	_ =	shalt  }
0x67: {  	_ =	shalt  }
0x68: {  	_ =	shalt  }
0x69: {  	_ =	shalt  }
0x6a: {  	_ =	shalt  }
0x6b: {  	_ =	shalt  }
0x6c: {  	_ =	shalt  }
0x6d: {  	_ =	shalt  }
0x6e: {  	_ =	shalt  }
0x6f: {  	_ =	shalt  }
0x70: {  	_ =	shalt  }
0x71: {  	_ =	shalt  }
0x72: {  	_ =	shalt  }
0x73: {  	_ =	shalt  }
0x74: {  	_ =	shalt  }
0x75: {  	_ =	shalt  }
0x76: {  	_ =	shalt  }
0x77: {  	_ =	shalt  }
0x78: {  	_ =	shalt  }
0x79: {  	_ =	shalt  }
0x7a: {  	_ =	shalt  }
0x7b: {  	_ =	shalt  }
0x7c: {  	_ =	shalt  }
0x7d: {  	_ =	shalt  }
0x7e: {  	_ =	shalt  }
0x7f: {  	_ =	shalt  }
0x80: {  	_ =	shalt  }
0x81: {  	_ =	shalt  }
0x82: {  	_ =	shalt  }
0x83: {  	_ =	shalt  }
0x84: {  	_ =	shalt  }
0x85: {  	_ =	shalt  }
0x86: {  	_ =	shalt  }
0x87: {  	_ =	shalt  }
.Lfunc_end0:
.L_simem_size_0:
called_computation.3_lowered:
.L_overlay_start_0:
0x88: {  	s2 =	sld [smem:$0x3FD9]  }
0x89: {  	s3 =	sld [smem:$0x3FFE];
	_ =	sdelay $0x1  }
0x8a: {  	s1 =	srdreg.scid  }
0x8b: {  	s0 =	sand.u32 $0x1, s1  }
0x8c: {  	s17 =	sshll.u32 s0, $0xA;
	s2 =	sadd.s32 s3, s2  }
0x8d: {  	s2 =	sadd.s32 s2, s17  }
0x8e: {  	[smem:$0x3FC3] =	sst s2  }
0x8f: {  	_ = 	snop  }
0x90: {  	s2 =	sld [smem:$0x3FC7]  }
0x91: {  	s18 =	sld [smem:$0x3FC6]  }
0x92: {  	s4 =	sld [smem:$0x3FD0];
	(tm) =	ssettm $0x1  }
0x93: {  	s5 =	sld [smem:$0x3FFB];
	_ =	sdelay $0x3  }
0x94: {  	_ =	strace s5  }
0x95: {  	s5 =	sld [smem:$0x3FFC];
	_ =	sdelay $0x3  }
0x96: {  	_ =	strace s5  }
0x97: {  	s5 =	sld [smem:$0x3FFD];
	_ =	sdelay $0x3  }
0x98: {  	_ =	strace s5  }
0x99: {  	_ =	strace $0x8FFFFFFF  }
0x9a: {  	s19 =	sld [smem:$0x3FDB];
	_ =	sdelay $0x1  }
0x9b: {  	s6 =	simm.s32 $_scs_section_size  }
0x9c: {  	s7 =	simm.s32 $_size__tile_overlayer_lowered;
	s8 =	simm.s32 $_tile_overlayer_lowered  }
0x9d: {  	s22 =	simm.s32 $0x1BFF;
	s21 =	sshll.u32 s8, $0x1;
	s5 =	sadd.s32 s6, s19  }
0x9e: {  	s9 =	simm.s32 $0x0;
	s20 =	sshll.u32 s7, $0x1;
	s7 =	sadd.s32 s21, s5  }
0x9f: {  	[timem:s9], [sflag:s22] =	dma.local [hbm:s7], s20  }
0xa0: {  	_ =	swait.ge [sflag:s22], s20  }
0xa1: {  	s6 =	ssub.s32 $0x0, s20;
	[sflag:s22] =	ssyncset.done $0x0  }
0xa2: {  	[sflag:s22] =	ssyncadd.s32 s6;
	_ =	sdelay $0x1  }
0xa3: {  	s23 =	simm.s32 $0x1B8B  }
0xa4: {  	_ =	swait.ge [sflag:s23], $0x1  }
0xa5: {  	[sflag:s23] =	ssyncset.done $0x0  }
0xa6: {  	s25 =	simm.s32 $0x1B8E;
	s24 =	sld [smem:$0x3FFE];
	[sflag:s23] =	ssyncadd.s32 $0xFFFFFFFF  }
0xa7: {  	s26 =	simm.s32 $execute0_lowered;
	[smem:$0x3FD2] =	sst s25  }
0xa8: {  	s7 =	sshll.u32 s26, $0x1;
	_ =	strace $0x8000004F;
	[dreg:$0x1] =	wrdreg $0xFFFFFFFF  }
0xa9: {  	s28 =	simm.s32 $_size_execute0_lowered;
	s5 =	sadd.s32 s5, s7;
	[dreg:$0x0] =	wrdreg $0x0  }
0xaa: {  	s7 =	sshll.u32 s28, $0x1;
	[dreg:$0x2] =	wrdreg s5  }
0xab: {  	[dreg:$0x3] =	wrdreg s7  }
0xac: {  	[dreg:$0x4] =	wrdreg $0xC0  }
0xad: {  	_ =	task [dreg:s9], $0x5FFFF  }
0xae: {  	[dreg:$0x1] =	wrdreg $0xFFFFFFFF  }
0xaf: {  	[dreg:$0x0] =	wrdreg $0x60  }
0xb0: {  	[dreg:$0x2] =	wrdreg s24  }
0xb1: {  	[dreg:$0x3] =	wrdreg s2  }
0xb2: {  	[dreg:$0x4] =	wrdreg s18  }
0xb3: {  	[dreg:$0x5] =	wrdreg s4  }
0xb4: {  	[dreg:$0x6] =	wrdreg $0xD000  }
0xb5: {  	[dreg:$0x7] =	wrdreg $0x9  }
0xb6: {  	_ =	task.clear_ibuf [dreg:s9], $0x8FFFF;
	_ =	strace $0x9000004F  }
0xb7: {  	s29 =	simm.s32 $0x9;
	_ =	strace $0x80000051  }
0xb8: {  	_ =	swait.ge [sflag:s29], $0x1  }
0xb9: {  	[sflag:s29] =	ssyncadd.s32 $0xFFFFFFFF  }
0xba: {  	_ =	strace $0x90000051  }
0xbb: {  	_ =	sfence  }
0xbc: {  	s30 =	sld [smem:$0x0];
	_ =	sdelay $0x2  }
0xbd: {  	s31 =	sshll.u32 s1, $0xD;
	s1 =	sshrl.u32 s1, $0x2  }
0xbe: {  	s3 =	sand.u32 $0x4000, s31;
	s1 =	sadd.s32 s1, s30  }
0xbf: {  	s0 =	sor.u32 s3, s0;
	s1 =	sshll.u32 s1, $0x11  }
0xc0: {  	s0 =	sor.u32 s1, s0  }
0xc1: {  	s0 =	sadd.s32 $0x8F2B, s0  }
0xc2: {  	[sflag:s0] =	ssyncadd.remote.s32 $0x1  }
0xc3: {  	_ =	sfence.sel $0xFFFF  }
0xc4: {  	[dreg:$0x0] =	wrdreg $0xFFFFFFFF;
	(pc) =	sbr.abs _section_cstart, $3  }
0xc5: {  	[dreg:$0x1] =	wrdreg $0xFFFFFFFF  }
0xc6: {  	_ =	task.clear_ibuf [dreg:s9], $0x2FFFF;
	_ =	strace $0x9FFFFFFF  }
0xc7: {  	(tm) =	ssettm $0x7FFFFFFF  }
tec
execute0_lowered:
.L_overlay_start_1:
0x0: {  	(tag) =	ssettag $0x1  }
0x1: {  	v0 =	vlaneseq.u32;
	v16 =	vimm.s32 $0xFEDCBA98;
	v18 =	vimm.s32 $0x76543210  }
0x2: {  	v19 =	vimm.s32 $0xBA98FEDC;
	v20 =	vimm.s32 $0x32107654;
	v21 =	vimm.s32 $0xDCFE98BA  }
0x3: {  	v22 =	vimm.s32 $0x54761032;
	v23 =	vimm.s32 $0xEFCDAB89;
	v24 =	vimm.s32 $0x67452301  }
0x4: {  	s0 =	stileid.u32;
	v15 =	vmul.u32 $0x1000, v0;
	v16 =	vunpack.c.l.s4.s8 v16;
	v18 =	vunpack.c.l.s4.s8 v18  }
0x5: {  	s10 =	sshll.u32 s0, $0x8;
	v19 =	vunpack.c.l.s4.s8 v19;
	v20 =	vunpack.c.l.s4.s8 v20;
	v21 =	vunpack.c.l.s4.s8 v21  }
0x6: {  	v22 =	vunpack.c.l.s4.s8 v22;
	v23 =	vunpack.c.l.s4.s8 v23;
	v1 =	vmov s10;
	s1 =	sor.u32 $0x10, s10  }
0x7: {  	v24 =	vunpack.c.l.s4.s8 v24;
	s14 =	sor.u32 $0x20, s10;
	s2 =	sor.u32 $0x30, s10;
	s15 =	sor.u32 $0x40, s10;
	v0 =	vshll.u32 v1, $0xC;
	v1 =	vmov s1  }
0x8: {  	s16 =	sor.u32 $0x50, s10;
	s17 =	sor.u32 $0x60, s10;
	s18 =	sor.u32 $0x70, s10;
	v2 =	vmov s14;
	v3 =	vmov s2;
	v4 =	vmov s15  }
0x9: {  	s19 =	sor.u32 $0x80, s10;
	s20 =	sor.u32 $0x90, s10;
	s21 =	sor.u32 $0xA0, s10;
	v5 =	vmov s16;
	v6 =	vmov s17;
	v7 =	vmov s18  }
0xa: {  	s22 =	sor.u32 $0xB0, s10;
	s23 =	sor.u32 $0xC0, s10;
	s24 =	sor.u32 $0xD0, s10;
	v8 =	vmov s19;
	v9 =	vmov s20;
	v10 =	vmov s21  }
0xb: {  	s7 =	rddreg [dreg:$0x0];
	s5 =	sor.u32 $0xE0, s10;
	s25 =	sor.u32 $0xF0, s10;
	v11 =	vmov s22;
	v12 =	vmov s23;
	v13 =	vmov s24  }
0xc: {  	s8 =	rddreg [dreg:$0x1];
	v14 =	vmov s5;
	v17 =	vmov s25;
	v16 =	vunpack.c.0.s8.s32 v16  }
0xd: {  	s9 =	rddreg [dreg:$0x2];
	v19 =	vunpack.c.0.s8.s32 v19;
	v20 =	vunpack.c.0.s8.s32 v20;
	v21 =	vunpack.c.0.s8.s32 v21  }
0xe: {  	s3 =	rddreg [dreg:$0x4];
	v22 =	vunpack.c.0.s8.s32 v22;
	v23 =	vunpack.c.0.s8.s32 v23;
	v24 =	vunpack.c.0.s8.s32 v24  }
0xf: {  	s4 =	simm.s32 $0x0;
	s6 =	srdreg.scid;
	s28 =	simm.s32 $0x1;
	v18 =	vunpack.c.0.s8.s32 v18;
	v0 =	vor.u32 v15, v0;
	v1 =	vshll.u32 v1, $0xC  }
0x10: {  	s29 =	simm.s32 $0x800;
	s30 =	simm.s32 $0x880;
	s31 =	simm.s32 $0xC80;
	v2 =	vshll.u32 v2, $0xC;
	v3 =	vshll.u32 v3, $0xC;
	v4 =	vshll.u32 v4, $0xC  }
0x11: {  	[smem:$0x7FF] =	sst s4;
	s12 =	sand.u32 $0x1, s6;
	s26 =	sshll.u32 s0, $0x5;
	v5 =	vshll.u32 v5, $0xC;
	v6 =	vshll.u32 v6, $0xC;
	v7 =	vshll.u32 v7, $0xC  }
0x12: {  	s6 =	sadd.s32 $0x201000, s7;
	s11 =	ssub.s32 $0x2, s12;
	s8 =	sadd.s32 s8, s26;
	v8 =	vshll.u32 v8, $0xC;
	v9 =	vshll.u32 v9, $0xC;
	v10 =	vshll.u32 v10, $0xC  }
0x13: {  	s9 =	sadd.s32 s9, s26;
	s10 =	sshrl.u32 s10, $0x2;
	s1 =	rddreg [dreg:$0x3];
	v11 =	vshll.u32 v11, $0xC;
	v12 =	vshll.u32 v12, $0xC;
	v13 =	vshll.u32 v13, $0xC  }
0x14: {  	p0 =	sne.s32 s12, $0x0;
	s26 =	simm.s32 $0x780;
	s2 =	rddreg [dreg:$0x5];
	v14 =	vshll.u32 v14, $0xC;
	v17 =	vshll.u32 v17, $0xC;
	v1 =	vor.u32 v15, v1  }
0x15: {  	_ =	strace $0x80000050;
	s5 =	sadd.s32 $0x1000, s7;
	s7 =	sadd.s32 $0x401000, s7;
	v2 =	vor.u32 v15, v2;
	v3 =	vor.u32 v15, v3;
	v4 =	vor.u32 v15, v4  }
0x16: {  	s13 =	sshrl.u32 s11, $0x1;
	s10 =	sadd.s32 s10, s3;
	s25 =	sor.u32 s0, s12;
	v5 =	vor.u32 v15, v5;
	v6 =	vor.u32 v15, v6;
	v7 =	vor.u32 v15, v7  }
0x17: {  	s12 =	simm.s32 $0x2;
	s14 =	simm.s32 $0x80;
	s15 =	simm.s32 $0x200;
	v8 =	vor.u32 v15, v8;
	v9 =	vor.u32 v15, v9;
	v10 =	vor.u32 v15, v10  }
.Ltmp0:
0x18: {  	s16 =	simm.s32 $0x500;
	s17 =	simm.s32 $0x300;
	v11 =	vor.u32 v15, v11;
	v12 =	vor.u32 v15, v12;
	v13 =	vor.u32 v15, v13;
	(pc) =	sbr.rel .LBB2_1-.Ltmp0, $4  }
0x19: {  	s18 =	simm.s32 $0x600;
	s19 =	simm.s32 $0x400;
	s20 =	simm.s32 $0x700;
	v14 =	vor.u32 v15, v14;
	v15 =	vor.u32 v15, v17;
	v19 =	vcombine.low v20, v19  }
0x1a: {  	s21 =	simm.s32 $0x280;
	s22 =	simm.s32 $0x580;
	s23 =	simm.s32 $0x380;
	v20 =	vand.u32 $0xF, v16;
	v21 =	vcombine.low v22, v21;
	v22 =	vcombine.low v24, v23  }
0x1b: {  	s24 =	simm.s32 $0x680;
	s11 =	ssub.s32 s11, s13;
	s13 =	simm.s32 $0x100;
	v16 =	vimm.f32 $1.000000000e+00;
	v17 =	vimm.s32 $0xFFFFFF81;
	v18 =	vcombine.low v20, v18  }
0x1c: {  	p1 =	sne.s32 s25, $0x0;
	s25 =	simm.s32 $0x480;
	s11 =	smax.u32 s11, $0x1;
	v19 =	vand.u32 $0xF, v19;
	v20 =	vand.u32 $0xF, v21;
	v21 =	vand.u32 $0xF, v22  }
.LBB2_3:
.Ltmp1:
0x1d: {  	(pc) =	sbr.rel @!p1 .LBB2_4-.Ltmp1, $2  }
0x1e: {  	_ =	sdelay $0x1  }
0x1f: {  	[bflag:$0x0] =	sbarrier.arrive $0xFFFF;
	_ =	sdelay $0x1  }
.LBB2_5:
0x20: {  	s11 =	sadd.s32 $0xFFFFFFFF, s11  }
0x21: {  	p2 =	sne.s32 s11, $0x0  }
.Ltmp2:
0x22: {  	_ = 	snop;
	(pc) =	sbr.rel @!p2 .LBB2_6-.Ltmp2, $1  }
0x23: {  	_ =	sdelay $0x3  }
.LBB2_1:
.Ltmp3:
0x24: {  	(pc) =	sbr.rel @p0 .LBB2_3-.Ltmp3, $1  }
0x25: {  	_ =	sdelay $0x3  }
0x26: {  	[tilespmem:s4], [sflag:$0x2] =	stream.linear.gather [hbm4b:s8+s4], $0x100, $0x38;
	[tilespmem:$0xD40] =	vst v63  }
0x27: {  	_ =	swait.ge [sflag:s12], $0x100  }
0x28: {  	[sflag:s12] =	ssyncset.done $0x0  }
0x29: {  	[sflag:s12] =	ssyncadd.s32 $0xFFFFFF00  }
0x2a: {  	[tilespmem:s13], [sflag:$0x2] =	stream.linear.gather [hbm4b:s9+s4], $0x100, $0x38;
	[tilespmem:$0xD40] =	vst v63  }
0x2b: {  	_ =	swait.ge [sflag:s12], $0x100  }
0x2c: {  	[sflag:s12] =	ssyncset.done $0x0  }
0x2d: {  	[sflag:s12] =	ssyncadd.s32 $0xFFFFFF00  }
0x2e: {  	v22 =	vld [tilespmem:$0x0]  }
0x2f: {  	v23 =	vld [tilespmem:$0x100];
	_ =	sdelay $0x1  }
0x30: {  	v24 =	vld [tilespmem:$0x10]  }
0x31: {  	v25 =	vld [tilespmem:$0x110]  }
0x32: {  	vm0 =	veq.s32 v22, $0xFFFFFF9C  }
0x33: {  	v26 =	vld [tilespmem:$0x20];
	vm7 =	veq.s32 v23, $0xFFFFFF9C;
	v22 =	vsel vm0, $0x0, v22  }
0x34: {  	v28 =	vld [tilespmem:$0x120];
	v23 =	vsel vm7, $0x0, v23;
	v27 =	vadd.s32 v0, v22  }
0x35: {  	vm8 =	veq.s32 v24, $0xFFFFFF9C;
	v49 =	vadd.s32 v0, v23;
	v22 =	vshll.u32 v22, $0xC;
	[tilespmem:$0x200] =	vst v27  }
0x36: {  	v50 =	vld [tilespmem:$0x30];
	vm9 =	veq.s32 v25, $0xFFFFFF9C;
	[tilespmem:$0x300] =	vst v49;
	v22 =	vadd.s32 v23, v22;
	v23 =	vsel vm8, $0x0, v24  }
0x37: {  	v52 =	vld [tilespmem:$0x130];
	[tilespmem:$0x400] =	vst v22;
	v22 =	vsel vm9, $0x0, v25;
	v51 =	vadd.s32 v1, v23  }
0x38: {  	vm10 =	veq.s32 v26, $0xFFFFFF9C;
	v23 =	vshll.u32 v23, $0xC;
	[tilespmem:$0x210] =	vst v51;
	v53 =	vadd.s32 v1, v22  }
0x39: {  	v54 =	vld [tilespmem:$0x40];
	vm11 =	veq.s32 v28, $0xFFFFFF9C;
	v22 =	vadd.s32 v22, v23;
	v23 =	vsel vm10, $0x0, v26;
	[tilespmem:$0x310] =	vst v53  }
0x3a: {  	v55 =	vld [tilespmem:$0x140];
	[tilespmem:$0x410] =	vst v22;
	v22 =	vsel vm11, $0x0, v28;
	v26 =	vadd.s32 v2, v23  }
0x3b: {  	vm12 =	veq.s32 v50, $0xFFFFFF9C;
	v23 =	vshll.u32 v23, $0xC;
	[tilespmem:$0x220] =	vst v26;
	v56 =	vadd.s32 v2, v22  }
0x3c: {  	v57 =	vld [tilespmem:$0x50];
	vm13 =	veq.s32 v52, $0xFFFFFF9C;
	v22 =	vadd.s32 v22, v23;
	v23 =	vsel vm12, $0x0, v50;
	[tilespmem:$0x320] =	vst v56  }
0x3d: {  	v59 =	vld [tilespmem:$0x150];
	[tilespmem:$0x420] =	vst v22;
	v22 =	vsel vm13, $0x0, v52;
	v58 =	vadd.s32 v3, v23  }
0x3e: {  	vm14 =	veq.s32 v54, $0xFFFFFF9C;
	v23 =	vshll.u32 v23, $0xC;
	[tilespmem:$0x230] =	vst v58;
	v60 =	vadd.s32 v3, v22  }
0x3f: {  	v61 =	vld [tilespmem:$0x60];
	vm15 =	veq.s32 v55, $0xFFFFFF9C;
	v22 =	vadd.s32 v22, v23;
	v23 =	vsel vm14, $0x0, v54;
	[tilespmem:$0x330] =	vst v60  }
0x40: {  	v63 =	vld [tilespmem:$0x160];
	[tilespmem:$0x430] =	vst v22;
	v22 =	vsel vm15, $0x0, v55;
	v62 =	vadd.s32 v4, v23  }
0x41: {  	vm4 =	veq.s32 v57, $0xFFFFFF9C;
	v23 =	vshll.u32 v23, $0xC;
	[tilespmem:$0x240] =	vst v62;
	v32 =	vadd.s32 v4, v22  }
0x42: {  	v33 =	vld [tilespmem:$0x70];
	vm5 =	veq.s32 v59, $0xFFFFFF9C;
	v22 =	vadd.s32 v22, v23;
	v23 =	vsel vm4, $0x0, v57;
	[tilespmem:$0x340] =	vst v32  }
0x43: {  	v35 =	vld [tilespmem:$0x170];
	[tilespmem:$0x440] =	vst v22;
	v22 =	vsel vm5, $0x0, v59;
	v34 =	vadd.s32 v5, v23  }
0x44: {  	vm6 =	veq.s32 v61, $0xFFFFFF9C;
	v23 =	vshll.u32 v23, $0xC;
	[tilespmem:$0x250] =	vst v34;
	v36 =	vadd.s32 v5, v22  }
0x45: {  	v37 =	vld [tilespmem:$0x80];
	vm7 =	veq.s32 v63, $0xFFFFFF9C;
	v22 =	vadd.s32 v22, v23;
	v23 =	vsel vm6, $0x0, v61;
	[tilespmem:$0x350] =	vst v36  }
0x46: {  	v39 =	vld [tilespmem:$0x180];
	[tilespmem:$0x450] =	vst v22;
	v22 =	vsel vm7, $0x0, v63;
	v38 =	vadd.s32 v6, v23  }
0x47: {  	vm8 =	veq.s32 v33, $0xFFFFFF9C;
	v23 =	vshll.u32 v23, $0xC;
	[tilespmem:$0x260] =	vst v38;
	v40 =	vadd.s32 v6, v22  }
0x48: {  	v41 =	vld [tilespmem:$0x90];
	vm9 =	veq.s32 v35, $0xFFFFFF9C;
	v22 =	vadd.s32 v22, v23;
	v23 =	vsel vm8, $0x0, v33;
	[tilespmem:$0x360] =	vst v40  }
0x49: {  	v43 =	vld [tilespmem:$0x190];
	[tilespmem:$0x460] =	vst v22;
	v22 =	vsel vm9, $0x0, v35;
	v42 =	vadd.s32 v7, v23  }
0x4a: {  	vm10 =	veq.s32 v37, $0xFFFFFF9C;
	v23 =	vshll.u32 v23, $0xC;
	[tilespmem:$0x270] =	vst v42;
	v44 =	vadd.s32 v7, v22  }
0x4b: {  	v45 =	vld [tilespmem:$0xA0];
	vm11 =	veq.s32 v39, $0xFFFFFF9C;
	v22 =	vadd.s32 v22, v23;
	v23 =	vsel vm10, $0x0, v37;
	[tilespmem:$0x370] =	vst v44  }
0x4c: {  	v47 =	vld [tilespmem:$0x1A0];
	[tilespmem:$0x470] =	vst v22;
	v22 =	vsel vm11, $0x0, v39;
	v46 =	vadd.s32 v8, v23  }
0x4d: {  	vm12 =	veq.s32 v41, $0xFFFFFF9C;
	v23 =	vshll.u32 v23, $0xC;
	[tilespmem:$0x280] =	vst v46;
	v48 =	vadd.s32 v8, v22  }
0x4e: {  	v49 =	vld [tilespmem:$0xB0];
	vm13 =	veq.s32 v43, $0xFFFFFF9C;
	v22 =	vadd.s32 v22, v23;
	v23 =	vsel vm12, $0x0, v41;
	[tilespmem:$0x380] =	vst v48  }
0x4f: {  	v51 =	vld [tilespmem:$0x1B0];
	[tilespmem:$0x480] =	vst v22;
	v22 =	vsel vm13, $0x0, v43;
	v50 =	vadd.s32 v9, v23  }
0x50: {  	vm14 =	veq.s32 v45, $0xFFFFFF9C;
	v23 =	vshll.u32 v23, $0xC;
	[tilespmem:$0x290] =	vst v50;
	v52 =	vadd.s32 v9, v22  }
0x51: {  	v53 =	vld [tilespmem:$0xC0];
	vm15 =	veq.s32 v47, $0xFFFFFF9C;
	v22 =	vadd.s32 v22, v23;
	v23 =	vsel vm14, $0x0, v45;
	[tilespmem:$0x390] =	vst v52  }
0x52: {  	v55 =	vld [tilespmem:$0x1C0];
	[tilespmem:$0x490] =	vst v22;
	v22 =	vsel vm15, $0x0, v47;
	v54 =	vadd.s32 v10, v23  }
0x53: {  	vm4 =	veq.s32 v49, $0xFFFFFF9C;
	v23 =	vshll.u32 v23, $0xC;
	[tilespmem:$0x2A0] =	vst v54;
	v56 =	vadd.s32 v10, v22  }
0x54: {  	v57 =	vld [tilespmem:$0xD0];
	vm5 =	veq.s32 v51, $0xFFFFFF9C;
	v22 =	vadd.s32 v22, v23;
	v23 =	vsel vm4, $0x0, v49;
	[tilespmem:$0x3A0] =	vst v56  }
0x55: {  	v59 =	vld [tilespmem:$0x1D0];
	[tilespmem:$0x4A0] =	vst v22;
	v22 =	vsel vm5, $0x0, v51;
	v58 =	vadd.s32 v11, v23  }
0x56: {  	vm6 =	veq.s32 v53, $0xFFFFFF9C;
	v23 =	vshll.u32 v23, $0xC;
	[tilespmem:$0x2B0] =	vst v58;
	v60 =	vadd.s32 v11, v22  }
0x57: {  	v61 =	vld [tilespmem:$0xE0];
	vm7 =	veq.s32 v55, $0xFFFFFF9C;
	v22 =	vadd.s32 v22, v23;
	v23 =	vsel vm6, $0x0, v53;
	[tilespmem:$0x3B0] =	vst v60  }
0x58: {  	v63 =	vld [tilespmem:$0x1E0];
	[tilespmem:$0x4B0] =	vst v22;
	v22 =	vsel vm7, $0x0, v55;
	v62 =	vadd.s32 v12, v23  }
0x59: {  	vm8 =	veq.s32 v57, $0xFFFFFF9C;
	v23 =	vshll.u32 v23, $0xC;
	[tilespmem:$0x2C0] =	vst v62;
	v32 =	vadd.s32 v12, v22  }
0x5a: {  	v33 =	vld [tilespmem:$0xF0];
	vm9 =	veq.s32 v59, $0xFFFFFF9C;
	v22 =	vadd.s32 v22, v23;
	v23 =	vsel vm8, $0x0, v57;
	[tilespmem:$0x3C0] =	vst v32  }
0x5b: {  	v35 =	vld [tilespmem:$0x1F0];
	[tilespmem:$0x4C0] =	vst v22;
	v22 =	vsel vm9, $0x0, v59;
	v34 =	vadd.s32 v13, v23  }
0x5c: {  	vm10 =	veq.s32 v61, $0xFFFFFF9C;
	v23 =	vshll.u32 v23, $0xC;
	[tilespmem:$0x2D0] =	vst v34;
	v36 =	vadd.s32 v13, v22  }
0x5d: {  	vm11 =	veq.s32 v63, $0xFFFFFF9C;
	v22 =	vadd.s32 v22, v23;
	v23 =	vsel vm10, $0x0, v61;
	[tilespmem:$0x3D0] =	vst v36  }
0x5e: {  	[tilespmem:$0x4D0] =	vst v22;
	v22 =	vsel vm11, $0x0, v63;
	v25 =	vadd.s32 v14, v23  }
0x5f: {  	vm12 =	veq.s32 v33, $0xFFFFFF9C;
	v23 =	vshll.u32 v23, $0xC;
	[tilespmem:$0x2E0] =	vst v25;
	v37 =	vadd.s32 v14, v22  }
0x60: {  	vm13 =	veq.s32 v35, $0xFFFFFF9C;
	v22 =	vadd.s32 v22, v23;
	v23 =	vsel vm12, $0x0, v33;
	[tilespmem:$0x3E0] =	vst v37  }
0x61: {  	[tilespmem:$0x4E0] =	vst v22;
	v22 =	vsel vm13, $0x0, v35;
	v24 =	vadd.s32 v15, v23  }
0x62: {  	v23 =	vshll.u32 v23, $0xC;
	[tilespmem:$0x2F0] =	vst v24;
	v38 =	vadd.s32 v15, v22  }
0x63: {  	v22 =	vadd.s32 v22, v23;
	[tilespmem:$0x3F0] =	vst v38  }
0x64: {  	[tilespmem:$0x4F0] =	vst v22  }
0x65: {  	[tilespmem:s16], [sflag:$0x1] =	stream.indirect.gather [hbm4b:s5+s14], $0x1, s15, s14, $0xb8;
	[tilespmem:$0xD40] =	vst v63  }
0x66: {  	_ = 	snop  }
0x67: {  	[tilespmem:s18], [sflag:$0x1] =	stream.indirect.gather [hbm4b:s6+s14], $0x1, s17, s14, $0xb8;
	[tilespmem:$0xD40] =	vst v63  }
0x68: {  	_ = 	snop  }
0x69: {  	[tilespmem:s20], [sflag:$0x1] =	stream.indirect.gather [hbm4b:s7+s14], $0x1, s19, s14, $0xb8;
	[tilespmem:$0xD40] =	vst v63  }
0x6a: {  	_ = 	snop  }
0x6b: {  	[tilespmem:s22], [sflag:$0x1] =	stream.indirect.gather [hbm4b:s5+s14], $0x1, s21, s14, $0xb8;
	[tilespmem:$0xD40] =	vst v63  }
0x6c: {  	_ = 	snop  }
0x6d: {  	[tilespmem:s24], [sflag:$0x1] =	stream.indirect.gather [hbm4b:s6+s14], $0x1, s23, s14, $0xb8;
	[tilespmem:$0xD40] =	vst v63  }
0x6e: {  	_ = 	snop  }
0x6f: {  	[tilespmem:s26], [sflag:$0x1] =	stream.indirect.gather [hbm4b:s7+s14], $0x1, s25, s14, $0xb8;
	[tilespmem:$0xD40] =	vst v63  }
0x70: {  	_ =	swait.ge [sflag:s28], $0x80  }
0x71: {  	[sflag:s28] =	ssyncset.done $0x0  }
0x72: {  	[sflag:s28] =	ssyncadd.s32 $0xFFFFFF80  }
0x73: {  	_ =	swait.ge [sflag:s28], $0x80  }
0x74: {  	[sflag:s28] =	ssyncset.done $0x0  }
0x75: {  	[sflag:s28] =	ssyncadd.s32 $0xFFFFFF80  }
0x76: {  	_ =	swait.ge [sflag:s28], $0x80  }
0x77: {  	[sflag:s28] =	ssyncset.done $0x0  }
0x78: {  	[sflag:s28] =	ssyncadd.s32 $0xFFFFFF80  }
0x79: {  	_ =	swait.ge [sflag:s28], $0x80  }
0x7a: {  	[sflag:s28] =	ssyncset.done $0x0  }
0x7b: {  	[sflag:s28] =	ssyncadd.s32 $0xFFFFFF80  }
0x7c: {  	_ =	swait.ge [sflag:s28], $0x80  }
0x7d: {  	[sflag:s28] =	ssyncset.done $0x0  }
0x7e: {  	[sflag:s28] =	ssyncadd.s32 $0xFFFFFF80  }
0x7f: {  	_ =	swait.ge [sflag:s28], $0x80  }
0x80: {  	[sflag:s28] =	ssyncset.done $0x0  }
0x81: {  	[sflag:s28] =	ssyncadd.s32 $0xFFFFFF80  }
0x82: {  	v22 =	vld [tilespmem:$0x700];
	_ =	sdelay $0x1  }
0x83: {  	v23 =	vld [tilespmem:$0x500];
	_ =	sdelay $0x2  }
0x84: {  	v22 =	vmax.f32 v22, $0.0e+00  }
0x85: {  	v40 =	vld [tilespmem:$0x600];
	v22 =	vmin.f32 v22, $1.000000000e+00  }
0x86: {  	v23 =	vmul.f32 v22, v23;
	_ =	sdelay $0x1  }
0x87: {  	v39 =	vand.u32 $0x7FFFFF, v23  }
0x88: {  	v24 =	vor.u32 $0x3F800000, v39  }
0x89: {  	v22 =	vmul.f32 v22, v40;
	v41 =	vmul.f32 $5.000000000e-01, v24  }
0x8a: {  	vm3 =	vgt.f32 v24, $1.414213540e+00  }
0x8b: {  	v25 =	vand.u32 $0x7FFFFF, v22;
	v24 =	vsel vm3, v41, v24  }
0x8c: {  	v25 =	vor.u32 $0x3F800000, v25;
	v26 =	vadd.f32 $1.000000000e+00, v24  }
0x8d: {  	v43 =	vld [tilespmem:$0x710];
	v42 =	vmul.f32 $5.000000000e-01, v25  }
0x8e: {  	vm14 =	vgt.f32 v25, $1.414213540e+00;
	(erf) = vrcp.f32 v26  }
0x8f: {  	v44 =	vld [tilespmem:$0x510];
	v25 =	vsel vm14, v42, v25  }
0x90: {  	v45 =	vadd.f32 $1.000000000e+00, v25;
	_ =	sdelay $0x1  }
0x91: {  	v27 =	vmax.f32 v43, $0.0e+00;
	(erf) = vrcp.f32 v45  }
0x92: {  	v27 =	vmin.f32 v27, $1.000000000e+00  }
0x93: {  	v26 =	vmul.f32 v27, v44;
	_ =	sdelay $0x1  }
0x94: {  	v35 =	vld [tilespmem:$0x720];
	v24 =	vadd.f32 $-1.000000000e+00, v24;
	v30 =	vand.u32 $0x7FFFFF, v26  }
0x95: {  	v38 =	vld [tilespmem:$0x0];
	v30 =	vor.u32 $0x3F800000, v30;
	v29 =	vpop (erf)  }
0x96: {  	v47 =	vld [tilespmem:$0x610];
	v32 =	vmul.f32 $5.000000000e-01, v30;
	v24 =	vmul.f32 v29, v24  }
0x97: {  	vm2 =	vgt.f32 v30, $1.414213540e+00  }
0x98: {  	v25 =	vadd.f32 $-1.000000000e+00, v25;
	v30 =	vsel vm2, v32, v30;
	v46 =	vmul.f32 v24, v24  }
0x99: {  	v59 =	vmax.f32 v35, $0.0e+00;
	v32 =	vadd.f32 $1.000000000e+00, v30;
	v49 =	vpop (erf)  }
0x9a: {  	vm5 =	veq.s32 v38, $0xFFFFFF9C;
	v25 =	vmul.f32 v49, v25;
	v31 =	vmul.f32 $2.222222240e-01, v46  }
0x9b: {  	v23 =	vshra.s32 v23, $0x17;
	v27 =	vmul.f32 v27, v47;
	(erf) = vrcp.f32 v32  }
0x9c: {  	v22 =	vshra.s32 v22, $0x17;
	v51 =	vmul.f32 v25, v25;
	v31 =	vadd.f32 $2.857142980e-01, v31  }
0x9d: {  	v52 =	vsel vm3, $0xFFFFFF82, v17;
	v60 =	vsel vm14, $0xFFFFFF82, v17;
	v50 =	vand.u32 $0x7FFFFF, v27  }
0x9e: {  	v34 =	vmul.f32 $2.222222240e-01, v51;
	v48 =	vmul.f32 v31, v46;
	v31 =	vor.u32 $0x3F800000, v50  }
0x9f: {  	v23 =	vadd.s32 v23, v52;
	v22 =	vadd.s32 v22, v60;
	v33 =	vmul.f32 $5.000000000e-01, v31  }
0xa0: {  	v23 =	vcvt.s32.f32 v23;
	v34 =	vadd.f32 $2.857142980e-01, v34;
	vm1 =	vgt.f32 v31, $1.414213540e+00  }
0xa1: {  	v39 =	vld [tilespmem:$0x100];
	v22 =	vcvt.s32.f32 v22;
	v29 =	vadd.f32 $4.000000060e-01, v48;
	v31 =	vsel vm1, v33, v31  }
0xa2: {  	v23 =	vmul.f32 $6.931471820e-01, v23;
	v53 =	vmul.f32 v34, v51;
	v33 =	vadd.f32 $1.000000000e+00, v31  }
0xa3: {  	v54 =	vld [tilespmem:$0x520];
	v26 =	vshra.s32 v26, $0x17;
	v55 =	vadd.f32 $-1.000000000e+00, v30;
	v29 =	vmul.f32 v29, v46  }
0xa4: {  	v49 =	vsel vm2, $0xFFFFFF82, v17;
	v57 =	vpop (erf);
	v56 =	vadd.f32 $4.000000060e-01, v53;
	(erf) = vrcp.f32 v33  }
0xa5: {  	v26 =	vadd.s32 v26, v49;
	v58 =	vmul.f32 v57, v55;
	v29 =	vadd.f32 $6.666666860e-01, v29  }
0xa6: {  	vm4 =	veq.s32 v39, $0xFFFFFF9C;
	v26 =	vcvt.s32.f32 v26;
	v30 =	vmul.f32 v56, v51  }
0xa7: {  	v33 =	vmul.f32 v58, v58;
	v28 =	vmul.f32 v29, v46;
	v29 =	vmin.f32 v59, $1.000000000e+00  }
0xa8: {  	v22 =	vmul.f32 $6.931471820e-01, v22;
	v30 =	vadd.f32 $6.666666860e-01, v30;
	v34 =	vmul.f32 v29, v54  }
0xa9: {  	v27 =	vshra.s32 v27, $0x17;
	v26 =	vmul.f32 $6.931471820e-01, v26;
	v36 =	vmul.f32 $2.222222240e-01, v33  }
0xaa: {  	v57 =	vsel vm1, $0xFFFFFF82, v17;
	v30 =	vmul.f32 v30, v51;
	v37 =	vand.u32 $0x7FFFFF, v34  }
0xab: {  	v63 =	vld [tilespmem:$0x620];
	v27 =	vadd.s32 v27, v57;
	v36 =	vadd.f32 $2.857142980e-01, v36;
	v62 =	vor.u32 $0x3F800000, v37  }
0xac: {  	v31 =	vadd.f32 $-1.000000000e+00, v31;
	v30 =	vadd.f32 $2.000000000e+00, v30;
	v37 =	vmul.f32 $5.000000000e-01, v62  }
0xad: {  	v41 =	vld [tilespmem:$0x110];
	v28 =	vadd.f32 $2.000000000e+00, v28;
	v36 =	vmul.f32 v36, v33;
	vm15 =	vgt.f32 v62, $1.414213540e+00;
	v61 =	vpop (erf)  }
0xae: {  	v25 =	vmul.f32 v30, v25;
	v35 =	vsel vm15, v37, v62;
	v31 =	vmul.f32 v61, v31  }
0xaf: {  	v50 =	vld [tilespmem:$0x730];
	v24 =	vmul.f32 v28, v24;
	v44 =	vadd.f32 $4.000000060e-01, v36;
	v43 =	vadd.f32 $1.000000000e+00, v35  }
0xb0: {  	v22 =	vadd.f32 v25, v22;
	v25 =	vmul.f32 v29, v63;
	v40 =	vmul.f32 v31, v31  }
0xb1: {  	v23 =	vadd.f32 v24, v23;
	v24 =	vmul.f32 v44, v33;
	(erf) = vrcp.f32 v43  }
0xb2: {  	vm11 =	veq.s32 v41, $0xFFFFFF9C;
	v27 =	vcvt.s32.f32 v27;
	v45 =	vmul.f32 $2.222222240e-01, v40  }
0xb3: {  	v56 =	vsel vm5, $0x0, v16;
	v47 =	vand.u32 $0x7FFFFF, v25;
	v24 =	vadd.f32 $6.666666860e-01, v24  }
0xb4: {  	v32 =	vmax.f32 v50, $0.0e+00;
	v30 =	vor.u32 $0x3F800000, v47;
	v46 =	vadd.f32 $2.857142980e-01, v45  }
0xb5: {  	v32 =	vmin.f32 v32, $1.000000000e+00;
	v48 =	vmul.f32 $5.000000000e-01, v30;
	v24 =	vmul.f32 v24, v33  }
0xb6: {  	v27 =	vmul.f32 $6.931471820e-01, v27;
	vm8 =	vgt.f32 v30, $1.414213540e+00;
	v29 =	vmul.f32 v46, v40  }
0xb7: {  	v59 =	vsel vm4, $0x0, v16;
	v62 =	vld [tilespmem:$0x10];
	v30 =	vsel vm8, v48, v30;
	v24 =	vadd.f32 $2.000000000e+00, v24  }
0xb8: {  	v53 =	vld [tilespmem:$0x530];
	v34 =	vshra.s32 v34, $0x17;
	v51 =	vadd.f32 $1.000000000e+00, v30;
	v29 =	vadd.f32 $4.000000060e-01, v29  }
0xb9: {  	v23 =	vadd.f32 $0.0e+00, v23;
	v52 =	vadd.f32 $-1.000000000e+00, v35;
	v24 =	vmul.f32 v24, v58  }
0xba: {  	v22 =	vadd.f32 $0.0e+00, v22;
	v55 =	vpop (erf);
	(erf) = vrcp.f32 v51;
	v29 =	vmul.f32 v29, v40  }
0xbb: {  	v25 =	vshra.s32 v25, $0x17;
	v23 =	vsel vm5, $0x0, v23;
	v24 =	vadd.f32 v24, v26  }
0xbc: {  	v22 =	vsel vm4, $0x0, v22;
	vm10 =	veq.s32 v62, $0xFFFFFF9C;
	v54 =	vadd.f32 $6.666666860e-01, v29  }
0xbd: {  	v33 =	vmul.f32 v32, v53;
	v24 =	vsel vm10, $0x0, v24;
	v29 =	vmul.f32 v55, v52  }
0xbe: {  	v53 =	vsel vm10, $0x0, v16;
	v23 =	vadd.f32 v24, v23;
	v28 =	vmul.f32 v54, v40  }
0xbf: {  	v24 =	vadd.f32 v53, v56;
	v56 =	vsel vm15, $0xFFFFFF82, v17;
	v55 =	vld [tilespmem:$0x740];
	v58 =	vmul.f32 v29, v29  }
0xc0: {  	v63 =	vand.u32 $0x7FFFFF, v33;
	v34 =	vadd.s32 v34, v56;
	v28 =	vadd.f32 $2.000000000e+00, v28  }
0xc1: {  	v61 =	vld [tilespmem:$0x630];
	v42 =	vadd.f32 $-1.000000000e+00, v30;
	v34 =	vcvt.s32.f32 v34;
	v60 =	vmul.f32 $2.222222240e-01, v58  }
0xc2: {  	v33 =	vshra.s32 v33, $0x17;
	v28 =	vmul.f32 v28, v31;
	v31 =	vor.u32 $0x3F800000, v63  }
0xc3: {  	v34 =	vmul.f32 $6.931471820e-01, v34;
	v38 =	vadd.f32 $2.857142980e-01, v60;
	v45 =	vpop (erf);
	v43 =	vmul.f32 $5.000000000e-01, v31  }
0xc4: {  	v60 =	vmax.f32 v55, $0.0e+00;
	vm9 =	vgt.f32 v31, $1.414213540e+00;
	v26 =	vmul.f32 v45, v42  }
0xc5: {  	v27 =	vadd.f32 v28, v27;
	v44 =	vmul.f32 v38, v58;
	v30 =	vsel vm9, v43, v31  }
0xc6: {  	v31 =	vmul.f32 v32, v61;
	v38 =	vmul.f32 v26, v26;
	v46 =	vadd.f32 $1.000000000e+00, v30  }
0xc7: {  	v63 =	vld [tilespmem:$0x20];
	v61 =	vsel vm8, $0xFFFFFF82, v17;
	v28 =	vadd.f32 $4.000000060e-01, v44;
	v50 =	vsel vm11, $0x0, v27  }
0xc8: {  	v30 =	vadd.f32 $-1.000000000e+00, v30;
	v39 =	vand.u32 $0x7FFFFF, v31;
	(erf) = vrcp.f32 v46  }
0xc9: {  	v25 =	vadd.s32 v25, v61;
	v48 =	vmul.f32 $2.222222240e-01, v38;
	v47 =	vor.u32 $0x3F800000, v39  }
0xca: {  	v22 =	vadd.f32 v50, v22;
	v28 =	vmul.f32 v28, v58;
	v49 =	vmul.f32 $5.000000000e-01, v47  }
0xcb: {  	v25 =	vcvt.s32.f32 v25;
	vm12 =	vgt.f32 v47, $1.414213540e+00;
	v52 =	vadd.f32 $2.857142980e-01, v48  }
0xcc: {  	vm14 =	veq.s32 v63, $0xFFFFFF9C;
	v51 =	vadd.f32 $6.666666860e-01, v28;
	v32 =	vsel vm12, v49, v47  }
0xcd: {  	v57 =	vld [tilespmem:$0x540];
	v31 =	vshra.s32 v31, $0x17;
	v28 =	vmul.f32 v52, v38;
	v54 =	vadd.f32 $1.000000000e+00, v32  }
0xce: {  	v56 =	vsel vm14, $0x0, v16;
	v25 =	vmul.f32 $6.931471820e-01, v25;
	v47 =	vld [tilespmem:$0x120];
	v27 =	vmul.f32 v51, v58  }
0xcf: {  	v24 =	vadd.f32 v56, v24;
	v28 =	vadd.f32 $4.000000060e-01, v28;
	(erf) = vrcp.f32 v54  }
0xd0: {  	v58 =	vsel vm11, $0x0, v16;
	v32 =	vadd.f32 $-1.000000000e+00, v32;
	v27 =	vadd.f32 $2.000000000e+00, v27  }
0xd1: {  	v35 =	vadd.f32 v58, v59;
	v58 =	vsel vm9, $0xFFFFFF82, v17;
	v28 =	vmul.f32 v28, v38;
	v59 =	vpop (erf)  }
0xd2: {  	v27 =	vmul.f32 v27, v29;
	v29 =	vmul.f32 v59, v30;
	v30 =	vmin.f32 v60, $1.000000000e+00  }
0xd3: {  	vm15 =	veq.s32 v47, $0xFFFFFF9C;
	v28 =	vadd.f32 $6.666666860e-01, v28;
	v37 =	vmul.f32 v30, v57  }
0xd4: {  	v61 =	vadd.s32 v33, v58;
	v44 =	vsel vm15, $0x0, v16;
	v27 =	vadd.f32 v27, v34  }
0xd5: {  	v28 =	vmul.f32 v28, v38;
	v62 =	vmul.f32 v29, v29;
	v46 =	vand.u32 $0x7FFFFF, v37  }
0xd6: {  	v35 =	vadd.f32 v44, v35;
	v27 =	vsel vm14, $0x0, v27;
	v38 =	vor.u32 $0x3F800000, v46  }
0xd7: {  	v49 =	vld [tilespmem:$0x640];
	v28 =	vadd.f32 $2.000000000e+00, v28;
	v45 =	vmul.f32 $2.222222240e-01, v62;
	v42 =	vmul.f32 $5.000000000e-01, v38  }
0xd8: {  	v59 =	vld [tilespmem:$0x750];
	v23 =	vadd.f32 v27, v23;
	v46 =	vsel vm12, $0xFFFFFF82, v17;
	v48 =	vpop (erf);
	vm13 =	vgt.f32 v38, $1.414213540e+00  }
0xd9: {  	v36 =	vadd.f32 $2.857142980e-01, v45;
	v32 =	vmul.f32 v48, v32;
	v38 =	vsel vm13, v42, v38  }
0xda: {  	v26 =	vmul.f32 v28, v26;
	v31 =	vadd.s32 v31, v46;
	v52 =	vadd.f32 $1.000000000e+00, v38  }
0xdb: {  	v63 =	vld [tilespmem:$0x550];
	v46 =	vshra.s32 v37, $0x17;
	v50 =	vmul.f32 v36, v62;
	v51 =	vmul.f32 v32, v32  }
0xdc: {  	v25 =	vadd.f32 v26, v25;
	v26 =	vmul.f32 v30, v49;
	(erf) = vrcp.f32 v52  }
0xdd: {  	v45 =	vmax.f32 v59, $0.0e+00;
	v28 =	vadd.f32 $4.000000060e-01, v50;
	v53 =	vmul.f32 $2.222222240e-01, v51  }
0xde: {  	v31 =	vcvt.s32.f32 v31;
	v33 =	vmin.f32 v45, $1.000000000e+00;
	v55 =	vand.u32 $0x7FFFFF, v26  }
0xdf: {  	v27 =	vor.u32 $0x3F800000, v55;
	v28 =	vmul.f32 v28, v62;
	v54 =	vadd.f32 $2.857142980e-01, v53  }
0xe0: {  	v34 =	vmul.f32 v33, v63;
	v25 =	vsel vm15, $0x0, v25;
	v50 =	vld [tilespmem:$0x30];
	v57 =	vmul.f32 $5.000000000e-01, v27  }
0xe1: {  	v52 =	vld [tilespmem:$0x130];
	vm8 =	vgt.f32 v27, $1.414213540e+00;
	v28 =	vadd.f32 $6.666666860e-01, v28;
	v30 =	vmul.f32 v54, v51  }
0xe2: {  	v22 =	vadd.f32 v25, v22;
	v25 =	vcvt.s32.f32 v61;
	v27 =	vsel vm8, v57, v27  }
0xe3: {  	v60 =	vadd.f32 $1.000000000e+00, v27;
	v28 =	vmul.f32 v28, v62;
	v30 =	vadd.f32 $4.000000060e-01, v30  }
0xe4: {  	v26 =	vshra.s32 v26, $0x17;
	v25 =	vmul.f32 $6.931471820e-01, v25;
	v62 =	vadd.f32 $-1.000000000e+00, v38  }
0xe5: {  	v28 =	vadd.f32 $2.000000000e+00, v28;
	v30 =	vmul.f32 v30, v51;
	v43 =	vpop (erf);
	(erf) = vrcp.f32 v60  }
0xe6: {  	vm10 =	veq.s32 v50, $0xFFFFFF9C;
	vm11 =	veq.s32 v52, $0xFFFFFF9C;
	v52 =	vsel vm8, $0xFFFFFF82, v17  }
0xe7: {  	v28 =	vmul.f32 v28, v29;
	v42 =	vadd.f32 $6.666666860e-01, v30;
	v30 =	vmul.f32 v43, v62  }
0xe8: {  	v31 =	vmul.f32 $6.931471820e-01, v31;
	v63 =	vsel vm10, $0x0, v16;
	v26 =	vadd.s32 v26, v52  }
0xe9: {  	v45 =	vld [tilespmem:$0x760];
	v29 =	vmul.f32 v42, v51;
	v47 =	vmul.f32 v30, v30;
	v25 =	vadd.f32 v28, v25  }
0xea: {  	v27 =	vadd.f32 $-1.000000000e+00, v27;
	v24 =	vadd.f32 v63, v24;
	v26 =	vcvt.s32.f32 v26  }
0xeb: {  	v49 =	vld [tilespmem:$0x650];
	v29 =	vadd.f32 $2.000000000e+00, v29;
	v48 =	vmul.f32 $2.222222240e-01, v47;
	v25 =	vsel vm10, $0x0, v25  }
0xec: {  	v26 =	vmul.f32 $6.931471820e-01, v26;
	v51 =	vand.u32 $0x7FFFFF, v34;
	v23 =	vadd.f32 v25, v23  }
0xed: {  	v29 =	vmul.f32 v29, v32;
	v38 =	vadd.f32 $2.857142980e-01, v48;
	v32 =	vor.u32 $0x3F800000, v51  }
0xee: {  	v51 =	vmax.f32 v45, $0.0e+00;
	v53 =	vmul.f32 $5.000000000e-01, v32;
	vm9 =	vgt.f32 v32, $1.414213540e+00;
	v55 =	vpop (erf)  }
0xef: {  	v29 =	vadd.f32 v29, v31;
	v54 =	vmul.f32 v38, v47;
	v27 =	vmul.f32 v55, v27  }
0xf0: {  	v28 =	vsel vm9, v53, v32;
	v32 =	vmul.f32 v33, v49;
	v49 =	vsel vm11, $0x0, v16  }
0xf1: {  	v31 =	vadd.f32 $4.000000060e-01, v54;
	v56 =	vadd.f32 $1.000000000e+00, v28;
	v60 =	vsel vm11, $0x0, v29  }
0xf2: {  	v28 =	vadd.f32 $-1.000000000e+00, v28;
	v38 =	vmul.f32 v27, v27;
	v39 =	vand.u32 $0x7FFFFF, v32  }
0xf3: {  	v54 =	vld [tilespmem:$0x40];
	v31 =	vmul.f32 v31, v47;
	(erf) = vrcp.f32 v56;
	v57 =	vor.u32 $0x3F800000, v39  }
0xf4: {  	v35 =	vadd.f32 v49, v35;
	v58 =	vmul.f32 $2.222222240e-01, v38;
	v59 =	vmul.f32 $5.000000000e-01, v57  }
0xf5: {  	v22 =	vadd.f32 v60, v22;
	vm12 =	vgt.f32 v57, $1.414213540e+00;
	v61 =	vadd.f32 $6.666666860e-01, v31  }
0xf6: {  	v32 =	vshra.s32 v32, $0x17;
	v62 =	vadd.f32 $2.857142980e-01, v58;
	v33 =	vsel vm12, v59, v57  }
0xf7: {  	v57 =	vld [tilespmem:$0x140];
	v42 =	vadd.f32 $1.000000000e+00, v33;
	v43 =	vmul.f32 v61, v47;
	v47 =	vsel vm13, $0xFFFFFF82, v17  }
0xf8: {  	v48 =	vld [tilespmem:$0x560];
	vm14 =	veq.s32 v54, $0xFFFFFF9C;
	v44 =	vmul.f32 v62, v38;
	v36 =	vadd.s32 v46, v47  }
0xf9: {  	(erf) = vrcp.f32 v42;
	v25 =	vadd.f32 $2.000000000e+00, v43;
	v36 =	vcvt.s32.f32 v36  }
0xfa: {  	v33 =	vadd.f32 $-1.000000000e+00, v33;
	v47 =	vshra.s32 v34, $0x17;
	v29 =	vadd.f32 $4.000000060e-01, v44  }
0xfb: {  	v44 =	vsel vm14, $0x0, v16;
	v25 =	vmul.f32 v25, v30;
	v36 =	vmul.f32 $6.931471820e-01, v36  }
0xfc: {  	v30 =	vmin.f32 v51, $1.000000000e+00;
	vm15 =	veq.s32 v57, $0xFFFFFF9C;
	v29 =	vmul.f32 v29, v38;
	v50 =	vpop (erf)  }
0xfd: {  	v24 =	vadd.f32 v44, v24;
	v57 =	vld [tilespmem:$0x50];
	v37 =	vmul.f32 v30, v48;
	v28 =	vmul.f32 v50, v28  }
0xfe: {  	v48 =	vsel vm9, $0xFFFFFF82, v17;
	v25 =	vadd.f32 v25, v36;
	v29 =	vadd.f32 $6.666666860e-01, v29  }
0xff: {  	v56 =	vand.u32 $0x7FFFFF, v37;
	v37 =	vshra.s32 v37, $0x17;
	v53 =	vmul.f32 v28, v28  }
0x100: {  	v25 =	vsel vm14, $0x0, v25;
	v29 =	vmul.f32 v29, v38;
	v38 =	vor.u32 $0x3F800000, v56  }
0x101: {  	v23 =	vadd.f32 v25, v23;
	v55 =	vmul.f32 $2.222222240e-01, v53;
	v60 =	vmul.f32 $5.000000000e-01, v38  }
0x102: {  	v59 =	vld [tilespmem:$0x660];
	vm9 =	veq.s32 v57, $0xFFFFFF9C;
	vm13 =	vgt.f32 v38, $1.414213540e+00;
	v29 =	vadd.f32 $2.000000000e+00, v29;
	v58 =	vpop (erf)  }
0x103: {  	v36 =	vadd.f32 $2.857142980e-01, v55;
	v33 =	vmul.f32 v58, v33;
	v38 =	vsel vm13, v60, v38  }
0x104: {  	v55 =	vsel vm12, $0xFFFFFF82, v17;
	v27 =	vmul.f32 v29, v27;
	v63 =	vadd.f32 $1.000000000e+00, v38  }
0x105: {  	v60 =	vld [tilespmem:$0x150];
	v51 =	vadd.f32 $-1.000000000e+00, v38;
	v32 =	vadd.s32 v32, v55;
	v61 =	vmul.f32 v36, v53  }
0x106: {  	v62 =	vmul.f32 v33, v33;
	v32 =	vcvt.s32.f32 v32;
	v26 =	vadd.f32 v27, v26  }
0x107: {  	(erf) = vrcp.f32 v63;
	v27 =	vmul.f32 v30, v59;
	v30 =	vadd.s32 v47, v48  }
0x108: {  	v48 =	vsel vm9, $0x0, v16;
	v29 =	vadd.f32 $4.000000060e-01, v61;
	v40 =	vmul.f32 $2.222222240e-01, v62  }
0x109: {  	v30 =	vcvt.s32.f32 v30;
	v32 =	vmul.f32 $6.931471820e-01, v32;
	v24 =	vadd.f32 v48, v24  }
0x10a: {  	v26 =	vsel vm15, $0x0, v26;
	v45 =	vand.u32 $0x7FFFFF, v27;
	vm11 =	veq.s32 v60, $0xFFFFFF9C  }
0x10b: {  	v49 =	vld [tilespmem:$0x770];
	v27 =	vshra.s32 v27, $0x17;
	v42 =	vmul.f32 v29, v53;
	v43 =	vadd.f32 $2.857142980e-01, v40  }
0x10c: {  	v48 =	vld [tilespmem:$0x60];
	v31 =	vor.u32 $0x3F800000, v45;
	v22 =	vadd.f32 v26, v22;
	v30 =	vmul.f32 $6.931471820e-01, v30  }
0x10d: {  	v40 =	vsel vm15, $0x0, v16;
	v46 =	vmul.f32 $5.000000000e-01, v31;
	v29 =	vmul.f32 v43, v62  }
0x10e: {  	v52 =	vld [tilespmem:$0x570];
	vm8 =	vgt.f32 v31, $1.414213540e+00;
	v35 =	vadd.f32 v40, v35;
	v25 =	vadd.f32 $6.666666860e-01, v42  }
0x10f: {  	v59 =	vld [tilespmem:$0x670];
	v57 =	vsel vm8, $0xFFFFFF82, v17;
	v26 =	vsel vm8, v46, v31;
	v29 =	vadd.f32 $4.000000060e-01, v29  }
0x110: {  	v31 =	vmax.f32 v49, $0.0e+00;
	v25 =	vmul.f32 v25, v53;
	v50 =	vadd.f32 $1.000000000e+00, v26  }
0x111: {  	v27 =	vadd.s32 v27, v57;
	vm14 =	veq.s32 v48, $0xFFFFFF9C;
	v29 =	vmul.f32 v29, v62  }
0x112: {  	v31 =	vmin.f32 v31, $1.000000000e+00;
	v25 =	vadd.f32 $2.000000000e+00, v25;
	v54 =	vpop (erf);
	(erf) = vrcp.f32 v50  }
0x113: {  	v26 =	vadd.f32 $-1.000000000e+00, v26;
	v38 =	vmul.f32 v31, v52;
	v53 =	vadd.f32 $6.666666860e-01, v29  }
0x114: {  	v57 =	vsel vm14, $0x0, v16;
	v31 =	vmul.f32 v31, v59;
	v25 =	vmul.f32 v25, v28  }
0x115: {  	v52 =	vsel vm11, $0x0, v16;
	v29 =	vmul.f32 v54, v51;
	v28 =	vmul.f32 v53, v62  }
0x116: {  	v27 =	vcvt.s32.f32 v27;
	v24 =	vadd.f32 v57, v24;
	v34 =	vadd.f32 v52, v35  }
0x117: {  	v43 =	vand.u32 $0x7FFFFF, v31;
	v56 =	vmul.f32 v29, v29;
	v28 =	vadd.f32 $2.000000000e+00, v28  }
0x118: {  	v61 =	vand.u32 $0x7FFFFF, v38;
	v31 =	vshra.s32 v31, $0x17;
	v44 =	vor.u32 $0x3F800000, v43  }
0x119: {  	v47 =	vld [tilespmem:$0x780];
	v58 =	vmul.f32 $2.222222240e-01, v56;
	v28 =	vmul.f32 v28, v33;
	v33 =	vor.u32 $0x3F800000, v61  }
0x11a: {  	v51 =	vsel vm13, $0xFFFFFF82, v17;
	v39 =	vmul.f32 $5.000000000e-01, v44;
	v63 =	vmul.f32 $5.000000000e-01, v33  }
0x11b: {  	vm12 =	vgt.f32 v44, $1.414213540e+00;
	v62 =	vadd.f32 $2.857142980e-01, v58;
	v42 =	vpop (erf);
	vm10 =	vgt.f32 v33, $1.414213540e+00  }
0x11c: {  	v48 =	vld [tilespmem:$0x70];
	v28 =	vadd.f32 v28, v32;
	v26 =	vmul.f32 v42, v26;
	v32 =	vsel vm10, v63, v33  }
0x11d: {  	v25 =	vadd.f32 v25, v30;
	v30 =	vmul.f32 v62, v56;
	v33 =	vadd.f32 $1.000000000e+00, v32  }
0x11e: {  	v54 =	vmax.f32 v47, $0.0e+00;
	v46 =	vsel vm12, v39, v44;
	v44 =	vld [tilespmem:$0x160];
	v36 =	vmul.f32 v26, v26  }
0x11f: {  	v37 =	vadd.s32 v37, v51;
	v30 =	vadd.f32 $4.000000060e-01, v30;
	(erf) = vrcp.f32 v33  }
0x120: {  	v50 =	vld [tilespmem:$0x580];
	v55 =	vcvt.s32.f32 v37;
	v49 =	vadd.f32 $1.000000000e+00, v46;
	v45 =	vmul.f32 $2.222222240e-01, v36  }
0x121: {  	v25 =	vsel vm9, $0x0, v25;
	vm9 =	veq.s32 v48, $0xFFFFFF9C;
	v30 =	vmul.f32 v30, v56  }
0x122: {  	v23 =	vadd.f32 v25, v23;
	(erf) = vrcp.f32 v49;
	v25 =	vadd.f32 $2.857142980e-01, v45  }
0x123: {  	vm15 =	veq.s32 v44, $0xFFFFFF9C;
	v28 =	vsel vm11, $0x0, v28;
	v30 =	vadd.f32 $6.666666860e-01, v30  }
0x124: {  	v53 =	vadd.f32 $-1.000000000e+00, v32;
	v32 =	vmin.f32 v54, $1.000000000e+00;
	v25 =	vmul.f32 v25, v36  }
0x125: {  	v22 =	vadd.f32 v28, v22;
	v35 =	vmul.f32 v32, v50;
	v30 =	vmul.f32 v30, v56  }
0x126: {  	v28 =	vadd.f32 $-1.000000000e+00, v46;
	v46 =	vsel vm12, $0xFFFFFF82, v17;
	v25 =	vadd.f32 $4.000000060e-01, v25  }
0x127: {  	v33 =	vmul.f32 $6.931471820e-01, v55;
	v31 =	vadd.s32 v31, v46;
	v30 =	vadd.f32 $2.000000000e+00, v30  }
0x128: {  	v59 =	vand.u32 $0x7FFFFF, v35;
	v49 =	vmul.f32 $6.931471820e-01, v27;
	v25 =	vmul.f32 v25, v36;
	v56 =	vpop (erf)  }
0x129: {  	v60 =	vor.u32 $0x3F800000, v59;
	v29 =	vmul.f32 v30, v29;
	v30 =	vmul.f32 v56, v53  }
0x12a: {  	v31 =	vcvt.s32.f32 v31;
	v59 =	vld [tilespmem:$0x790];
	v63 =	vmul.f32 $5.000000000e-01, v60;
	v25 =	vadd.f32 $6.666666860e-01, v25  }
0x12b: {  	v35 =	vshra.s32 v35, $0x17;
	vm13 =	vgt.f32 v60, $1.414213540e+00;
	v43 =	vpop (erf);
	v58 =	vmul.f32 v30, v30  }
0x12c: {  	v62 =	vld [tilespmem:$0x680];
	v28 =	vmul.f32 v43, v28;
	v25 =	vmul.f32 v25, v36;
	v36 =	vsel vm13, v63, v60  }
0x12d: {  	v31 =	vmul.f32 $6.931471820e-01, v31;
	v50 =	vadd.f32 $1.000000000e+00, v36;
	v61 =	vmul.f32 $2.222222240e-01, v58  }
0x12e: {  	v29 =	vadd.f32 v29, v33;
	v52 =	vmul.f32 v28, v28;
	v25 =	vadd.f32 $2.000000000e+00, v25  }
0x12f: {  	v45 =	vmax.f32 v59, $0.0e+00;
	(erf) = vrcp.f32 v50;
	v37 =	vadd.f32 $2.857142980e-01, v61  }
0x130: {  	v29 =	vsel vm14, $0x0, v29;
	v54 =	vmul.f32 $2.222222240e-01, v52;
	v25 =	vmul.f32 v25, v26  }
0x131: {  	v23 =	vadd.f32 v29, v23;
	v26 =	vmul.f32 v32, v62;
	v51 =	vmul.f32 v37, v58  }
0x132: {  	v36 =	vadd.f32 $-1.000000000e+00, v36;
	v61 =	vshra.s32 v38, $0x17;
	v32 =	vadd.f32 $2.857142980e-01, v54  }
0x133: {  	v62 =	vsel vm10, $0xFFFFFF82, v17;
	v55 =	vand.u32 $0x7FFFFF, v26;
	v53 =	vadd.f32 $4.000000060e-01, v51  }
0x134: {  	v25 =	vadd.f32 v25, v49;
	v33 =	vor.u32 $0x3F800000, v55;
	v32 =	vmul.f32 v32, v52  }
0x135: {  	v49 =	vld [tilespmem:$0x170];
	v26 =	vshra.s32 v26, $0x17;
	v56 =	vmul.f32 $5.000000000e-01, v33;
	v27 =	vmul.f32 v53, v58  }
0x136: {  	v25 =	vsel vm15, $0x0, v25;
	vm8 =	vgt.f32 v33, $1.414213540e+00;
	v32 =	vadd.f32 $4.000000060e-01, v32  }
0x137: {  	v48 =	vsel vm8, $0xFFFFFF82, v17;
	v29 =	vsel vm8, v56, v33;
	v27 =	vadd.f32 $6.666666860e-01, v27  }
0x138: {  	v22 =	vadd.f32 v25, v22;
	v26 =	vadd.s32 v26, v48;
	v33 =	vadd.f32 $1.000000000e+00, v29  }
0x139: {  	v63 =	vld [tilespmem:$0x590];
	v32 =	vmul.f32 v32, v52;
	v29 =	vadd.f32 $-1.000000000e+00, v29;
	v60 =	vpop (erf);
	v27 =	vmul.f32 v27, v58  }
0x13a: {  	vm11 =	veq.s32 v49, $0xFFFFFF9C;
	(erf) = vrcp.f32 v33;
	v36 =	vmul.f32 v60, v36  }
0x13b: {  	v42 =	vadd.f32 $6.666666860e-01, v32;
	v58 =	vsel vm15, $0x0, v16;
	v27 =	vadd.f32 $2.000000000e+00, v27  }
0x13c: {  	v26 =	vcvt.s32.f32 v26;
	v25 =	vadd.f32 v58, v34;
	v44 =	vmul.f32 v36, v36  }
0x13d: {  	v34 =	vmin.f32 v45, $1.000000000e+00;
	v27 =	vmul.f32 v27, v30;
	v30 =	vmul.f32 v42, v52  }
0x13e: {  	v33 =	vadd.s32 v61, v62;
	v37 =	vmul.f32 v34, v63;
	v47 =	vmul.f32 $2.222222240e-01, v44  }
0x13f: {  	v61 =	vsel vm11, $0x0, v16;
	v43 =	vcvt.s32.f32 v33;
	v30 =	vadd.f32 $2.000000000e+00, v30  }
0x140: {  	v26 =	vmul.f32 $6.931471820e-01, v26;
	v50 =	vand.u32 $0x7FFFFF, v37;
	v38 =	vadd.f32 $2.857142980e-01, v47  }
0x141: {  	v32 =	vmul.f32 $6.931471820e-01, v43;
	v52 =	vld [tilespmem:$0x690];
	v28 =	vmul.f32 v30, v28;
	v30 =	vor.u32 $0x3F800000, v50  }
0x142: {  	v45 =	vsel vm13, $0xFFFFFF82, v17;
	v38 =	vmul.f32 v38, v44;
	v53 =	vmul.f32 $5.000000000e-01, v30  }
0x143: {  	v35 =	vadd.s32 v35, v45;
	v27 =	vadd.f32 v27, v32;
	v51 =	vpop (erf);
	vm10 =	vgt.f32 v30, $1.414213540e+00  }
0x144: {  	v29 =	vmul.f32 v51, v29;
	v54 =	vadd.f32 $4.000000060e-01, v38;
	v30 =	vsel vm10, v53, v30  }
0x145: {  	v27 =	vsel vm9, $0x0, v27;
	v28 =	vadd.f32 v28, v31;
	v56 =	vadd.f32 $1.000000000e+00, v30  }
0x146: {  	v23 =	vadd.f32 v27, v23;
	v32 =	vmul.f32 v34, v52;
	v55 =	vmul.f32 v29, v29  }
0x147: {  	v57 =	vmul.f32 v54, v44;
	v28 =	vsel vm11, $0x0, v28;
	(erf) = vrcp.f32 v56  }
0x148: {  	v58 =	vmul.f32 $2.222222240e-01, v55;
	v28 =	vadd.f32 v28, v22;
	v22 =	vsel vm9, $0x0, v16  }
0x149: {  	v60 =	vld [tilespmem:$0x7A0];
	v27 =	vadd.f32 $6.666666860e-01, v57;
	v34 =	vadd.f32 v22, v24;
	v22 =	vand.u32 $0x7FFFFF, v32  }
0x14a: {  	v35 =	vcvt.s32.f32 v35;
	v37 =	vshra.s32 v37, $0x17;
	v62 =	vor.u32 $0x3F800000, v22  }
0x14b: {  	v59 =	vadd.f32 $2.857142980e-01, v58;
	v27 =	vmul.f32 v27, v44;
	v44 =	vld [tilespmem:$0x5A0];
	v63 =	vmul.f32 $5.000000000e-01, v62  }
0x14c: {  	v35 =	vmul.f32 $6.931471820e-01, v35;
	v52 =	vld [tilespmem:$0x80];
	v22 =	vadd.f32 v61, v25;
	vm12 =	vgt.f32 v62, $1.414213540e+00  }
0x14d: {  	v24 =	vmul.f32 v59, v55;
	v27 =	vadd.f32 $2.000000000e+00, v27;
	v25 =	vsel vm12, v63, v62  }
0x14e: {  	v47 =	vld [tilespmem:$0x6A0];
	v31 =	vmax.f32 v60, $0.0e+00;
	v48 =	vsel vm10, $0xFFFFFF82, v17;
	v33 =	vadd.f32 $1.000000000e+00, v25  }
0x14f: {  	v31 =	vmin.f32 v31, $1.000000000e+00;
	v24 =	vadd.f32 $4.000000060e-01, v24;
	v27 =	vmul.f32 v27, v36  }
0x150: {  	v30 =	vadd.f32 $-1.000000000e+00, v30;
	v46 =	vpop (erf);
	(erf) = vrcp.f32 v33;
	v33 =	vmul.f32 v31, v44  }
0x151: {  	vm14 =	veq.s32 v52, $0xFFFFFF9C;
	v32 =	vshra.s32 v32, $0x17;
	v24 =	vmul.f32 v24, v55  }
0x152: {  	v27 =	vadd.f32 v27, v35;
	v30 =	vmul.f32 v46, v30;
	v49 =	vand.u32 $0x7FFFFF, v33  }
0x153: {  	v62 =	vld [tilespmem:$0x7B0];
	v24 =	vadd.f32 $6.666666860e-01, v24;
	v31 =	vmul.f32 v31, v47;
	v40 =	vor.u32 $0x3F800000, v49  }
0x154: {  	v25 =	vadd.f32 $-1.000000000e+00, v25;
	v38 =	vmul.f32 v30, v30;
	v50 =	vmul.f32 $5.000000000e-01, v40  }
0x155: {  	v27 =	vsel vm14, $0x0, v27;
	v24 =	vmul.f32 v24, v55;
	vm13 =	vgt.f32 v40, $1.414213540e+00  }
0x156: {  	v56 =	vand.u32 $0x7FFFFF, v31;
	v51 =	vmul.f32 $2.222222240e-01, v38;
	v39 =	vsel vm13, v50, v40  }
0x157: {  	v55 =	vld [tilespmem:$0x180];
	v58 =	vor.u32 $0x3F800000, v56;
	v24 =	vadd.f32 $2.000000000e+00, v24;
	v54 =	vadd.f32 $1.000000000e+00, v39  }
0x158: {  	v36 =	vmax.f32 v62, $0.0e+00;
	v59 =	vmul.f32 $5.000000000e-01, v58;
	v53 =	vadd.f32 $2.857142980e-01, v51  }
0x159: {  	v36 =	vmin.f32 v36, $1.000000000e+00;
	v24 =	vmul.f32 v24, v29;
	(erf) = vrcp.f32 v54  }
0x15a: {  	v31 =	vshra.s32 v31, $0x17;
	vm15 =	vgt.f32 v58, $1.414213540e+00;
	v29 =	vmul.f32 v53, v38;
	v57 =	vpop (erf)  }
0x15b: {  	v24 =	vadd.f32 v24, v26;
	v35 =	vmul.f32 v57, v25;
	v25 =	vsel vm15, v59, v58  }
0x15c: {  	vm7 =	veq.s32 v55, $0xFFFFFF9C;
	v60 =	vadd.f32 $4.000000060e-01, v29;
	v63 =	vadd.f32 $1.000000000e+00, v25  }
0x15d: {  	v47 =	vld [tilespmem:$0x5B0];
	v45 =	vsel vm7, $0x0, v24;
	v24 =	vadd.f32 v27, v23;
	v61 =	vmul.f32 v35, v35  }
0x15e: {  	v27 =	vadd.s32 v37, v48;
	v59 =	vld [tilespmem:$0x90];
	v26 =	vmul.f32 v60, v38;
	(erf) = vrcp.f32 v63  }
0x15f: {  	v23 =	vadd.f32 v45, v28;
	v27 =	vcvt.s32.f32 v27;
	v45 =	vld [tilespmem:$0x190];
	v46 =	vmul.f32 $2.222222240e-01, v61  }
0x160: {  	v39 =	vadd.f32 $-1.000000000e+00, v39;
	v51 =	vsel vm14, $0x0, v16;
	v26 =	vadd.f32 $6.666666860e-01, v26  }
0x161: {  	v57 =	vsel vm12, $0xFFFFFF82, v17;
	v27 =	vmul.f32 $6.931471820e-01, v27;
	v49 =	vadd.f32 $2.857142980e-01, v46  }
0x162: {  	v25 =	vadd.f32 $-1.000000000e+00, v25;
	v26 =	vmul.f32 v26, v38;
	v38 =	vmul.f32 v36, v47;
	v50 =	vpop (erf)  }
0x163: {  	vm9 =	veq.s32 v59, $0xFFFFFF9C;
	v28 =	vmul.f32 v49, v61;
	v37 =	vmul.f32 v50, v39  }
0x164: {  	vm10 =	veq.s32 v45, $0xFFFFFF9C;
	v26 =	vadd.f32 $2.000000000e+00, v26;
	v53 =	vand.u32 $0x7FFFFF, v38  }
0x165: {  	v47 =	vld [tilespmem:$0x6B0];
	v28 =	vadd.f32 $4.000000060e-01, v28;
	v41 =	vor.u32 $0x3F800000, v53;
	v52 =	vmul.f32 v37, v37  }
0x166: {  	v50 =	vshra.s32 v33, $0x17;
	v38 =	vshra.s32 v38, $0x17;
	v55 =	vmul.f32 $5.000000000e-01, v41  }
0x167: {  	vm8 =	vgt.f32 v41, $1.414213540e+00;
	v28 =	vmul.f32 v28, v61;
	v56 =	vpop (erf);
	v54 =	vmul.f32 $2.222222240e-01, v52  }
0x168: {  	v44 =	vmul.f32 v56, v25;
	v41 =	vsel vm8, v55, v41;
	v25 =	vadd.s32 v32, v57  }
0x169: {  	v28 =	vadd.f32 $6.666666860e-01, v28;
	v58 =	vadd.f32 $1.000000000e+00, v41;
	v46 =	vcvt.s32.f32 v25  }
0x16a: {  	v25 =	vadd.f32 v51, v34;
	v34 =	vmul.f32 v36, v47;
	v51 =	vsel vm13, $0xFFFFFF82, v17  }
0x16b: {  	v47 =	vsel vm15, $0xFFFFFF82, v17;
	v42 =	vadd.f32 $2.857142980e-01, v54;
	v29 =	vadd.s32 v50, v51  }
0x16c: {  	v31 =	vadd.s32 v31, v47;
	v28 =	vmul.f32 v28, v61;
	(erf) = vrcp.f32 v58  }
0x16d: {  	v61 =	vmul.f32 v26, v30;
	v48 =	vmul.f32 $6.931471820e-01, v46;
	v26 =	vsel vm7, $0x0, v16  }
0x16e: {  	v53 =	vld [tilespmem:$0x7C0];
	v36 =	vand.u32 $0x7FFFFF, v34;
	v29 =	vcvt.s32.f32 v29;
	v31 =	vcvt.s32.f32 v31  }
0x16f: {  	v34 =	vshra.s32 v34, $0x17;
	v60 =	vmul.f32 v42, v52;
	v42 =	vmul.f32 v44, v44  }
0x170: {  	v50 =	vld [tilespmem:$0x7D0];
	v36 =	vor.u32 $0x3F800000, v36;
	v22 =	vadd.f32 v26, v22;
	v28 =	vadd.f32 $2.000000000e+00, v28  }
0x171: {  	v27 =	vadd.f32 v61, v27;
	v55 =	vmul.f32 $5.000000000e-01, v36;
	vm11 =	vgt.f32 v36, $1.414213540e+00  }
0x172: {  	v56 =	vld [tilespmem:$0x5C0];
	v58 =	vmul.f32 $6.931471820e-01, v29;
	v29 =	vsel vm9, $0x0, v16;
	v31 =	vmul.f32 $6.931471820e-01, v31  }
0x173: {  	v62 =	vadd.f32 $4.000000060e-01, v60;
	v63 =	vmul.f32 $2.222222240e-01, v42;
	v60 =	vmax.f32 v53, $0.0e+00  }
0x174: {  	v25 =	vadd.f32 v29, v25;
	v28 =	vmul.f32 v28, v35;
	v35 =	vsel vm11, v55, v36  }
0x175: {  	v46 =	vmax.f32 v50, $0.0e+00;
	v30 =	vmul.f32 v62, v52;
	v32 =	vadd.f32 $2.857142980e-01, v63  }
0x176: {  	v59 =	vadd.f32 $1.000000000e+00, v35;
	v62 =	vmin.f32 v60, $1.000000000e+00;
	v35 =	vadd.f32 $-1.000000000e+00, v35  }
0x177: {  	v63 =	vld [tilespmem:$0x6C0];
	v46 =	vmin.f32 v46, $1.000000000e+00;
	v49 =	vadd.f32 v28, v48;
	v40 =	vmul.f32 v62, v56  }
0x178: {  	v28 =	vsel vm9, $0x0, v27;
	v30 =	vadd.f32 $6.666666860e-01, v30;
	v32 =	vmul.f32 v32, v42  }
0x179: {  	v50 =	vld [tilespmem:$0x1A0];
	v24 =	vadd.f32 v28, v24;
	v27 =	vsel vm10, $0x0, v49;
	v48 =	vand.u32 $0x7FFFFF, v40  }
0x17a: {  	v40 =	vshra.s32 v40, $0x17;
	v30 =	vmul.f32 v30, v52;
	v32 =	vadd.f32 $4.000000060e-01, v32  }
0x17b: {  	v52 =	vadd.f32 $-1.000000000e+00, v41;
	v54 =	vpop (erf);
	(erf) = vrcp.f32 v59;
	v43 =	vor.u32 $0x3F800000, v48  }
0x17c: {  	v23 =	vadd.f32 v27, v23;
	v49 =	vmul.f32 $5.000000000e-01, v43;
	v41 =	vmul.f32 v62, v63  }
0x17d: {  	vm12 =	vgt.f32 v43, $1.414213540e+00;
	v32 =	vmul.f32 v32, v42;
	v33 =	vmul.f32 v54, v52  }
0x17e: {  	v62 =	vsel vm8, $0xFFFFFF82, v17;
	vm8 =	veq.s32 v50, $0xFFFFFF9C;
	v30 =	vadd.f32 $2.000000000e+00, v30  }
0x17f: {  	v53 =	vld [tilespmem:$0x5D0];
	v38 =	vadd.s32 v38, v62;
	v57 =	vadd.f32 $6.666666860e-01, v32;
	v32 =	vmul.f32 v33, v33  }
0x180: {  	v54 =	vld [tilespmem:$0xA0];
	v52 =	vsel vm12, v49, v43;
	v56 =	vand.u32 $0x7FFFFF, v41;
	v38 =	vcvt.s32.f32 v38  }
0x181: {  	v41 =	vshra.s32 v41, $0x17;
	v45 =	vor.u32 $0x3F800000, v56;
	v61 =	vmul.f32 $2.222222240e-01, v32  }
0x182: {  	v37 =	vmul.f32 v30, v37;
	v55 =	vadd.f32 $1.000000000e+00, v52;
	vm13 =	vgt.f32 v45, $1.414213540e+00  }
0x183: {  	v38 =	vmul.f32 $6.931471820e-01, v38;
	v30 =	vmul.f32 v57, v42;
	v39 =	vadd.f32 $2.857142980e-01, v61  }
0x184: {  	v36 =	vadd.f32 v37, v58;
	v58 =	vmul.f32 $5.000000000e-01, v45;
	v42 =	vmul.f32 v46, v53  }
0x185: {  	(erf) = vrcp.f32 v55;
	vm14 =	veq.s32 v54, $0xFFFFFF9C;
	v39 =	vmul.f32 v39, v32  }
0x186: {  	v30 =	vadd.f32 $2.000000000e+00, v30;
	v45 =	vsel vm13, v58, v45;
	v60 =	vand.u32 $0x7FFFFF, v42;
	v57 =	vpop (erf)  }
0x187: {  	v42 =	vshra.s32 v42, $0x17;
	v35 =	vmul.f32 v57, v35;
	v51 =	vadd.f32 $4.000000060e-01, v39  }
0x188: {  	v59 =	vadd.f32 $1.000000000e+00, v45;
	v45 =	vadd.f32 $-1.000000000e+00, v45;
	v44 =	vmul.f32 v30, v44  }
0x189: {  	v30 =	vsel vm10, $0x0, v16;
	v43 =	vmul.f32 v35, v35;
	v37 =	vmul.f32 v51, v32  }
0x18a: {  	(erf) = vrcp.f32 v59;
	v44 =	vadd.f32 v44, v31;
	v31 =	vsel vm14, $0x0, v36  }
0x18b: {  	v48 =	vld [tilespmem:$0x6D0];
	v36 =	vor.u32 $0x3F800000, v60;
	v61 =	vmul.f32 $2.222222240e-01, v43;
	v37 =	vadd.f32 $6.666666860e-01, v37  }
0x18c: {  	v22 =	vadd.f32 v30, v22;
	v39 =	vadd.f32 $-1.000000000e+00, v52;
	v49 =	vmul.f32 $5.000000000e-01, v36  }
0x18d: {  	vm15 =	vgt.f32 v36, $1.414213540e+00;
	v32 =	vmul.f32 v37, v32;
	v37 =	vadd.f32 $2.857142980e-01, v61  }
0x18e: {  	v24 =	vadd.f32 v31, v24;
	v51 =	vsel vm11, $0xFFFFFF82, v17;
	v36 =	vsel vm15, v49, v36;
	v55 =	vpop (erf)  }
0x18f: {  	v52 =	vld [tilespmem:$0xB0];
	v49 =	vadd.f32 $1.000000000e+00, v36;
	v54 =	vmul.f32 v37, v43;
	v37 =	vmul.f32 v55, v39  }
0x190: {  	v60 =	vld [tilespmem:$0x1B0];
	v34 =	vadd.s32 v34, v51;
	v32 =	vadd.f32 $2.000000000e+00, v32;
	v39 =	vmul.f32 v46, v48  }
0x191: {  	v36 =	vadd.f32 $-1.000000000e+00, v36;
	(erf) = vrcp.f32 v49;
	v46 =	vmul.f32 v37, v37  }
0x192: {  	v63 =	vmul.f32 v32, v33;
	v33 =	vadd.f32 $4.000000060e-01, v54;
	v48 =	vand.u32 $0x7FFFFF, v39  }
0x193: {  	v34 =	vcvt.s32.f32 v34;
	v48 =	vor.u32 $0x3F800000, v48;
	v56 =	vmul.f32 $2.222222240e-01, v46  }
0x194: {  	vm10 =	veq.s32 v52, $0xFFFFFF9C;
	v33 =	vmul.f32 v33, v43;
	v58 =	vmul.f32 $5.000000000e-01, v48  }
0x195: {  	vm11 =	veq.s32 v60, $0xFFFFFF9C;
	v57 =	vpop (erf);
	vm9 =	vgt.f32 v48, $1.414213540e+00;
	v49 =	vadd.f32 $2.857142980e-01, v56  }
0x196: {  	v45 =	vmul.f32 v57, v45;
	v33 =	vadd.f32 $6.666666860e-01, v33;
	v48 =	vsel vm9, v58, v48  }
0x197: {  	v61 =	vmul.f32 $6.931471820e-01, v34;
	v50 =	vadd.f32 $1.000000000e+00, v48;
	v49 =	vmul.f32 v49, v46  }
0x198: {  	v34 =	vsel vm8, $0x0, v16;
	v33 =	vmul.f32 v33, v43;
	v43 =	vmul.f32 v45, v45  }
0x199: {  	v57 =	vsel vm12, $0xFFFFFF82, v17;
	(erf) = vrcp.f32 v50;
	v49 =	vadd.f32 $4.000000060e-01, v49  }
0x19a: {  	v52 =	vsel vm10, $0x0, v16;
	v40 =	vadd.s32 v40, v57;
	v59 =	vmul.f32 $2.222222240e-01, v43  }
0x19b: {  	v22 =	vadd.f32 v34, v22;
	v40 =	vcvt.s32.f32 v40;
	v53 =	vpop (erf);
	v49 =	vmul.f32 v49, v46  }
0x19c: {  	v38 =	vadd.f32 v63, v38;
	v36 =	vmul.f32 v53, v36;
	v51 =	vadd.f32 $2.857142980e-01, v59  }
0x19d: {  	v40 =	vmul.f32 $6.931471820e-01, v40;
	v33 =	vadd.f32 $2.000000000e+00, v33;
	v63 =	vadd.f32 $6.666666860e-01, v49  }
0x19e: {  	v32 =	vsel vm14, $0x0, v16;
	v62 =	vmul.f32 v51, v43;
	v51 =	vmul.f32 v36, v36  }
0x19f: {  	v25 =	vadd.f32 v32, v25;
	v35 =	vmul.f32 v33, v35;
	v46 =	vmul.f32 v63, v46  }
0x1a0: {  	v48 =	vadd.f32 $-1.000000000e+00, v48;
	v47 =	vadd.f32 $4.000000060e-01, v62;
	v56 =	vmul.f32 $2.222222240e-01, v51  }
0x1a1: {  	v33 =	vsel vm8, $0x0, v44;
	v44 =	vadd.f32 v35, v61;
	v46 =	vadd.f32 $2.000000000e+00, v46  }
0x1a2: {  	v35 =	vsel vm10, $0x0, v38;
	v58 =	vmul.f32 v47, v43;
	v59 =	vadd.f32 $2.857142980e-01, v56;
	v60 =	vpop (erf)  }
0x1a3: {  	v61 =	vsel vm13, $0xFFFFFF82, v17;
	v63 =	vld [tilespmem:$0xC0];
	v37 =	vmul.f32 v46, v37;
	v46 =	vmul.f32 v60, v48  }
0x1a4: {  	v41 =	vadd.s32 v41, v61;
	v38 =	vadd.f32 $6.666666860e-01, v58;
	v47 =	vmul.f32 v59, v51  }
0x1a5: {  	v39 =	vshra.s32 v39, $0x17;
	v41 =	vcvt.s32.f32 v41;
	v48 =	vmul.f32 v46, v46  }
0x1a6: {  	v25 =	vadd.f32 v52, v25;
	v58 =	vld [tilespmem:$0x7E0];
	v38 =	vmul.f32 v38, v43;
	v62 =	vadd.f32 $4.000000060e-01, v47  }
0x1a7: {  	v53 =	vsel vm11, $0x0, v16;
	v41 =	vmul.f32 $6.931471820e-01, v41;
	v57 =	vmul.f32 $2.222222240e-01, v48  }
0x1a8: {  	v60 =	vld [tilespmem:$0x5E0];
	vm12 =	veq.s32 v63, $0xFFFFFF9C;
	v38 =	vadd.f32 $2.000000000e+00, v38;
	v43 =	vmul.f32 v62, v51  }
0x1a9: {  	v56 =	vld [tilespmem:$0x1C0];
	v63 =	vsel vm15, $0xFFFFFF82, v17;
	v37 =	vadd.f32 v37, v40;
	v50 =	vadd.f32 $2.857142980e-01, v57  }
0x1aa: {  	v42 =	vadd.s32 v42, v63;
	v62 =	vld [tilespmem:$0x6E0];
	v38 =	vmul.f32 v38, v45;
	v43 =	vadd.f32 $6.666666860e-01, v43  }
0x1ab: {  	v45 =	vmax.f32 v58, $0.0e+00;
	v57 =	vsel vm9, $0xFFFFFF82, v17;
	v61 =	vmul.f32 v50, v48  }
0x1ac: {  	v55 =	vmin.f32 v45, $1.000000000e+00;
	v39 =	vadd.s32 v39, v57;
	v38 =	vadd.f32 v38, v41  }
0x1ad: {  	v59 =	vmul.f32 v43, v51;
	v41 =	vmul.f32 v55, v60;
	v43 =	vadd.f32 $4.000000060e-01, v61  }
0x1ae: {  	vm13 =	veq.s32 v56, $0xFFFFFF9C;
	v54 =	vcvt.s32.f32 v42;
	v39 =	vcvt.s32.f32 v39  }
0x1af: {  	v42 =	vmul.f32 v55, v62;
	v56 =	vand.u32 $0x7FFFFF, v41;
	v43 =	vmul.f32 v43, v48  }
0x1b0: {  	v40 =	vadd.f32 $2.000000000e+00, v59;
	v59 =	vld [tilespmem:$0x7F0];
	v39 =	vmul.f32 $6.931471820e-01, v39;
	v45 =	vor.u32 $0x3F800000, v56  }
0x1b1: {  	v58 =	vand.u32 $0x7FFFFF, v42;
	v60 =	vmul.f32 $5.000000000e-01, v45;
	v43 =	vadd.f32 $6.666666860e-01, v43  }
0x1b2: {  	v62 =	vld [tilespmem:$0x5F0];
	v36 =	vmul.f32 v40, v36;
	v49 =	vor.u32 $0x3F800000, v58;
	vm14 =	vgt.f32 v45, $1.414213540e+00  }
0x1b3: {  	v63 =	vld [tilespmem:$0x6F0];
	v61 =	vmul.f32 $5.000000000e-01, v49;
	v45 =	vsel vm14, v60, v45;
	v43 =	vmul.f32 v43, v48  }
0x1b4: {  	v40 =	vmul.f32 $6.931471820e-01, v54;
	vm15 =	vgt.f32 v49, $1.414213540e+00;
	v55 =	vadd.f32 $1.000000000e+00, v45  }
0x1b5: {  	v47 =	vsel vm15, v61, v49;
	v50 =	vmax.f32 v59, $0.0e+00;
	v43 =	vadd.f32 $2.000000000e+00, v43  }
0x1b6: {  	v58 =	vadd.f32 $1.000000000e+00, v47;
	v50 =	vmin.f32 v50, $1.000000000e+00;
	(erf) = vrcp.f32 v55  }
0x1b7: {  	v22 =	vadd.f32 v53, v22;
	v43 =	vmul.f32 v43, v46;
	v46 =	vmul.f32 v50, v62  }
0x1b8: {  	v36 =	vadd.f32 v36, v40;
	v40 =	vmul.f32 v50, v63;
	(erf) = vrcp.f32 v58  }
0x1b9: {  	v23 =	vadd.f32 v33, v23;
	v24 =	vadd.f32 v35, v24;
	v59 =	vand.u32 $0x7FFFFF, v46  }
0x1ba: {  	v57 =	vld [tilespmem:$0x1D0];
	v48 =	vand.u32 $0x7FFFFF, v40;
	v39 =	vadd.f32 v43, v39;
	v43 =	vor.u32 $0x3F800000, v59  }
0x1bb: {  	v44 =	vsel vm11, $0x0, v44;
	v48 =	vor.u32 $0x3F800000, v48;
	v60 =	vmul.f32 $5.000000000e-01, v43  }
0x1bc: {  	v23 =	vadd.f32 v44, v23;
	v61 =	vmul.f32 $5.000000000e-01, v48;
	vm10 =	vgt.f32 v43, $1.414213540e+00  }
0x1bd: {  	v37 =	vsel vm12, $0x0, v37;
	v54 =	vld [tilespmem:$0xD0];
	vm11 =	vgt.f32 v48, $1.414213540e+00;
	v43 =	vsel vm10, v60, v43  }
0x1be: {  	v24 =	vadd.f32 v37, v24;
	v48 =	vsel vm11, v61, v48;
	v49 =	vadd.f32 $1.000000000e+00, v43  }
0x1bf: {  	v51 =	vsel vm13, $0x0, v16;
	vm9 =	veq.s32 v57, $0xFFFFFF9C;
	v57 =	vadd.f32 $1.000000000e+00, v48  }
0x1c0: {  	v38 =	vsel vm13, $0x0, v38;
	v45 =	vadd.f32 $-1.000000000e+00, v45;
	v56 =	vpop (erf);
	(erf) = vrcp.f32 v49  }
0x1c1: {  	v22 =	vadd.f32 v51, v22;
	v23 =	vadd.f32 v38, v23;
	v62 =	vpop (erf);
	(erf) = vrcp.f32 v57  }
0x1c2: {  	v47 =	vadd.f32 $-1.000000000e+00, v47;
	vm8 =	veq.s32 v54, $0xFFFFFF9C;
	v26 =	vmul.f32 v56, v45  }
0x1c3: {  	v42 =	vshra.s32 v42, $0x17;
	v55 =	vsel vm12, $0x0, v16;
	v36 =	vsel vm8, $0x0, v36  }
0x1c4: {  	v25 =	vadd.f32 v55, v25;
	v28 =	vmul.f32 v62, v47;
	v27 =	vmul.f32 v26, v26  }
0x1c5: {  	v54 =	vsel vm8, $0x0, v16;
	v24 =	vadd.f32 v36, v24;
	v50 =	vsel vm9, $0x0, v16  }
0x1c6: {  	v25 =	vadd.f32 v54, v25;
	v29 =	vmul.f32 v28, v28;
	v63 =	vmul.f32 $2.222222240e-01, v27  }
0x1c7: {  	v22 =	vadd.f32 v50, v22;
	v50 =	vsel vm11, $0xFFFFFF82, v17;
	v61 =	vshra.s32 v41, $0x17  }
0x1c8: {  	v54 =	vld [tilespmem:$0xF0];
	v52 =	vadd.f32 $-1.000000000e+00, v43;
	v45 =	vmul.f32 $2.222222240e-01, v29;
	v30 =	vadd.f32 $2.857142980e-01, v63  }
0x1c9: {  	v39 =	vsel vm9, $0x0, v39;
	v56 =	vadd.f32 $-1.000000000e+00, v48;
	v47 =	vsel vm14, $0xFFFFFF82, v17;
	v53 =	vpop (erf)  }
0x1ca: {  	v55 =	vld [tilespmem:$0x1F0];
	v31 =	vadd.f32 $2.857142980e-01, v45;
	v30 =	vmul.f32 v30, v27;
	v34 =	vmul.f32 v53, v52;
	v57 =	vpop (erf)  }
0x1cb: {  	v23 =	vadd.f32 v39, v23;
	v32 =	vadd.s32 v61, v47;
	v35 =	vmul.f32 v57, v56  }
0x1cc: {  	v47 =	vld [tilespmem:$0x1E0];
	v31 =	vmul.f32 v31, v29;
	v30 =	vadd.f32 $4.000000060e-01, v30;
	v58 =	vmul.f32 v34, v34  }
0x1cd: {  	vm14 =	veq.s32 v54, $0xFFFFFF9C;
	v49 =	vsel vm15, $0xFFFFFF82, v17;
	v59 =	vmul.f32 v35, v35  }
0x1ce: {  	v45 =	vld [tilespmem:$0xE0];
	v31 =	vadd.f32 $4.000000060e-01, v31;
	v30 =	vmul.f32 v30, v27;
	v60 =	vmul.f32 $2.222222240e-01, v58  }
0x1cf: {  	vm15 =	veq.s32 v55, $0xFFFFFF9C;
	v32 =	vcvt.s32.f32 v32;
	v62 =	vmul.f32 $2.222222240e-01, v59  }
0x1d0: {  	v31 =	vmul.f32 v31, v29;
	v30 =	vadd.f32 $6.666666860e-01, v30;
	v63 =	vadd.f32 $2.857142980e-01, v60  }
0x1d1: {  	v32 =	vmul.f32 $6.931471820e-01, v32;
	vm13 =	veq.s32 v47, $0xFFFFFF9C;
	v43 =	vadd.f32 $2.857142980e-01, v62  }
0x1d2: {  	v31 =	vadd.f32 $6.666666860e-01, v31;
	v27 =	vmul.f32 v30, v27;
	v30 =	vmul.f32 v63, v58  }
0x1d3: {  	vm12 =	veq.s32 v45, $0xFFFFFF9C;
	v52 =	vshra.s32 v46, $0x17;
	v44 =	vmul.f32 v43, v59  }
0x1d4: {  	v53 =	vshra.s32 v40, $0x17;
	v29 =	vmul.f32 v31, v29;
	v30 =	vadd.f32 $4.000000060e-01, v30  }
0x1d5: {  	v31 =	vadd.s32 v42, v49;
	v27 =	vadd.f32 $2.000000000e+00, v27;
	v33 =	vadd.f32 $4.000000060e-01, v44  }
0x1d6: {  	v31 =	vcvt.s32.f32 v31;
	v60 =	vsel vm13, $0x0, v16;
	v30 =	vmul.f32 v30, v58  }
0x1d7: {  	v29 =	vadd.f32 $2.000000000e+00, v29;
	v26 =	vmul.f32 v27, v26;
	v48 =	vmul.f32 v33, v59  }
0x1d8: {  	v49 =	vsel vm10, $0xFFFFFF82, v17;
	v22 =	vadd.f32 v60, v22;
	v30 =	vadd.f32 $6.666666860e-01, v30  }
0x1d9: {  	v31 =	vmul.f32 $6.931471820e-01, v31;
	v26 =	vadd.f32 v26, v32;
	v32 =	vadd.f32 $6.666666860e-01, v48  }
0x1da: {  	v27 =	vadd.s32 v53, v50;
	v28 =	vmul.f32 v29, v28;
	v51 =	vmul.f32 v30, v58  }
0x1db: {  	v27 =	vcvt.s32.f32 v27;
	v30 =	vadd.s32 v52, v49;
	v32 =	vmul.f32 v32, v59  }
0x1dc: {  	v62 =	vsel vm14, $0x0, v16;
	v30 =	vcvt.s32.f32 v30;
	v29 =	vadd.f32 $2.000000000e+00, v51  }
0x1dd: {  	v28 =	vadd.f32 v28, v31;
	v27 =	vmul.f32 $6.931471820e-01, v27;
	v32 =	vadd.f32 $2.000000000e+00, v32  }
0x1de: {  	v26 =	vsel vm12, $0x0, v26;
	v57 =	vmul.f32 $6.931471820e-01, v30;
	v56 =	vmul.f32 v29, v34  }
0x1df: {  	v24 =	vadd.f32 v26, v24;
	v59 =	vsel vm12, $0x0, v16;
	v58 =	vmul.f32 v32, v35  }
0x1e0: {  	v63 =	vsel vm15, $0x0, v16;
	v25 =	vadd.f32 v59, v25;
	v26 =	vadd.f32 v56, v57  }
0x1e1: {  	v22 =	vadd.f32 v63, v22;
	v28 =	vsel vm13, $0x0, v28;
	v27 =	vadd.f32 v58, v27  }
0x1e2: {  	v23 =	vadd.f32 v28, v23;
	v25 =	vadd.f32 v62, v25;
	v26 =	vsel vm14, $0x0, v26  }
0x1e3: {  	[tilespmem:$0x830] =	vst v22;
	v24 =	vadd.f32 v26, v24;
	v61 =	vsel vm15, $0x0, v27  }
0x1e4: {  	[tilespmem:$0x820] =	vst v25;
	v23 =	vadd.f32 v61, v23  }
0x1e5: {  	[tilespmem:$0x800] =	vst v24  }
.Ltmp4:
0x1e6: {  	[tilespmem:$0x810] =	vst v23;
	(pc) =	sbr.rel .LBB2_3-.Ltmp4, $4  }
0x1e7: {  	[spmem:s10] =	stream.linear.scatter [tilespmem:s29], [sflag:$0x2], $0x40, $0x38;
	[tilespmem:$0xD40] =	vst v63  }
0x1e8: {  	_ =	swait.ge [sflag:s12], $0x40  }
0x1e9: {  	[sflag:s12] =	ssyncset.done $0x0  }
0x1ea: {  	[sflag:s12] =	ssyncadd.s32 $0xFFFFFFC0  }
.LBB2_4:
0x1eb: {  	[tilespmem:s30], [sflag:$0x2] =	stream.linear.gather [spmem:s3], $0x400, $0x38;
	[tilespmem:$0xD40] =	vst v63  }
0x1ec: {  	_ =	swait.ge [sflag:s12], $0x400  }
0x1ed: {  	[sflag:s12] =	ssyncset.done $0x0  }
0x1ee: {  	[sflag:s12] =	ssyncadd.s32 $0xFFFFFC00  }
0x1ef: {  	v22 =	vld [tilespmem:$0x880]  }
0x1f0: {  	v23 =	vld [tilespmem:$0x890]  }
0x1f1: {  	v24 =	vld [tilespmem:$0x8A0]  }
0x1f2: {  	v25 =	vld [tilespmem:$0x8B0]  }
0x1f3: {  	v26 =	vld [tilespmem:$0x8C0]  }
0x1f4: {  	v27 =	vld [tilespmem:$0x8D0]  }
0x1f5: {  	v28 =	vld [tilespmem:$0x8E0]  }
0x1f6: {  	v29 =	vld [tilespmem:$0x8F0]  }
0x1f7: {  	v30 =	vld [tilespmem:$0x900]  }
0x1f8: {  	v31 =	vld [tilespmem:$0x910]  }
0x1f9: {  	v32 =	vld [tilespmem:$0x920]  }
0x1fa: {  	v33 =	vld [tilespmem:$0x930]  }
0x1fb: {  	v34 =	vld [tilespmem:$0x940]  }
0x1fc: {  	v35 =	vld [tilespmem:$0x950]  }
0x1fd: {  	v36 =	vld [tilespmem:$0x960]  }
0x1fe: {  	v37 =	vld [tilespmem:$0x970]  }
0x1ff: {  	v38 =	vld [tilespmem:$0x980]  }
0x200: {  	v39 =	vld [tilespmem:$0x990]  }
0x201: {  	v40 =	vld [tilespmem:$0x9A0]  }
0x202: {  	v41 =	vld [tilespmem:$0x9B0]  }
0x203: {  	v42 =	vld [tilespmem:$0x9C0]  }
0x204: {  	v43 =	vld [tilespmem:$0x9D0]  }
0x205: {  	v44 =	vld [tilespmem:$0x9E0]  }
0x206: {  	v45 =	vld [tilespmem:$0x9F0]  }
0x207: {  	v46 =	vld [tilespmem:$0xA00]  }
0x208: {  	v47 =	vld [tilespmem:$0xA10]  }
0x209: {  	v48 =	vld [tilespmem:$0xA20]  }
0x20a: {  	v49 =	vld [tilespmem:$0xA30];
	v24 =	vadd.f32 $0.0e+00, v24  }
0x20b: {  	v50 =	vld [tilespmem:$0xA40]  }
0x20c: {  	v51 =	vld [tilespmem:$0xA60];
	v25 =	vadd.f32 $0.0e+00, v25;
	v24 =	vadd.f32 v28, v24  }
0x20d: {  	v59 =	vld [tilespmem:$0xA70]  }
0x20e: {  	v60 =	vld [tilespmem:$0xAA0];
	v25 =	vadd.f32 v29, v25;
	v24 =	vadd.f32 v32, v24  }
0x20f: {  	v61 =	vld [tilespmem:$0xAB0]  }
0x210: {  	v62 =	vld [tilespmem:$0xAE0];
	v25 =	vadd.f32 v33, v25;
	v24 =	vadd.f32 v36, v24  }
0x211: {  	v63 =	vld [tilespmem:$0xAF0]  }
0x212: {  	v52 =	vld [tilespmem:$0xB10];
	v25 =	vadd.f32 v37, v25;
	v24 =	vadd.f32 v40, v24  }
0x213: {  	v53 =	vld [tilespmem:$0xB20];
	v22 =	vadd.f32 $0.0e+00, v22  }
0x214: {  	v54 =	vld [tilespmem:$0xB30];
	v25 =	vadd.f32 v41, v25;
	v24 =	vadd.f32 v44, v24  }
0x215: {  	v55 =	vld [tilespmem:$0xB60];
	v23 =	vadd.f32 $0.0e+00, v23;
	v22 =	vadd.f32 v26, v22  }
0x216: {  	v56 =	vld [tilespmem:$0xB70];
	v25 =	vadd.f32 v45, v25;
	v24 =	vadd.f32 v48, v24  }
0x217: {  	v57 =	vld [tilespmem:$0xBA0];
	v23 =	vadd.f32 v27, v23;
	v22 =	vadd.f32 v30, v22  }
0x218: {  	v58 =	vld [tilespmem:$0xBB0];
	v25 =	vadd.f32 v49, v25;
	v24 =	vadd.f32 v51, v24  }
0x219: {  	v28 =	vld [tilespmem:$0xA50];
	v23 =	vadd.f32 v31, v23;
	v22 =	vadd.f32 v34, v22  }
0x21a: {  	v32 =	vld [tilespmem:$0xA80];
	v25 =	vadd.f32 v59, v25;
	v24 =	vadd.f32 v60, v24  }
0x21b: {  	v33 =	vld [tilespmem:$0xA90];
	v23 =	vadd.f32 v35, v23;
	v22 =	vadd.f32 v38, v22  }
0x21c: {  	v40 =	vld [tilespmem:$0xAC0];
	v25 =	vadd.f32 v61, v25;
	v24 =	vadd.f32 v62, v24  }
0x21d: {  	v41 =	vld [tilespmem:$0xAD0];
	v23 =	vadd.f32 v39, v23;
	v22 =	vadd.f32 v42, v22  }
0x21e: {  	v48 =	vld [tilespmem:$0xB00];
	v25 =	vadd.f32 v63, v25;
	v24 =	vadd.f32 v53, v24  }
0x21f: {  	v23 =	vadd.f32 v43, v23;
	v22 =	vadd.f32 v46, v22;
	v59 =	vld [tilespmem:$0xBE0]  }
0x220: {  	v60 =	vld [tilespmem:$0xBF0];
	v25 =	vadd.f32 v54, v25;
	v24 =	vadd.f32 v55, v24  }
0x221: {  	v23 =	vadd.f32 v47, v23;
	v22 =	vadd.f32 v50, v22;
	v61 =	vld [tilespmem:$0xC20]  }
0x222: {  	v62 =	vld [tilespmem:$0xC30];
	v25 =	vadd.f32 v56, v25;
	v24 =	vadd.f32 v57, v24  }
0x223: {  	v23 =	vadd.f32 v28, v23;
	v22 =	vadd.f32 v32, v22;
	v63 =	vld [tilespmem:$0xC60]  }
0x224: {  	v37 =	vld [tilespmem:$0xB40];
	v25 =	vadd.f32 v58, v25;
	v24 =	vadd.f32 v59, v24  }
0x225: {  	v38 =	vld [tilespmem:$0xC70];
	v23 =	vadd.f32 v33, v23;
	v22 =	vadd.f32 v40, v22  }
0x226: {  	v40 =	vld [tilespmem:$0xB50];
	v25 =	vadd.f32 v60, v25;
	v24 =	vadd.f32 v61, v24  }
0x227: {  	v39 =	vld [tilespmem:$0xB80];
	v23 =	vadd.f32 v41, v23;
	v22 =	vadd.f32 v48, v22  }
0x228: {  	v42 =	vld [tilespmem:$0xB90];
	v25 =	vadd.f32 v62, v25;
	v24 =	vadd.f32 v63, v24  }
0x229: {  	v41 =	vld [tilespmem:$0xBC0];
	v23 =	vadd.f32 v52, v23  }
0x22a: {  	v45 =	vld [tilespmem:$0xBD0];
	v22 =	vadd.f32 v37, v22;
	v25 =	vadd.f32 v38, v25;
	v44 =	vperm.xlane v24, v18  }
0x22b: {  	v43 =	vld [tilespmem:$0xC00];
	v23 =	vadd.f32 v40, v23  }
0x22c: {  	v48 =	vld [tilespmem:$0xC10];
	v22 =	vadd.f32 v39, v22;
	v47 =	vperm.xlane v25, v18;
	v24 =	vadd.f32 v44, v24  }
0x22d: {  	v46 =	vld [tilespmem:$0xC40];
	v23 =	vadd.f32 v42, v23  }
0x22e: {  	v50 =	vld [tilespmem:$0xC50];
	v22 =	vadd.f32 v41, v22;
	v25 =	vadd.f32 v47, v25;
	v49 =	vperm.xlane v24, v19  }
0x22f: {  	v23 =	vadd.f32 v45, v23  }
0x230: {  	v22 =	vadd.f32 v43, v22;
	v51 =	vperm.xlane v25, v19;
	v24 =	vadd.f32 v49, v24  }
0x231: {  	v23 =	vadd.f32 v48, v23  }
0x232: {  	v22 =	vadd.f32 v46, v22;
	v25 =	vadd.f32 v51, v25;
	v52 =	vperm.xlane v24, v20  }
0x233: {  	v23 =	vadd.f32 v50, v23  }
0x234: {  	v27 =	vperm.xlane v22, v18;
	v53 =	vperm.xlane v25, v20;
	v24 =	vadd.f32 v52, v24  }
0x235: {  	v54 =	vperm.xlane v23, v18  }
0x236: {  	v22 =	vadd.f32 v27, v22;
	v25 =	vadd.f32 v53, v25;
	v55 =	vperm.xlane v24, v21  }
0x237: {  	v23 =	vadd.f32 v54, v23  }
0x238: {  	v56 =	vperm.xlane v22, v19;
	v57 =	vperm.xlane v25, v21;
	v24 =	vadd.f32 v55, v24  }
0x239: {  	v58 =	vperm.xlane v23, v19  }
0x23a: {  	v22 =	vadd.f32 v56, v22;
	v25 =	vadd.f32 v57, v25;
	(erf) = vrcp.f32 v24;
	_ =	sdelay $0x1  }
0x23b: {  	v23 =	vadd.f32 v58, v23;
	v59 =	vperm.xlane v22, v20;
	(erf) = vrcp.f32 v25;
	_ =	sdelay $0x1  }
0x23c: {  	v60 =	vperm.xlane v23, v20;
	v22 =	vadd.f32 v59, v22;
	_ =	sdelay $0x1  }
0x23d: {  	v23 =	vadd.f32 v60, v23;
	v61 =	vperm.xlane v22, v21;
	_ =	sdelay $0x1  }
0x23e: {  	v22 =	vadd.f32 v61, v22;
	v24 =	vperm.xlane v23, v21  }
0x23f: {  	v62 =	vpop (erf)  }
0x240: {  	v23 =	vadd.f32 v24, v23;
	v22 =	vmul.f32 v62, v22  }
0x241: {  	v63 =	vpop (erf)  }
0x242: {  	v23 =	vmul.f32 v63, v23;
	v22 =	vsub.f32 $0.0e+00, v22;
	_ =	sdelay $0x1  }
0x243: {  	v22 =	vsub.f32 v22, v23;
	_ =	sdelay $0x1  }
.Ltmp5:
0x244: {  	[tilespmem:$0xC80] =	vst v22;
	(pc) =	sbr.rel .LBB2_5-.Ltmp5, $4  }
0x245: {  	[hbm4b:s1+s4] =	stream.linear.scatter [tilespmem:s31], [sflag:$0x2], $0x80, $0x38;
	[tilespmem:$0xD40] =	vst v63  }
0x246: {  	_ =	swait.ge [sflag:s12], $0x80  }
0x247: {  	[sflag:s12] =	ssyncset.done $0x0  }
0x248: {  	[sflag:s12] =	ssyncadd.s32 $0xFFFFFF80  }
.LBB2_6:
0x249: {  	_ =	sfence.sel $0x180000  }
0x24a: {  	[bflag:$0x0] =	sbarrier.arrive $0xFFFF  }
0x24b: {  	p0 =	sne.s32 s0, $0x0;
	_ =	strace $0x90000050  }
0x24c: {  	s0 =	sadd.s32 @!p0 $0x100000, s2;
	[bflag:$0x2] =	sbarrier.arrive $0xFFFF  }
0x24d: {  	[sflag:s0] =	ssyncadd.tile.s32 @!p0 $0x1;
	_ =	shalt  }
.Lfunc_end2:
_tile_overlayer_lowered:
.L_overlay_start_2:
0x24e: {  	(tag) =	ssettag $0x2  }
0x24f: {  	s0 =	rddreg [dreg:$0x0];
	s2 =	stileid.u32  }
0x250: {  	s1 =	rddreg [dreg:$0x1];
	p0 =	sne.s32 s2, $0x0  }
0x251: {  	s3 =	rddreg [dreg:$0x2];
	[bflag:$0x3] =	sbarrier.arrive $0xFFFF;
	s2 =	simm.s32 @!p0 $0x1C02  }
0x252: {  	[timem:s3], [sflag:s2] =	dma.local @!p0 [hbm:s0], s1  }
0x253: {  	s0 =	simm.s32 @!p0 $0x2  }
0x254: {  	_ =	swait.ge @!p0 [sflag:s0], s1  }
0x255: {  	s1 =	ssub.s32 @!p0 $0x0, s1;
	[sflag:s0] =	ssyncset.done @!p0 $0x0  }
0x256: {  	[sflag:s0] =	ssyncadd.s32 @!p0 s1  }
0x257: {  	[bflag:$0x3] =	sbarrier.arrive $0xFFFF  }
0x258: {  	_ =	shalt  }

// kernel: sparse-core-data-format-call.1.cloned.1.call-start
scs
called_computation.1_lowered:
.L_overlay_start_0:
0x0: {  	s2 =	sld [smem:$0x3FD9]  }
0x1: {  	s3 =	sld [smem:$0x3FFE];
	_ =	sdelay $0x1  }
0x2: {  	s1 =	srdreg.scid  }
0x3: {  	s0 =	sand.u32 $0x1, s1  }
0x4: {  	s18 =	sshll.u32 s0, $0xA;
	s2 =	sadd.s32 s3, s2  }
0x5: {  	s2 =	sadd.s32 s2, s18  }
0x6: {  	[smem:$0x3FC3] =	sst s2  }
0x7: {  	_ = 	snop  }
0x8: {  	s19 =	sld [smem:$0x3FC8];
	(tm) =	ssettm $0x1  }
0x9: {  	s20 =	sld [smem:$0x3FFB];
	_ =	sdelay $0x3  }
0xa: {  	_ =	strace s20  }
0xb: {  	s2 =	sld [smem:$0x3FFC];
	_ =	sdelay $0x3  }
0xc: {  	_ =	strace s2  }
0xd: {  	s2 =	sld [smem:$0x3FFD];
	_ =	sdelay $0x3  }
0xe: {  	_ =	strace s2  }
0xf: {  	_ =	strace $0x8FFFFFFF  }
0x10: {  	s21 =	sld [smem:$0x3FDB];
	_ =	sdelay $0x1  }
0x11: {  	s4 =	simm.s32 $_scs_section_size  }
0x12: {  	s5 =	simm.s32 $_size__tile_overlayer_lowered;
	s6 =	simm.s32 $_tile_overlayer_lowered  }
0x13: {  	s7 =	simm.s32 $0x1BFF;
	s22 =	sshll.u32 s6, $0x1;
	s4 =	sadd.s32 s4, s21  }
0x14: {  	s23 =	simm.s32 $0x0;
	s5 =	sshll.u32 s5, $0x1;
	s6 =	sadd.s32 s22, s4  }
0x15: {  	[timem:s23], [sflag:s7] =	dma.local [hbm:s6], s5  }
0x16: {  	_ =	swait.ge [sflag:s7], s5  }
0x17: {  	s5 =	ssub.s32 $0x0, s5;
	[sflag:s7] =	ssyncset.done $0x0  }
0x18: {  	[sflag:s7] =	ssyncadd.s32 s5;
	_ =	sdelay $0x1  }
0x19: {  	s24 =	simm.s32 $0x1B8B  }
0x1a: {  	_ =	swait.ge [sflag:s24], $0x1  }
0x1b: {  	[sflag:s24] =	ssyncset.done $0x0  }
0x1c: {  	[sflag:s24] =	ssyncadd.s32 $0xFFFFFFFF  }
0x1d: {  	s5 =	sld [smem:$0x0]  }
0x1e: {  	s6 =	sand.u32 $0xFFFFFFFE, s1  }
0x1f: {  	p0 =	sne.s32 s1, s6  }
0x20: {  	s6 =	sshll.u32 @p0 s6, $0xE  }
0x21: {  	s6 =	sadd.s32 @p0 $0x11B8D, s6;
	s7 =	sshll.u32 @p0 s5, $0x11  }
0x22: {  	s6 =	sor.u32 @p0 s7, s6  }
0x23: {  	[sflag:s6] =	ssyncadd.remote.s32 @p0 $0x1;
	_ =	sdelay $0x1  }
0x24: {  	s6 =	simm.s32 @p0 $0x1B8D  }
0x25: {  	_ =	swait.eq @p0 [sflag:s6], $0x1  }
0x26: {  	[sflag:s6] =	ssyncadd.s32 @p0 $0xFFFFFFFF  }
0x27: {  	s7 =	sshll.u32 @!p0 s1, $0xE  }
0x28: {  	s7 =	sor.u32 @!p0 $0x4000, s7;
	s6 =	simm.s32 @!p0 $0x1B8D  }
0x29: {  	s5 =	sshll.u32 @!p0 s5, $0x11;
	s7 =	sadd.s32 @!p0 $0x11B8D, s7;
	_ =	swait.eq @!p0 [sflag:s6], $0x1  }
0x2a: {  	s5 =	sor.u32 @!p0 s5, s7;
	[sflag:s6] =	ssyncadd.s32 @!p0 $0xFFFFFFFF  }
0x2b: {  	s26 =	simm.s32 $0x1B8E;
	s25 =	sld [smem:$0x3FFE];
	[sflag:s5] =	ssyncadd.remote.s32 @!p0 $0x1  }
0x2c: {  	s27 =	simm.s32 $execute0_lowered;
	[smem:$0x3FD2] =	sst s26  }
0x2d: {  	s6 =	sshll.u32 s27, $0x1;
	_ =	strace $0x80000049;
	[dreg:$0x1] =	wrdreg $0xFFFFFFFF  }
0x2e: {  	s28 =	simm.s32 $_size_execute0_lowered;
	s4 =	sadd.s32 s4, s6;
	[dreg:$0x0] =	wrdreg $0x0  }
0x2f: {  	s6 =	sshll.u32 s28, $0x1;
	[dreg:$0x2] =	wrdreg s4  }
0x30: {  	[dreg:$0x3] =	wrdreg s6  }
0x31: {  	[dreg:$0x4] =	wrdreg $0xC0  }
0x32: {  	_ =	task [dreg:s23], $0x5FFFF  }
0x33: {  	[dreg:$0x1] =	wrdreg $0xFFFFFFFF  }
0x34: {  	[dreg:$0x0] =	wrdreg $0x60  }
0x35: {  	[dreg:$0x2] =	wrdreg s19  }
0x36: {  	[dreg:$0x3] =	wrdreg s25  }
0x37: {  	[dreg:$0x4] =	wrdreg $0xA  }
0x38: {  	_ =	task.clear_ibuf [dreg:s23], $0x5FFFF;
	_ =	strace $0x90000049  }
0x39: {  	s29 =	simm.s32 $0xA;
	_ =	strace $0x8000004B  }
0x3a: {  	_ =	swait.ge [sflag:s29], $0x1  }
0x3b: {  	[sflag:s29] =	ssyncadd.s32 $0xFFFFFFFF  }
0x3c: {  	_ =	strace $0x9000004B  }
0x3d: {  	_ =	sfence  }
0x3e: {  	s30 =	sld [smem:$0x0];
	_ =	sdelay $0x2  }
0x3f: {  	s31 =	sshll.u32 s1, $0xD;
	s1 =	sshrl.u32 s1, $0x2  }
0x40: {  	s4 =	sand.u32 $0x4000, s31;
	s1 =	sadd.s32 s1, s30  }
0x41: {  	s0 =	sor.u32 s4, s0;
	s1 =	sshll.u32 s1, $0x11  }
0x42: {  	s0 =	sor.u32 s1, s0  }
0x43: {  	s0 =	sadd.s32 $0x8F2B, s0  }
0x44: {  	[sflag:s0] =	ssyncadd.remote.s32 $0x1  }
0x45: {  	_ =	sfence.sel $0xFFFF  }
0x46: {  	[dreg:$0x0] =	wrdreg $0xFFFFFFFF;
	(pc) =	sbr.abs _section_cstart, $3  }
0x47: {  	[dreg:$0x1] =	wrdreg $0xFFFFFFFF  }
0x48: {  	_ =	task.clear_ibuf [dreg:s23], $0x2FFFF;
	_ =	strace $0x9FFFFFFF  }
0x49: {  	(tm) =	ssettm $0x7FFFFFFF  }
tec
execute0_lowered:
.L_overlay_start_1:
0x0: {  	(tag) =	ssettag $0x1  }
0x1: {  	s2 =	rddreg [dreg:$0x0]  }
0x2: {  	s1 =	rddreg [dreg:$0x1]  }
0x3: {  	s0 =	rddreg [dreg:$0x2];
	_ =	strace $0x8000004A;
	s4 =	srdreg.scid  }
0x4: {  	s6 =	simm.s32 $0x2;
	s11 =	simm.s32 $0x0;
	p0 =	por $0x0, $0x0  }
.Ltmp0:
0x5: {  	s7 =	simm.s32 $0x1000;
	s12 =	simm.s32 $0x0;
	(pc) =	sbr.rel .LBB1_1-.Ltmp0, $4  }
0x6: {  	s9 =	simm.s32 $0x0;
	s3 =	sadd.s32 $0x201000, s1;
	s5 =	sshll.u32 s4, $0x4  }
0x7: {  	s1 =	stileid.u32;
	s4 =	simm.s32 $0x1;
	s5 =	sand.u32 $0x10, s5  }
0x8: {  	s8 =	simm.s32 $0x0;
	[sflag:s4] =	ssyncpa.u1 $0x0;
	s5 =	sor.u32 s1, s5  }
0x9: {  	[sflag:s6] =	ssyncpa.u1 $0x0;
	s6 =	simm.s32 $0x800;
	s10 =	smov.u32 s5  }
.LBB1_7:
0xa: {  	s13 =	sadd.s32 $0x10, s9  }
0xb: {  	s11 =	sadd.s32 $0x20, s10;
	s15 =	smov.u32 s10;
	p2 =	sgt.s32 s13, $0x1F  }
0xc: {  	p1 =	slt.u32 s8, $0x2;
	s15 =	smov.u32 @p2 s11  }
0xd: {  	s8 =	sadd.s32 $0x1, s8;
	s13 =	simm.s32 @p2 $0x0;
	p2 =	sgt.s32 s15, $0x1FF  }
0xe: {  	s15 =	smov.u32 @p2 s5;
	p2 =	sne.s32 s8, $0x22  }
.Ltmp1:
0xf: {  	_ = 	snop;
	(pc) =	sbr.rel @!p2 .LBB1_8-.Ltmp1, $4  }
0x10: {  	s14 =	simm.s32 @!p1 $0x2  }
0x11: {  	s12 =	smov.u32 s10;
	_ =	swait.ge @!p1 [sflag:s14], $0x4000  }
0x12: {  	p0 =	por !p0, !p0;
	s11 =	smov.u32 s9;
	[sflag:s14] =	ssyncset.done @!p1 $0x0  }
0x13: {  	s9 =	smov.u32 s13;
	[sflag:s14] =	ssyncadd.s32 @!p1 $0xFFFFC000;
	s10 =	smov.u32 s15  }
.LBB1_1:
0x14: {  	p1 =	sgt.u32 s8, $0x1F  }
0x15: {  	s13 =	sxor.u32 @!p1 $0xFFFFFFFF, s8;
	s14 =	sshll.u32 @!p1 s10, $0xC  }
0x16: {  	s15 =	sshll.u32 @!p1 s9, $0x7;
	s13 =	sshll.u32 @!p1 s13, $0xE;
	s14 =	sadd.s32 @!p1 s2, s14  }
0x17: {  	s13 =	sand.u32 @!p1 $0x4000, s13;
	s14 =	sadd.s32 @!p1 s15, s14;
	s15 =	simm.s32 @!p1 $0x0  }
0x18: {  	[tilespmem:s13], [sflag:$0x1] =	stream.linear.gather @!p1 [hbm4b:s14+s15], $0x4000, $0x38;
	[tilespmem:$0x10000] =	vst v63  }
0x19: {  	p1 =	seq.s32 s8, $0x0  }
0x1a: {  	p2 =	seq.s32 @!p1 s8, $0x21  }
0x1b: {  	p1 =	por p1, p2  }
.Ltmp2:
0x1c: {  	_ = 	snop;
	(pc) =	sbr.rel @p1 .LBB1_7-.Ltmp2, $1  }
0x1d: {  	_ =	sdelay $0x3  }
0x1e: {  	s13 =	simm.s32 $0x1;
	_ =	swait.ge [sflag:s4], $0x4000;
	s16 =	sshll.u32 s8, $0xE  }
0x1f: {  	s13 =	simm.s32 @!p0 $0x0;
	[sflag:s4] =	ssyncset.done $0x0;
	s31 =	sand.u32 $0x4000, s16  }
0x20: {  	s16 =	simm.s32 $0x0;
	s14 =	sshll.u32 s13, $0xE;
	[sflag:s4] =	ssyncadd.s32 $0xFFFFC000  }
0x21: {  	s13 =	sor.u32 $0x8040, s14;
	s15 =	sor.u32 $0x40, s14;
	s14 =	sor.u32 $0x8000, s31  }
.LBB1_3:
0x22: {  	v0 =	vmov s15;
	_ =	sdelay $0x3  }
0x23: {  	s18 =	simm.s32 $0x0  }
0x24: {  	v6 =	vld.idx.msk [tilespmem:v0+s18+$0x30 ss:$0x1], $0xffff  }
0x25: {  	v7 =	vld.idx.msk [tilespmem:v0+s18+$0xFFFFFFC0 ss:$0x1], $0xffff  }
0x26: {  	v5 =	vld.idx.msk [tilespmem:v0+s18+$0xFFFFFFD0 ss:$0x1], $0xffff  }
0x27: {  	v4 =	vld.idx.msk [tilespmem:v0+s18+$0xFFFFFFE0 ss:$0x1], $0xffff  }
0x28: {  	v3 =	vld.idx.msk [tilespmem:v0+s18+$0xFFFFFFF0 ss:$0x1], $0xffff  }
0x29: {  	v1 =	vld.idx.msk [tilespmem:v0+s18+$0x0 ss:$0x1], $0xffff  }
0x2a: {  	v2 =	vld.idx.msk [tilespmem:v0+s18+$0x10 ss:$0x1], $0xffff;
	[tilespmem:s13+$0x30] =	vst v6  }
0x2b: {  	s17 =	simm.s32 $0x80;
	s19 =	simm.s32 $0x400;
	[tilespmem:s13+$0xFFFFFFC0] =	vst v7;
	v6 =	vld.idx.msk [tilespmem:v0+s18+$0x20 ss:$0x1], $0xffff;
	s18 =	smov.u32 s13  }
.LBB1_4:
0x2c: {  	p1 =	sne.s32 s19, $0xE00;
	v7 =	vld.idx.msk [tilespmem:v0+s17+$0x30 ss:$0x1], $0xffff;
	[tilespmem:s18+$0xFFFFFFD0] =	vst v5  }
0x2d: {  	v8 =	vld.idx.msk [tilespmem:v0+s17+$0xFFFFFFC0 ss:$0x1], $0xffff;
	[tilespmem:s18+$0xFFFFFFE0] =	vst v4  }
0x2e: {  	v5 =	vld.idx.msk [tilespmem:v0+s17+$0xFFFFFFD0 ss:$0x1], $0xffff;
	[tilespmem:s18+$0xFFFFFFF0] =	vst v3  }
.Ltmp3:
0x2f: {  	v4 =	vld.idx.msk [tilespmem:v0+s17+$0xFFFFFFE0 ss:$0x1], $0xffff;
	[tilespmem:s18+$0x0] =	vst v1;
	(pc) =	sbr.rel @p1 .LBB1_4-.Ltmp3, $4  }
0x30: {  	v3 =	vld.idx.msk [tilespmem:v0+s17+$0xFFFFFFF0 ss:$0x1], $0xffff;
	[tilespmem:s18+$0x10] =	vst v2  }
0x31: {  	v1 =	vld.idx.msk [tilespmem:v0+s17+$0x0 ss:$0x1], $0xffff;
	[tilespmem:s18+$0x20] =	vst v6;
	s18 =	sadd.s32 $0x800, s18  }
0x32: {  	v2 =	vld.idx.msk [tilespmem:v0+s17+$0x10 ss:$0x1], $0xffff;
	[tilespmem:s18+$0x30] =	vst v7  }
0x33: {  	[tilespmem:s18+$0xFFFFFFC0] =	vst v8;
	v6 =	vld.idx.msk [tilespmem:v0+s17+$0x20 ss:$0x1], $0xffff;
	s17 =	sshra.s32 s19, $0x2;
	s19 =	sadd.s32 $0x200, s19  }
0x34: {  	_ =	sdelay $0x2  }
0x35: {  	[tilespmem:s18+$0xFFFFFFD0] =	vst v5  }
0x36: {  	v56 =	vld.idx.msk [tilespmem:v0+s17+$0x30 ss:$0x1], $0xffff;
	[tilespmem:s18+$0xFFFFFFE0] =	vst v4  }
0x37: {  	v57 =	vld.idx.msk [tilespmem:v0+s17+$0xFFFFFFC0 ss:$0x1], $0xffff;
	[tilespmem:s18+$0xFFFFFFF0] =	vst v3  }
0x38: {  	v58 =	vld.idx.msk [tilespmem:v0+s17+$0xFFFFFFD0 ss:$0x1], $0xffff;
	[tilespmem:s18+$0x0] =	vst v1  }
0x39: {  	v59 =	vld.idx.msk [tilespmem:v0+s17+$0xFFFFFFE0 ss:$0x1], $0xffff;
	[tilespmem:s18+$0x10] =	vst v2  }
0x3a: {  	v60 =	vld.idx.msk [tilespmem:v0+s17+$0xFFFFFFF0 ss:$0x1], $0xffff;
	s31 =	sadd.s32 $0x800, s18;
	[tilespmem:s18+$0x20] =	vst v6  }
0x3b: {  	v61 =	vld.idx.msk [tilespmem:v0+s17+$0x0 ss:$0x1], $0xffff;
	[tilespmem:s31+$0x30] =	vst v56  }
0x3c: {  	v62 =	vld.idx.msk [tilespmem:v0+s17+$0x10 ss:$0x1], $0xffff;
	s16 =	sadd.s32 $0x1, s16;
	[tilespmem:s31+$0xFFFFFFC0] =	vst v57  }
0x3d: {  	v63 =	vld.idx.msk [tilespmem:v0+s17+$0x20 ss:$0x1], $0xffff;
	p1 =	sne.s32 s16, $0x10;
	[tilespmem:s31+$0xFFFFFFD0] =	vst v58  }
.Ltmp4:
0x3e: {  	[tilespmem:s31+$0xFFFFFFE0] =	vst v59;
	(pc) =	sbr.rel @p1 .LBB1_3-.Ltmp4, $4  }
0x3f: {  	[tilespmem:s31+$0xFFFFFFF0] =	vst v60  }
0x40: {  	[tilespmem:s31+$0x0] =	vst v61  }
0x41: {  	[tilespmem:s31+$0x10] =	vst v62  }
0x42: {  	s13 =	sadd.s32 $0x80, s13;
	s15 =	sadd.s32 $0x400, s15;
	[tilespmem:s31+$0x20] =	vst v63  }
.Ltmp5:
0x43: {  	(pc) =	sbr.rel .LBB1_7-.Ltmp5, $4  }
0x44: {  	s12 =	sshll.u32 s12, $0xC;
	s11 =	sshll.u32 s11, $0x4  }
0x45: {  	s11 =	sand.u32 $0x1F0, s11;
	s12 =	sadd.s32 s3, s12  }
0x46: {  	s11 =	sadd.s32 s11, s12  }
0x47: {  	[hbm4b:s11+s6] =	stream.strided.scatter [tilespmem:s14], [sflag:$0x2], $0x4000, s7, s6, $0x38;
	[tilespmem:$0x10000] =	vst v63  }
.LBB1_8:
0x48: {  	_ =	sfence.sel $0x180000  }
0x49: {  	s2 =	simm.s32 $0x1;
	[bflag:$0x0] =	sbarrier.arrive $0xFFFF  }
0x4a: {  	s31 =	simm.s32 $0x2;
	[sflag:s2] =	ssyncpa.u1 $0x1  }
0x4b: {  	[sflag:s31] =	ssyncpa.u1 $0x1  }
0x4c: {  	p0 =	sne.s32 s1, $0x0;
	_ =	strace $0x9000004A  }
0x4d: {  	s0 =	sadd.s32 @!p0 $0x100000, s0;
	[bflag:$0x2] =	sbarrier.arrive $0xFFFF  }
0x4e: {  	[sflag:s0] =	ssyncadd.tile.s32 @!p0 $0x1;
	_ =	shalt  }
.Lfunc_end1:
_tile_overlayer_lowered:
.L_overlay_start_2:
0x4f: {  	(tag) =	ssettag $0x2  }
0x50: {  	s0 =	rddreg [dreg:$0x0];
	s2 =	stileid.u32  }
0x51: {  	s1 =	rddreg [dreg:$0x1];
	p0 =	sne.s32 s2, $0x0  }
0x52: {  	s3 =	rddreg [dreg:$0x2];
	[bflag:$0x3] =	sbarrier.arrive $0xFFFF;
	s2 =	simm.s32 @!p0 $0x1C01  }
0x53: {  	[timem:s3], [sflag:s2] =	dma.local @!p0 [hbm:s0], s1  }
0x54: {  	s0 =	simm.s32 @!p0 $0x1  }
0x55: {  	_ =	swait.ge @!p0 [sflag:s0], s1  }
0x56: {  	s1 =	ssub.s32 @!p0 $0x0, s1;
	[sflag:s0] =	ssyncset.done @!p0 $0x0  }
0x57: {  	[sflag:s0] =	ssyncadd.s32 @!p0 s1  }
0x58: {  	[bflag:$0x3] =	sbarrier.arrive $0xFFFF  }
0x59: {  	_ =	shalt  }

// kernel: sparse-core-data-format-call.2.cloned.1.call-start
scs
called_computation.2_lowered:
.L_overlay_start_0:
0x0: {  	s2 =	sld [smem:$0x3FD9]  }
0x1: {  	s3 =	sld [smem:$0x3FFE];
	_ =	sdelay $0x1  }
0x2: {  	s1 =	srdreg.scid  }
0x3: {  	s0 =	sand.u32 $0x1, s1  }
0x4: {  	s18 =	sshll.u32 s0, $0xA;
	s2 =	sadd.s32 s3, s2  }
0x5: {  	s2 =	sadd.s32 s2, s18  }
0x6: {  	[smem:$0x3FC3] =	sst s2  }
0x7: {  	_ = 	snop  }
0x8: {  	s2 =	sld [smem:$0x3FC9];
	(tm) =	ssettm $0x1  }
0x9: {  	s19 =	sld [smem:$0x3FFB];
	_ =	sdelay $0x3  }
0xa: {  	_ =	strace s19  }
0xb: {  	s3 =	sld [smem:$0x3FFC];
	_ =	sdelay $0x3  }
0xc: {  	_ =	strace s3  }
0xd: {  	s3 =	sld [smem:$0x3FFD];
	_ =	sdelay $0x3  }
0xe: {  	_ =	strace s3  }
0xf: {  	_ =	strace $0x8FFFFFFF  }
0x10: {  	s20 =	sld [smem:$0x3FDB];
	_ =	sdelay $0x1  }
0x11: {  	s4 =	simm.s32 $_scs_section_size  }
0x12: {  	s5 =	simm.s32 $_size__tile_overlayer_lowered;
	s6 =	simm.s32 $_tile_overlayer_lowered  }
0x13: {  	s23 =	simm.s32 $0x1BFF;
	s22 =	sshll.u32 s6, $0x1;
	s3 =	sadd.s32 s4, s20  }
0x14: {  	s7 =	simm.s32 $0x0;
	s21 =	sshll.u32 s5, $0x1;
	s5 =	sadd.s32 s22, s3  }
0x15: {  	[timem:s7], [sflag:s23] =	dma.local [hbm:s5], s21  }
0x16: {  	_ =	swait.ge [sflag:s23], s21  }
0x17: {  	s4 =	ssub.s32 $0x0, s21;
	[sflag:s23] =	ssyncset.done $0x0  }
0x18: {  	[sflag:s23] =	ssyncadd.s32 s4;
	_ =	sdelay $0x1  }
0x19: {  	s24 =	simm.s32 $0x1B8B  }
0x1a: {  	_ =	swait.ge [sflag:s24], $0x1  }
0x1b: {  	[sflag:s24] =	ssyncset.done $0x0  }
0x1c: {  	s26 =	simm.s32 $0x1B8E;
	s25 =	sld [smem:$0x3FFE];
	[sflag:s24] =	ssyncadd.s32 $0xFFFFFFFF  }
0x1d: {  	s27 =	simm.s32 $execute0_lowered;
	[smem:$0x3FD2] =	sst s26  }
0x1e: {  	s5 =	sshll.u32 s27, $0x1;
	_ =	strace $0x80000046;
	[dreg:$0x1] =	wrdreg $0xFFFFFFFF  }
0x1f: {  	s28 =	simm.s32 $_size_execute0_lowered;
	s3 =	sadd.s32 s3, s5;
	[dreg:$0x0] =	wrdreg $0x0  }
0x20: {  	s5 =	sshll.u32 s28, $0x1;
	[dreg:$0x2] =	wrdreg s3  }
0x21: {  	[dreg:$0x3] =	wrdreg s5  }
0x22: {  	[dreg:$0x4] =	wrdreg $0xC0  }
0x23: {  	_ =	task [dreg:s7], $0x5FFFF  }
0x24: {  	[dreg:$0x1] =	wrdreg $0xFFFFFFFF  }
0x25: {  	[dreg:$0x0] =	wrdreg $0x60  }
0x26: {  	[dreg:$0x2] =	wrdreg s2  }
0x27: {  	[dreg:$0x3] =	wrdreg s25  }
0x28: {  	[dreg:$0x4] =	wrdreg $0xB  }
0x29: {  	_ =	task.clear_ibuf [dreg:s7], $0x5FFFF;
	_ =	strace $0x90000046  }
0x2a: {  	s29 =	simm.s32 $0xB;
	_ =	strace $0x80000048  }
0x2b: {  	_ =	swait.ge [sflag:s29], $0x1  }
0x2c: {  	[sflag:s29] =	ssyncadd.s32 $0xFFFFFFFF  }
0x2d: {  	_ =	strace $0x90000048  }
0x2e: {  	_ =	sfence  }
0x2f: {  	s30 =	sld [smem:$0x0];
	_ =	sdelay $0x2  }
0x30: {  	s31 =	sshll.u32 s1, $0xD;
	s1 =	sshrl.u32 s1, $0x2  }
0x31: {  	s3 =	sand.u32 $0x4000, s31;
	s1 =	sadd.s32 s1, s30  }
0x32: {  	s0 =	sor.u32 s3, s0;
	s1 =	sshll.u32 s1, $0x11  }
0x33: {  	s0 =	sor.u32 s1, s0  }
0x34: {  	s0 =	sadd.s32 $0x8F2B, s0  }
0x35: {  	[sflag:s0] =	ssyncadd.remote.s32 $0x1  }
0x36: {  	_ =	sfence.sel $0xFFFF  }
0x37: {  	[dreg:$0x0] =	wrdreg $0xFFFFFFFF;
	(pc) =	sbr.abs _section_cstart, $3  }
0x38: {  	[dreg:$0x1] =	wrdreg $0xFFFFFFFF  }
0x39: {  	_ =	task.clear_ibuf [dreg:s7], $0x2FFFF;
	_ =	strace $0x9FFFFFFF  }
0x3a: {  	(tm) =	ssettm $0x7FFFFFFF  }
0x3b: {  	_ =	shalt  }
tec
execute0_lowered:
.L_overlay_start_1:
0x0: {  	(tag) =	ssettag $0x1  }
0x1: {  	s2 =	rddreg [dreg:$0x0]  }
0x2: {  	s1 =	rddreg [dreg:$0x1]  }
0x3: {  	s0 =	rddreg [dreg:$0x2];
	_ =	strace $0x80000047;
	s4 =	srdreg.scid  }
0x4: {  	s6 =	simm.s32 $0x2;
	s11 =	simm.s32 $0x0;
	p0 =	por $0x0, $0x0  }
.Ltmp0:
0x5: {  	s7 =	simm.s32 $0x1000;
	s12 =	simm.s32 $0x0;
	(pc) =	sbr.rel .LBB1_1-.Ltmp0, $4  }
0x6: {  	s9 =	simm.s32 $0x0;
	s3 =	sadd.s32 $0x1000, s1;
	s5 =	sshll.u32 s4, $0x4  }
0x7: {  	s1 =	stileid.u32;
	s4 =	simm.s32 $0x1;
	s5 =	sand.u32 $0x10, s5  }
0x8: {  	s8 =	simm.s32 $0x0;
	[sflag:s4] =	ssyncpa.u1 $0x0;
	s5 =	sor.u32 s1, s5  }
0x9: {  	[sflag:s6] =	ssyncpa.u1 $0x0;
	s6 =	simm.s32 $0x800;
	s10 =	smov.u32 s5  }
.LBB1_7:
0xa: {  	s13 =	sadd.s32 $0x10, s9  }
0xb: {  	s11 =	sadd.s32 $0x20, s10;
	s15 =	smov.u32 s10;
	p2 =	sgt.s32 s13, $0x1F  }
0xc: {  	p1 =	slt.u32 s8, $0x2;
	s15 =	smov.u32 @p2 s11  }
0xd: {  	s8 =	sadd.s32 $0x1, s8;
	s13 =	simm.s32 @p2 $0x0;
	p2 =	sgt.s32 s15, $0x1FF  }
0xe: {  	s15 =	smov.u32 @p2 s5;
	p2 =	sne.s32 s8, $0x22  }
.Ltmp1:
0xf: {  	_ = 	snop;
	(pc) =	sbr.rel @!p2 .LBB1_8-.Ltmp1, $4  }
0x10: {  	s14 =	simm.s32 @!p1 $0x2  }
0x11: {  	s12 =	smov.u32 s10;
	_ =	swait.ge @!p1 [sflag:s14], $0x4000  }
0x12: {  	p0 =	por !p0, !p0;
	s11 =	smov.u32 s9;
	[sflag:s14] =	ssyncset.done @!p1 $0x0  }
0x13: {  	s9 =	smov.u32 s13;
	[sflag:s14] =	ssyncadd.s32 @!p1 $0xFFFFC000;
	s10 =	smov.u32 s15  }
.LBB1_1:
0x14: {  	p1 =	sgt.u32 s8, $0x1F  }
0x15: {  	s13 =	sxor.u32 @!p1 $0xFFFFFFFF, s8;
	s14 =	sshll.u32 @!p1 s10, $0xC  }
0x16: {  	s15 =	sshll.u32 @!p1 s9, $0x7;
	s13 =	sshll.u32 @!p1 s13, $0xE;
	s14 =	sadd.s32 @!p1 s2, s14  }
0x17: {  	s13 =	sand.u32 @!p1 $0x4000, s13;
	s14 =	sadd.s32 @!p1 s15, s14;
	s15 =	simm.s32 @!p1 $0x0  }
0x18: {  	[tilespmem:s13], [sflag:$0x1] =	stream.linear.gather @!p1 [hbm4b:s14+s15], $0x4000, $0x38;
	[tilespmem:$0x10000] =	vst v63  }
0x19: {  	p1 =	seq.s32 s8, $0x0  }
0x1a: {  	p2 =	seq.s32 @!p1 s8, $0x21  }
0x1b: {  	p1 =	por p1, p2  }
.Ltmp2:
0x1c: {  	_ = 	snop;
	(pc) =	sbr.rel @p1 .LBB1_7-.Ltmp2, $1  }
0x1d: {  	_ =	sdelay $0x3  }
0x1e: {  	s13 =	simm.s32 $0x1;
	_ =	swait.ge [sflag:s4], $0x4000;
	s16 =	sshll.u32 s8, $0xE  }
0x1f: {  	s13 =	simm.s32 @!p0 $0x0;
	[sflag:s4] =	ssyncset.done $0x0;
	s31 =	sand.u32 $0x4000, s16  }
0x20: {  	s16 =	simm.s32 $0x0;
	s14 =	sshll.u32 s13, $0xE;
	[sflag:s4] =	ssyncadd.s32 $0xFFFFC000  }
0x21: {  	s13 =	sor.u32 $0x8040, s14;
	s15 =	sor.u32 $0x40, s14;
	s14 =	sor.u32 $0x8000, s31  }
.LBB1_3:
0x22: {  	v0 =	vmov s15;
	_ =	sdelay $0x3  }
0x23: {  	s18 =	simm.s32 $0x0  }
0x24: {  	v6 =	vld.idx.msk [tilespmem:v0+s18+$0x30 ss:$0x1], $0xffff  }
0x25: {  	v7 =	vld.idx.msk [tilespmem:v0+s18+$0xFFFFFFC0 ss:$0x1], $0xffff  }
0x26: {  	v5 =	vld.idx.msk [tilespmem:v0+s18+$0xFFFFFFD0 ss:$0x1], $0xffff  }
0x27: {  	v4 =	vld.idx.msk [tilespmem:v0+s18+$0xFFFFFFE0 ss:$0x1], $0xffff  }
0x28: {  	v3 =	vld.idx.msk [tilespmem:v0+s18+$0xFFFFFFF0 ss:$0x1], $0xffff  }
0x29: {  	v1 =	vld.idx.msk [tilespmem:v0+s18+$0x0 ss:$0x1], $0xffff  }
0x2a: {  	v2 =	vld.idx.msk [tilespmem:v0+s18+$0x10 ss:$0x1], $0xffff;
	[tilespmem:s13+$0x30] =	vst v6  }
0x2b: {  	s17 =	simm.s32 $0x80;
	s19 =	simm.s32 $0x400;
	[tilespmem:s13+$0xFFFFFFC0] =	vst v7;
	v6 =	vld.idx.msk [tilespmem:v0+s18+$0x20 ss:$0x1], $0xffff;
	s18 =	smov.u32 s13  }
.LBB1_4:
0x2c: {  	p1 =	sne.s32 s19, $0xE00;
	v7 =	vld.idx.msk [tilespmem:v0+s17+$0x30 ss:$0x1], $0xffff;
	[tilespmem:s18+$0xFFFFFFD0] =	vst v5  }
0x2d: {  	v8 =	vld.idx.msk [tilespmem:v0+s17+$0xFFFFFFC0 ss:$0x1], $0xffff;
	[tilespmem:s18+$0xFFFFFFE0] =	vst v4  }
0x2e: {  	v5 =	vld.idx.msk [tilespmem:v0+s17+$0xFFFFFFD0 ss:$0x1], $0xffff;
	[tilespmem:s18+$0xFFFFFFF0] =	vst v3  }
.Ltmp3:
0x2f: {  	v4 =	vld.idx.msk [tilespmem:v0+s17+$0xFFFFFFE0 ss:$0x1], $0xffff;
	[tilespmem:s18+$0x0] =	vst v1;
	(pc) =	sbr.rel @p1 .LBB1_4-.Ltmp3, $4  }
0x30: {  	v3 =	vld.idx.msk [tilespmem:v0+s17+$0xFFFFFFF0 ss:$0x1], $0xffff;
	[tilespmem:s18+$0x10] =	vst v2  }
0x31: {  	v1 =	vld.idx.msk [tilespmem:v0+s17+$0x0 ss:$0x1], $0xffff;
	[tilespmem:s18+$0x20] =	vst v6;
	s18 =	sadd.s32 $0x800, s18  }
0x32: {  	v2 =	vld.idx.msk [tilespmem:v0+s17+$0x10 ss:$0x1], $0xffff;
	[tilespmem:s18+$0x30] =	vst v7  }
0x33: {  	[tilespmem:s18+$0xFFFFFFC0] =	vst v8;
	v6 =	vld.idx.msk [tilespmem:v0+s17+$0x20 ss:$0x1], $0xffff;
	s17 =	sshra.s32 s19, $0x2;
	s19 =	sadd.s32 $0x200, s19  }
0x34: {  	_ =	sdelay $0x2  }
0x35: {  	[tilespmem:s18+$0xFFFFFFD0] =	vst v5  }
0x36: {  	v56 =	vld.idx.msk [tilespmem:v0+s17+$0x30 ss:$0x1], $0xffff;
	[tilespmem:s18+$0xFFFFFFE0] =	vst v4  }
0x37: {  	v57 =	vld.idx.msk [tilespmem:v0+s17+$0xFFFFFFC0 ss:$0x1], $0xffff;
	[tilespmem:s18+$0xFFFFFFF0] =	vst v3  }
0x38: {  	v58 =	vld.idx.msk [tilespmem:v0+s17+$0xFFFFFFD0 ss:$0x1], $0xffff;
	[tilespmem:s18+$0x0] =	vst v1  }
0x39: {  	v59 =	vld.idx.msk [tilespmem:v0+s17+$0xFFFFFFE0 ss:$0x1], $0xffff;
	[tilespmem:s18+$0x10] =	vst v2  }
0x3a: {  	v60 =	vld.idx.msk [tilespmem:v0+s17+$0xFFFFFFF0 ss:$0x1], $0xffff;
	s31 =	sadd.s32 $0x800, s18;
	[tilespmem:s18+$0x20] =	vst v6  }
0x3b: {  	v61 =	vld.idx.msk [tilespmem:v0+s17+$0x0 ss:$0x1], $0xffff;
	[tilespmem:s31+$0x30] =	vst v56  }
0x3c: {  	v62 =	vld.idx.msk [tilespmem:v0+s17+$0x10 ss:$0x1], $0xffff;
	s16 =	sadd.s32 $0x1, s16;
	[tilespmem:s31+$0xFFFFFFC0] =	vst v57  }
0x3d: {  	v63 =	vld.idx.msk [tilespmem:v0+s17+$0x20 ss:$0x1], $0xffff;
	p1 =	sne.s32 s16, $0x10;
	[tilespmem:s31+$0xFFFFFFD0] =	vst v58  }
.Ltmp4:
0x3e: {  	[tilespmem:s31+$0xFFFFFFE0] =	vst v59;
	(pc) =	sbr.rel @p1 .LBB1_3-.Ltmp4, $4  }
0x3f: {  	[tilespmem:s31+$0xFFFFFFF0] =	vst v60  }
0x40: {  	[tilespmem:s31+$0x0] =	vst v61  }
0x41: {  	[tilespmem:s31+$0x10] =	vst v62  }
0x42: {  	s13 =	sadd.s32 $0x80, s13;
	s15 =	sadd.s32 $0x400, s15;
	[tilespmem:s31+$0x20] =	vst v63  }
.Ltmp5:
0x43: {  	(pc) =	sbr.rel .LBB1_7-.Ltmp5, $4  }
0x44: {  	s12 =	sshll.u32 s12, $0xC;
	s11 =	sshll.u32 s11, $0x4  }
0x45: {  	s11 =	sand.u32 $0x1F0, s11;
	s12 =	sadd.s32 s3, s12  }
0x46: {  	s11 =	sadd.s32 s11, s12  }
0x47: {  	[hbm4b:s11+s6] =	stream.strided.scatter [tilespmem:s14], [sflag:$0x2], $0x4000, s7, s6, $0x38;
	[tilespmem:$0x10000] =	vst v63  }
.LBB1_8:
0x48: {  	_ =	sfence.sel $0x180000  }
0x49: {  	s2 =	simm.s32 $0x1;
	[bflag:$0x0] =	sbarrier.arrive $0xFFFF  }
0x4a: {  	s31 =	simm.s32 $0x2;
	[sflag:s2] =	ssyncpa.u1 $0x1  }
0x4b: {  	[sflag:s31] =	ssyncpa.u1 $0x1  }
0x4c: {  	p0 =	sne.s32 s1, $0x0;
	_ =	strace $0x90000047  }
0x4d: {  	s0 =	sadd.s32 @!p0 $0x100000, s0;
	[bflag:$0x2] =	sbarrier.arrive $0xFFFF  }
0x4e: {  	[sflag:s0] =	ssyncadd.tile.s32 @!p0 $0x1;
	_ =	shalt  }
.Lfunc_end1:
_tile_overlayer_lowered:
.L_overlay_start_2:
0x4f: {  	(tag) =	ssettag $0x2  }
0x50: {  	s0 =	rddreg [dreg:$0x0];
	s2 =	stileid.u32  }
0x51: {  	s1 =	rddreg [dreg:$0x1];
	p0 =	sne.s32 s2, $0x0  }
0x52: {  	s3 =	rddreg [dreg:$0x2];
	[bflag:$0x3] =	sbarrier.arrive $0xFFFF;
	s2 =	simm.s32 @!p0 $0x1C01  }
0x53: {  	[timem:s3], [sflag:s2] =	dma.local @!p0 [hbm:s0], s1  }
0x54: {  	s0 =	simm.s32 @!p0 $0x1  }
0x55: {  	_ =	swait.ge @!p0 [sflag:s0], s1  }
0x56: {  	s1 =	ssub.s32 @!p0 $0x0, s1;
	[sflag:s0] =	ssyncset.done @!p0 $0x0  }
0x57: {  	[sflag:s0] =	ssyncadd.s32 @!p0 s1  }
0x58: {  	[bflag:$0x3] =	sbarrier.arrive $0xFFFF  }
0x59: {  	_ =	shalt  }

// kernel: sparse-core-data-format-call.cloned.1.call-start
scs
called_computation_lowered:
.L_overlay_start_0:
0x0: {  	s2 =	sld [smem:$0x3FD9]  }
0x1: {  	s3 =	sld [smem:$0x3FFE];
	_ =	sdelay $0x1  }
0x2: {  	s1 =	srdreg.scid  }
0x3: {  	s0 =	sand.u32 $0x1, s1  }
0x4: {  	s18 =	sshll.u32 s0, $0xA;
	s2 =	sadd.s32 s3, s2  }
0x5: {  	s2 =	sadd.s32 s2, s18  }
0x6: {  	[smem:$0x3FC3] =	sst s2  }
0x7: {  	_ = 	snop  }
0x8: {  	s19 =	sld [smem:$0x3FC5];
	(tm) =	ssettm $0x1  }
0x9: {  	s20 =	sld [smem:$0x3FFB];
	_ =	sdelay $0x3  }
0xa: {  	_ =	strace s20  }
0xb: {  	s2 =	sld [smem:$0x3FFC];
	_ =	sdelay $0x3  }
0xc: {  	_ =	strace s2  }
0xd: {  	s2 =	sld [smem:$0x3FFD];
	_ =	sdelay $0x3  }
0xe: {  	_ =	strace s2  }
0xf: {  	_ =	strace $0x8FFFFFFF  }
0x10: {  	s21 =	sld [smem:$0x3FDB];
	_ =	sdelay $0x1  }
0x11: {  	s4 =	simm.s32 $_scs_section_size  }
0x12: {  	s5 =	simm.s32 $_size__tile_overlayer_lowered;
	s6 =	simm.s32 $_tile_overlayer_lowered  }
0x13: {  	s7 =	simm.s32 $0x1BFF;
	s22 =	sshll.u32 s6, $0x1;
	s4 =	sadd.s32 s4, s21  }
0x14: {  	s23 =	simm.s32 $0x0;
	s5 =	sshll.u32 s5, $0x1;
	s6 =	sadd.s32 s22, s4  }
0x15: {  	[timem:s23], [sflag:s7] =	dma.local [hbm:s6], s5  }
0x16: {  	_ =	swait.ge [sflag:s7], s5  }
0x17: {  	s5 =	ssub.s32 $0x0, s5;
	[sflag:s7] =	ssyncset.done $0x0  }
0x18: {  	[sflag:s7] =	ssyncadd.s32 s5;
	_ =	sdelay $0x1  }
0x19: {  	s24 =	simm.s32 $0x1B8B  }
0x1a: {  	_ =	swait.ge [sflag:s24], $0x1  }
0x1b: {  	[sflag:s24] =	ssyncset.done $0x0  }
0x1c: {  	[sflag:s24] =	ssyncadd.s32 $0xFFFFFFFF  }
0x1d: {  	s5 =	sld [smem:$0x0]  }
0x1e: {  	s6 =	sand.u32 $0xFFFFFFFE, s1  }
0x1f: {  	p0 =	sne.s32 s1, s6  }
0x20: {  	s6 =	sshll.u32 @p0 s6, $0xE  }
0x21: {  	s6 =	sadd.s32 @p0 $0x11B8D, s6;
	s7 =	sshll.u32 @p0 s5, $0x11  }
0x22: {  	s6 =	sor.u32 @p0 s7, s6  }
0x23: {  	[sflag:s6] =	ssyncadd.remote.s32 @p0 $0x1;
	_ =	sdelay $0x1  }
0x24: {  	s6 =	simm.s32 @p0 $0x1B8D  }
0x25: {  	_ =	swait.eq @p0 [sflag:s6], $0x1  }
0x26: {  	[sflag:s6] =	ssyncadd.s32 @p0 $0xFFFFFFFF  }
0x27: {  	s7 =	sshll.u32 @!p0 s1, $0xE  }
0x28: {  	s7 =	sor.u32 @!p0 $0x4000, s7;
	s6 =	simm.s32 @!p0 $0x1B8D  }
0x29: {  	s5 =	sshll.u32 @!p0 s5, $0x11;
	s7 =	sadd.s32 @!p0 $0x11B8D, s7;
	_ =	swait.eq @!p0 [sflag:s6], $0x1  }
0x2a: {  	s5 =	sor.u32 @!p0 s5, s7;
	[sflag:s6] =	ssyncadd.s32 @!p0 $0xFFFFFFFF  }
0x2b: {  	s26 =	simm.s32 $0x1B8E;
	s25 =	sld [smem:$0x3FFE];
	[sflag:s5] =	ssyncadd.remote.s32 @!p0 $0x1  }
0x2c: {  	s27 =	simm.s32 $execute0_lowered;
	[smem:$0x3FD2] =	sst s26  }
0x2d: {  	s6 =	sshll.u32 s27, $0x1;
	_ =	strace $0x8000004C;
	[dreg:$0x1] =	wrdreg $0xFFFFFFFF  }
0x2e: {  	s28 =	simm.s32 $_size_execute0_lowered;
	s4 =	sadd.s32 s4, s6;
	[dreg:$0x0] =	wrdreg $0x0  }
0x2f: {  	s6 =	sshll.u32 s28, $0x1;
	[dreg:$0x2] =	wrdreg s4  }
0x30: {  	[dreg:$0x3] =	wrdreg s6  }
0x31: {  	[dreg:$0x4] =	wrdreg $0xC0  }
0x32: {  	_ =	task [dreg:s23], $0x5FFFF  }
0x33: {  	[dreg:$0x1] =	wrdreg $0xFFFFFFFF  }
0x34: {  	[dreg:$0x0] =	wrdreg $0x60  }
0x35: {  	[dreg:$0x2] =	wrdreg s19  }
0x36: {  	[dreg:$0x3] =	wrdreg s25  }
0x37: {  	[dreg:$0x4] =	wrdreg $0x9  }
0x38: {  	_ =	task.clear_ibuf [dreg:s23], $0x5FFFF;
	_ =	strace $0x9000004C  }
0x39: {  	s29 =	simm.s32 $0x9;
	_ =	strace $0x8000004E  }
0x3a: {  	_ =	swait.ge [sflag:s29], $0x1  }
0x3b: {  	[sflag:s29] =	ssyncadd.s32 $0xFFFFFFFF  }
0x3c: {  	_ =	strace $0x9000004E  }
0x3d: {  	_ =	sfence  }
0x3e: {  	s30 =	sld [smem:$0x0];
	_ =	sdelay $0x2  }
0x3f: {  	s31 =	sshll.u32 s1, $0xD;
	s1 =	sshrl.u32 s1, $0x2  }
0x40: {  	s4 =	sand.u32 $0x4000, s31;
	s1 =	sadd.s32 s1, s30  }
0x41: {  	s0 =	sor.u32 s4, s0;
	s1 =	sshll.u32 s1, $0x11  }
0x42: {  	s0 =	sor.u32 s1, s0  }
0x43: {  	s0 =	sadd.s32 $0x8F2B, s0  }
0x44: {  	[sflag:s0] =	ssyncadd.remote.s32 $0x1  }
0x45: {  	_ =	sfence.sel $0xFFFF  }
0x46: {  	[dreg:$0x0] =	wrdreg $0xFFFFFFFF;
	(pc) =	sbr.abs _section_cstart, $3  }
0x47: {  	[dreg:$0x1] =	wrdreg $0xFFFFFFFF  }
0x48: {  	_ =	task.clear_ibuf [dreg:s23], $0x2FFFF;
	_ =	strace $0x9FFFFFFF  }
0x49: {  	(tm) =	ssettm $0x7FFFFFFF  }
tec
execute0_lowered:
.L_overlay_start_1:
0x0: {  	(tag) =	ssettag $0x1  }
0x1: {  	s2 =	rddreg [dreg:$0x0]  }
0x2: {  	s1 =	rddreg [dreg:$0x1]  }
0x3: {  	s0 =	rddreg [dreg:$0x2];
	_ =	strace $0x8000004D;
	s4 =	srdreg.scid  }
0x4: {  	s6 =	simm.s32 $0x2;
	s11 =	simm.s32 $0x0;
	p0 =	por $0x0, $0x0  }
.Ltmp0:
0x5: {  	s7 =	simm.s32 $0x1000;
	s12 =	simm.s32 $0x0;
	(pc) =	sbr.rel .LBB1_1-.Ltmp0, $4  }
0x6: {  	s9 =	simm.s32 $0x0;
	s3 =	sadd.s32 $0x401000, s1;
	s5 =	sshll.u32 s4, $0x4  }
0x7: {  	s1 =	stileid.u32;
	s4 =	simm.s32 $0x1;
	s5 =	sand.u32 $0x10, s5  }
0x8: {  	s8 =	simm.s32 $0x0;
	[sflag:s4] =	ssyncpa.u1 $0x0;
	s5 =	sor.u32 s1, s5  }
0x9: {  	[sflag:s6] =	ssyncpa.u1 $0x0;
	s6 =	simm.s32 $0x800;
	s10 =	smov.u32 s5  }
.LBB1_7:
0xa: {  	s13 =	sadd.s32 $0x10, s9  }
0xb: {  	s11 =	sadd.s32 $0x20, s10;
	s15 =	smov.u32 s10;
	p2 =	sgt.s32 s13, $0x1F  }
0xc: {  	p1 =	slt.u32 s8, $0x2;
	s15 =	smov.u32 @p2 s11  }
0xd: {  	s8 =	sadd.s32 $0x1, s8;
	s13 =	simm.s32 @p2 $0x0;
	p2 =	sgt.s32 s15, $0x1FF  }
0xe: {  	s15 =	smov.u32 @p2 s5;
	p2 =	sne.s32 s8, $0x22  }
.Ltmp1:
0xf: {  	_ = 	snop;
	(pc) =	sbr.rel @!p2 .LBB1_8-.Ltmp1, $4  }
0x10: {  	s14 =	simm.s32 @!p1 $0x2  }
0x11: {  	s12 =	smov.u32 s10;
	_ =	swait.ge @!p1 [sflag:s14], $0x4000  }
0x12: {  	p0 =	por !p0, !p0;
	s11 =	smov.u32 s9;
	[sflag:s14] =	ssyncset.done @!p1 $0x0  }
0x13: {  	s9 =	smov.u32 s13;
	[sflag:s14] =	ssyncadd.s32 @!p1 $0xFFFFC000;
	s10 =	smov.u32 s15  }
.LBB1_1:
0x14: {  	p1 =	sgt.u32 s8, $0x1F  }
0x15: {  	s13 =	sxor.u32 @!p1 $0xFFFFFFFF, s8;
	s14 =	sshll.u32 @!p1 s10, $0xC  }
0x16: {  	s15 =	sshll.u32 @!p1 s9, $0x7;
	s13 =	sshll.u32 @!p1 s13, $0xE;
	s14 =	sadd.s32 @!p1 s2, s14  }
0x17: {  	s13 =	sand.u32 @!p1 $0x4000, s13;
	s14 =	sadd.s32 @!p1 s15, s14;
	s15 =	simm.s32 @!p1 $0x0  }
0x18: {  	[tilespmem:s13], [sflag:$0x1] =	stream.linear.gather @!p1 [hbm4b:s14+s15], $0x4000, $0x38;
	[tilespmem:$0x10000] =	vst v63  }
0x19: {  	p1 =	seq.s32 s8, $0x0  }
0x1a: {  	p2 =	seq.s32 @!p1 s8, $0x21  }
0x1b: {  	p1 =	por p1, p2  }
.Ltmp2:
0x1c: {  	_ = 	snop;
	(pc) =	sbr.rel @p1 .LBB1_7-.Ltmp2, $1  }
0x1d: {  	_ =	sdelay $0x3  }
0x1e: {  	s13 =	simm.s32 $0x1;
	_ =	swait.ge [sflag:s4], $0x4000;
	s16 =	sshll.u32 s8, $0xE  }
0x1f: {  	s13 =	simm.s32 @!p0 $0x0;
	[sflag:s4] =	ssyncset.done $0x0;
	s31 =	sand.u32 $0x4000, s16  }
0x20: {  	s16 =	simm.s32 $0x0;
	s14 =	sshll.u32 s13, $0xE;
	[sflag:s4] =	ssyncadd.s32 $0xFFFFC000  }
0x21: {  	s13 =	sor.u32 $0x8040, s14;
	s15 =	sor.u32 $0x40, s14;
	s14 =	sor.u32 $0x8000, s31  }
.LBB1_3:
0x22: {  	v0 =	vmov s15;
	_ =	sdelay $0x3  }
0x23: {  	s18 =	simm.s32 $0x0  }
0x24: {  	v6 =	vld.idx.msk [tilespmem:v0+s18+$0x30 ss:$0x1], $0xffff  }
0x25: {  	v7 =	vld.idx.msk [tilespmem:v0+s18+$0xFFFFFFC0 ss:$0x1], $0xffff  }
0x26: {  	v5 =	vld.idx.msk [tilespmem:v0+s18+$0xFFFFFFD0 ss:$0x1], $0xffff  }
0x27: {  	v4 =	vld.idx.msk [tilespmem:v0+s18+$0xFFFFFFE0 ss:$0x1], $0xffff  }
0x28: {  	v3 =	vld.idx.msk [tilespmem:v0+s18+$0xFFFFFFF0 ss:$0x1], $0xffff  }
0x29: {  	v1 =	vld.idx.msk [tilespmem:v0+s18+$0x0 ss:$0x1], $0xffff  }
0x2a: {  	v2 =	vld.idx.msk [tilespmem:v0+s18+$0x10 ss:$0x1], $0xffff;
	[tilespmem:s13+$0x30] =	vst v6  }
0x2b: {  	s17 =	simm.s32 $0x80;
	s19 =	simm.s32 $0x400;
	[tilespmem:s13+$0xFFFFFFC0] =	vst v7;
	v6 =	vld.idx.msk [tilespmem:v0+s18+$0x20 ss:$0x1], $0xffff;
	s18 =	smov.u32 s13  }
.LBB1_4:
0x2c: {  	p1 =	sne.s32 s19, $0xE00;
	v7 =	vld.idx.msk [tilespmem:v0+s17+$0x30 ss:$0x1], $0xffff;
	[tilespmem:s18+$0xFFFFFFD0] =	vst v5  }
0x2d: {  	v8 =	vld.idx.msk [tilespmem:v0+s17+$0xFFFFFFC0 ss:$0x1], $0xffff;
	[tilespmem:s18+$0xFFFFFFE0] =	vst v4  }
0x2e: {  	v5 =	vld.idx.msk [tilespmem:v0+s17+$0xFFFFFFD0 ss:$0x1], $0xffff;
	[tilespmem:s18+$0xFFFFFFF0] =	vst v3  }
.Ltmp3:
0x2f: {  	v4 =	vld.idx.msk [tilespmem:v0+s17+$0xFFFFFFE0 ss:$0x1], $0xffff;
	[tilespmem:s18+$0x0] =	vst v1;
	(pc) =	sbr.rel @p1 .LBB1_4-.Ltmp3, $4  }
0x30: {  	v3 =	vld.idx.msk [tilespmem:v0+s17+$0xFFFFFFF0 ss:$0x1], $0xffff;
	[tilespmem:s18+$0x10] =	vst v2  }
0x31: {  	v1 =	vld.idx.msk [tilespmem:v0+s17+$0x0 ss:$0x1], $0xffff;
	[tilespmem:s18+$0x20] =	vst v6;
	s18 =	sadd.s32 $0x800, s18  }
0x32: {  	v2 =	vld.idx.msk [tilespmem:v0+s17+$0x10 ss:$0x1], $0xffff;
	[tilespmem:s18+$0x30] =	vst v7  }
0x33: {  	[tilespmem:s18+$0xFFFFFFC0] =	vst v8;
	v6 =	vld.idx.msk [tilespmem:v0+s17+$0x20 ss:$0x1], $0xffff;
	s17 =	sshra.s32 s19, $0x2;
	s19 =	sadd.s32 $0x200, s19  }
0x34: {  	_ =	sdelay $0x2  }
0x35: {  	[tilespmem:s18+$0xFFFFFFD0] =	vst v5  }
0x36: {  	v56 =	vld.idx.msk [tilespmem:v0+s17+$0x30 ss:$0x1], $0xffff;
	[tilespmem:s18+$0xFFFFFFE0] =	vst v4  }
0x37: {  	v57 =	vld.idx.msk [tilespmem:v0+s17+$0xFFFFFFC0 ss:$0x1], $0xffff;
	[tilespmem:s18+$0xFFFFFFF0] =	vst v3  }
0x38: {  	v58 =	vld.idx.msk [tilespmem:v0+s17+$0xFFFFFFD0 ss:$0x1], $0xffff;
	[tilespmem:s18+$0x0] =	vst v1  }
0x39: {  	v59 =	vld.idx.msk [tilespmem:v0+s17+$0xFFFFFFE0 ss:$0x1], $0xffff;
	[tilespmem:s18+$0x10] =	vst v2  }
0x3a: {  	v60 =	vld.idx.msk [tilespmem:v0+s17+$0xFFFFFFF0 ss:$0x1], $0xffff;
	s31 =	sadd.s32 $0x800, s18;
	[tilespmem:s18+$0x20] =	vst v6  }
0x3b: {  	v61 =	vld.idx.msk [tilespmem:v0+s17+$0x0 ss:$0x1], $0xffff;
	[tilespmem:s31+$0x30] =	vst v56  }
0x3c: {  	v62 =	vld.idx.msk [tilespmem:v0+s17+$0x10 ss:$0x1], $0xffff;
	s16 =	sadd.s32 $0x1, s16;
	[tilespmem:s31+$0xFFFFFFC0] =	vst v57  }
0x3d: {  	v63 =	vld.idx.msk [tilespmem:v0+s17+$0x20 ss:$0x1], $0xffff;
	p1 =	sne.s32 s16, $0x10;
	[tilespmem:s31+$0xFFFFFFD0] =	vst v58  }
.Ltmp4:
0x3e: {  	[tilespmem:s31+$0xFFFFFFE0] =	vst v59;
	(pc) =	sbr.rel @p1 .LBB1_3-.Ltmp4, $4  }
0x3f: {  	[tilespmem:s31+$0xFFFFFFF0] =	vst v60  }
0x40: {  	[tilespmem:s31+$0x0] =	vst v61  }
0x41: {  	[tilespmem:s31+$0x10] =	vst v62  }
0x42: {  	s13 =	sadd.s32 $0x80, s13;
	s15 =	sadd.s32 $0x400, s15;
	[tilespmem:s31+$0x20] =	vst v63  }
.Ltmp5:
0x43: {  	(pc) =	sbr.rel .LBB1_7-.Ltmp5, $4  }
0x44: {  	s12 =	sshll.u32 s12, $0xC;
	s11 =	sshll.u32 s11, $0x4  }
0x45: {  	s11 =	sand.u32 $0x1F0, s11;
	s12 =	sadd.s32 s3, s12  }
0x46: {  	s11 =	sadd.s32 s11, s12  }
0x47: {  	[hbm4b:s11+s6] =	stream.strided.scatter [tilespmem:s14], [sflag:$0x2], $0x4000, s7, s6, $0x38;
	[tilespmem:$0x10000] =	vst v63  }
.LBB1_8:
0x48: {  	_ =	sfence.sel $0x180000  }
0x49: {  	s2 =	simm.s32 $0x1;
	[bflag:$0x0] =	sbarrier.arrive $0xFFFF  }
0x4a: {  	s31 =	simm.s32 $0x2;
	[sflag:s2] =	ssyncpa.u1 $0x1  }
0x4b: {  	[sflag:s31] =	ssyncpa.u1 $0x1  }
0x4c: {  	p0 =	sne.s32 s1, $0x0;
	_ =	strace $0x9000004D  }
0x4d: {  	s0 =	sadd.s32 @!p0 $0x100000, s0;
	[bflag:$0x2] =	sbarrier.arrive $0xFFFF  }
0x4e: {  	[sflag:s0] =	ssyncadd.tile.s32 @!p0 $0x1;
	_ =	shalt  }
.Lfunc_end1:
_tile_overlayer_lowered:
.L_overlay_start_2:
0x4f: {  	(tag) =	ssettag $0x2  }
0x50: {  	s0 =	rddreg [dreg:$0x0];
	s2 =	stileid.u32  }
0x51: {  	s1 =	rddreg [dreg:$0x1];
	p0 =	sne.s32 s2, $0x0  }
0x52: {  	s3 =	rddreg [dreg:$0x2];
	[bflag:$0x3] =	sbarrier.arrive $0xFFFF;
	s2 =	simm.s32 @!p0 $0x1C01  }
0x53: {  	[timem:s3], [sflag:s2] =	dma.local @!p0 [hbm:s0], s1  }
0x54: {  	s0 =	simm.s32 @!p0 $0x1  }
0x55: {  	_ =	swait.ge @!p0 [sflag:s0], s1  }
0x56: {  	s1 =	ssub.s32 @!p0 $0x0, s1;
	[sflag:s0] =	ssyncset.done @!p0 $0x0  }
0x57: {  	[sflag:s0] =	ssyncadd.s32 @!p0 s1  }
0x58: {  	[bflag:$0x3] =	sbarrier.arrive $0xFFFF  }
0x59: {  	_ =	shalt  }

</sc_bundles>
